<compile_context>
chip_gen: v7x
topology: tpu7x:2x2x1
jax: 0.10.2.dev20260603
libtpu: 0.0.44.dev20260713+nightly
codegen_flags: <defaults>
</compile_context>

<pallas_src>
import jax
import jax.numpy as jnp
from jax import lax
from jax.experimental import pallas as pl
from jax.experimental.pallas import tpu as pltpu
from jax.experimental.pallas import tpu_sc as plsc

NU = 25000
NI = 25000
D = 64
NE = 800000
NLAYERS = 3
BATCH = 4096

NC = 2
NS = 16
NP = 25088
RPT = NP // NS
CH = 128
NCH_PROP = 393
NCH_IDX = 396
PAD_ROW = NP - 1
PPT = 2 * BATCH // (NC * NS)

BLK = 3584


def _mesh():
    return plsc.VectorSubcoreMesh(
        core_axis_name="c", subcore_axis_name="s",
        num_cores=NC, num_subcores=NS)


_SC_PARAMS = pltpu.CompilerParams(
    use_tc_tiling_on_sc=False, needs_layout_passes=False)


def _rsqrt16(x):
    y = plsc.bitcast(jnp.int32(0x5F3759DF) - (plsc.bitcast(x, jnp.int32) >> 1),
                     jnp.float32)
    y = y * (1.5 - 0.5 * x * y * y)
    y = y * (1.5 - 0.5 * x * y * y)
    return y


def _sc_degree_prologue(sidx, zdeg, ones_rows, x):

    def body(sidx_h, zdeg_h, ones_h, x_h, dinv_h, g_h, deg_sp, obuf, xb, dvb,
             ib0, ib1, ib2, si0, si1, si2):
        ib = [ib0, ib1, ib2]
        si = [si0, si1, si2]
        c = lax.axis_index("c")
        s = lax.axis_index("s")
        sl = pl.ds(s * RPT, RPT)
        pltpu.sync_copy(zdeg_h.at[sl], deg_sp.at[sl])
        pltpu.sync_copy(ones_h, obuf)
        plsc.subcore_barrier()
        kb = (c * NS + s) * NCH_IDX

        def wait_idx(q):
            pltpu.make_async_copy(sidx_h.at[kb], ib[q], si[q]).wait()

        for q in range(3):
            pltpu.async_copy(sidx_h.at[kb + q], ib[q], si[q])

        def chunk(u, carry):
            j = kb + 3 * u
            for q in range(3):
                wait_idx(q)
                pltpu.sync_copy(obuf, deg_sp.at[ib[q]], add=True)
                pltpu.async_copy(sidx_h.at[j + q + 3], ib[q], si[q])
            return carry

        lax.fori_loop(0, NCH_PROP // 3, chunk, 0)
        for q in range(3):
            wait_idx(q)
        plsc.subcore_barrier()

        base = c * NP + s * RPT
        gbase = (1 - c) * NP + s * RPT
        iota16 = lax.iota(jnp.int32, 16)
        zero16 = jnp.zeros((16,), jnp.int32)

        def ep(k, carry):
            r0 = k * EPC
            db = obuf.at[pl.ds(0, EPC)]

            @pl.when(k > 0)
            def _():
                pltpu.make_async_copy(
                    dvb, dinv_h.at[pl.ds(base, EPC)], si0).wait()
                pltpu.make_async_copy(
                    xb, g_h.at[pl.ds(gbase, EPC)], si0).wait()

            pltpu.sync_copy(deg_sp.at[pl.ds(s * RPT + r0, EPC)], db)
            pltpu.sync_copy(x_h.at[pl.ds(base + r0, EPC)], xb)

            def grp(t, carry2):
                rr = t * 16
                deg = plsc.load_gather(obuf, [iota16 + rr, zero16])
                dvb[pl.ds(rr, 16)] = _rsqrt16(jnp.maximum(deg, 1.0))
                return carry2

            lax.fori_loop(0, EPC // 16, grp, 0)

            def row(i, carry2):
                dvs = plsc.load_gather(dvb, [jnp.full((16,), i, jnp.int32)])
                for q in range(D // 16):
                    cs = pl.ds(16 * q, 16)
                    xb[i, cs] = xb[i, cs] * dvs
                return carry2

            lax.fori_loop(0, EPC, row, 0)
            pltpu.async_copy(dvb, dinv_h.at[pl.ds(base + r0, EPC)], si0)
            pltpu.async_copy(xb, g_h.at[pl.ds(gbase + r0, EPC)], si0)
            return carry

        lax.fori_loop(0, RPT // EPC, ep, 0)
        pltpu.make_async_copy(dvb, dinv_h.at[pl.ds(base, EPC)], si0).wait()
        pltpu.make_async_copy(xb, g_h.at[pl.ds(gbase, EPC)], si0).wait()

    f = pl.kernel(
        body,
        out_type=[
            jax.ShapeDtypeStruct((NC * NP,), jnp.float32),
            jax.ShapeDtypeStruct((NC * NP, D), jnp.float32),
        ],
        mesh=_mesh(),
        compiler_params=_SC_PARAMS,
        scratch_types=(
            [pltpu.VMEM_SHARED((NP, 16), jnp.float32),
             pltpu.VMEM((CH, 16), jnp.float32),
             pltpu.VMEM((EPC, D), jnp.float32),
             pltpu.VMEM((EPC,), jnp.float32)]
            + [pltpu.VMEM((CH,), jnp.int32) for _ in range(3)]
            + [pltpu.SemaphoreType.DMA for _ in range(3)]
        ),
    )
    return f(sidx, zdeg, ones_rows, x)


EPC = 112


def _sc_propagate(gtab, gidx, sidx, zrows, dinv, s_in, relu, need_g):

    def body(gtab_h, gidx_h, sidx_h, zrows_h, dinv_h, sin_h, *rest):
        if need_g:
            sout_h, g_h = rest[0], rest[1]
            scratch = rest[2:]
        else:
            sout_h = rest[0]
            g_h = None
            scratch = rest[1:]
        (acc, ib0, ib1, ib2, rw0, rw1, rw2, dv,
         si0, si1, si2, sg0, sg1, sg2) = scratch
        ib = [ib0, ib1, ib2]
        rw = [rw0, rw1, rw2]
        si = [si0, si1, si2]
        sg = [sg0, sg1, sg2]
        c = lax.axis_index("c")
        s = lax.axis_index("s")
        sl = pl.ds(s * RPT, RPT)
        pltpu.sync_copy(zrows_h.at[sl], acc.at[sl])
        plsc.subcore_barrier()
        kb = (c * NS + s) * NCH_IDX

        def issue_idx(k, q):
            pltpu.async_copy(gidx_h.at[k], ib[q].at[0], si[q])
            pltpu.async_copy(sidx_h.at[k], ib[q].at[1], si[q])

        def wait_idx(q):
            pltpu.make_async_copy(gidx_h.at[pl.ds(kb, 2)], ib[q], si[q]).wait()

        def wait_gather(q):
            pltpu.make_async_copy(gtab_h.at[ib[q].at[0]], rw[q], sg[q]).wait()

        for q in range(3):
            issue_idx(kb + q, q)
        for q in range(2):
            wait_idx(q)
            pltpu.async_copy(gtab_h.at[ib[q].at[0]], rw[q], sg[q])

        def chunk(u, carry):
            j = kb + 3 * u
            for q in range(3):
                wait_gather(q)
                pltpu.sync_copy(rw[q], acc.at[ib[q].at[1]], add=True)
                issue_idx(j + q + 3, q)
                q2 = (q + 2) % 3
                wait_idx(q2)
                pltpu.async_copy(gtab_h.at[ib[q2].at[0]], rw[q2], sg[q2])
            return carry

        lax.fori_loop(0, NCH_PROP // 3, chunk, 0)
        wait_gather(0)
        wait_gather(1)
        wait_idx(2)
        plsc.subcore_barrier()

        base = c * NP + s * RPT
        gbase = (1 - c) * NP + s * RPT
        pltpu.sync_copy(dinv_h.at[pl.ds(base, RPT)], dv)

        nw = 2 if need_g else 1

        def ep(k, carry):
            r0 = k * EPC
            ea = rw0.at[pl.ds(0, EPC)]
            eb = rw1.at[pl.ds(0, EPC)]

            @pl.when(k > 0)
            def _():
                for _ in range(nw):
                    pltpu.make_async_copy(
                        eb, sout_h.at[pl.ds(base, EPC)], sg0).wait()

            pltpu.sync_copy(acc.at[pl.ds(s * RPT + r0, EPC)], ea)
            pltpu.sync_copy(sin_h.at[pl.ds(base + r0, EPC)], eb)

            def row(i, carry2):
                dvs = plsc.load_gather(
                    dv, [jnp.full((16,), r0 + i, jnp.int32)])
                for q in range(D // 16):
                    cs = pl.ds(16 * q, 16)
                    h = rw0[i, cs] * dvs
                    if relu:
                        h = jnp.maximum(h, 0.0)
                    rw1[i, cs] = rw1[i, cs] + h
                    if need_g:
                        rw0[i, cs] = h * dvs
                return carry2

            lax.fori_loop(0, EPC, row, 0)
            pltpu.async_copy(eb, sout_h.at[pl.ds(base + r0, EPC)], sg0)
            if need_g:
                pltpu.async_copy(ea, g_h.at[pl.ds(gbase + r0, EPC)], sg0)
            return carry

        lax.fori_loop(0, RPT // EPC, ep, 0)
        for _ in range(nw):
            pltpu.make_async_copy(
                rw1.at[pl.ds(0, EPC)], sout_h.at[pl.ds(base, EPC)], sg0).wait()

    out_type = [jax.ShapeDtypeStruct((NC * NP, D), jnp.float32)]
    if need_g:
        out_type.append(jax.ShapeDtypeStruct((NC * NP, D), jnp.float32))
    f = pl.kernel(
        body,
        out_type=out_type,
        mesh=_mesh(),
        compiler_params=_SC_PARAMS,
        scratch_types=(
            [pltpu.VMEM_SHARED((NP, D), jnp.float32)]
            + [pltpu.VMEM((2, CH), jnp.int32) for _ in range(3)]
            + [pltpu.VMEM((CH, D), jnp.float32) for _ in range(3)]
            + [pltpu.VMEM((RPT,), jnp.float32)]
            + [pltpu.SemaphoreType.DMA for _ in range(6)]
        ),
    )
    return f(gtab, gidx, sidx, zrows, dinv, s_in)


def _sc_gather_pairs(stab, pidx):

    def body(stab_h, pidx_h, out_h, idxp, prow, sem):
        c = lax.axis_index("c")
        s = lax.axis_index("s")
        base = (c * NS + s) * PPT
        for k in range(PPT // CH):
            off = base + k * CH
            pltpu.sync_copy(pidx_h.at[pl.ds(off, CH)], idxp)
            pltpu.async_copy(stab_h.at[idxp], prow, sem).wait()
            pltpu.sync_copy(prow, out_h.at[pl.ds(off, CH)])

    f = pl.kernel(
        body,
        out_type=jax.ShapeDtypeStruct((2 * BATCH, D), jnp.float32),
        mesh=_mesh(),
        compiler_params=_SC_PARAMS,
        scratch_types=[
            pltpu.VMEM((CH,), jnp.int32),
            pltpu.VMEM((CH, D), jnp.float32),
            pltpu.SemaphoreType.DMA,
        ],
    )
    return f(stab, pidx)


def _tc_decode(prows):

    def body(u_ref, i_ref, o_ref):
        o_ref[...] = jnp.sum(
            u_ref[...] * i_ref[...], axis=1, keepdims=True) * (1.0 / 16.0)

    return pl.pallas_call(
        body,
        grid=(2,),
        in_specs=[
            pl.BlockSpec((BATCH // 2, D), lambda i: (i, 0)),
            pl.BlockSpec((BATCH // 2, D), lambda i: (i + 2, 0)),
        ],
        out_specs=pl.BlockSpec((BATCH // 2, 1), lambda i: (i, 0)),
        out_shape=jax.ShapeDtypeStruct((BATCH, 1), jnp.float32),
    )(prows, prows)


def kernel(users, items, edge_list, emb_user, emb_item):
    users = users.astype(jnp.int32)
    items = items.astype(jnp.int32)
    el = edge_list.astype(jnp.int32)
    eu = el[:, 0]
    ei = el[:, 1]

    padw = NCH_IDX * CH - NE // NS

    spread = (jnp.arange(NS * padw, dtype=jnp.int32) % NU).reshape(NS, padw)
    sink = jnp.full((NS, padw), PAD_ROW, jnp.int32)

    def lanes(v, pad):
        return jnp.concatenate(
            [v.reshape(NS, NE // NS), pad], axis=1).reshape(NS * NCH_IDX, CH)

    gidx = jnp.concatenate([lanes(ei, spread), lanes(eu + NP, spread + NP)])
    sidx = jnp.concatenate([lanes(eu, sink), lanes(ei, sink)])

    zdeg = jnp.zeros((NP, 16), jnp.float32)
    zrows = jnp.zeros((NP, D), jnp.float32)
    ones_rows = jnp.ones((CH, 16), jnp.float32)

    x = jnp.concatenate([
        jnp.pad(emb_user, ((0, NP - NU), (0, 0))),
        jnp.pad(emb_item, ((0, NP - NI), (0, 0))),
    ])
    dinv, gtab = _sc_degree_prologue(sidx, zdeg, ones_rows, x)

    s = x
    for layer in range(NLAYERS):
        if layer < NLAYERS - 1:
            s, gtab = _sc_propagate(
                gtab, gidx, sidx, zrows, dinv, s, relu=True, need_g=True)
        else:
            (s,) = _sc_propagate(
                gtab, gidx, sidx, zrows, dinv, s, relu=False, need_g=False)

    pidx = jnp.concatenate([users, items + NP])
    prows = _sc_gather_pairs(s, pidx)
    scores = _tc_decode(prows)
    return scores.reshape(BATCH)

# --- scband reference (transcript-rebuilt; emitter-appended) ---
"""Pipeline reference for scband-light-gcn-61692910240182 (READ-ONLY COPY).

The authoritative reference and input builder live on the scoring server;
editing this copy changes nothing except your own understanding.
"""

import jax, jax.numpy as jnp
import numpy as np

N_USERS = 25000
N_ITEMS = 25000
N_NODES = N_USERS + N_ITEMS
LATENT = 64
N_LAYERS = 3
N_FACTORS = 4
N_EDGES = 800000
BATCH = 4096


def setup_inputs(seed: int = 0) -> dict:
    key = jax.random.key(seed)
    k1, k2, k3, k4, k5 = jax.random.split(key, 5)
    users = jax.random.randint(k1, (BATCH,), 0, N_USERS, dtype=jnp.int64) if jax.config.jax_enable_x64 else jax.random.randint(k1, (BATCH,), 0, N_USERS, dtype=jnp.int32)
    items = jax.random.randint(k2, (BATCH,), 0, N_ITEMS, dtype=users.dtype)
    edge_list = jax.random.randint(k3, (N_EDGES, 2), 0, N_USERS, dtype=users.dtype)
    emb_user = 0.1 * jax.random.normal(k4, (N_USERS, LATENT), dtype=jnp.float32)
    emb_item = 0.1 * jax.random.normal(k5, (N_ITEMS, LATENT), dtype=jnp.float32)
    return {"users": users, "items": items, "edge_list": edge_list,
            "emb_user": emb_user, "emb_item": emb_item}


def _encode(X, edge_list):
    # Bipartite user-item edges, symmetrized (LightGCN normalized propagation).
    u = edge_list[:, 0]
    v = edge_list[:, 1] + N_USERS
    src = jnp.concatenate([u, v], axis=0)
    dst = jnp.concatenate([v, u], axis=0)
    ones = jnp.ones(src.shape[0], dtype=X.dtype)
    deg = jax.ops.segment_sum(ones, dst, num_segments=N_NODES)
    deg = jnp.maximum(deg, 1.0)
    dinv = 1.0 / jnp.sqrt(deg)
    norm = dinv[src] * dinv[dst]
    embs = [X]
    h = X
    for layer in range(N_LAYERS):
        msgs = h[src] * norm[:, None]
        h = jax.ops.segment_sum(msgs, dst, num_segments=N_NODES)
        if layer < N_LAYERS - 1:
            h = jax.nn.relu(h)  # encoder act_fn=relu on intermediate layers
        embs.append(h)
    # aggr_type='mean' over layer outputs
    Z = jnp.mean(jnp.stack(embs, axis=0), axis=0)
    return Z


def _decode(Z, users, items):
    # Pairwise per-factor correlation decoder: split into disentangled factors,
    # score = sum over factors of factor-wise inner products.
    Zu = Z[:N_USERS][users]
    Zi = Z[N_USERS:][items]
    uf = Zu.reshape(-1, N_FACTORS, LATENT // N_FACTORS)
    vf = Zi.reshape(-1, N_FACTORS, LATENT // N_FACTORS)
    scores = jnp.sum(uf * vf, axis=(1, 2))
    return scores


def reference(users, items, edge_list, emb_user, emb_item):
    X = jnp.concatenate([emb_user, emb_item], axis=0)
    Z = _encode(X, edge_list)
    scores = _decode(Z, users, items)
    return scores

if __name__ == "__main__":
    import jax
    _d = setup_inputs()
    print(jax.jit(kernel)(*tuple(_d.values())))

</pallas_src>

<mosaic_0001>
#map = affine_map<(d0, d1) -> (0, 0)>
#map1 = affine_map<(d0, d1) -> (0)>
module attributes {stable_mosaic.version = 14 : i64} {
  func.func @body(%arg0: i32, %arg1: i32, %arg2: memref<50176x64xf32, #tpu.memory_space<hbm>>, %arg3: memref<12672x128xi32, #tpu.memory_space<hbm>>, %arg4: memref<12672x128xi32, #tpu.memory_space<hbm>>, %arg5: memref<25088x64xf32, #tpu.memory_space<hbm>>, %arg6: memref<50176xf32, #tpu.memory_space<hbm>>, %arg7: memref<50176x64xf32, #tpu.memory_space<hbm>>, %arg8: memref<50176x64xf32, #tpu.memory_space<hbm>>, %arg9: memref<50176x64xf32, #tpu.memory_space<hbm>>, %arg10: memref<25088x64xf32, #tpu.memory_space<vmem_shared>>, %arg11: memref<2x128xi32, #tpu.memory_space<vmem>>, %arg12: memref<2x128xi32, #tpu.memory_space<vmem>>, %arg13: memref<2x128xi32, #tpu.memory_space<vmem>>, %arg14: memref<128x64xf32, #tpu.memory_space<vmem>>, %arg15: memref<128x64xf32, #tpu.memory_space<vmem>>, %arg16: memref<128x64xf32, #tpu.memory_space<vmem>>, %arg17: memref<1568xf32, #tpu.memory_space<vmem>>, %arg18: memref<!tpu.dma_semaphore, #tpu.memory_space<semaphore_mem>>, %arg19: memref<!tpu.dma_semaphore, #tpu.memory_space<semaphore_mem>>, %arg20: memref<!tpu.dma_semaphore, #tpu.memory_space<semaphore_mem>>, %arg21: memref<!tpu.dma_semaphore, #tpu.memory_space<semaphore_mem>>, %arg22: memref<!tpu.dma_semaphore, #tpu.memory_space<semaphore_mem>>, %arg23: memref<!tpu.dma_semaphore, #tpu.memory_space<semaphore_mem>>) attributes {dimension_semantics = [#tpu.dimension_semantics<core_parallel>, #tpu.dimension_semantics<subcore_parallel>], iteration_bounds = array<i64: 2, 16>, scalar_prefetch = 0 : i64, scratch_operands = 14 : i64, tpu.core_type = #tpu.core_type<sc_vector_subcore>, window_params = [{transform_indices = #map}, {transform_indices = #map}, {transform_indices = #map}, {transform_indices = #map}, {transform_indices = #map1}, {transform_indices = #map}, {transform_indices = #map}, {transform_indices = #map}]} {
    %mul3A = arith.constant 1568 : i32
    %mul3A_0 = arith.muli %arg1, %mul3A : i32
    "tpu.region"() ({
      %run_scoped3A = tpu.sem_alloc : memref<!tpu.dma_semaphore, #tpu.memory_space<semaphore_mem>>
      %dma_start3A_170 = arith.constant 0 : i32
      %dma_start3A_171 = tpu.memref_slice %arg10[%mul3A_0, %dma_start3A_170] : memref<25088x64xf32, #tpu.memory_space<vmem_shared>> -> memref<1568x64xf32, #tpu.memory_space<vmem_shared>>
      %dma_start3A_172 = arith.constant 0 : i32
      %dma_start3A_173 = tpu.memref_slice %arg5[%mul3A_0, %dma_start3A_172] : memref<25088x64xf32, #tpu.memory_space<hbm>> -> memref<1568x64xf32, #tpu.memory_space<hbm>>
      tpu.enqueue_dma source(%dma_start3A_173 : memref<1568x64xf32, #tpu.memory_space<hbm>>) target(%dma_start3A_171 : memref<1568x64xf32, #tpu.memory_space<vmem_shared>>) target_semaphore(%run_scoped3A : memref<!tpu.dma_semaphore, #tpu.memory_space<semaphore_mem>>)
      %dma_wait3A_174 = arith.constant 0 : i32
      %dma_wait3A_175 = tpu.memref_slice %arg10[%mul3A_0, %dma_wait3A_174] : memref<25088x64xf32, #tpu.memory_space<vmem_shared>> -> memref<1568x64xf32, #tpu.memory_space<vmem_shared>>
      %dma_wait3A_176 = arith.constant 0 : i32
      %dma_wait3A_177 = tpu.memref_slice %arg5[%mul3A_0, %dma_wait3A_176] : memref<25088x64xf32, #tpu.memory_space<hbm>> -> memref<1568x64xf32, #tpu.memory_space<hbm>>
      tpu.wait_dma2 semaphore(%run_scoped3A : memref<!tpu.dma_semaphore, #tpu.memory_space<semaphore_mem>>) src(%dma_wait3A_177 : memref<1568x64xf32, #tpu.memory_space<hbm>>) dst(%dma_wait3A_175 : memref<1568x64xf32, #tpu.memory_space<vmem_shared>>)
      tpu.yield
    }) : () -> ()
    %barrier3A = arith.constant 0 : index
    tpu.barrier barrier_id(%barrier3A)
    %mul3A_1 = arith.constant 16 : i32
    %mul3A_2 = arith.muli %arg0, %mul3A_1 : i32
    %add3A = arith.addi %mul3A_2, %arg1 : i32
    %mul3A_3 = arith.constant 396 : i32
    %mul3A_4 = arith.muli %add3A, %mul3A_3 : i32
    %add3A_5 = arith.constant 0 : i32
    %add3A_6 = arith.addi %mul3A_4, %add3A_5 : i32
    %dma_start3A = arith.constant 0 : i32
    %dma_start3A_7 = arith.constant 0 : i32
    %dma_start3A_8 = tpu.memref_slice %arg11[%dma_start3A, %dma_start3A_7] : memref<2x128xi32, #tpu.memory_space<vmem>> -> memref<1x128xi32, #tpu.memory_space<vmem>>
    %dma_start3A_9 = tpu.memref_squeeze %dma_start3A_8 : memref<1x128xi32, #tpu.memory_space<vmem>> -> memref<128xi32, #tpu.memory_space<vmem>>
    %dma_start3A_10 = arith.constant 0 : i32
    %dma_start3A_11 = tpu.memref_slice %arg3[%add3A_6, %dma_start3A_10] : memref<12672x128xi32, #tpu.memory_space<hbm>> -> memref<1x128xi32, #tpu.memory_space<hbm>>
    %dma_start3A_12 = tpu.memref_squeeze %dma_start3A_11 : memref<1x128xi32, #tpu.memory_space<hbm>> -> memref<128xi32, #tpu.memory_space<hbm>>
    %dma_start3A_13 = arith.constant 0 : i32
    %dma_start3A_14 = tpu.memref_slice %arg11[%dma_start3A, %dma_start3A_13] : memref<2x128xi32, #tpu.memory_space<vmem>> -> memref<1x128xi32, #tpu.memory_space<vmem>>
    %dma_start3A_15 = tpu.memref_squeeze %dma_start3A_14 : memref<1x128xi32, #tpu.memory_space<vmem>> -> memref<128xi32, #tpu.memory_space<vmem>>
    %dma_start3A_16 = arith.constant 0 : i32
    %dma_start3A_17 = tpu.memref_slice %arg3[%add3A_6, %dma_start3A_16] : memref<12672x128xi32, #tpu.memory_space<hbm>> -> memref<1x128xi32, #tpu.memory_space<hbm>>
    %dma_start3A_18 = tpu.memref_squeeze %dma_start3A_17 : memref<1x128xi32, #tpu.memory_space<hbm>> -> memref<128xi32, #tpu.memory_space<hbm>>
    tpu.enqueue_dma source(%dma_start3A_18 : memref<128xi32, #tpu.memory_space<hbm>>) target(%dma_start3A_15 : memref<128xi32, #tpu.memory_space<vmem>>) target_semaphore(%arg18 : memref<!tpu.dma_semaphore, #tpu.memory_space<semaphore_mem>>)
    %dma_start3A_19 = arith.constant 1 : i32
    %dma_start3A_20 = arith.constant 0 : i32
    %dma_start3A_21 = tpu.memref_slice %arg11[%dma_start3A_19, %dma_start3A_20] : memref<2x128xi32, #tpu.memory_space<vmem>> -> memref<1x128xi32, #tpu.memory_space<vmem>>
    %dma_start3A_22 = tpu.memref_squeeze %dma_start3A_21 : memref<1x128xi32, #tpu.memory_space<vmem>> -> memref<128xi32, #tpu.memory_space<vmem>>
    %dma_start3A_23 = arith.constant 0 : i32
    %dma_start3A_24 = tpu.memref_slice %arg4[%add3A_6, %dma_start3A_23] : memref<12672x128xi32, #tpu.memory_space<hbm>> -> memref<1x128xi32, #tpu.memory_space<hbm>>
    %dma_start3A_25 = tpu.memref_squeeze %dma_start3A_24 : memref<1x128xi32, #tpu.memory_space<hbm>> -> memref<128xi32, #tpu.memory_space<hbm>>
    %dma_start3A_26 = arith.constant 0 : i32
    %dma_start3A_27 = tpu.memref_slice %arg11[%dma_start3A_19, %dma_start3A_26] : memref<2x128xi32, #tpu.memory_space<vmem>> -> memref<1x128xi32, #tpu.memory_space<vmem>>
    %dma_start3A_28 = tpu.memref_squeeze %dma_start3A_27 : memref<1x128xi32, #tpu.memory_space<vmem>> -> memref<128xi32, #tpu.memory_space<vmem>>
    %dma_start3A_29 = arith.constant 0 : i32
    %dma_start3A_30 = tpu.memref_slice %arg4[%add3A_6, %dma_start3A_29] : memref<12672x128xi32, #tpu.memory_space<hbm>> -> memref<1x128xi32, #tpu.memory_space<hbm>>
    %dma_start3A_31 = tpu.memref_squeeze %dma_start3A_30 : memref<1x128xi32, #tpu.memory_space<hbm>> -> memref<128xi32, #tpu.memory_space<hbm>>
    tpu.enqueue_dma source(%dma_start3A_31 : memref<128xi32, #tpu.memory_space<hbm>>) target(%dma_start3A_28 : memref<128xi32, #tpu.memory_space<vmem>>) target_semaphore(%arg18 : memref<!tpu.dma_semaphore, #tpu.memory_space<semaphore_mem>>)
    %add3A_32 = arith.constant 1 : i32
    %add3A_33 = arith.addi %mul3A_4, %add3A_32 : i32
    %dma_start3A_34 = arith.constant 0 : i32
    %dma_start3A_35 = arith.constant 0 : i32
    %dma_start3A_36 = tpu.memref_slice %arg12[%dma_start3A_34, %dma_start3A_35] : memref<2x128xi32, #tpu.memory_space<vmem>> -> memref<1x128xi32, #tpu.memory_space<vmem>>
    %dma_start3A_37 = tpu.memref_squeeze %dma_start3A_36 : memref<1x128xi32, #tpu.memory_space<vmem>> -> memref<128xi32, #tpu.memory_space<vmem>>
    %dma_start3A_38 = arith.constant 0 : i32
    %dma_start3A_39 = tpu.memref_slice %arg3[%add3A_33, %dma_start3A_38] : memref<12672x128xi32, #tpu.memory_space<hbm>> -> memref<1x128xi32, #tpu.memory_space<hbm>>
    %dma_start3A_40 = tpu.memref_squeeze %dma_start3A_39 : memref<1x128xi32, #tpu.memory_space<hbm>> -> memref<128xi32, #tpu.memory_space<hbm>>
    %dma_start3A_41 = arith.constant 0 : i32
    %dma_start3A_42 = tpu.memref_slice %arg12[%dma_start3A_34, %dma_start3A_41] : memref<2x128xi32, #tpu.memory_space<vmem>> -> memref<1x128xi32, #tpu.memory_space<vmem>>
    %dma_start3A_43 = tpu.memref_squeeze %dma_start3A_42 : memref<1x128xi32, #tpu.memory_space<vmem>> -> memref<128xi32, #tpu.memory_space<vmem>>
    %dma_start3A_44 = arith.constant 0 : i32
    %dma_start3A_45 = tpu.memref_slice %arg3[%add3A_33, %dma_start3A_44] : memref<12672x128xi32, #tpu.memory_space<hbm>> -> memref<1x128xi32, #tpu.memory_space<hbm>>
    %dma_start3A_46 = tpu.memref_squeeze %dma_start3A_45 : memref<1x128xi32, #tpu.memory_space<hbm>> -> memref<128xi32, #tpu.memory_space<hbm>>
    tpu.enqueue_dma source(%dma_start3A_46 : memref<128xi32, #tpu.memory_space<hbm>>) target(%dma_start3A_43 : memref<128xi32, #tpu.memory_space<vmem>>) target_semaphore(%arg19 : memref<!tpu.dma_semaphore, #tpu.memory_space<semaphore_mem>>)
    %dma_start3A_47 = arith.constant 1 : i32
    %dma_start3A_48 = arith.constant 0 : i32
    %dma_start3A_49 = tpu.memref_slice %arg12[%dma_start3A_47, %dma_start3A_48] : memref<2x128xi32, #tpu.memory_space<vmem>> -> memref<1x128xi32, #tpu.memory_space<vmem>>
    %dma_start3A_50 = tpu.memref_squeeze %dma_start3A_49 : memref<1x128xi32, #tpu.memory_space<vmem>> -> memref<128xi32, #tpu.memory_space<vmem>>
    %dma_start3A_51 = arith.constant 0 : i32
    %dma_start3A_52 = tpu.memref_slice %arg4[%add3A_33, %dma_start3A_51] : memref<12672x128xi32, #tpu.memory_space<hbm>> -> memref<1x128xi32, #tpu.memory_space<hbm>>
    %dma_start3A_53 = tpu.memref_squeeze %dma_start3A_52 : memref<1x128xi32, #tpu.memory_space<hbm>> -> memref<128xi32, #tpu.memory_space<hbm>>
    %dma_start3A_54 = arith.constant 0 : i32
    %dma_start3A_55 = tpu.memref_slice %arg12[%dma_start3A_47, %dma_start3A_54] : memref<2x128xi32, #tpu.memory_space<vmem>> -> memref<1x128xi32, #tpu.memory_space<vmem>>
    %dma_start3A_56 = tpu.memref_squeeze %dma_start3A_55 : memref<1x128xi32, #tpu.memory_space<vmem>> -> memref<128xi32, #tpu.memory_space<vmem>>
    %dma_start3A_57 = arith.constant 0 : i32
    %dma_start3A_58 = tpu.memref_slice %arg4[%add3A_33, %dma_start3A_57] : memref<12672x128xi32, #tpu.memory_space<hbm>> -> memref<1x128xi32, #tpu.memory_space<hbm>>
    %dma_start3A_59 = tpu.memref_squeeze %dma_start3A_58 : memref<1x128xi32, #tpu.memory_space<hbm>> -> memref<128xi32, #tpu.memory_space<hbm>>
    tpu.enqueue_dma source(%dma_start3A_59 : memref<128xi32, #tpu.memory_space<hbm>>) target(%dma_start3A_56 : memref<128xi32, #tpu.memory_space<vmem>>) target_semaphore(%arg19 : memref<!tpu.dma_semaphore, #tpu.memory_space<semaphore_mem>>)
    %add3A_60 = arith.constant 2 : i32
    %add3A_61 = arith.addi %mul3A_4, %add3A_60 : i32
    %dma_start3A_62 = arith.constant 0 : i32
    %dma_start3A_63 = arith.constant 0 : i32
    %dma_start3A_64 = tpu.memref_slice %arg13[%dma_start3A_62, %dma_start3A_63] : memref<2x128xi32, #tpu.memory_space<vmem>> -> memref<1x128xi32, #tpu.memory_space<vmem>>
    %dma_start3A_65 = tpu.memref_squeeze %dma_start3A_64 : memref<1x128xi32, #tpu.memory_space<vmem>> -> memref<128xi32, #tpu.memory_space<vmem>>
    %dma_start3A_66 = arith.constant 0 : i32
    %dma_start3A_67 = tpu.memref_slice %arg3[%add3A_61, %dma_start3A_66] : memref<12672x128xi32, #tpu.memory_space<hbm>> -> memref<1x128xi32, #tpu.memory_space<hbm>>
    %dma_start3A_68 = tpu.memref_squeeze %dma_start3A_67 : memref<1x128xi32, #tpu.memory_space<hbm>> -> memref<128xi32, #tpu.memory_space<hbm>>
    %dma_start3A_69 = arith.constant 0 : i32
    %dma_start3A_70 = tpu.memref_slice %arg13[%dma_start3A_62, %dma_start3A_69] : memref<2x128xi32, #tpu.memory_space<vmem>> -> memref<1x128xi32, #tpu.memory_space<vmem>>
    %dma_start3A_71 = tpu.memref_squeeze %dma_start3A_70 : memref<1x128xi32, #tpu.memory_space<vmem>> -> memref<128xi32, #tpu.memory_space<vmem>>
    %dma_start3A_72 = arith.constant 0 : i32
    %dma_start3A_73 = tpu.memref_slice %arg3[%add3A_61, %dma_start3A_72] : memref<12672x128xi32, #tpu.memory_space<hbm>> -> memref<1x128xi32, #tpu.memory_space<hbm>>
    %dma_start3A_74 = tpu.memref_squeeze %dma_start3A_73 : memref<1x128xi32, #tpu.memory_space<hbm>> -> memref<128xi32, #tpu.memory_space<hbm>>
    tpu.enqueue_dma source(%dma_start3A_74 : memref<128xi32, #tpu.memory_space<hbm>>) target(%dma_start3A_71 : memref<128xi32, #tpu.memory_space<vmem>>) target_semaphore(%arg20 : memref<!tpu.dma_semaphore, #tpu.memory_space<semaphore_mem>>)
    %dma_start3A_75 = arith.constant 1 : i32
    %dma_start3A_76 = arith.constant 0 : i32
    %dma_start3A_77 = tpu.memref_slice %arg13[%dma_start3A_75, %dma_start3A_76] : memref<2x128xi32, #tpu.memory_space<vmem>> -> memref<1x128xi32, #tpu.memory_space<vmem>>
    %dma_start3A_78 = tpu.memref_squeeze %dma_start3A_77 : memref<1x128xi32, #tpu.memory_space<vmem>> -> memref<128xi32, #tpu.memory_space<vmem>>
    %dma_start3A_79 = arith.constant 0 : i32
    %dma_start3A_80 = tpu.memref_slice %arg4[%add3A_61, %dma_start3A_79] : memref<12672x128xi32, #tpu.memory_space<hbm>> -> memref<1x128xi32, #tpu.memory_space<hbm>>
    %dma_start3A_81 = tpu.memref_squeeze %dma_start3A_80 : memref<1x128xi32, #tpu.memory_space<hbm>> -> memref<128xi32, #tpu.memory_space<hbm>>
    %dma_start3A_82 = arith.constant 0 : i32
    %dma_start3A_83 = tpu.memref_slice %arg13[%dma_start3A_75, %dma_start3A_82] : memref<2x128xi32, #tpu.memory_space<vmem>> -> memref<1x128xi32, #tpu.memory_space<vmem>>
    %dma_start3A_84 = tpu.memref_squeeze %dma_start3A_83 : memref<1x128xi32, #tpu.memory_space<vmem>> -> memref<128xi32, #tpu.memory_space<vmem>>
    %dma_start3A_85 = arith.constant 0 : i32
    %dma_start3A_86 = tpu.memref_slice %arg4[%add3A_61, %dma_start3A_85] : memref<12672x128xi32, #tpu.memory_space<hbm>> -> memref<1x128xi32, #tpu.memory_space<hbm>>
    %dma_start3A_87 = tpu.memref_squeeze %dma_start3A_86 : memref<1x128xi32, #tpu.memory_space<hbm>> -> memref<128xi32, #tpu.memory_space<hbm>>
    tpu.enqueue_dma source(%dma_start3A_87 : memref<128xi32, #tpu.memory_space<hbm>>) target(%dma_start3A_84 : memref<128xi32, #tpu.memory_space<vmem>>) target_semaphore(%arg20 : memref<!tpu.dma_semaphore, #tpu.memory_space<semaphore_mem>>)
    %dma_wait3A = arith.constant 0 : i32
    %dma_wait3A_88 = tpu.memref_slice %arg3[%mul3A_4, %dma_wait3A] : memref<12672x128xi32, #tpu.memory_space<hbm>> -> memref<2x128xi32, #tpu.memory_space<hbm>>
    %dma_wait3A_89 = arith.constant 0 : i32
    %dma_wait3A_90 = tpu.memref_slice %arg3[%mul3A_4, %dma_wait3A_89] : memref<12672x128xi32, #tpu.memory_space<hbm>> -> memref<2x128xi32, #tpu.memory_space<hbm>>
    tpu.wait_dma2 semaphore(%arg18 : memref<!tpu.dma_semaphore, #tpu.memory_space<semaphore_mem>>) src(%dma_wait3A_90 : memref<2x128xi32, #tpu.memory_space<hbm>>) dst(%arg11 : memref<2x128xi32, #tpu.memory_space<vmem>>)
    %dma_start3A_91 = arith.constant 0 : i32
    %dma_start3A_92 = arith.constant 0 : i32
    %dma_start3A_93 = tpu.memref_slice %arg11[%dma_start3A_91, %dma_start3A_92] : memref<2x128xi32, #tpu.memory_space<vmem>> -> memref<1x128xi32, #tpu.memory_space<vmem>>
    %dma_start3A_94 = tpu.memref_squeeze %dma_start3A_93 : memref<1x128xi32, #tpu.memory_space<vmem>> -> memref<128xi32, #tpu.memory_space<vmem>>
    %dma_start3A_95 = arith.constant 0 : i32
    %dma_start3A_96 = arith.constant 0 : i32
    %dma_start3A_97 = tpu.memref_slice %arg2[%dma_start3A_95, %dma_start3A_96] : memref<50176x64xf32, #tpu.memory_space<hbm>> -> memref<50176x64xf32, #tpu.memory_space<hbm>>
    tpu.enqueue_indirect_dma source(%dma_start3A_97 : memref<50176x64xf32, #tpu.memory_space<hbm>>) target(%arg14 : memref<128x64xf32, #tpu.memory_space<vmem>>) offsets(%dma_start3A_94 : memref<128xi32, #tpu.memory_space<vmem>>) semaphore(%arg21 : memref<!tpu.dma_semaphore, #tpu.memory_space<semaphore_mem>>)
    %dma_wait3A_98 = arith.constant 0 : i32
    %dma_wait3A_99 = tpu.memref_slice %arg3[%mul3A_4, %dma_wait3A_98] : memref<12672x128xi32, #tpu.memory_space<hbm>> -> memref<2x128xi32, #tpu.memory_space<hbm>>
    %dma_wait3A_100 = arith.constant 0 : i32
    %dma_wait3A_101 = tpu.memref_slice %arg3[%mul3A_4, %dma_wait3A_100] : memref<12672x128xi32, #tpu.memory_space<hbm>> -> memref<2x128xi32, #tpu.memory_space<hbm>>
    tpu.wait_dma2 semaphore(%arg19 : memref<!tpu.dma_semaphore, #tpu.memory_space<semaphore_mem>>) src(%dma_wait3A_101 : memref<2x128xi32, #tpu.memory_space<hbm>>) dst(%arg12 : memref<2x128xi32, #tpu.memory_space<vmem>>)
    %dma_start3A_102 = arith.constant 0 : i32
    %dma_start3A_103 = arith.constant 0 : i32
    %dma_start3A_104 = tpu.memref_slice %arg12[%dma_start3A_102, %dma_start3A_103] : memref<2x128xi32, #tpu.memory_space<vmem>> -> memref<1x128xi32, #tpu.memory_space<vmem>>
    %dma_start3A_105 = tpu.memref_squeeze %dma_start3A_104 : memref<1x128xi32, #tpu.memory_space<vmem>> -> memref<128xi32, #tpu.memory_space<vmem>>
    %dma_start3A_106 = arith.constant 0 : i32
    %dma_start3A_107 = arith.constant 0 : i32
    %dma_start3A_108 = tpu.memref_slice %arg2[%dma_start3A_106, %dma_start3A_107] : memref<50176x64xf32, #tpu.memory_space<hbm>> -> memref<50176x64xf32, #tpu.memory_space<hbm>>
    tpu.enqueue_indirect_dma source(%dma_start3A_108 : memref<50176x64xf32, #tpu.memory_space<hbm>>) target(%arg15 : memref<128x64xf32, #tpu.memory_space<vmem>>) offsets(%dma_start3A_105 : memref<128xi32, #tpu.memory_space<vmem>>) semaphore(%arg22 : memref<!tpu.dma_semaphore, #tpu.memory_space<semaphore_mem>>)
    %scan3A = arith.constant 0 : i32
    %scan3A_109 = arith.constant 0 : i32
    %scan3A_110 = arith.constant 131 : i32
    %scan3A_111 = arith.addi %scan3A_109, %scan3A_110 : i32
    %scan3A_112 = arith.constant 1 : i32
    scf.for %scan3A_170 = %scan3A_109 to %scan3A_111 step %scan3A_112  : i32 {
      %mul3A_171 = arith.constant 3 : i32
      %mul3A_172 = arith.muli %mul3A_171, %scan3A_170 : i32
      %add3A_173 = arith.addi %mul3A_4, %mul3A_172 : i32
      %dma_wait3A_174 = arith.constant 0 : i32
      %dma_wait3A_175 = arith.constant 0 : i32
      %dma_wait3A_176 = tpu.memref_slice %arg11[%dma_wait3A_174, %dma_wait3A_175] : memref<2x128xi32, #tpu.memory_space<vmem>> -> memref<1x128xi32, #tpu.memory_space<vmem>>
      %dma_wait3A_177 = tpu.memref_squeeze %dma_wait3A_176 : memref<1x128xi32, #tpu.memory_space<vmem>> -> memref<128xi32, #tpu.memory_space<vmem>>
      %dma_wait3A_178 = arith.constant 0 : i32
      %dma_wait3A_179 = arith.constant 0 : i32
      %dma_wait3A_180 = tpu.memref_slice %arg2[%dma_wait3A_178, %dma_wait3A_179] : memref<50176x64xf32, #tpu.memory_space<hbm>> -> memref<50176x64xf32, #tpu.memory_space<hbm>>
      tpu.wait_indirect_dma semaphore(%arg21 : memref<!tpu.dma_semaphore, #tpu.memory_space<semaphore_mem>>) src(%dma_wait3A_180 : memref<50176x64xf32, #tpu.memory_space<hbm>>) dst(%arg14 : memref<128x64xf32, #tpu.memory_space<vmem>>)
      %run_scoped3A = arith.constant 1 : i32
      "tpu.region"() ({
        %run_scoped3A_320 = tpu.sem_alloc : memref<!tpu.dma_semaphore, #tpu.memory_space<semaphore_mem>>
        %dma_start3A_321 = arith.constant 0 : i32
        %dma_start3A_322 = tpu.memref_slice %arg11[%run_scoped3A, %dma_start3A_321] : memref<2x128xi32, #tpu.memory_space<vmem>> -> memref<1x128xi32, #tpu.memory_space<vmem>>
        %dma_start3A_323 = tpu.memref_squeeze %dma_start3A_322 : memref<1x128xi32, #tpu.memory_space<vmem>> -> memref<128xi32, #tpu.memory_space<vmem>>
        %dma_start3A_324 = arith.constant 0 : i32
        %dma_start3A_325 = arith.constant 0 : i32
        %dma_start3A_326 = tpu.memref_slice %arg10[%dma_start3A_324, %dma_start3A_325] : memref<25088x64xf32, #tpu.memory_space<vmem_shared>> -> memref<25088x64xf32, #tpu.memory_space<vmem_shared>>
        tpu.enqueue_indirect_dma source(%arg14 : memref<128x64xf32, #tpu.memory_space<vmem>>) target(%dma_start3A_326 : memref<25088x64xf32, #tpu.memory_space<vmem_shared>>) offsets(%dma_start3A_323 : memref<128xi32, #tpu.memory_space<vmem>>) semaphore(%run_scoped3A_320 : memref<!tpu.dma_semaphore, #tpu.memory_space<semaphore_mem>>) {add = true}
        %dma_wait3A_327 = arith.constant 0 : i32
        %dma_wait3A_328 = tpu.memref_slice %arg11[%run_scoped3A, %dma_wait3A_327] : memref<2x128xi32, #tpu.memory_space<vmem>> -> memref<1x128xi32, #tpu.memory_space<vmem>>
        %dma_wait3A_329 = tpu.memref_squeeze %dma_wait3A_328 : memref<1x128xi32, #tpu.memory_space<vmem>> -> memref<128xi32, #tpu.memory_space<vmem>>
        %dma_wait3A_330 = arith.constant 0 : i32
        %dma_wait3A_331 = arith.constant 0 : i32
        %dma_wait3A_332 = tpu.memref_slice %arg10[%dma_wait3A_330, %dma_wait3A_331] : memref<25088x64xf32, #tpu.memory_space<vmem_shared>> -> memref<25088x64xf32, #tpu.memory_space<vmem_shared>>
        tpu.wait_indirect_dma semaphore(%run_scoped3A_320 : memref<!tpu.dma_semaphore, #tpu.memory_space<semaphore_mem>>) src(%arg14 : memref<128x64xf32, #tpu.memory_space<vmem>>) dst(%dma_wait3A_332 : memref<25088x64xf32, #tpu.memory_space<vmem_shared>>)
        tpu.yield
      }) : () -> ()
      %add3A_181 = arith.constant 0 : i32
      %add3A_182 = arith.addi %add3A_173, %add3A_181 : i32
      %add3A_183 = arith.constant 3 : i32
      %add3A_184 = arith.addi %add3A_182, %add3A_183 : i32
      %dma_start3A_185 = arith.constant 0 : i32
      %dma_start3A_186 = arith.constant 0 : i32
      %dma_start3A_187 = tpu.memref_slice %arg11[%dma_start3A_185, %dma_start3A_186] : memref<2x128xi32, #tpu.memory_space<vmem>> -> memref<1x128xi32, #tpu.memory_space<vmem>>
      %dma_start3A_188 = tpu.memref_squeeze %dma_start3A_187 : memref<1x128xi32, #tpu.memory_space<vmem>> -> memref<128xi32, #tpu.memory_space<vmem>>
      %dma_start3A_189 = arith.constant 0 : i32
      %dma_start3A_190 = tpu.memref_slice %arg3[%add3A_184, %dma_start3A_189] : memref<12672x128xi32, #tpu.memory_space<hbm>> -> memref<1x128xi32, #tpu.memory_space<hbm>>
      %dma_start3A_191 = tpu.memref_squeeze %dma_start3A_190 : memref<1x128xi32, #tpu.memory_space<hbm>> -> memref<128xi32, #tpu.memory_space<hbm>>
      %dma_start3A_192 = arith.constant 0 : i32
      %dma_start3A_193 = tpu.memref_slice %arg11[%dma_start3A_185, %dma_start3A_192] : memref<2x128xi32, #tpu.memory_space<vmem>> -> memref<1x128xi32, #tpu.memory_space<vmem>>
      %dma_start3A_194 = tpu.memref_squeeze %dma_start3A_193 : memref<1x128xi32, #tpu.memory_space<vmem>> -> memref<128xi32, #tpu.memory_space<vmem>>
      %dma_start3A_195 = arith.constant 0 : i32
      %dma_start3A_196 = tpu.memref_slice %arg3[%add3A_184, %dma_start3A_195] : memref<12672x128xi32, #tpu.memory_space<hbm>> -> memref<1x128xi32, #tpu.memory_space<hbm>>
      %dma_start3A_197 = tpu.memref_squeeze %dma_start3A_196 : memref<1x128xi32, #tpu.memory_space<hbm>> -> memref<128xi32, #tpu.memory_space<hbm>>
      tpu.enqueue_dma source(%dma_start3A_197 : memref<128xi32, #tpu.memory_space<hbm>>) target(%dma_start3A_194 : memref<128xi32, #tpu.memory_space<vmem>>) target_semaphore(%arg18 : memref<!tpu.dma_semaphore, #tpu.memory_space<semaphore_mem>>)
      %dma_start3A_198 = arith.constant 1 : i32
      %dma_start3A_199 = arith.constant 0 : i32
      %dma_start3A_200 = tpu.memref_slice %arg11[%dma_start3A_198, %dma_start3A_199] : memref<2x128xi32, #tpu.memory_space<vmem>> -> memref<1x128xi32, #tpu.memory_space<vmem>>
      %dma_start3A_201 = tpu.memref_squeeze %dma_start3A_200 : memref<1x128xi32, #tpu.memory_space<vmem>> -> memref<128xi32, #tpu.memory_space<vmem>>
      %dma_start3A_202 = arith.constant 0 : i32
      %dma_start3A_203 = tpu.memref_slice %arg4[%add3A_184, %dma_start3A_202] : memref<12672x128xi32, #tpu.memory_space<hbm>> -> memref<1x128xi32, #tpu.memory_space<hbm>>
      %dma_start3A_204 = tpu.memref_squeeze %dma_start3A_203 : memref<1x128xi32, #tpu.memory_space<hbm>> -> memref<128xi32, #tpu.memory_space<hbm>>
      %dma_start3A_205 = arith.constant 0 : i32
      %dma_start3A_206 = tpu.memref_slice %arg11[%dma_start3A_198, %dma_start3A_205] : memref<2x128xi32, #tpu.memory_space<vmem>> -> memref<1x128xi32, #tpu.memory_space<vmem>>
      %dma_start3A_207 = tpu.memref_squeeze %dma_start3A_206 : memref<1x128xi32, #tpu.memory_space<vmem>> -> memref<128xi32, #tpu.memory_space<vmem>>
      %dma_start3A_208 = arith.constant 0 : i32
      %dma_start3A_209 = tpu.memref_slice %arg4[%add3A_184, %dma_start3A_208] : memref<12672x128xi32, #tpu.memory_space<hbm>> -> memref<1x128xi32, #tpu.memory_space<hbm>>
      %dma_start3A_210 = tpu.memref_squeeze %dma_start3A_209 : memref<1x128xi32, #tpu.memory_space<hbm>> -> memref<128xi32, #tpu.memory_space<hbm>>
      tpu.enqueue_dma source(%dma_start3A_210 : memref<128xi32, #tpu.memory_space<hbm>>) target(%dma_start3A_207 : memref<128xi32, #tpu.memory_space<vmem>>) target_semaphore(%arg18 : memref<!tpu.dma_semaphore, #tpu.memory_space<semaphore_mem>>)
      %dma_wait3A_211 = arith.constant 0 : i32
      %dma_wait3A_212 = tpu.memref_slice %arg3[%mul3A_4, %dma_wait3A_211] : memref<12672x128xi32, #tpu.memory_space<hbm>> -> memref<2x128xi32, #tpu.memory_space<hbm>>
      %dma_wait3A_213 = arith.constant 0 : i32
      %dma_wait3A_214 = tpu.memref_slice %arg3[%mul3A_4, %dma_wait3A_213] : memref<12672x128xi32, #tpu.memory_space<hbm>> -> memref<2x128xi32, #tpu.memory_space<hbm>>
      tpu.wait_dma2 semaphore(%arg20 : memref<!tpu.dma_semaphore, #tpu.memory_space<semaphore_mem>>) src(%dma_wait3A_214 : memref<2x128xi32, #tpu.memory_space<hbm>>) dst(%arg13 : memref<2x128xi32, #tpu.memory_space<vmem>>)
      %dma_start3A_215 = arith.constant 0 : i32
      %dma_start3A_216 = arith.constant 0 : i32
      %dma_start3A_217 = tpu.memref_slice %arg13[%dma_start3A_215, %dma_start3A_216] : memref<2x128xi32, #tpu.memory_space<vmem>> -> memref<1x128xi32, #tpu.memory_space<vmem>>
      %dma_start3A_218 = tpu.memref_squeeze %dma_start3A_217 : memref<1x128xi32, #tpu.memory_space<vmem>> -> memref<128xi32, #tpu.memory_space<vmem>>
      %dma_start3A_219 = arith.constant 0 : i32
      %dma_start3A_220 = arith.constant 0 : i32
      %dma_start3A_221 = tpu.memref_slice %arg2[%dma_start3A_219, %dma_start3A_220] : memref<50176x64xf32, #tpu.memory_space<hbm>> -> memref<50176x64xf32, #tpu.memory_space<hbm>>
      tpu.enqueue_indirect_dma source(%dma_start3A_221 : memref<50176x64xf32, #tpu.memory_space<hbm>>) target(%arg16 : memref<128x64xf32, #tpu.memory_space<vmem>>) offsets(%dma_start3A_218 : memref<128xi32, #tpu.memory_space<vmem>>) semaphore(%arg23 : memref<!tpu.dma_semaphore, #tpu.memory_space<semaphore_mem>>)
      %dma_wait3A_222 = arith.constant 0 : i32
      %dma_wait3A_223 = arith.constant 0 : i32
      %dma_wait3A_224 = tpu.memref_slice %arg12[%dma_wait3A_222, %dma_wait3A_223] : memref<2x128xi32, #tpu.memory_space<vmem>> -> memref<1x128xi32, #tpu.memory_space<vmem>>
      %dma_wait3A_225 = tpu.memref_squeeze %dma_wait3A_224 : memref<1x128xi32, #tpu.memory_space<vmem>> -> memref<128xi32, #tpu.memory_space<vmem>>
      %dma_wait3A_226 = arith.constant 0 : i32
      %dma_wait3A_227 = arith.constant 0 : i32
      %dma_wait3A_228 = tpu.memref_slice %arg2[%dma_wait3A_226, %dma_wait3A_227] : memref<50176x64xf32, #tpu.memory_space<hbm>> -> memref<50176x64xf32, #tpu.memory_space<hbm>>
      tpu.wait_indirect_dma semaphore(%arg22 : memref<!tpu.dma_semaphore, #tpu.memory_space<semaphore_mem>>) src(%dma_wait3A_228 : memref<50176x64xf32, #tpu.memory_space<hbm>>) dst(%arg15 : memref<128x64xf32, #tpu.memory_space<vmem>>)
      %run_scoped3A_229 = arith.constant 1 : i32
      "tpu.region"() ({
        %run_scoped3A_320 = tpu.sem_alloc : memref<!tpu.dma_semaphore, #tpu.memory_space<semaphore_mem>>
        %dma_start3A_321 = arith.constant 0 : i32
        %dma_start3A_322 = tpu.memref_slice %arg12[%run_scoped3A_229, %dma_start3A_321] : memref<2x128xi32, #tpu.memory_space<vmem>> -> memref<1x128xi32, #tpu.memory_space<vmem>>
        %dma_start3A_323 = tpu.memref_squeeze %dma_start3A_322 : memref<1x128xi32, #tpu.memory_space<vmem>> -> memref<128xi32, #tpu.memory_space<vmem>>
        %dma_start3A_324 = arith.constant 0 : i32
        %dma_start3A_325 = arith.constant 0 : i32
        %dma_start3A_326 = tpu.memref_slice %arg10[%dma_start3A_324, %dma_start3A_325] : memref<25088x64xf32, #tpu.memory_space<vmem_shared>> -> memref<25088x64xf32, #tpu.memory_space<vmem_shared>>
        tpu.enqueue_indirect_dma source(%arg15 : memref<128x64xf32, #tpu.memory_space<vmem>>) target(%dma_start3A_326 : memref<25088x64xf32, #tpu.memory_space<vmem_shared>>) offsets(%dma_start3A_323 : memref<128xi32, #tpu.memory_space<vmem>>) semaphore(%run_scoped3A_320 : memref<!tpu.dma_semaphore, #tpu.memory_space<semaphore_mem>>) {add = true}
        %dma_wait3A_327 = arith.constant 0 : i32
        %dma_wait3A_328 = tpu.memref_slice %arg12[%run_scoped3A_229, %dma_wait3A_327] : memref<2x128xi32, #tpu.memory_space<vmem>> -> memref<1x128xi32, #tpu.memory_space<vmem>>
        %dma_wait3A_329 = tpu.memref_squeeze %dma_wait3A_328 : memref<1x128xi32, #tpu.memory_space<vmem>> -> memref<128xi32, #tpu.memory_space<vmem>>
        %dma_wait3A_330 = arith.constant 0 : i32
        %dma_wait3A_331 = arith.constant 0 : i32
        %dma_wait3A_332 = tpu.memref_slice %arg10[%dma_wait3A_330, %dma_wait3A_331] : memref<25088x64xf32, #tpu.memory_space<vmem_shared>> -> memref<25088x64xf32, #tpu.memory_space<vmem_shared>>
        tpu.wait_indirect_dma semaphore(%run_scoped3A_320 : memref<!tpu.dma_semaphore, #tpu.memory_space<semaphore_mem>>) src(%arg15 : memref<128x64xf32, #tpu.memory_space<vmem>>) dst(%dma_wait3A_332 : memref<25088x64xf32, #tpu.memory_space<vmem_shared>>)
        tpu.yield
      }) : () -> ()
      %add3A_230 = arith.constant 1 : i32
      %add3A_231 = arith.addi %add3A_173, %add3A_230 : i32
      %add3A_232 = arith.constant 3 : i32
      %add3A_233 = arith.addi %add3A_231, %add3A_232 : i32
      %dma_start3A_234 = arith.constant 0 : i32
      %dma_start3A_235 = arith.constant 0 : i32
      %dma_start3A_236 = tpu.memref_slice %arg12[%dma_start3A_234, %dma_start3A_235] : memref<2x128xi32, #tpu.memory_space<vmem>> -> memref<1x128xi32, #tpu.memory_space<vmem>>
      %dma_start3A_237 = tpu.memref_squeeze %dma_start3A_236 : memref<1x128xi32, #tpu.memory_space<vmem>> -> memref<128xi32, #tpu.memory_space<vmem>>
      %dma_start3A_238 = arith.constant 0 : i32
      %dma_start3A_239 = tpu.memref_slice %arg3[%add3A_233, %dma_start3A_238] : memref<12672x128xi32, #tpu.memory_space<hbm>> -> memref<1x128xi32, #tpu.memory_space<hbm>>
      %dma_start3A_240 = tpu.memref_squeeze %dma_start3A_239 : memref<1x128xi32, #tpu.memory_space<hbm>> -> memref<128xi32, #tpu.memory_space<hbm>>
      %dma_start3A_241 = arith.constant 0 : i32
      %dma_start3A_242 = tpu.memref_slice %arg12[%dma_start3A_234, %dma_start3A_241] : memref<2x128xi32, #tpu.memory_space<vmem>> -> memref<1x128xi32, #tpu.memory_space<vmem>>
      %dma_start3A_243 = tpu.memref_squeeze %dma_start3A_242 : memref<1x128xi32, #tpu.memory_space<vmem>> -> memref<128xi32, #tpu.memory_space<vmem>>
      %dma_start3A_244 = arith.constant 0 : i32
      %dma_start3A_245 = tpu.memref_slice %arg3[%add3A_233, %dma_start3A_244] : memref<12672x128xi32, #tpu.memory_space<hbm>> -> memref<1x128xi32, #tpu.memory_space<hbm>>
      %dma_start3A_246 = tpu.memref_squeeze %dma_start3A_245 : memref<1x128xi32, #tpu.memory_space<hbm>> -> memref<128xi32, #tpu.memory_space<hbm>>
      tpu.enqueue_dma source(%dma_start3A_246 : memref<128xi32, #tpu.memory_space<hbm>>) target(%dma_start3A_243 : memref<128xi32, #tpu.memory_space<vmem>>) target_semaphore(%arg19 : memref<!tpu.dma_semaphore, #tpu.memory_space<semaphore_mem>>)
      %dma_start3A_247 = arith.constant 1 : i32
      %dma_start3A_248 = arith.constant 0 : i32
      %dma_start3A_249 = tpu.memref_slice %arg12[%dma_start3A_247, %dma_start3A_248] : memref<2x128xi32, #tpu.memory_space<vmem>> -> memref<1x128xi32, #tpu.memory_space<vmem>>
      %dma_start3A_250 = tpu.memref_squeeze %dma_start3A_249 : memref<1x128xi32, #tpu.memory_space<vmem>> -> memref<128xi32, #tpu.memory_space<vmem>>
      %dma_start3A_251 = arith.constant 0 : i32
      %dma_start3A_252 = tpu.memref_slice %arg4[%add3A_233, %dma_start3A_251] : memref<12672x128xi32, #tpu.memory_space<hbm>> -> memref<1x128xi32, #tpu.memory_space<hbm>>
      %dma_start3A_253 = tpu.memref_squeeze %dma_start3A_252 : memref<1x128xi32, #tpu.memory_space<hbm>> -> memref<128xi32, #tpu.memory_space<hbm>>
      %dma_start3A_254 = arith.constant 0 : i32
      %dma_start3A_255 = tpu.memref_slice %arg12[%dma_start3A_247, %dma_start3A_254] : memref<2x128xi32, #tpu.memory_space<vmem>> -> memref<1x128xi32, #tpu.memory_space<vmem>>
      %dma_start3A_256 = tpu.memref_squeeze %dma_start3A_255 : memref<1x128xi32, #tpu.memory_space<vmem>> -> memref<128xi32, #tpu.memory_space<vmem>>
      %dma_start3A_257 = arith.constant 0 : i32
      %dma_start3A_258 = tpu.memref_slice %arg4[%add3A_233, %dma_start3A_257] : memref<12672x128xi32, #tpu.memory_space<hbm>> -> memref<1x128xi32, #tpu.memory_space<hbm>>
      %dma_start3A_259 = tpu.memref_squeeze %dma_start3A_258 : memref<1x128xi32, #tpu.memory_space<hbm>> -> memref<128xi32, #tpu.memory_space<hbm>>
      tpu.enqueue_dma source(%dma_start3A_259 : memref<128xi32, #tpu.memory_space<hbm>>) target(%dma_start3A_256 : memref<128xi32, #tpu.memory_space<vmem>>) target_semaphore(%arg19 : memref<!tpu.dma_semaphore, #tpu.memory_space<semaphore_mem>>)
      %dma_wait3A_260 = arith.constant 0 : i32
      %dma_wait3A_261 = tpu.memref_slice %arg3[%mul3A_4, %dma_wait3A_260] : memref<12672x128xi32, #tpu.memory_space<hbm>> -> memref<2x128xi32, #tpu.memory_space<hbm>>
      %dma_wait3A_262 = arith.constant 0 : i32
      %dma_wait3A_263 = tpu.memref_slice %arg3[%mul3A_4, %dma_wait3A_262] : memref<12672x128xi32, #tpu.memory_space<hbm>> -> memref<2x128xi32, #tpu.memory_space<hbm>>
      tpu.wait_dma2 semaphore(%arg18 : memref<!tpu.dma_semaphore, #tpu.memory_space<semaphore_mem>>) src(%dma_wait3A_263 : memref<2x128xi32, #tpu.memory_space<hbm>>) dst(%arg11 : memref<2x128xi32, #tpu.memory_space<vmem>>)
      %dma_start3A_264 = arith.constant 0 : i32
      %dma_start3A_265 = arith.constant 0 : i32
      %dma_start3A_266 = tpu.memref_slice %arg11[%dma_start3A_264, %dma_start3A_265] : memref<2x128xi32, #tpu.memory_space<vmem>> -> memref<1x128xi32, #tpu.memory_space<vmem>>
      %dma_start3A_267 = tpu.memref_squeeze %dma_start3A_266 : memref<1x128xi32, #tpu.memory_space<vmem>> -> memref<128xi32, #tpu.memory_space<vmem>>
      %dma_start3A_268 = arith.constant 0 : i32
      %dma_start3A_269 = arith.constant 0 : i32
      %dma_start3A_270 = tpu.memref_slice %arg2[%dma_start3A_268, %dma_start3A_269] : memref<50176x64xf32, #tpu.memory_space<hbm>> -> memref<50176x64xf32, #tpu.memory_space<hbm>>
      tpu.enqueue_indirect_dma source(%dma_start3A_270 : memref<50176x64xf32, #tpu.memory_space<hbm>>) target(%arg14 : memref<128x64xf32, #tpu.memory_space<vmem>>) offsets(%dma_start3A_267 : memref<128xi32, #tpu.memory_space<vmem>>) semaphore(%arg21 : memref<!tpu.dma_semaphore, #tpu.memory_space<semaphore_mem>>)
      %dma_wait3A_271 = arith.constant 0 : i32
      %dma_wait3A_272 = arith.constant 0 : i32
      %dma_wait3A_273 = tpu.memref_slice %arg13[%dma_wait3A_271, %dma_wait3A_272] : memref<2x128xi32, #tpu.memory_space<vmem>> -> memref<1x128xi32, #tpu.memory_space<vmem>>
      %dma_wait3A_274 = tpu.memref_squeeze %dma_wait3A_273 : memref<1x128xi32, #tpu.memory_space<vmem>> -> memref<128xi32, #tpu.memory_space<vmem>>
      %dma_wait3A_275 = arith.constant 0 : i32
      %dma_wait3A_276 = arith.constant 0 : i32
      %dma_wait3A_277 = tpu.memref_slice %arg2[%dma_wait3A_275, %dma_wait3A_276] : memref<50176x64xf32, #tpu.memory_space<hbm>> -> memref<50176x64xf32, #tpu.memory_space<hbm>>
      tpu.wait_indirect_dma semaphore(%arg23 : memref<!tpu.dma_semaphore, #tpu.memory_space<semaphore_mem>>) src(%dma_wait3A_277 : memref<50176x64xf32, #tpu.memory_space<hbm>>) dst(%arg16 : memref<128x64xf32, #tpu.memory_space<vmem>>)
      %run_scoped3A_278 = arith.constant 1 : i32
      "tpu.region"() ({
        %run_scoped3A_320 = tpu.sem_alloc : memref<!tpu.dma_semaphore, #tpu.memory_space<semaphore_mem>>
        %dma_start3A_321 = arith.constant 0 : i32
        %dma_start3A_322 = tpu.memref_slice %arg13[%run_scoped3A_278, %dma_start3A_321] : memref<2x128xi32, #tpu.memory_space<vmem>> -> memref<1x128xi32, #tpu.memory_space<vmem>>
        %dma_start3A_323 = tpu.memref_squeeze %dma_start3A_322 : memref<1x128xi32, #tpu.memory_space<vmem>> -> memref<128xi32, #tpu.memory_space<vmem>>
        %dma_start3A_324 = arith.constant 0 : i32
        %dma_start3A_325 = arith.constant 0 : i32
        %dma_start3A_326 = tpu.memref_slice %arg10[%dma_start3A_324, %dma_start3A_325] : memref<25088x64xf32, #tpu.memory_space<vmem_shared>> -> memref<25088x64xf32, #tpu.memory_space<vmem_shared>>
        tpu.enqueue_indirect_dma source(%arg16 : memref<128x64xf32, #tpu.memory_space<vmem>>) target(%dma_start3A_326 : memref<25088x64xf32, #tpu.memory_space<vmem_shared>>) offsets(%dma_start3A_323 : memref<128xi32, #tpu.memory_space<vmem>>) semaphore(%run_scoped3A_320 : memref<!tpu.dma_semaphore, #tpu.memory_space<semaphore_mem>>) {add = true}
        %dma_wait3A_327 = arith.constant 0 : i32
        %dma_wait3A_328 = tpu.memref_slice %arg13[%run_scoped3A_278, %dma_wait3A_327] : memref<2x128xi32, #tpu.memory_space<vmem>> -> memref<1x128xi32, #tpu.memory_space<vmem>>
        %dma_wait3A_329 = tpu.memref_squeeze %dma_wait3A_328 : memref<1x128xi32, #tpu.memory_space<vmem>> -> memref<128xi32, #tpu.memory_space<vmem>>
        %dma_wait3A_330 = arith.constant 0 : i32
        %dma_wait3A_331 = arith.constant 0 : i32
        %dma_wait3A_332 = tpu.memref_slice %arg10[%dma_wait3A_330, %dma_wait3A_331] : memref<25088x64xf32, #tpu.memory_space<vmem_shared>> -> memref<25088x64xf32, #tpu.memory_space<vmem_shared>>
        tpu.wait_indirect_dma semaphore(%run_scoped3A_320 : memref<!tpu.dma_semaphore, #tpu.memory_space<semaphore_mem>>) src(%arg16 : memref<128x64xf32, #tpu.memory_space<vmem>>) dst(%dma_wait3A_332 : memref<25088x64xf32, #tpu.memory_space<vmem_shared>>)
        tpu.yield
      }) : () -> ()
      %add3A_279 = arith.constant 2 : i32
      %add3A_280 = arith.addi %add3A_173, %add3A_279 : i32
      %add3A_281 = arith.constant 3 : i32
      %add3A_282 = arith.addi %add3A_280, %add3A_281 : i32
      %dma_start3A_283 = arith.constant 0 : i32
      %dma_start3A_284 = arith.constant 0 : i32
      %dma_start3A_285 = tpu.memref_slice %arg13[%dma_start3A_283, %dma_start3A_284] : memref<2x128xi32, #tpu.memory_space<vmem>> -> memref<1x128xi32, #tpu.memory_space<vmem>>
      %dma_start3A_286 = tpu.memref_squeeze %dma_start3A_285 : memref<1x128xi32, #tpu.memory_space<vmem>> -> memref<128xi32, #tpu.memory_space<vmem>>
      %dma_start3A_287 = arith.constant 0 : i32
      %dma_start3A_288 = tpu.memref_slice %arg3[%add3A_282, %dma_start3A_287] : memref<12672x128xi32, #tpu.memory_space<hbm>> -> memref<1x128xi32, #tpu.memory_space<hbm>>
      %dma_start3A_289 = tpu.memref_squeeze %dma_start3A_288 : memref<1x128xi32, #tpu.memory_space<hbm>> -> memref<128xi32, #tpu.memory_space<hbm>>
      %dma_start3A_290 = arith.constant 0 : i32
      %dma_start3A_291 = tpu.memref_slice %arg13[%dma_start3A_283, %dma_start3A_290] : memref<2x128xi32, #tpu.memory_space<vmem>> -> memref<1x128xi32, #tpu.memory_space<vmem>>
      %dma_start3A_292 = tpu.memref_squeeze %dma_start3A_291 : memref<1x128xi32, #tpu.memory_space<vmem>> -> memref<128xi32, #tpu.memory_space<vmem>>
      %dma_start3A_293 = arith.constant 0 : i32
      %dma_start3A_294 = tpu.memref_slice %arg3[%add3A_282, %dma_start3A_293] : memref<12672x128xi32, #tpu.memory_space<hbm>> -> memref<1x128xi32, #tpu.memory_space<hbm>>
      %dma_start3A_295 = tpu.memref_squeeze %dma_start3A_294 : memref<1x128xi32, #tpu.memory_space<hbm>> -> memref<128xi32, #tpu.memory_space<hbm>>
      tpu.enqueue_dma source(%dma_start3A_295 : memref<128xi32, #tpu.memory_space<hbm>>) target(%dma_start3A_292 : memref<128xi32, #tpu.memory_space<vmem>>) target_semaphore(%arg20 : memref<!tpu.dma_semaphore, #tpu.memory_space<semaphore_mem>>)
      %dma_start3A_296 = arith.constant 1 : i32
      %dma_start3A_297 = arith.constant 0 : i32
      %dma_start3A_298 = tpu.memref_slice %arg13[%dma_start3A_296, %dma_start3A_297] : memref<2x128xi32, #tpu.memory_space<vmem>> -> memref<1x128xi32, #tpu.memory_space<vmem>>
      %dma_start3A_299 = tpu.memref_squeeze %dma_start3A_298 : memref<1x128xi32, #tpu.memory_space<vmem>> -> memref<128xi32, #tpu.memory_space<vmem>>
      %dma_start3A_300 = arith.constant 0 : i32
      %dma_start3A_301 = tpu.memref_slice %arg4[%add3A_282, %dma_start3A_300] : memref<12672x128xi32, #tpu.memory_space<hbm>> -> memref<1x128xi32, #tpu.memory_space<hbm>>
      %dma_start3A_302 = tpu.memref_squeeze %dma_start3A_301 : memref<1x128xi32, #tpu.memory_space<hbm>> -> memref<128xi32, #tpu.memory_space<hbm>>
      %dma_start3A_303 = arith.constant 0 : i32
      %dma_start3A_304 = tpu.memref_slice %arg13[%dma_start3A_296, %dma_start3A_303] : memref<2x128xi32, #tpu.memory_space<vmem>> -> memref<1x128xi32, #tpu.memory_space<vmem>>
      %dma_start3A_305 = tpu.memref_squeeze %dma_start3A_304 : memref<1x128xi32, #tpu.memory_space<vmem>> -> memref<128xi32, #tpu.memory_space<vmem>>
      %dma_start3A_306 = arith.constant 0 : i32
      %dma_start3A_307 = tpu.memref_slice %arg4[%add3A_282, %dma_start3A_306] : memref<12672x128xi32, #tpu.memory_space<hbm>> -> memref<1x128xi32, #tpu.memory_space<hbm>>
      %dma_start3A_308 = tpu.memref_squeeze %dma_start3A_307 : memref<1x128xi32, #tpu.memory_space<hbm>> -> memref<128xi32, #tpu.memory_space<hbm>>
      tpu.enqueue_dma source(%dma_start3A_308 : memref<128xi32, #tpu.memory_space<hbm>>) target(%dma_start3A_305 : memref<128xi32, #tpu.memory_space<vmem>>) target_semaphore(%arg20 : memref<!tpu.dma_semaphore, #tpu.memory_space<semaphore_mem>>)
      %dma_wait3A_309 = arith.constant 0 : i32
      %dma_wait3A_310 = tpu.memref_slice %arg3[%mul3A_4, %dma_wait3A_309] : memref<12672x128xi32, #tpu.memory_space<hbm>> -> memref<2x128xi32, #tpu.memory_space<hbm>>
      %dma_wait3A_311 = arith.constant 0 : i32
      %dma_wait3A_312 = tpu.memref_slice %arg3[%mul3A_4, %dma_wait3A_311] : memref<12672x128xi32, #tpu.memory_space<hbm>> -> memref<2x128xi32, #tpu.memory_space<hbm>>
      tpu.wait_dma2 semaphore(%arg19 : memref<!tpu.dma_semaphore, #tpu.memory_space<semaphore_mem>>) src(%dma_wait3A_312 : memref<2x128xi32, #tpu.memory_space<hbm>>) dst(%arg12 : memref<2x128xi32, #tpu.memory_space<vmem>>)
      %dma_start3A_313 = arith.constant 0 : i32
      %dma_start3A_314 = arith.constant 0 : i32
      %dma_start3A_315 = tpu.memref_slice %arg12[%dma_start3A_313, %dma_start3A_314] : memref<2x128xi32, #tpu.memory_space<vmem>> -> memref<1x128xi32, #tpu.memory_space<vmem>>
      %dma_start3A_316 = tpu.memref_squeeze %dma_start3A_315 : memref<1x128xi32, #tpu.memory_space<vmem>> -> memref<128xi32, #tpu.memory_space<vmem>>
      %dma_start3A_317 = arith.constant 0 : i32
      %dma_start3A_318 = arith.constant 0 : i32
      %dma_start3A_319 = tpu.memref_slice %arg2[%dma_start3A_317, %dma_start3A_318] : memref<50176x64xf32, #tpu.memory_space<hbm>> -> memref<50176x64xf32, #tpu.memory_space<hbm>>
      tpu.enqueue_indirect_dma source(%dma_start3A_319 : memref<50176x64xf32, #tpu.memory_space<hbm>>) target(%arg15 : memref<128x64xf32, #tpu.memory_space<vmem>>) offsets(%dma_start3A_316 : memref<128xi32, #tpu.memory_space<vmem>>) semaphore(%arg22 : memref<!tpu.dma_semaphore, #tpu.memory_space<semaphore_mem>>)
    }
    %scan3A_113 = arith.constant 131 : i32
    %dma_wait3A_114 = arith.constant 0 : i32
    %dma_wait3A_115 = arith.constant 0 : i32
    %dma_wait3A_116 = tpu.memref_slice %arg11[%dma_wait3A_114, %dma_wait3A_115] : memref<2x128xi32, #tpu.memory_space<vmem>> -> memref<1x128xi32, #tpu.memory_space<vmem>>
    %dma_wait3A_117 = tpu.memref_squeeze %dma_wait3A_116 : memref<1x128xi32, #tpu.memory_space<vmem>> -> memref<128xi32, #tpu.memory_space<vmem>>
    %dma_wait3A_118 = arith.constant 0 : i32
    %dma_wait3A_119 = arith.constant 0 : i32
    %dma_wait3A_120 = tpu.memref_slice %arg2[%dma_wait3A_118, %dma_wait3A_119] : memref<50176x64xf32, #tpu.memory_space<hbm>> -> memref<50176x64xf32, #tpu.memory_space<hbm>>
    tpu.wait_indirect_dma semaphore(%arg21 : memref<!tpu.dma_semaphore, #tpu.memory_space<semaphore_mem>>) src(%dma_wait3A_120 : memref<50176x64xf32, #tpu.memory_space<hbm>>) dst(%arg14 : memref<128x64xf32, #tpu.memory_space<vmem>>)
    %dma_wait3A_121 = arith.constant 0 : i32
    %dma_wait3A_122 = arith.constant 0 : i32
    %dma_wait3A_123 = tpu.memref_slice %arg12[%dma_wait3A_121, %dma_wait3A_122] : memref<2x128xi32, #tpu.memory_space<vmem>> -> memref<1x128xi32, #tpu.memory_space<vmem>>
    %dma_wait3A_124 = tpu.memref_squeeze %dma_wait3A_123 : memref<1x128xi32, #tpu.memory_space<vmem>> -> memref<128xi32, #tpu.memory_space<vmem>>
    %dma_wait3A_125 = arith.constant 0 : i32
    %dma_wait3A_126 = arith.constant 0 : i32
    %dma_wait3A_127 = tpu.memref_slice %arg2[%dma_wait3A_125, %dma_wait3A_126] : memref<50176x64xf32, #tpu.memory_space<hbm>> -> memref<50176x64xf32, #tpu.memory_space<hbm>>
    tpu.wait_indirect_dma semaphore(%arg22 : memref<!tpu.dma_semaphore, #tpu.memory_space<semaphore_mem>>) src(%dma_wait3A_127 : memref<50176x64xf32, #tpu.memory_space<hbm>>) dst(%arg15 : memref<128x64xf32, #tpu.memory_space<vmem>>)
    %dma_wait3A_128 = arith.constant 0 : i32
    %dma_wait3A_129 = tpu.memref_slice %arg3[%mul3A_4, %dma_wait3A_128] : memref<12672x128xi32, #tpu.memory_space<hbm>> -> memref<2x128xi32, #tpu.memory_space<hbm>>
    %dma_wait3A_130 = arith.constant 0 : i32
    %dma_wait3A_131 = tpu.memref_slice %arg3[%mul3A_4, %dma_wait3A_130] : memref<12672x128xi32, #tpu.memory_space<hbm>> -> memref<2x128xi32, #tpu.memory_space<hbm>>
    tpu.wait_dma2 semaphore(%arg20 : memref<!tpu.dma_semaphore, #tpu.memory_space<semaphore_mem>>) src(%dma_wait3A_131 : memref<2x128xi32, #tpu.memory_space<hbm>>) dst(%arg13 : memref<2x128xi32, #tpu.memory_space<vmem>>)
    %barrier3A_132 = arith.constant 0 : index
    tpu.barrier barrier_id(%barrier3A_132)
    %mul3A_133 = arith.constant 25088 : i32
    %mul3A_134 = arith.muli %arg0, %mul3A_133 : i32
    %mul3A_135 = arith.constant 1568 : i32
    %mul3A_136 = arith.muli %arg1, %mul3A_135 : i32
    %add3A_137 = arith.addi %mul3A_134, %mul3A_136 : i32
    %sub3A = arith.constant 1 : i32
    %sub3A_138 = arith.subi %sub3A, %arg0 : i32
    %mul3A_139 = arith.constant 25088 : i32
    %mul3A_140 = arith.muli %sub3A_138, %mul3A_139 : i32
    %mul3A_141 = arith.constant 1568 : i32
    %mul3A_142 = arith.muli %arg1, %mul3A_141 : i32
    %add3A_143 = arith.addi %mul3A_140, %mul3A_142 : i32
    "tpu.region"() ({
      %run_scoped3A = tpu.sem_alloc : memref<!tpu.dma_semaphore, #tpu.memory_space<semaphore_mem>>
      %dma_start3A_170 = tpu.memref_slice %arg6[%add3A_137] : memref<50176xf32, #tpu.memory_space<hbm>> -> memref<1568xf32, #tpu.memory_space<hbm>>
      %dma_start3A_171 = tpu.memref_slice %arg6[%add3A_137] : memref<50176xf32, #tpu.memory_space<hbm>> -> memref<1568xf32, #tpu.memory_space<hbm>>
      tpu.enqueue_dma source(%dma_start3A_171 : memref<1568xf32, #tpu.memory_space<hbm>>) target(%arg17 : memref<1568xf32, #tpu.memory_space<vmem>>) target_semaphore(%run_scoped3A : memref<!tpu.dma_semaphore, #tpu.memory_space<semaphore_mem>>)
      %dma_wait3A_172 = tpu.memref_slice %arg6[%add3A_137] : memref<50176xf32, #tpu.memory_space<hbm>> -> memref<1568xf32, #tpu.memory_space<hbm>>
      %dma_wait3A_173 = tpu.memref_slice %arg6[%add3A_137] : memref<50176xf32, #tpu.memory_space<hbm>> -> memref<1568xf32, #tpu.memory_space<hbm>>
      tpu.wait_dma2 semaphore(%run_scoped3A : memref<!tpu.dma_semaphore, #tpu.memory_space<semaphore_mem>>) src(%dma_wait3A_173 : memref<1568xf32, #tpu.memory_space<hbm>>) dst(%arg17 : memref<1568xf32, #tpu.memory_space<vmem>>)
      tpu.yield
    }) : () -> ()
    %scan3A_144 = arith.constant 0 : i32
    %scan3A_145 = arith.constant 0 : i32
    %scan3A_146 = arith.constant 14 : i32
    %scan3A_147 = arith.addi %scan3A_145, %scan3A_146 : i32
    %scan3A_148 = arith.constant 1 : i32
    scf.for %scan3A_170 = %scan3A_145 to %scan3A_147 step %scan3A_148  : i32 {
      %mul3A_171 = arith.constant 112 : i32
      %mul3A_172 = arith.muli %scan3A_170, %mul3A_171 : i32
      %gt3A = arith.constant 0 : i32
      %gt3A_173 = arith.cmpi sgt, %scan3A_170, %gt3A : i32
      %convert_element_type3A = arith.extui %gt3A_173 : i1 to i32
      %cond3A = arith.constant 0 : i32
      %cond3A_174 = arith.cmpi ne, %convert_element_type3A, %cond3A : i32
      scf.if %cond3A_174 {
        %dma_wait3A_207 = arith.constant 0 : i32
        %dma_wait3A_208 = arith.constant 0 : i32
        %dma_wait3A_209 = tpu.memref_slice %arg15[%dma_wait3A_207, %dma_wait3A_208] : memref<128x64xf32, #tpu.memory_space<vmem>> -> memref<112x64xf32, #tpu.memory_space<vmem>>
        %dma_wait3A_210 = arith.constant 0 : i32
        %dma_wait3A_211 = tpu.memref_slice %arg8[%add3A_137, %dma_wait3A_210] : memref<50176x64xf32, #tpu.memory_space<hbm>> -> memref<112x64xf32, #tpu.memory_space<hbm>>
        %dma_wait3A_212 = arith.constant 0 : i32
        %dma_wait3A_213 = tpu.memref_slice %arg8[%add3A_137, %dma_wait3A_212] : memref<50176x64xf32, #tpu.memory_space<hbm>> -> memref<112x64xf32, #tpu.memory_space<hbm>>
        %dma_wait3A_214 = arith.constant 0 : i32
        %dma_wait3A_215 = arith.constant 0 : i32
        %dma_wait3A_216 = tpu.memref_slice %arg15[%dma_wait3A_214, %dma_wait3A_215] : memref<128x64xf32, #tpu.memory_space<vmem>> -> memref<112x64xf32, #tpu.memory_space<vmem>>
        tpu.wait_dma2 semaphore(%arg21 : memref<!tpu.dma_semaphore, #tpu.memory_space<semaphore_mem>>) src(%dma_wait3A_216 : memref<112x64xf32, #tpu.memory_space<vmem>>) dst(%dma_wait3A_213 : memref<112x64xf32, #tpu.memory_space<hbm>>)
        %dma_wait3A_217 = arith.constant 0 : i32
        %dma_wait3A_218 = arith.constant 0 : i32
        %dma_wait3A_219 = tpu.memref_slice %arg15[%dma_wait3A_217, %dma_wait3A_218] : memref<128x64xf32, #tpu.memory_space<vmem>> -> memref<112x64xf32, #tpu.memory_space<vmem>>
        %dma_wait3A_220 = arith.constant 0 : i32
        %dma_wait3A_221 = tpu.memref_slice %arg8[%add3A_137, %dma_wait3A_220] : memref<50176x64xf32, #tpu.memory_space<hbm>> -> memref<112x64xf32, #tpu.memory_space<hbm>>
        %dma_wait3A_222 = arith.constant 0 : i32
        %dma_wait3A_223 = tpu.memref_slice %arg8[%add3A_137, %dma_wait3A_222] : memref<50176x64xf32, #tpu.memory_space<hbm>> -> memref<112x64xf32, #tpu.memory_space<hbm>>
        %dma_wait3A_224 = arith.constant 0 : i32
        %dma_wait3A_225 = arith.constant 0 : i32
        %dma_wait3A_226 = tpu.memref_slice %arg15[%dma_wait3A_224, %dma_wait3A_225] : memref<128x64xf32, #tpu.memory_space<vmem>> -> memref<112x64xf32, #tpu.memory_space<vmem>>
        tpu.wait_dma2 semaphore(%arg21 : memref<!tpu.dma_semaphore, #tpu.memory_space<semaphore_mem>>) src(%dma_wait3A_226 : memref<112x64xf32, #tpu.memory_space<vmem>>) dst(%dma_wait3A_223 : memref<112x64xf32, #tpu.memory_space<hbm>>)
      } else {
      }
      %mul3A_175 = arith.constant 1568 : i32
      %mul3A_176 = arith.muli %arg1, %mul3A_175 : i32
      %add3A_177 = arith.addi %mul3A_176, %mul3A_172 : i32
      "tpu.region"() ({
        %run_scoped3A = tpu.sem_alloc : memref<!tpu.dma_semaphore, #tpu.memory_space<semaphore_mem>>
        %dma_start3A_207 = arith.constant 0 : i32
        %dma_start3A_208 = arith.constant 0 : i32
        %dma_start3A_209 = tpu.memref_slice %arg14[%dma_start3A_207, %dma_start3A_208] : memref<128x64xf32, #tpu.memory_space<vmem>> -> memref<112x64xf32, #tpu.memory_space<vmem>>
        %dma_start3A_210 = arith.constant 0 : i32
        %dma_start3A_211 = tpu.memref_slice %arg10[%add3A_177, %dma_start3A_210] : memref<25088x64xf32, #tpu.memory_space<vmem_shared>> -> memref<112x64xf32, #tpu.memory_space<vmem_shared>>
        %dma_start3A_212 = arith.constant 0 : i32
        %dma_start3A_213 = arith.constant 0 : i32
        %dma_start3A_214 = tpu.memref_slice %arg14[%dma_start3A_212, %dma_start3A_213] : memref<128x64xf32, #tpu.memory_space<vmem>> -> memref<112x64xf32, #tpu.memory_space<vmem>>
        %dma_start3A_215 = arith.constant 0 : i32
        %dma_start3A_216 = tpu.memref_slice %arg10[%add3A_177, %dma_start3A_215] : memref<25088x64xf32, #tpu.memory_space<vmem_shared>> -> memref<112x64xf32, #tpu.memory_space<vmem_shared>>
        tpu.enqueue_dma source(%dma_start3A_216 : memref<112x64xf32, #tpu.memory_space<vmem_shared>>) target(%dma_start3A_214 : memref<112x64xf32, #tpu.memory_space<vmem>>) target_semaphore(%run_scoped3A : memref<!tpu.dma_semaphore, #tpu.memory_space<semaphore_mem>>)
        %dma_wait3A_217 = arith.constant 0 : i32
        %dma_wait3A_218 = arith.constant 0 : i32
        %dma_wait3A_219 = tpu.memref_slice %arg14[%dma_wait3A_217, %dma_wait3A_218] : memref<128x64xf32, #tpu.memory_space<vmem>> -> memref<112x64xf32, #tpu.memory_space<vmem>>
        %dma_wait3A_220 = arith.constant 0 : i32
        %dma_wait3A_221 = tpu.memref_slice %arg10[%add3A_177, %dma_wait3A_220] : memref<25088x64xf32, #tpu.memory_space<vmem_shared>> -> memref<112x64xf32, #tpu.memory_space<vmem_shared>>
        %dma_wait3A_222 = arith.constant 0 : i32
        %dma_wait3A_223 = arith.constant 0 : i32
        %dma_wait3A_224 = tpu.memref_slice %arg14[%dma_wait3A_222, %dma_wait3A_223] : memref<128x64xf32, #tpu.memory_space<vmem>> -> memref<112x64xf32, #tpu.memory_space<vmem>>
        %dma_wait3A_225 = arith.constant 0 : i32
        %dma_wait3A_226 = tpu.memref_slice %arg10[%add3A_177, %dma_wait3A_225] : memref<25088x64xf32, #tpu.memory_space<vmem_shared>> -> memref<112x64xf32, #tpu.memory_space<vmem_shared>>
        tpu.wait_dma2 semaphore(%run_scoped3A : memref<!tpu.dma_semaphore, #tpu.memory_space<semaphore_mem>>) src(%dma_wait3A_226 : memref<112x64xf32, #tpu.memory_space<vmem_shared>>) dst(%dma_wait3A_224 : memref<112x64xf32, #tpu.memory_space<vmem>>)
        tpu.yield
      }) : () -> ()
      %add3A_178 = arith.addi %add3A_137, %mul3A_172 : i32
      "tpu.region"() ({
        %run_scoped3A = tpu.sem_alloc : memref<!tpu.dma_semaphore, #tpu.memory_space<semaphore_mem>>
        %dma_start3A_207 = arith.constant 0 : i32
        %dma_start3A_208 = arith.constant 0 : i32
        %dma_start3A_209 = tpu.memref_slice %arg15[%dma_start3A_207, %dma_start3A_208] : memref<128x64xf32, #tpu.memory_space<vmem>> -> memref<112x64xf32, #tpu.memory_space<vmem>>
        %dma_start3A_210 = arith.constant 0 : i32
        %dma_start3A_211 = tpu.memref_slice %arg7[%add3A_178, %dma_start3A_210] : memref<50176x64xf32, #tpu.memory_space<hbm>> -> memref<112x64xf32, #tpu.memory_space<hbm>>
        %dma_start3A_212 = arith.constant 0 : i32
        %dma_start3A_213 = arith.constant 0 : i32
        %dma_start3A_214 = tpu.memref_slice %arg15[%dma_start3A_212, %dma_start3A_213] : memref<128x64xf32, #tpu.memory_space<vmem>> -> memref<112x64xf32, #tpu.memory_space<vmem>>
        %dma_start3A_215 = arith.constant 0 : i32
        %dma_start3A_216 = tpu.memref_slice %arg7[%add3A_178, %dma_start3A_215] : memref<50176x64xf32, #tpu.memory_space<hbm>> -> memref<112x64xf32, #tpu.memory_space<hbm>>
        tpu.enqueue_dma source(%dma_start3A_216 : memref<112x64xf32, #tpu.memory_space<hbm>>) target(%dma_start3A_214 : memref<112x64xf32, #tpu.memory_space<vmem>>) target_semaphore(%run_scoped3A : memref<!tpu.dma_semaphore, #tpu.memory_space<semaphore_mem>>)
        %dma_wait3A_217 = arith.constant 0 : i32
        %dma_wait3A_218 = arith.constant 0 : i32
        %dma_wait3A_219 = tpu.memref_slice %arg15[%dma_wait3A_217, %dma_wait3A_218] : memref<128x64xf32, #tpu.memory_space<vmem>> -> memref<112x64xf32, #tpu.memory_space<vmem>>
        %dma_wait3A_220 = arith.constant 0 : i32
        %dma_wait3A_221 = tpu.memref_slice %arg7[%add3A_178, %dma_wait3A_220] : memref<50176x64xf32, #tpu.memory_space<hbm>> -> memref<112x64xf32, #tpu.memory_space<hbm>>
        %dma_wait3A_222 = arith.constant 0 : i32
        %dma_wait3A_223 = arith.constant 0 : i32
        %dma_wait3A_224 = tpu.memref_slice %arg15[%dma_wait3A_222, %dma_wait3A_223] : memref<128x64xf32, #tpu.memory_space<vmem>> -> memref<112x64xf32, #tpu.memory_space<vmem>>
        %dma_wait3A_225 = arith.constant 0 : i32
        %dma_wait3A_226 = tpu.memref_slice %arg7[%add3A_178, %dma_wait3A_225] : memref<50176x64xf32, #tpu.memory_space<hbm>> -> memref<112x64xf32, #tpu.memory_space<hbm>>
        tpu.wait_dma2 semaphore(%run_scoped3A : memref<!tpu.dma_semaphore, #tpu.memory_space<semaphore_mem>>) src(%dma_wait3A_226 : memref<112x64xf32, #tpu.memory_space<hbm>>) dst(%dma_wait3A_224 : memref<112x64xf32, #tpu.memory_space<vmem>>)
        tpu.yield
      }) : () -> ()
      %scan3A_179 = arith.constant 0 : i32
      %scan3A_180 = arith.constant 0 : i32
      %scan3A_181 = arith.constant 112 : i32
      %scan3A_182 = arith.addi %scan3A_180, %scan3A_181 : i32
      %scan3A_183 = arith.constant 1 : i32
      scf.for %scan3A_207 = %scan3A_180 to %scan3A_182 step %scan3A_183  : i32 {
        %add3A_208 = arith.addi %mul3A_172, %scan3A_207 : i32
        %broadcast_in_dim3A = vector.broadcast %add3A_208 : i32 to vector<16xi32>
        %gather3A = tpu.vector_load_idx %arg17[%broadcast_in_dim3A] : memref<1568xf32, #tpu.memory_space<vmem>>[vector<16xi32>], vector<16xf32>,
        %get3A = arith.index_cast %scan3A_207 : i32 to index
        %get3A_209 = arith.constant 0 : index
        %get3A_210 = tpu.vector_load %arg14[%get3A, %get3A_209] {strides = array<i32>} : memref<128x64xf32, #tpu.memory_space<vmem>>, vector<16xf32>,
        %mul3A_211 = arith.mulf %get3A_210, %gather3A : vector<16xf32>
        %max3A = arith.constant 0.000000e+00 : f32
        %max3A_212 = vector.broadcast %max3A : f32 to vector<16xf32>
        %max3A_213 = arith.maximumf %mul3A_211, %max3A_212 : vector<16xf32>
        %get3A_214 = arith.index_cast %scan3A_207 : i32 to index
        %get3A_215 = arith.constant 0 : index
        %get3A_216 = tpu.vector_load %arg15[%get3A_214, %get3A_215] {strides = array<i32>} : memref<128x64xf32, #tpu.memory_space<vmem>>, vector<16xf32>,
        %add3A_217 = arith.addf %get3A_216, %max3A_213 : vector<16xf32>
        %swap3A = arith.index_cast %scan3A_207 : i32 to index
        %swap3A_218 = arith.constant 0 : index
        %swap3A_219 = tpu.vector_load %arg15[%swap3A, %swap3A_218] {strides = array<i32>} : memref<128x64xf32, #tpu.memory_space<vmem>>, vector<16xf32>,
        tpu.vector_store %arg15[%swap3A, %swap3A_218], %add3A_217 {strides = array<i32>} : memref<128x64xf32, #tpu.memory_space<vmem>>, vector<16xf32>,
        %mul3A_220 = arith.mulf %max3A_213, %gather3A : vector<16xf32>
        %swap3A_221 = arith.index_cast %scan3A_207 : i32 to index
        %swap3A_222 = arith.constant 0 : index
        %swap3A_223 = tpu.vector_load %arg14[%swap3A_221, %swap3A_222] {strides = array<i32>} : memref<128x64xf32, #tpu.memory_space<vmem>>, vector<16xf32>,
        tpu.vector_store %arg14[%swap3A_221, %swap3A_222], %mul3A_220 {strides = array<i32>} : memref<128x64xf32, #tpu.memory_space<vmem>>, vector<16xf32>,
        %get3A_224 = arith.index_cast %scan3A_207 : i32 to index
        %get3A_225 = arith.constant 16 : index
        %get3A_226 = tpu.vector_load %arg14[%get3A_224, %get3A_225] {strides = array<i32>} : memref<128x64xf32, #tpu.memory_space<vmem>>, vector<16xf32>,
        %mul3A_227 = arith.mulf %get3A_226, %gather3A : vector<16xf32>
        %max3A_228 = arith.constant 0.000000e+00 : f32
        %max3A_229 = vector.broadcast %max3A_228 : f32 to vector<16xf32>
        %max3A_230 = arith.maximumf %mul3A_227, %max3A_229 : vector<16xf32>
        %get3A_231 = arith.index_cast %scan3A_207 : i32 to index
        %get3A_232 = arith.constant 16 : index
        %get3A_233 = tpu.vector_load %arg15[%get3A_231, %get3A_232] {strides = array<i32>} : memref<128x64xf32, #tpu.memory_space<vmem>>, vector<16xf32>,
        %add3A_234 = arith.addf %get3A_233, %max3A_230 : vector<16xf32>
        %swap3A_235 = arith.index_cast %scan3A_207 : i32 to index
        %swap3A_236 = arith.constant 16 : index
        %swap3A_237 = tpu.vector_load %arg15[%swap3A_235, %swap3A_236] {strides = array<i32>} : memref<128x64xf32, #tpu.memory_space<vmem>>, vector<16xf32>,
        tpu.vector_store %arg15[%swap3A_235, %swap3A_236], %add3A_234 {strides = array<i32>} : memref<128x64xf32, #tpu.memory_space<vmem>>, vector<16xf32>,
        %mul3A_238 = arith.mulf %max3A_230, %gather3A : vector<16xf32>
        %swap3A_239 = arith.index_cast %scan3A_207 : i32 to index
        %swap3A_240 = arith.constant 16 : index
        %swap3A_241 = tpu.vector_load %arg14[%swap3A_239, %swap3A_240] {strides = array<i32>} : memref<128x64xf32, #tpu.memory_space<vmem>>, vector<16xf32>,
        tpu.vector_store %arg14[%swap3A_239, %swap3A_240], %mul3A_238 {strides = array<i32>} : memref<128x64xf32, #tpu.memory_space<vmem>>, vector<16xf32>,
        %get3A_242 = arith.index_cast %scan3A_207 : i32 to index
        %get3A_243 = arith.constant 32 : index
        %get3A_244 = tpu.vector_load %arg14[%get3A_242, %get3A_243] {strides = array<i32>} : memref<128x64xf32, #tpu.memory_space<vmem>>, vector<16xf32>,
        %mul3A_245 = arith.mulf %get3A_244, %gather3A : vector<16xf32>
        %max3A_246 = arith.constant 0.000000e+00 : f32
        %max3A_247 = vector.broadcast %max3A_246 : f32 to vector<16xf32>
        %max3A_248 = arith.maximumf %mul3A_245, %max3A_247 : vector<16xf32>
        %get3A_249 = arith.index_cast %scan3A_207 : i32 to index
        %get3A_250 = arith.constant 32 : index
        %get3A_251 = tpu.vector_load %arg15[%get3A_249, %get3A_250] {strides = array<i32>} : memref<128x64xf32, #tpu.memory_space<vmem>>, vector<16xf32>,
        %add3A_252 = arith.addf %get3A_251, %max3A_248 : vector<16xf32>
        %swap3A_253 = arith.index_cast %scan3A_207 : i32 to index
        %swap3A_254 = arith.constant 32 : index
        %swap3A_255 = tpu.vector_load %arg15[%swap3A_253, %swap3A_254] {strides = array<i32>} : memref<128x64xf32, #tpu.memory_space<vmem>>, vector<16xf32>,
        tpu.vector_store %arg15[%swap3A_253, %swap3A_254], %add3A_252 {strides = array<i32>} : memref<128x64xf32, #tpu.memory_space<vmem>>, vector<16xf32>,
        %mul3A_256 = arith.mulf %max3A_248, %gather3A : vector<16xf32>
        %swap3A_257 = arith.index_cast %scan3A_207 : i32 to index
        %swap3A_258 = arith.constant 32 : index
        %swap3A_259 = tpu.vector_load %arg14[%swap3A_257, %swap3A_258] {strides = array<i32>} : memref<128x64xf32, #tpu.memory_space<vmem>>, vector<16xf32>,
        tpu.vector_store %arg14[%swap3A_257, %swap3A_258], %mul3A_256 {strides = array<i32>} : memref<128x64xf32, #tpu.memory_space<vmem>>, vector<16xf32>,
        %get3A_260 = arith.index_cast %scan3A_207 : i32 to index
        %get3A_261 = arith.constant 48 : index
        %get3A_262 = tpu.vector_load %arg14[%get3A_260, %get3A_261] {strides = array<i32>} : memref<128x64xf32, #tpu.memory_space<vmem>>, vector<16xf32>,
        %mul3A_263 = arith.mulf %get3A_262, %gather3A : vector<16xf32>
        %max3A_264 = arith.constant 0.000000e+00 : f32
        %max3A_265 = vector.broadcast %max3A_264 : f32 to vector<16xf32>
        %max3A_266 = arith.maximumf %mul3A_263, %max3A_265 : vector<16xf32>
        %get3A_267 = arith.index_cast %scan3A_207 : i32 to index
        %get3A_268 = arith.constant 48 : index
        %get3A_269 = tpu.vector_load %arg15[%get3A_267, %get3A_268] {strides = array<i32>} : memref<128x64xf32, #tpu.memory_space<vmem>>, vector<16xf32>,
        %add3A_270 = arith.addf %get3A_269, %max3A_266 : vector<16xf32>
        %swap3A_271 = arith.index_cast %scan3A_207 : i32 to index
        %swap3A_272 = arith.constant 48 : index
        %swap3A_273 = tpu.vector_load %arg15[%swap3A_271, %swap3A_272] {strides = array<i32>} : memref<128x64xf32, #tpu.memory_space<vmem>>, vector<16xf32>,
        tpu.vector_store %arg15[%swap3A_271, %swap3A_272], %add3A_270 {strides = array<i32>} : memref<128x64xf32, #tpu.memory_space<vmem>>, vector<16xf32>,
        %mul3A_274 = arith.mulf %max3A_266, %gather3A : vector<16xf32>
        %swap3A_275 = arith.index_cast %scan3A_207 : i32 to index
        %swap3A_276 = arith.constant 48 : index
        %swap3A_277 = tpu.vector_load %arg14[%swap3A_275, %swap3A_276] {strides = array<i32>} : memref<128x64xf32, #tpu.memory_space<vmem>>, vector<16xf32>,
        tpu.vector_store %arg14[%swap3A_275, %swap3A_276], %mul3A_274 {strides = array<i32>} : memref<128x64xf32, #tpu.memory_space<vmem>>, vector<16xf32>,
      }
      %scan3A_184 = arith.constant 112 : i32
      %add3A_185 = arith.addi %add3A_137, %mul3A_172 : i32
      %dma_start3A_186 = arith.constant 0 : i32
      %dma_start3A_187 = arith.constant 0 : i32
      %dma_start3A_188 = tpu.memref_slice %arg15[%dma_start3A_186, %dma_start3A_187] : memref<128x64xf32, #tpu.memory_space<vmem>> -> memref<112x64xf32, #tpu.memory_space<vmem>>
      %dma_start3A_189 = arith.constant 0 : i32
      %dma_start3A_190 = tpu.memref_slice %arg8[%add3A_185, %dma_start3A_189] : memref<50176x64xf32, #tpu.memory_space<hbm>> -> memref<112x64xf32, #tpu.memory_space<hbm>>
      %dma_start3A_191 = arith.constant 0 : i32
      %dma_start3A_192 = tpu.memref_slice %arg8[%add3A_185, %dma_start3A_191] : memref<50176x64xf32, #tpu.memory_space<hbm>> -> memref<112x64xf32, #tpu.memory_space<hbm>>
      %dma_start3A_193 = arith.constant 0 : i32
      %dma_start3A_194 = arith.constant 0 : i32
      %dma_start3A_195 = tpu.memref_slice %arg15[%dma_start3A_193, %dma_start3A_194] : memref<128x64xf32, #tpu.memory_space<vmem>> -> memref<112x64xf32, #tpu.memory_space<vmem>>
      tpu.enqueue_dma source(%dma_start3A_195 : memref<112x64xf32, #tpu.memory_space<vmem>>) target(%dma_start3A_192 : memref<112x64xf32, #tpu.memory_space<hbm>>) target_semaphore(%arg21 : memref<!tpu.dma_semaphore, #tpu.memory_space<semaphore_mem>>)
      %add3A_196 = arith.addi %add3A_143, %mul3A_172 : i32
      %dma_start3A_197 = arith.constant 0 : i32
      %dma_start3A_198 = arith.constant 0 : i32
      %dma_start3A_199 = tpu.memref_slice %arg14[%dma_start3A_197, %dma_start3A_198] : memref<128x64xf32, #tpu.memory_space<vmem>> -> memref<112x64xf32, #tpu.memory_space<vmem>>
      %dma_start3A_200 = arith.constant 0 : i32
      %dma_start3A_201 = tpu.memref_slice %arg9[%add3A_196, %dma_start3A_200] : memref<50176x64xf32, #tpu.memory_space<hbm>> -> memref<112x64xf32, #tpu.memory_space<hbm>>
      %dma_start3A_202 = arith.constant 0 : i32
      %dma_start3A_203 = tpu.memref_slice %arg9[%add3A_196, %dma_start3A_202] : memref<50176x64xf32, #tpu.memory_space<hbm>> -> memref<112x64xf32, #tpu.memory_space<hbm>>
      %dma_start3A_204 = arith.constant 0 : i32
      %dma_start3A_205 = arith.constant 0 : i32
      %dma_start3A_206 = tpu.memref_slice %arg14[%dma_start3A_204, %dma_start3A_205] : memref<128x64xf32, #tpu.memory_space<vmem>> -> memref<112x64xf32, #tpu.memory_space<vmem>>
      tpu.enqueue_dma source(%dma_start3A_206 : memref<112x64xf32, #tpu.memory_space<vmem>>) target(%dma_start3A_203 : memref<112x64xf32, #tpu.memory_space<hbm>>) target_semaphore(%arg21 : memref<!tpu.dma_semaphore, #tpu.memory_space<semaphore_mem>>)
    }
    %scan3A_149 = arith.constant 14 : i32
    %dma_wait3A_150 = arith.constant 0 : i32
    %dma_wait3A_151 = arith.constant 0 : i32
    %dma_wait3A_152 = tpu.memref_slice %arg15[%dma_wait3A_150, %dma_wait3A_151] : memref<128x64xf32, #tpu.memory_space<vmem>> -> memref<112x64xf32, #tpu.memory_space<vmem>>
    %dma_wait3A_153 = arith.constant 0 : i32
    %dma_wait3A_154 = tpu.memref_slice %arg8[%add3A_137, %dma_wait3A_153] : memref<50176x64xf32, #tpu.memory_space<hbm>> -> memref<112x64xf32, #tpu.memory_space<hbm>>
    %dma_wait3A_155 = arith.constant 0 : i32
    %dma_wait3A_156 = tpu.memref_slice %arg8[%add3A_137, %dma_wait3A_155] : memref<50176x64xf32, #tpu.memory_space<hbm>> -> memref<112x64xf32, #tpu.memory_space<hbm>>
    %dma_wait3A_157 = arith.constant 0 : i32
    %dma_wait3A_158 = arith.constant 0 : i32
    %dma_wait3A_159 = tpu.memref_slice %arg15[%dma_wait3A_157, %dma_wait3A_158] : memref<128x64xf32, #tpu.memory_space<vmem>> -> memref<112x64xf32, #tpu.memory_space<vmem>>
    tpu.wait_dma2 semaphore(%arg21 : memref<!tpu.dma_semaphore, #tpu.memory_space<semaphore_mem>>) src(%dma_wait3A_159 : memref<112x64xf32, #tpu.memory_space<vmem>>) dst(%dma_wait3A_156 : memref<112x64xf32, #tpu.memory_space<hbm>>)
    %dma_wait3A_160 = arith.constant 0 : i32
    %dma_wait3A_161 = arith.constant 0 : i32
    %dma_wait3A_162 = tpu.memref_slice %arg15[%dma_wait3A_160, %dma_wait3A_161] : memref<128x64xf32, #tpu.memory_space<vmem>> -> memref<112x64xf32, #tpu.memory_space<vmem>>
    %dma_wait3A_163 = arith.constant 0 : i32
    %dma_wait3A_164 = tpu.memref_slice %arg8[%add3A_137, %dma_wait3A_163] : memref<50176x64xf32, #tpu.memory_space<hbm>> -> memref<112x64xf32, #tpu.memory_space<hbm>>
    %dma_wait3A_165 = arith.constant 0 : i32
    %dma_wait3A_166 = tpu.memref_slice %arg8[%add3A_137, %dma_wait3A_165] : memref<50176x64xf32, #tpu.memory_space<hbm>> -> memref<112x64xf32, #tpu.memory_space<hbm>>
    %dma_wait3A_167 = arith.constant 0 : i32
    %dma_wait3A_168 = arith.constant 0 : i32
    %dma_wait3A_169 = tpu.memref_slice %arg15[%dma_wait3A_167, %dma_wait3A_168] : memref<128x64xf32, #tpu.memory_space<vmem>> -> memref<112x64xf32, #tpu.memory_space<vmem>>
    tpu.wait_dma2 semaphore(%arg21 : memref<!tpu.dma_semaphore, #tpu.memory_space<semaphore_mem>>) src(%dma_wait3A_169 : memref<112x64xf32, #tpu.memory_space<vmem>>) dst(%dma_wait3A_166 : memref<112x64xf32, #tpu.memory_space<hbm>>)
    return
  }
}

#map = affine_map<(d0, d1) -> (0, 0)>
#map1 = affine_map<(d0, d1) -> (0)>
module attributes {stable_mosaic.version = 14 : i64} {
  func.func @body(%arg0: i32, %arg1: i32, %arg2: memref<12672x128xi32, #tpu.memory_space<hbm>>, %arg3: memref<25088x16xf32, #tpu.memory_space<hbm>>, %arg4: memref<128x16xf32, #tpu.memory_space<hbm>>, %arg5: memref<50176x64xf32, #tpu.memory_space<hbm>>, %arg6: memref<50176xf32, #tpu.memory_space<hbm>>, %arg7: memref<50176x64xf32, #tpu.memory_space<hbm>>, %arg8: memref<25088x16xf32, #tpu.memory_space<vmem_shared>>, %arg9: memref<128x16xf32, #tpu.memory_space<vmem>>, %arg10: memref<112x64xf32, #tpu.memory_space<vmem>>, %arg11: memref<112xf32, #tpu.memory_space<vmem>>, %arg12: memref<128xi32, #tpu.memory_space<vmem>>, %arg13: memref<128xi32, #tpu.memory_space<vmem>>, %arg14: memref<128xi32, #tpu.memory_space<vmem>>, %arg15: memref<!tpu.dma_semaphore, #tpu.memory_space<semaphore_mem>>, %arg16: memref<!tpu.dma_semaphore, #tpu.memory_space<semaphore_mem>>, %arg17: memref<!tpu.dma_semaphore, #tpu.memory_space<semaphore_mem>>) attributes {dimension_semantics = [#tpu.dimension_semantics<core_parallel>, #tpu.dimension_semantics<subcore_parallel>], iteration_bounds = array<i64: 2, 16>, scalar_prefetch = 0 : i64, scratch_operands = 10 : i64, tpu.core_type = #tpu.core_type<sc_vector_subcore>, window_params = [{transform_indices = #map}, {transform_indices = #map}, {transform_indices = #map}, {transform_indices = #map}, {transform_indices = #map1}, {transform_indices = #map}]} {
    %mul3A = arith.constant 1568 : i32
    %mul3A_0 = arith.muli %arg1, %mul3A : i32
    "tpu.region"() ({
      %run_scoped3A = tpu.sem_alloc : memref<!tpu.dma_semaphore, #tpu.memory_space<semaphore_mem>>
      %dma_start3A_75 = arith.constant 0 : i32
      %dma_start3A_76 = tpu.memref_slice %arg8[%mul3A_0, %dma_start3A_75] : memref<25088x16xf32, #tpu.memory_space<vmem_shared>> -> memref<1568x16xf32, #tpu.memory_space<vmem_shared>>
      %dma_start3A_77 = arith.constant 0 : i32
      %dma_start3A_78 = tpu.memref_slice %arg3[%mul3A_0, %dma_start3A_77] : memref<25088x16xf32, #tpu.memory_space<hbm>> -> memref<1568x16xf32, #tpu.memory_space<hbm>>
      tpu.enqueue_dma source(%dma_start3A_78 : memref<1568x16xf32, #tpu.memory_space<hbm>>) target(%dma_start3A_76 : memref<1568x16xf32, #tpu.memory_space<vmem_shared>>) target_semaphore(%run_scoped3A : memref<!tpu.dma_semaphore, #tpu.memory_space<semaphore_mem>>)
      %dma_wait3A_79 = arith.constant 0 : i32
      %dma_wait3A_80 = tpu.memref_slice %arg8[%mul3A_0, %dma_wait3A_79] : memref<25088x16xf32, #tpu.memory_space<vmem_shared>> -> memref<1568x16xf32, #tpu.memory_space<vmem_shared>>
      %dma_wait3A_81 = arith.constant 0 : i32
      %dma_wait3A_82 = tpu.memref_slice %arg3[%mul3A_0, %dma_wait3A_81] : memref<25088x16xf32, #tpu.memory_space<hbm>> -> memref<1568x16xf32, #tpu.memory_space<hbm>>
      tpu.wait_dma2 semaphore(%run_scoped3A : memref<!tpu.dma_semaphore, #tpu.memory_space<semaphore_mem>>) src(%dma_wait3A_82 : memref<1568x16xf32, #tpu.memory_space<hbm>>) dst(%dma_wait3A_80 : memref<1568x16xf32, #tpu.memory_space<vmem_shared>>)
      tpu.yield
    }) : () -> ()
    "tpu.region"() ({
      %run_scoped3A = tpu.sem_alloc : memref<!tpu.dma_semaphore, #tpu.memory_space<semaphore_mem>>
      tpu.enqueue_dma source(%arg4 : memref<128x16xf32, #tpu.memory_space<hbm>>) target(%arg9 : memref<128x16xf32, #tpu.memory_space<vmem>>) target_semaphore(%run_scoped3A : memref<!tpu.dma_semaphore, #tpu.memory_space<semaphore_mem>>)
      tpu.wait_dma2 semaphore(%run_scoped3A : memref<!tpu.dma_semaphore, #tpu.memory_space<semaphore_mem>>) src(%arg4 : memref<128x16xf32, #tpu.memory_space<hbm>>) dst(%arg9 : memref<128x16xf32, #tpu.memory_space<vmem>>)
      tpu.yield
    }) : () -> ()
    %barrier3A = arith.constant 0 : index
    tpu.barrier barrier_id(%barrier3A)
    %mul3A_1 = arith.constant 16 : i32
    %mul3A_2 = arith.muli %arg0, %mul3A_1 : i32
    %add3A = arith.addi %mul3A_2, %arg1 : i32
    %mul3A_3 = arith.constant 396 : i32
    %mul3A_4 = arith.muli %add3A, %mul3A_3 : i32
    %add3A_5 = arith.constant 0 : i32
    %add3A_6 = arith.addi %mul3A_4, %add3A_5 : i32
    %dma_start3A = arith.constant 0 : i32
    %dma_start3A_7 = tpu.memref_slice %arg2[%add3A_6, %dma_start3A] : memref<12672x128xi32, #tpu.memory_space<hbm>> -> memref<1x128xi32, #tpu.memory_space<hbm>>
    %dma_start3A_8 = tpu.memref_squeeze %dma_start3A_7 : memref<1x128xi32, #tpu.memory_space<hbm>> -> memref<128xi32, #tpu.memory_space<hbm>>
    %dma_start3A_9 = arith.constant 0 : i32
    %dma_start3A_10 = tpu.memref_slice %arg2[%add3A_6, %dma_start3A_9] : memref<12672x128xi32, #tpu.memory_space<hbm>> -> memref<1x128xi32, #tpu.memory_space<hbm>>
    %dma_start3A_11 = tpu.memref_squeeze %dma_start3A_10 : memref<1x128xi32, #tpu.memory_space<hbm>> -> memref<128xi32, #tpu.memory_space<hbm>>
    tpu.enqueue_dma source(%dma_start3A_11 : memref<128xi32, #tpu.memory_space<hbm>>) target(%arg12 : memref<128xi32, #tpu.memory_space<vmem>>) target_semaphore(%arg15 : memref<!tpu.dma_semaphore, #tpu.memory_space<semaphore_mem>>)
    %add3A_12 = arith.constant 1 : i32
    %add3A_13 = arith.addi %mul3A_4, %add3A_12 : i32
    %dma_start3A_14 = arith.constant 0 : i32
    %dma_start3A_15 = tpu.memref_slice %arg2[%add3A_13, %dma_start3A_14] : memref<12672x128xi32, #tpu.memory_space<hbm>> -> memref<1x128xi32, #tpu.memory_space<hbm>>
    %dma_start3A_16 = tpu.memref_squeeze %dma_start3A_15 : memref<1x128xi32, #tpu.memory_space<hbm>> -> memref<128xi32, #tpu.memory_space<hbm>>
    %dma_start3A_17 = arith.constant 0 : i32
    %dma_start3A_18 = tpu.memref_slice %arg2[%add3A_13, %dma_start3A_17] : memref<12672x128xi32, #tpu.memory_space<hbm>> -> memref<1x128xi32, #tpu.memory_space<hbm>>
    %dma_start3A_19 = tpu.memref_squeeze %dma_start3A_18 : memref<1x128xi32, #tpu.memory_space<hbm>> -> memref<128xi32, #tpu.memory_space<hbm>>
    tpu.enqueue_dma source(%dma_start3A_19 : memref<128xi32, #tpu.memory_space<hbm>>) target(%arg13 : memref<128xi32, #tpu.memory_space<vmem>>) target_semaphore(%arg16 : memref<!tpu.dma_semaphore, #tpu.memory_space<semaphore_mem>>)
    %add3A_20 = arith.constant 2 : i32
    %add3A_21 = arith.addi %mul3A_4, %add3A_20 : i32
    %dma_start3A_22 = arith.constant 0 : i32
    %dma_start3A_23 = tpu.memref_slice %arg2[%add3A_21, %dma_start3A_22] : memref<12672x128xi32, #tpu.memory_space<hbm>> -> memref<1x128xi32, #tpu.memory_space<hbm>>
    %dma_start3A_24 = tpu.memref_squeeze %dma_start3A_23 : memref<1x128xi32, #tpu.memory_space<hbm>> -> memref<128xi32, #tpu.memory_space<hbm>>
    %dma_start3A_25 = arith.constant 0 : i32
    %dma_start3A_26 = tpu.memref_slice %arg2[%add3A_21, %dma_start3A_25] : memref<12672x128xi32, #tpu.memory_space<hbm>> -> memref<1x128xi32, #tpu.memory_space<hbm>>
    %dma_start3A_27 = tpu.memref_squeeze %dma_start3A_26 : memref<1x128xi32, #tpu.memory_space<hbm>> -> memref<128xi32, #tpu.memory_space<hbm>>
    tpu.enqueue_dma source(%dma_start3A_27 : memref<128xi32, #tpu.memory_space<hbm>>) target(%arg14 : memref<128xi32, #tpu.memory_space<vmem>>) target_semaphore(%arg17 : memref<!tpu.dma_semaphore, #tpu.memory_space<semaphore_mem>>)
    %scan3A = arith.constant 0 : i32
    %scan3A_28 = arith.constant 0 : i32
    %scan3A_29 = arith.constant 131 : i32
    %scan3A_30 = arith.addi %scan3A_28, %scan3A_29 : i32
    %scan3A_31 = arith.constant 1 : i32
    scf.for %scan3A_75 = %scan3A_28 to %scan3A_30 step %scan3A_31  : i32 {
      %mul3A_76 = arith.constant 3 : i32
      %mul3A_77 = arith.muli %mul3A_76, %scan3A_75 : i32
      %add3A_78 = arith.addi %mul3A_4, %mul3A_77 : i32
      %dma_wait3A_79 = arith.constant 0 : i32
      %dma_wait3A_80 = tpu.memref_slice %arg2[%mul3A_4, %dma_wait3A_79] : memref<12672x128xi32, #tpu.memory_space<hbm>> -> memref<1x128xi32, #tpu.memory_space<hbm>>
      %dma_wait3A_81 = tpu.memref_squeeze %dma_wait3A_80 : memref<1x128xi32, #tpu.memory_space<hbm>> -> memref<128xi32, #tpu.memory_space<hbm>>
      %dma_wait3A_82 = arith.constant 0 : i32
      %dma_wait3A_83 = tpu.memref_slice %arg2[%mul3A_4, %dma_wait3A_82] : memref<12672x128xi32, #tpu.memory_space<hbm>> -> memref<1x128xi32, #tpu.memory_space<hbm>>
      %dma_wait3A_84 = tpu.memref_squeeze %dma_wait3A_83 : memref<1x128xi32, #tpu.memory_space<hbm>> -> memref<128xi32, #tpu.memory_space<hbm>>
      tpu.wait_dma2 semaphore(%arg15 : memref<!tpu.dma_semaphore, #tpu.memory_space<semaphore_mem>>) src(%dma_wait3A_84 : memref<128xi32, #tpu.memory_space<hbm>>) dst(%arg12 : memref<128xi32, #tpu.memory_space<vmem>>)
      "tpu.region"() ({
        %run_scoped3A = tpu.sem_alloc : memref<!tpu.dma_semaphore, #tpu.memory_space<semaphore_mem>>
        %dma_start3A_127 = arith.constant 0 : i32
        %dma_start3A_128 = arith.constant 0 : i32
        %dma_start3A_129 = tpu.memref_slice %arg8[%dma_start3A_127, %dma_start3A_128] : memref<25088x16xf32, #tpu.memory_space<vmem_shared>> -> memref<25088x16xf32, #tpu.memory_space<vmem_shared>>
        tpu.enqueue_indirect_dma source(%arg9 : memref<128x16xf32, #tpu.memory_space<vmem>>) target(%dma_start3A_129 : memref<25088x16xf32, #tpu.memory_space<vmem_shared>>) offsets(%arg12 : memref<128xi32, #tpu.memory_space<vmem>>) semaphore(%run_scoped3A : memref<!tpu.dma_semaphore, #tpu.memory_space<semaphore_mem>>) {add = true}
        %dma_wait3A_130 = arith.constant 0 : i32
        %dma_wait3A_131 = arith.constant 0 : i32
        %dma_wait3A_132 = tpu.memref_slice %arg8[%dma_wait3A_130, %dma_wait3A_131] : memref<25088x16xf32, #tpu.memory_space<vmem_shared>> -> memref<25088x16xf32, #tpu.memory_space<vmem_shared>>
        tpu.wait_indirect_dma semaphore(%run_scoped3A : memref<!tpu.dma_semaphore, #tpu.memory_space<semaphore_mem>>) src(%arg9 : memref<128x16xf32, #tpu.memory_space<vmem>>) dst(%dma_wait3A_132 : memref<25088x16xf32, #tpu.memory_space<vmem_shared>>)
        tpu.yield
      }) : () -> ()
      %add3A_85 = arith.constant 0 : i32
      %add3A_86 = arith.addi %add3A_78, %add3A_85 : i32
      %add3A_87 = arith.constant 3 : i32
      %add3A_88 = arith.addi %add3A_86, %add3A_87 : i32
      %dma_start3A_89 = arith.constant 0 : i32
      %dma_start3A_90 = tpu.memref_slice %arg2[%add3A_88, %dma_start3A_89] : memref<12672x128xi32, #tpu.memory_space<hbm>> -> memref<1x128xi32, #tpu.memory_space<hbm>>
      %dma_start3A_91 = tpu.memref_squeeze %dma_start3A_90 : memref<1x128xi32, #tpu.memory_space<hbm>> -> memref<128xi32, #tpu.memory_space<hbm>>
      %dma_start3A_92 = arith.constant 0 : i32
      %dma_start3A_93 = tpu.memref_slice %arg2[%add3A_88, %dma_start3A_92] : memref<12672x128xi32, #tpu.memory_space<hbm>> -> memref<1x128xi32, #tpu.memory_space<hbm>>
      %dma_start3A_94 = tpu.memref_squeeze %dma_start3A_93 : memref<1x128xi32, #tpu.memory_space<hbm>> -> memref<128xi32, #tpu.memory_space<hbm>>
      tpu.enqueue_dma source(%dma_start3A_94 : memref<128xi32, #tpu.memory_space<hbm>>) target(%arg12 : memref<128xi32, #tpu.memory_space<vmem>>) target_semaphore(%arg15 : memref<!tpu.dma_semaphore, #tpu.memory_space<semaphore_mem>>)
      %dma_wait3A_95 = arith.constant 0 : i32
      %dma_wait3A_96 = tpu.memref_slice %arg2[%mul3A_4, %dma_wait3A_95] : memref<12672x128xi32, #tpu.memory_space<hbm>> -> memref<1x128xi32, #tpu.memory_space<hbm>>
      %dma_wait3A_97 = tpu.memref_squeeze %dma_wait3A_96 : memref<1x128xi32, #tpu.memory_space<hbm>> -> memref<128xi32, #tpu.memory_space<hbm>>
      %dma_wait3A_98 = arith.constant 0 : i32
      %dma_wait3A_99 = tpu.memref_slice %arg2[%mul3A_4, %dma_wait3A_98] : memref<12672x128xi32, #tpu.memory_space<hbm>> -> memref<1x128xi32, #tpu.memory_space<hbm>>
      %dma_wait3A_100 = tpu.memref_squeeze %dma_wait3A_99 : memref<1x128xi32, #tpu.memory_space<hbm>> -> memref<128xi32, #tpu.memory_space<hbm>>
      tpu.wait_dma2 semaphore(%arg16 : memref<!tpu.dma_semaphore, #tpu.memory_space<semaphore_mem>>) src(%dma_wait3A_100 : memref<128xi32, #tpu.memory_space<hbm>>) dst(%arg13 : memref<128xi32, #tpu.memory_space<vmem>>)
      "tpu.region"() ({
        %run_scoped3A = tpu.sem_alloc : memref<!tpu.dma_semaphore, #tpu.memory_space<semaphore_mem>>
        %dma_start3A_127 = arith.constant 0 : i32
        %dma_start3A_128 = arith.constant 0 : i32
        %dma_start3A_129 = tpu.memref_slice %arg8[%dma_start3A_127, %dma_start3A_128] : memref<25088x16xf32, #tpu.memory_space<vmem_shared>> -> memref<25088x16xf32, #tpu.memory_space<vmem_shared>>
        tpu.enqueue_indirect_dma source(%arg9 : memref<128x16xf32, #tpu.memory_space<vmem>>) target(%dma_start3A_129 : memref<25088x16xf32, #tpu.memory_space<vmem_shared>>) offsets(%arg13 : memref<128xi32, #tpu.memory_space<vmem>>) semaphore(%run_scoped3A : memref<!tpu.dma_semaphore, #tpu.memory_space<semaphore_mem>>) {add = true}
        %dma_wait3A_130 = arith.constant 0 : i32
        %dma_wait3A_131 = arith.constant 0 : i32
        %dma_wait3A_132 = tpu.memref_slice %arg8[%dma_wait3A_130, %dma_wait3A_131] : memref<25088x16xf32, #tpu.memory_space<vmem_shared>> -> memref<25088x16xf32, #tpu.memory_space<vmem_shared>>
        tpu.wait_indirect_dma semaphore(%run_scoped3A : memref<!tpu.dma_semaphore, #tpu.memory_space<semaphore_mem>>) src(%arg9 : memref<128x16xf32, #tpu.memory_space<vmem>>) dst(%dma_wait3A_132 : memref<25088x16xf32, #tpu.memory_space<vmem_shared>>)
        tpu.yield
      }) : () -> ()
      %add3A_101 = arith.constant 1 : i32
      %add3A_102 = arith.addi %add3A_78, %add3A_101 : i32
      %add3A_103 = arith.constant 3 : i32
      %add3A_104 = arith.addi %add3A_102, %add3A_103 : i32
      %dma_start3A_105 = arith.constant 0 : i32
      %dma_start3A_106 = tpu.memref_slice %arg2[%add3A_104, %dma_start3A_105] : memref<12672x128xi32, #tpu.memory_space<hbm>> -> memref<1x128xi32, #tpu.memory_space<hbm>>
      %dma_start3A_107 = tpu.memref_squeeze %dma_start3A_106 : memref<1x128xi32, #tpu.memory_space<hbm>> -> memref<128xi32, #tpu.memory_space<hbm>>
      %dma_start3A_108 = arith.constant 0 : i32
      %dma_start3A_109 = tpu.memref_slice %arg2[%add3A_104, %dma_start3A_108] : memref<12672x128xi32, #tpu.memory_space<hbm>> -> memref<1x128xi32, #tpu.memory_space<hbm>>
      %dma_start3A_110 = tpu.memref_squeeze %dma_start3A_109 : memref<1x128xi32, #tpu.memory_space<hbm>> -> memref<128xi32, #tpu.memory_space<hbm>>
      tpu.enqueue_dma source(%dma_start3A_110 : memref<128xi32, #tpu.memory_space<hbm>>) target(%arg13 : memref<128xi32, #tpu.memory_space<vmem>>) target_semaphore(%arg16 : memref<!tpu.dma_semaphore, #tpu.memory_space<semaphore_mem>>)
      %dma_wait3A_111 = arith.constant 0 : i32
      %dma_wait3A_112 = tpu.memref_slice %arg2[%mul3A_4, %dma_wait3A_111] : memref<12672x128xi32, #tpu.memory_space<hbm>> -> memref<1x128xi32, #tpu.memory_space<hbm>>
      %dma_wait3A_113 = tpu.memref_squeeze %dma_wait3A_112 : memref<1x128xi32, #tpu.memory_space<hbm>> -> memref<128xi32, #tpu.memory_space<hbm>>
      %dma_wait3A_114 = arith.constant 0 : i32
      %dma_wait3A_115 = tpu.memref_slice %arg2[%mul3A_4, %dma_wait3A_114] : memref<12672x128xi32, #tpu.memory_space<hbm>> -> memref<1x128xi32, #tpu.memory_space<hbm>>
      %dma_wait3A_116 = tpu.memref_squeeze %dma_wait3A_115 : memref<1x128xi32, #tpu.memory_space<hbm>> -> memref<128xi32, #tpu.memory_space<hbm>>
      tpu.wait_dma2 semaphore(%arg17 : memref<!tpu.dma_semaphore, #tpu.memory_space<semaphore_mem>>) src(%dma_wait3A_116 : memref<128xi32, #tpu.memory_space<hbm>>) dst(%arg14 : memref<128xi32, #tpu.memory_space<vmem>>)
      "tpu.region"() ({
        %run_scoped3A = tpu.sem_alloc : memref<!tpu.dma_semaphore, #tpu.memory_space<semaphore_mem>>
        %dma_start3A_127 = arith.constant 0 : i32
        %dma_start3A_128 = arith.constant 0 : i32
        %dma_start3A_129 = tpu.memref_slice %arg8[%dma_start3A_127, %dma_start3A_128] : memref<25088x16xf32, #tpu.memory_space<vmem_shared>> -> memref<25088x16xf32, #tpu.memory_space<vmem_shared>>
        tpu.enqueue_indirect_dma source(%arg9 : memref<128x16xf32, #tpu.memory_space<vmem>>) target(%dma_start3A_129 : memref<25088x16xf32, #tpu.memory_space<vmem_shared>>) offsets(%arg14 : memref<128xi32, #tpu.memory_space<vmem>>) semaphore(%run_scoped3A : memref<!tpu.dma_semaphore, #tpu.memory_space<semaphore_mem>>) {add = true}
        %dma_wait3A_130 = arith.constant 0 : i32
        %dma_wait3A_131 = arith.constant 0 : i32
        %dma_wait3A_132 = tpu.memref_slice %arg8[%dma_wait3A_130, %dma_wait3A_131] : memref<25088x16xf32, #tpu.memory_space<vmem_shared>> -> memref<25088x16xf32, #tpu.memory_space<vmem_shared>>
        tpu.wait_indirect_dma semaphore(%run_scoped3A : memref<!tpu.dma_semaphore, #tpu.memory_space<semaphore_mem>>) src(%arg9 : memref<128x16xf32, #tpu.memory_space<vmem>>) dst(%dma_wait3A_132 : memref<25088x16xf32, #tpu.memory_space<vmem_shared>>)
        tpu.yield
      }) : () -> ()
      %add3A_117 = arith.constant 2 : i32
      %add3A_118 = arith.addi %add3A_78, %add3A_117 : i32
      %add3A_119 = arith.constant 3 : i32
      %add3A_120 = arith.addi %add3A_118, %add3A_119 : i32
      %dma_start3A_121 = arith.constant 0 : i32
      %dma_start3A_122 = tpu.memref_slice %arg2[%add3A_120, %dma_start3A_121] : memref<12672x128xi32, #tpu.memory_space<hbm>> -> memref<1x128xi32, #tpu.memory_space<hbm>>
      %dma_start3A_123 = tpu.memref_squeeze %dma_start3A_122 : memref<1x128xi32, #tpu.memory_space<hbm>> -> memref<128xi32, #tpu.memory_space<hbm>>
      %dma_start3A_124 = arith.constant 0 : i32
      %dma_start3A_125 = tpu.memref_slice %arg2[%add3A_120, %dma_start3A_124] : memref<12672x128xi32, #tpu.memory_space<hbm>> -> memref<1x128xi32, #tpu.memory_space<hbm>>
      %dma_start3A_126 = tpu.memref_squeeze %dma_start3A_125 : memref<1x128xi32, #tpu.memory_space<hbm>> -> memref<128xi32, #tpu.memory_space<hbm>>
      tpu.enqueue_dma source(%dma_start3A_126 : memref<128xi32, #tpu.memory_space<hbm>>) target(%arg14 : memref<128xi32, #tpu.memory_space<vmem>>) target_semaphore(%arg17 : memref<!tpu.dma_semaphore, #tpu.memory_space<semaphore_mem>>)
    }
    %scan3A_32 = arith.constant 131 : i32
    %dma_wait3A = arith.constant 0 : i32
    %dma_wait3A_33 = tpu.memref_slice %arg2[%mul3A_4, %dma_wait3A] : memref<12672x128xi32, #tpu.memory_space<hbm>> -> memref<1x128xi32, #tpu.memory_space<hbm>>
    %dma_wait3A_34 = tpu.memref_squeeze %dma_wait3A_33 : memref<1x128xi32, #tpu.memory_space<hbm>> -> memref<128xi32, #tpu.memory_space<hbm>>
    %dma_wait3A_35 = arith.constant 0 : i32
    %dma_wait3A_36 = tpu.memref_slice %arg2[%mul3A_4, %dma_wait3A_35] : memref<12672x128xi32, #tpu.memory_space<hbm>> -> memref<1x128xi32, #tpu.memory_space<hbm>>
    %dma_wait3A_37 = tpu.memref_squeeze %dma_wait3A_36 : memref<1x128xi32, #tpu.memory_space<hbm>> -> memref<128xi32, #tpu.memory_space<hbm>>
    tpu.wait_dma2 semaphore(%arg15 : memref<!tpu.dma_semaphore, #tpu.memory_space<semaphore_mem>>) src(%dma_wait3A_37 : memref<128xi32, #tpu.memory_space<hbm>>) dst(%arg12 : memref<128xi32, #tpu.memory_space<vmem>>)
    %dma_wait3A_38 = arith.constant 0 : i32
    %dma_wait3A_39 = tpu.memref_slice %arg2[%mul3A_4, %dma_wait3A_38] : memref<12672x128xi32, #tpu.memory_space<hbm>> -> memref<1x128xi32, #tpu.memory_space<hbm>>
    %dma_wait3A_40 = tpu.memref_squeeze %dma_wait3A_39 : memref<1x128xi32, #tpu.memory_space<hbm>> -> memref<128xi32, #tpu.memory_space<hbm>>
    %dma_wait3A_41 = arith.constant 0 : i32
    %dma_wait3A_42 = tpu.memref_slice %arg2[%mul3A_4, %dma_wait3A_41] : memref<12672x128xi32, #tpu.memory_space<hbm>> -> memref<1x128xi32, #tpu.memory_space<hbm>>
    %dma_wait3A_43 = tpu.memref_squeeze %dma_wait3A_42 : memref<1x128xi32, #tpu.memory_space<hbm>> -> memref<128xi32, #tpu.memory_space<hbm>>
    tpu.wait_dma2 semaphore(%arg16 : memref<!tpu.dma_semaphore, #tpu.memory_space<semaphore_mem>>) src(%dma_wait3A_43 : memref<128xi32, #tpu.memory_space<hbm>>) dst(%arg13 : memref<128xi32, #tpu.memory_space<vmem>>)
    %dma_wait3A_44 = arith.constant 0 : i32
    %dma_wait3A_45 = tpu.memref_slice %arg2[%mul3A_4, %dma_wait3A_44] : memref<12672x128xi32, #tpu.memory_space<hbm>> -> memref<1x128xi32, #tpu.memory_space<hbm>>
    %dma_wait3A_46 = tpu.memref_squeeze %dma_wait3A_45 : memref<1x128xi32, #tpu.memory_space<hbm>> -> memref<128xi32, #tpu.memory_space<hbm>>
    %dma_wait3A_47 = arith.constant 0 : i32
    %dma_wait3A_48 = tpu.memref_slice %arg2[%mul3A_4, %dma_wait3A_47] : memref<12672x128xi32, #tpu.memory_space<hbm>> -> memref<1x128xi32, #tpu.memory_space<hbm>>
    %dma_wait3A_49 = tpu.memref_squeeze %dma_wait3A_48 : memref<1x128xi32, #tpu.memory_space<hbm>> -> memref<128xi32, #tpu.memory_space<hbm>>
    tpu.wait_dma2 semaphore(%arg17 : memref<!tpu.dma_semaphore, #tpu.memory_space<semaphore_mem>>) src(%dma_wait3A_49 : memref<128xi32, #tpu.memory_space<hbm>>) dst(%arg14 : memref<128xi32, #tpu.memory_space<vmem>>)
    %barrier3A_50 = arith.constant 0 : index
    tpu.barrier barrier_id(%barrier3A_50)
    %mul3A_51 = arith.constant 25088 : i32
    %mul3A_52 = arith.muli %arg0, %mul3A_51 : i32
    %mul3A_53 = arith.constant 1568 : i32
    %mul3A_54 = arith.muli %arg1, %mul3A_53 : i32
    %add3A_55 = arith.addi %mul3A_52, %mul3A_54 : i32
    %sub3A = arith.constant 1 : i32
    %sub3A_56 = arith.subi %sub3A, %arg0 : i32
    %mul3A_57 = arith.constant 25088 : i32
    %mul3A_58 = arith.muli %sub3A_56, %mul3A_57 : i32
    %mul3A_59 = arith.constant 1568 : i32
    %mul3A_60 = arith.muli %arg1, %mul3A_59 : i32
    %add3A_61 = arith.addi %mul3A_58, %mul3A_60 : i32
    %iota3A = tpu.iota {dimensions = array<i32: 0>} : vector<16xi32>
    %broadcast_in_dim3A = arith.constant 0 : i32
    %broadcast_in_dim3A_62 = vector.broadcast %broadcast_in_dim3A : i32 to vector<16xi32>
    %scan3A_63 = arith.constant 0 : i32
    %scan3A_64 = arith.constant 0 : i32
    %scan3A_65 = arith.constant 14 : i32
    %scan3A_66 = arith.addi %scan3A_64, %scan3A_65 : i32
    %scan3A_67 = arith.constant 1 : i32
    scf.for %scan3A_75 = %scan3A_64 to %scan3A_66 step %scan3A_67  : i32 {
      %mul3A_76 = arith.constant 112 : i32
      %mul3A_77 = arith.muli %scan3A_75, %mul3A_76 : i32
      %gt3A = arith.constant 0 : i32
      %gt3A_78 = arith.cmpi sgt, %scan3A_75, %gt3A : i32
      %convert_element_type3A = arith.extui %gt3A_78 : i1 to i32
      %cond3A = arith.constant 0 : i32
      %cond3A_79 = arith.cmpi ne, %convert_element_type3A, %cond3A : i32
      scf.if %cond3A_79 {
        %dma_wait3A_104 = tpu.memref_slice %arg6[%add3A_55] : memref<50176xf32, #tpu.memory_space<hbm>> -> memref<112xf32, #tpu.memory_space<hbm>>
        %dma_wait3A_105 = tpu.memref_slice %arg6[%add3A_55] : memref<50176xf32, #tpu.memory_space<hbm>> -> memref<112xf32, #tpu.memory_space<hbm>>
        tpu.wait_dma2 semaphore(%arg15 : memref<!tpu.dma_semaphore, #tpu.memory_space<semaphore_mem>>) src(%arg11 : memref<112xf32, #tpu.memory_space<vmem>>) dst(%dma_wait3A_105 : memref<112xf32, #tpu.memory_space<hbm>>)
        %dma_wait3A_106 = arith.constant 0 : i32
        %dma_wait3A_107 = tpu.memref_slice %arg7[%add3A_61, %dma_wait3A_106] : memref<50176x64xf32, #tpu.memory_space<hbm>> -> memref<112x64xf32, #tpu.memory_space<hbm>>
        %dma_wait3A_108 = arith.constant 0 : i32
        %dma_wait3A_109 = tpu.memref_slice %arg7[%add3A_61, %dma_wait3A_108] : memref<50176x64xf32, #tpu.memory_space<hbm>> -> memref<112x64xf32, #tpu.memory_space<hbm>>
        tpu.wait_dma2 semaphore(%arg15 : memref<!tpu.dma_semaphore, #tpu.memory_space<semaphore_mem>>) src(%arg10 : memref<112x64xf32, #tpu.memory_space<vmem>>) dst(%dma_wait3A_109 : memref<112x64xf32, #tpu.memory_space<hbm>>)
      } else {
      }
      %mul3A_80 = arith.constant 1568 : i32
      %mul3A_81 = arith.muli %arg1, %mul3A_80 : i32
      %add3A_82 = arith.addi %mul3A_81, %mul3A_77 : i32
      "tpu.region"() ({
        %run_scoped3A = tpu.sem_alloc : memref<!tpu.dma_semaphore, #tpu.memory_space<semaphore_mem>>
        %dma_start3A_104 = arith.constant 0 : i32
        %dma_start3A_105 = arith.constant 0 : i32
        %dma_start3A_106 = tpu.memref_slice %arg9[%dma_start3A_104, %dma_start3A_105] : memref<128x16xf32, #tpu.memory_space<vmem>> -> memref<112x16xf32, #tpu.memory_space<vmem>>
        %dma_start3A_107 = arith.constant 0 : i32
        %dma_start3A_108 = tpu.memref_slice %arg8[%add3A_82, %dma_start3A_107] : memref<25088x16xf32, #tpu.memory_space<vmem_shared>> -> memref<112x16xf32, #tpu.memory_space<vmem_shared>>
        %dma_start3A_109 = arith.constant 0 : i32
        %dma_start3A_110 = arith.constant 0 : i32
        %dma_start3A_111 = tpu.memref_slice %arg9[%dma_start3A_109, %dma_start3A_110] : memref<128x16xf32, #tpu.memory_space<vmem>> -> memref<112x16xf32, #tpu.memory_space<vmem>>
        %dma_start3A_112 = arith.constant 0 : i32
        %dma_start3A_113 = tpu.memref_slice %arg8[%add3A_82, %dma_start3A_112] : memref<25088x16xf32, #tpu.memory_space<vmem_shared>> -> memref<112x16xf32, #tpu.memory_space<vmem_shared>>
        tpu.enqueue_dma source(%dma_start3A_113 : memref<112x16xf32, #tpu.memory_space<vmem_shared>>) target(%dma_start3A_111 : memref<112x16xf32, #tpu.memory_space<vmem>>) target_semaphore(%run_scoped3A : memref<!tpu.dma_semaphore, #tpu.memory_space<semaphore_mem>>)
        %dma_wait3A_114 = arith.constant 0 : i32
        %dma_wait3A_115 = arith.constant 0 : i32
        %dma_wait3A_116 = tpu.memref_slice %arg9[%dma_wait3A_114, %dma_wait3A_115] : memref<128x16xf32, #tpu.memory_space<vmem>> -> memref<112x16xf32, #tpu.memory_space<vmem>>
        %dma_wait3A_117 = arith.constant 0 : i32
        %dma_wait3A_118 = tpu.memref_slice %arg8[%add3A_82, %dma_wait3A_117] : memref<25088x16xf32, #tpu.memory_space<vmem_shared>> -> memref<112x16xf32, #tpu.memory_space<vmem_shared>>
        %dma_wait3A_119 = arith.constant 0 : i32
        %dma_wait3A_120 = arith.constant 0 : i32
        %dma_wait3A_121 = tpu.memref_slice %arg9[%dma_wait3A_119, %dma_wait3A_120] : memref<128x16xf32, #tpu.memory_space<vmem>> -> memref<112x16xf32, #tpu.memory_space<vmem>>
        %dma_wait3A_122 = arith.constant 0 : i32
        %dma_wait3A_123 = tpu.memref_slice %arg8[%add3A_82, %dma_wait3A_122] : memref<25088x16xf32, #tpu.memory_space<vmem_shared>> -> memref<112x16xf32, #tpu.memory_space<vmem_shared>>
        tpu.wait_dma2 semaphore(%run_scoped3A : memref<!tpu.dma_semaphore, #tpu.memory_space<semaphore_mem>>) src(%dma_wait3A_123 : memref<112x16xf32, #tpu.memory_space<vmem_shared>>) dst(%dma_wait3A_121 : memref<112x16xf32, #tpu.memory_space<vmem>>)
        tpu.yield
      }) : () -> ()
      %add3A_83 = arith.addi %add3A_55, %mul3A_77 : i32
      "tpu.region"() ({
        %run_scoped3A = tpu.sem_alloc : memref<!tpu.dma_semaphore, #tpu.memory_space<semaphore_mem>>
        %dma_start3A_104 = arith.constant 0 : i32
        %dma_start3A_105 = tpu.memref_slice %arg5[%add3A_83, %dma_start3A_104] : memref<50176x64xf32, #tpu.memory_space<hbm>> -> memref<112x64xf32, #tpu.memory_space<hbm>>
        %dma_start3A_106 = arith.constant 0 : i32
        %dma_start3A_107 = tpu.memref_slice %arg5[%add3A_83, %dma_start3A_106] : memref<50176x64xf32, #tpu.memory_space<hbm>> -> memref<112x64xf32, #tpu.memory_space<hbm>>
        tpu.enqueue_dma source(%dma_start3A_107 : memref<112x64xf32, #tpu.memory_space<hbm>>) target(%arg10 : memref<112x64xf32, #tpu.memory_space<vmem>>) target_semaphore(%run_scoped3A : memref<!tpu.dma_semaphore, #tpu.memory_space<semaphore_mem>>)
        %dma_wait3A_108 = arith.constant 0 : i32
        %dma_wait3A_109 = tpu.memref_slice %arg5[%add3A_83, %dma_wait3A_108] : memref<50176x64xf32, #tpu.memory_space<hbm>> -> memref<112x64xf32, #tpu.memory_space<hbm>>
        %dma_wait3A_110 = arith.constant 0 : i32
        %dma_wait3A_111 = tpu.memref_slice %arg5[%add3A_83, %dma_wait3A_110] : memref<50176x64xf32, #tpu.memory_space<hbm>> -> memref<112x64xf32, #tpu.memory_space<hbm>>
        tpu.wait_dma2 semaphore(%run_scoped3A : memref<!tpu.dma_semaphore, #tpu.memory_space<semaphore_mem>>) src(%dma_wait3A_111 : memref<112x64xf32, #tpu.memory_space<hbm>>) dst(%arg10 : memref<112x64xf32, #tpu.memory_space<vmem>>)
        tpu.yield
      }) : () -> ()
      %scan3A_84 = arith.constant 0 : i32
      %scan3A_85 = arith.constant 0 : i32
      %scan3A_86 = arith.constant 7 : i32
      %scan3A_87 = arith.addi %scan3A_85, %scan3A_86 : i32
      %scan3A_88 = arith.constant 1 : i32
      scf.for %scan3A_104 = %scan3A_85 to %scan3A_87 step %scan3A_88  : i32 {
        %mul3A_105 = arith.constant 16 : i32
        %mul3A_106 = arith.muli %scan3A_104, %mul3A_105 : i32
        %add3A_107 = vector.broadcast %mul3A_106 : i32 to vector<16xi32>
        %add3A_108 = arith.addi %iota3A, %add3A_107 : vector<16xi32>
        %gather3A = tpu.vector_load_idx %arg9[%add3A_108, %broadcast_in_dim3A_62] : memref<128x16xf32, #tpu.memory_space<vmem>>[vector<16xi32>, vector<16xi32>], vector<16xf32>,
        %max3A = arith.constant 1.000000e+00 : f32
        %max3A_109 = vector.broadcast %max3A : f32 to vector<16xf32>
        %max3A_110 = arith.maximumf %gather3A, %max3A_109 : vector<16xf32>
        %bitcast3A = vector.bitcast %max3A_110 : vector<16xf32> to vector<16xi32>
        %shift_right_arithmetic3A = arith.constant 1 : i32
        %shift_right_arithmetic3A_111 = vector.broadcast %shift_right_arithmetic3A : i32 to vector<16xi32>
        %shift_right_arithmetic3A_112 = arith.shrsi %bitcast3A, %shift_right_arithmetic3A_111 : vector<16xi32>
        %sub3A_113 = arith.constant 1597463007 : i32
        %sub3A_114 = vector.broadcast %sub3A_113 : i32 to vector<16xi32>
        %sub3A_115 = arith.subi %sub3A_114, %shift_right_arithmetic3A_112 : vector<16xi32>
        %bitcast3A_116 = vector.bitcast %sub3A_115 : vector<16xi32> to vector<16xf32>
        %mul3A_117 = arith.constant 5.000000e-01 : f32
        %mul3A_118 = vector.broadcast %mul3A_117 : f32 to vector<16xf32>
        %mul3A_119 = arith.mulf %mul3A_118, %max3A_110 : vector<16xf32>
        %mul3A_120 = arith.mulf %mul3A_119, %bitcast3A_116 : vector<16xf32>
        %mul3A_121 = arith.mulf %mul3A_120, %bitcast3A_116 : vector<16xf32>
        %sub3A_122 = arith.constant 1.500000e+00 : f32
        %sub3A_123 = vector.broadcast %sub3A_122 : f32 to vector<16xf32>
        %sub3A_124 = arith.subf %sub3A_123, %mul3A_121 : vector<16xf32>
        %mul3A_125 = arith.mulf %bitcast3A_116, %sub3A_124 : vector<16xf32>
        %mul3A_126 = arith.constant 5.000000e-01 : f32
        %mul3A_127 = vector.broadcast %mul3A_126 : f32 to vector<16xf32>
        %mul3A_128 = arith.mulf %mul3A_127, %max3A_110 : vector<16xf32>
        %mul3A_129 = arith.mulf %mul3A_128, %mul3A_125 : vector<16xf32>
        %mul3A_130 = arith.mulf %mul3A_129, %mul3A_125 : vector<16xf32>
        %sub3A_131 = arith.constant 1.500000e+00 : f32
        %sub3A_132 = vector.broadcast %sub3A_131 : f32 to vector<16xf32>
        %sub3A_133 = arith.subf %sub3A_132, %mul3A_130 : vector<16xf32>
        %mul3A_134 = arith.mulf %mul3A_125, %sub3A_133 : vector<16xf32>
        %swap3A = arith.index_cast %mul3A_106 : i32 to index
        %swap3A_135 = tpu.vector_load %arg11[%swap3A] {strides = array<i32>} : memref<112xf32, #tpu.memory_space<vmem>>, vector<16xf32>,
        tpu.vector_store %arg11[%swap3A], %mul3A_134 {strides = array<i32>} : memref<112xf32, #tpu.memory_space<vmem>>, vector<16xf32>,
      }
      %scan3A_89 = arith.constant 7 : i32
      %scan3A_90 = arith.constant 0 : i32
      %scan3A_91 = arith.constant 0 : i32
      %scan3A_92 = arith.constant 112 : i32
      %scan3A_93 = arith.addi %scan3A_91, %scan3A_92 : i32
      %scan3A_94 = arith.constant 1 : i32
      scf.for %scan3A_104 = %scan3A_91 to %scan3A_93 step %scan3A_94  : i32 {
        %broadcast_in_dim3A_105 = vector.broadcast %scan3A_104 : i32 to vector<16xi32>
        %gather3A = tpu.vector_load_idx %arg11[%broadcast_in_dim3A_105] : memref<112xf32, #tpu.memory_space<vmem>>[vector<16xi32>], vector<16xf32>,
        %get3A = arith.index_cast %scan3A_104 : i32 to index
        %get3A_106 = arith.constant 0 : index
        %get3A_107 = tpu.vector_load %arg10[%get3A, %get3A_106] {strides = array<i32>} : memref<112x64xf32, #tpu.memory_space<vmem>>, vector<16xf32>,
        %mul3A_108 = arith.mulf %get3A_107, %gather3A : vector<16xf32>
        %swap3A = arith.index_cast %scan3A_104 : i32 to index
        %swap3A_109 = arith.constant 0 : index
        %swap3A_110 = tpu.vector_load %arg10[%swap3A, %swap3A_109] {strides = array<i32>} : memref<112x64xf32, #tpu.memory_space<vmem>>, vector<16xf32>,
        tpu.vector_store %arg10[%swap3A, %swap3A_109], %mul3A_108 {strides = array<i32>} : memref<112x64xf32, #tpu.memory_space<vmem>>, vector<16xf32>,
        %get3A_111 = arith.index_cast %scan3A_104 : i32 to index
        %get3A_112 = arith.constant 16 : index
        %get3A_113 = tpu.vector_load %arg10[%get3A_111, %get3A_112] {strides = array<i32>} : memref<112x64xf32, #tpu.memory_space<vmem>>, vector<16xf32>,
        %mul3A_114 = arith.mulf %get3A_113, %gather3A : vector<16xf32>
        %swap3A_115 = arith.index_cast %scan3A_104 : i32 to index
        %swap3A_116 = arith.constant 16 : index
        %swap3A_117 = tpu.vector_load %arg10[%swap3A_115, %swap3A_116] {strides = array<i32>} : memref<112x64xf32, #tpu.memory_space<vmem>>, vector<16xf32>,
        tpu.vector_store %arg10[%swap3A_115, %swap3A_116], %mul3A_114 {strides = array<i32>} : memref<112x64xf32, #tpu.memory_space<vmem>>, vector<16xf32>,
        %get3A_118 = arith.index_cast %scan3A_104 : i32 to index
        %get3A_119 = arith.constant 32 : index
        %get3A_120 = tpu.vector_load %arg10[%get3A_118, %get3A_119] {strides = array<i32>} : memref<112x64xf32, #tpu.memory_space<vmem>>, vector<16xf32>,
        %mul3A_121 = arith.mulf %get3A_120, %gather3A : vector<16xf32>
        %swap3A_122 = arith.index_cast %scan3A_104 : i32 to index
        %swap3A_123 = arith.constant 32 : index
        %swap3A_124 = tpu.vector_load %arg10[%swap3A_122, %swap3A_123] {strides = array<i32>} : memref<112x64xf32, #tpu.memory_space<vmem>>, vector<16xf32>,
        tpu.vector_store %arg10[%swap3A_122, %swap3A_123], %mul3A_121 {strides = array<i32>} : memref<112x64xf32, #tpu.memory_space<vmem>>, vector<16xf32>,
        %get3A_125 = arith.index_cast %scan3A_104 : i32 to index
        %get3A_126 = arith.constant 48 : index
        %get3A_127 = tpu.vector_load %arg10[%get3A_125, %get3A_126] {strides = array<i32>} : memref<112x64xf32, #tpu.memory_space<vmem>>, vector<16xf32>,
        %mul3A_128 = arith.mulf %get3A_127, %gather3A : vector<16xf32>
        %swap3A_129 = arith.index_cast %scan3A_104 : i32 to index
        %swap3A_130 = arith.constant 48 : index
        %swap3A_131 = tpu.vector_load %arg10[%swap3A_129, %swap3A_130] {strides = array<i32>} : memref<112x64xf32, #tpu.memory_space<vmem>>, vector<16xf32>,
        tpu.vector_store %arg10[%swap3A_129, %swap3A_130], %mul3A_128 {strides = array<i32>} : memref<112x64xf32, #tpu.memory_space<vmem>>, vector<16xf32>,
      }
      %scan3A_95 = arith.constant 112 : i32
      %add3A_96 = arith.addi %add3A_55, %mul3A_77 : i32
      %dma_start3A_97 = tpu.memref_slice %arg6[%add3A_96] : memref<50176xf32, #tpu.memory_space<hbm>> -> memref<112xf32, #tpu.memory_space<hbm>>
      %dma_start3A_98 = tpu.memref_slice %arg6[%add3A_96] : memref<50176xf32, #tpu.memory_space<hbm>> -> memref<112xf32, #tpu.memory_space<hbm>>
      tpu.enqueue_dma source(%arg11 : memref<112xf32, #tpu.memory_space<vmem>>) target(%dma_start3A_98 : memref<112xf32, #tpu.memory_space<hbm>>) target_semaphore(%arg15 : memref<!tpu.dma_semaphore, #tpu.memory_space<semaphore_mem>>)
      %add3A_99 = arith.addi %add3A_61, %mul3A_77 : i32
      %dma_start3A_100 = arith.constant 0 : i32
      %dma_start3A_101 = tpu.memref_slice %arg7[%add3A_99, %dma_start3A_100] : memref<50176x64xf32, #tpu.memory_space<hbm>> -> memref<112x64xf32, #tpu.memory_space<hbm>>
      %dma_start3A_102 = arith.constant 0 : i32
      %dma_start3A_103 = tpu.memref_slice %arg7[%add3A_99, %dma_start3A_102] : memref<50176x64xf32, #tpu.memory_space<hbm>> -> memref<112x64xf32, #tpu.memory_space<hbm>>
      tpu.enqueue_dma source(%arg10 : memref<112x64xf32, #tpu.memory_space<vmem>>) target(%dma_start3A_103 : memref<112x64xf32, #tpu.memory_space<hbm>>) target_semaphore(%arg15 : memref<!tpu.dma_semaphore, #tpu.memory_space<semaphore_mem>>)
    }
    %scan3A_68 = arith.constant 14 : i32
    %dma_wait3A_69 = tpu.memref_slice %arg6[%add3A_55] : memref<50176xf32, #tpu.memory_space<hbm>> -> memref<112xf32, #tpu.memory_space<hbm>>
    %dma_wait3A_70 = tpu.memref_slice %arg6[%add3A_55] : memref<50176xf32, #tpu.memory_space<hbm>> -> memref<112xf32, #tpu.memory_space<hbm>>
    tpu.wait_dma2 semaphore(%arg15 : memref<!tpu.dma_semaphore, #tpu.memory_space<semaphore_mem>>) src(%arg11 : memref<112xf32, #tpu.memory_space<vmem>>) dst(%dma_wait3A_70 : memref<112xf32, #tpu.memory_space<hbm>>)
    %dma_wait3A_71 = arith.constant 0 : i32
    %dma_wait3A_72 = tpu.memref_slice %arg7[%add3A_61, %dma_wait3A_71] : memref<50176x64xf32, #tpu.memory_space<hbm>> -> memref<112x64xf32, #tpu.memory_space<hbm>>
    %dma_wait3A_73 = arith.constant 0 : i32
    %dma_wait3A_74 = tpu.memref_slice %arg7[%add3A_61, %dma_wait3A_73] : memref<50176x64xf32, #tpu.memory_space<hbm>> -> memref<112x64xf32, #tpu.memory_space<hbm>>
    tpu.wait_dma2 semaphore(%arg15 : memref<!tpu.dma_semaphore, #tpu.memory_space<semaphore_mem>>) src(%arg10 : memref<112x64xf32, #tpu.memory_space<vmem>>) dst(%dma_wait3A_74 : memref<112x64xf32, #tpu.memory_space<hbm>>)
    return
  }
}

#map = affine_map<(d0, d1) -> (0, 0)>
#map1 = affine_map<(d0, d1) -> (0)>
module attributes {stable_mosaic.version = 14 : i64} {
  func.func @body(%arg0: i32, %arg1: i32, %arg2: memref<50176x64xf32, #tpu.memory_space<hbm>>, %arg3: memref<12672x128xi32, #tpu.memory_space<hbm>>, %arg4: memref<12672x128xi32, #tpu.memory_space<hbm>>, %arg5: memref<25088x64xf32, #tpu.memory_space<hbm>>, %arg6: memref<50176xf32, #tpu.memory_space<hbm>>, %arg7: memref<50176x64xf32, #tpu.memory_space<hbm>>, %arg8: memref<50176x64xf32, #tpu.memory_space<hbm>>, %arg9: memref<50176x64xf32, #tpu.memory_space<hbm>>, %arg10: memref<25088x64xf32, #tpu.memory_space<vmem_shared>>, %arg11: memref<2x128xi32, #tpu.memory_space<vmem>>, %arg12: memref<2x128xi32, #tpu.memory_space<vmem>>, %arg13: memref<2x128xi32, #tpu.memory_space<vmem>>, %arg14: memref<128x64xf32, #tpu.memory_space<vmem>>, %arg15: memref<128x64xf32, #tpu.memory_space<vmem>>, %arg16: memref<128x64xf32, #tpu.memory_space<vmem>>, %arg17: memref<1568xf32, #tpu.memory_space<vmem>>, %arg18: memref<!tpu.dma_semaphore, #tpu.memory_space<semaphore_mem>>, %arg19: memref<!tpu.dma_semaphore, #tpu.memory_space<semaphore_mem>>, %arg20: memref<!tpu.dma_semaphore, #tpu.memory_space<semaphore_mem>>, %arg21: memref<!tpu.dma_semaphore, #tpu.memory_space<semaphore_mem>>, %arg22: memref<!tpu.dma_semaphore, #tpu.memory_space<semaphore_mem>>, %arg23: memref<!tpu.dma_semaphore, #tpu.memory_space<semaphore_mem>>) attributes {dimension_semantics = [#tpu.dimension_semantics<core_parallel>, #tpu.dimension_semantics<subcore_parallel>], iteration_bounds = array<i64: 2, 16>, scalar_prefetch = 0 : i64, scratch_operands = 14 : i64, tpu.core_type = #tpu.core_type<sc_vector_subcore>, window_params = [{transform_indices = #map}, {transform_indices = #map}, {transform_indices = #map}, {transform_indices = #map}, {transform_indices = #map1}, {transform_indices = #map}, {transform_indices = #map}, {transform_indices = #map}]} {
    %mul3A = arith.constant 1568 : i32
    %mul3A_0 = arith.muli %arg1, %mul3A : i32
    "tpu.region"() ({
      %run_scoped3A = tpu.sem_alloc : memref<!tpu.dma_semaphore, #tpu.memory_space<semaphore_mem>>
      %dma_start3A_170 = arith.constant 0 : i32
      %dma_start3A_171 = tpu.memref_slice %arg10[%mul3A_0, %dma_start3A_170] : memref<25088x64xf32, #tpu.memory_space<vmem_shared>> -> memref<1568x64xf32, #tpu.memory_space<vmem_shared>>
      %dma_start3A_172 = arith.constant 0 : i32
      %dma_start3A_173 = tpu.memref_slice %arg5[%mul3A_0, %dma_start3A_172] : memref<25088x64xf32, #tpu.memory_space<hbm>> -> memref<1568x64xf32, #tpu.memory_space<hbm>>
      tpu.enqueue_dma source(%dma_start3A_173 : memref<1568x64xf32, #tpu.memory_space<hbm>>) target(%dma_start3A_171 : memref<1568x64xf32, #tpu.memory_space<vmem_shared>>) target_semaphore(%run_scoped3A : memref<!tpu.dma_semaphore, #tpu.memory_space<semaphore_mem>>)
      %dma_wait3A_174 = arith.constant 0 : i32
      %dma_wait3A_175 = tpu.memref_slice %arg10[%mul3A_0, %dma_wait3A_174] : memref<25088x64xf32, #tpu.memory_space<vmem_shared>> -> memref<1568x64xf32, #tpu.memory_space<vmem_shared>>
      %dma_wait3A_176 = arith.constant 0 : i32
      %dma_wait3A_177 = tpu.memref_slice %arg5[%mul3A_0, %dma_wait3A_176] : memref<25088x64xf32, #tpu.memory_space<hbm>> -> memref<1568x64xf32, #tpu.memory_space<hbm>>
      tpu.wait_dma2 semaphore(%run_scoped3A : memref<!tpu.dma_semaphore, #tpu.memory_space<semaphore_mem>>) src(%dma_wait3A_177 : memref<1568x64xf32, #tpu.memory_space<hbm>>) dst(%dma_wait3A_175 : memref<1568x64xf32, #tpu.memory_space<vmem_shared>>)
      tpu.yield
    }) : () -> ()
    %barrier3A = arith.constant 0 : index
    tpu.barrier barrier_id(%barrier3A)
    %mul3A_1 = arith.constant 16 : i32
    %mul3A_2 = arith.muli %arg0, %mul3A_1 : i32
    %add3A = arith.addi %mul3A_2, %arg1 : i32
    %mul3A_3 = arith.constant 396 : i32
    %mul3A_4 = arith.muli %add3A, %mul3A_3 : i32
    %add3A_5 = arith.constant 0 : i32
    %add3A_6 = arith.addi %mul3A_4, %add3A_5 : i32
    %dma_start3A = arith.constant 0 : i32
    %dma_start3A_7 = arith.constant 0 : i32
    %dma_start3A_8 = tpu.memref_slice %arg11[%dma_start3A, %dma_start3A_7] : memref<2x128xi32, #tpu.memory_space<vmem>> -> memref<1x128xi32, #tpu.memory_space<vmem>>
    %dma_start3A_9 = tpu.memref_squeeze %dma_start3A_8 : memref<1x128xi32, #tpu.memory_space<vmem>> -> memref<128xi32, #tpu.memory_space<vmem>>
    %dma_start3A_10 = arith.constant 0 : i32
    %dma_start3A_11 = tpu.memref_slice %arg3[%add3A_6, %dma_start3A_10] : memref<12672x128xi32, #tpu.memory_space<hbm>> -> memref<1x128xi32, #tpu.memory_space<hbm>>
    %dma_start3A_12 = tpu.memref_squeeze %dma_start3A_11 : memref<1x128xi32, #tpu.memory_space<hbm>> -> memref<128xi32, #tpu.memory_space<hbm>>
    %dma_start3A_13 = arith.constant 0 : i32
    %dma_start3A_14 = tpu.memref_slice %arg11[%dma_start3A, %dma_start3A_13] : memref<2x128xi32, #tpu.memory_space<vmem>> -> memref<1x128xi32, #tpu.memory_space<vmem>>
    %dma_start3A_15 = tpu.memref_squeeze %dma_start3A_14 : memref<1x128xi32, #tpu.memory_space<vmem>> -> memref<128xi32, #tpu.memory_space<vmem>>
    %dma_start3A_16 = arith.constant 0 : i32
    %dma_start3A_17 = tpu.memref_slice %arg3[%add3A_6, %dma_start3A_16] : memref<12672x128xi32, #tpu.memory_space<hbm>> -> memref<1x128xi32, #tpu.memory_space<hbm>>
    %dma_start3A_18 = tpu.memref_squeeze %dma_start3A_17 : memref<1x128xi32, #tpu.memory_space<hbm>> -> memref<128xi32, #tpu.memory_space<hbm>>
    tpu.enqueue_dma source(%dma_start3A_18 : memref<128xi32, #tpu.memory_space<hbm>>) target(%dma_start3A_15 : memref<128xi32, #tpu.memory_space<vmem>>) target_semaphore(%arg18 : memref<!tpu.dma_semaphore, #tpu.memory_space<semaphore_mem>>)
    %dma_start3A_19 = arith.constant 1 : i32
    %dma_start3A_20 = arith.constant 0 : i32
    %dma_start3A_21 = tpu.memref_slice %arg11[%dma_start3A_19, %dma_start3A_20] : memref<2x128xi32, #tpu.memory_space<vmem>> -> memref<1x128xi32, #tpu.memory_space<vmem>>
    %dma_start3A_22 = tpu.memref_squeeze %dma_start3A_21 : memref<1x128xi32, #tpu.memory_space<vmem>> -> memref<128xi32, #tpu.memory_space<vmem>>
    %dma_start3A_23 = arith.constant 0 : i32
    %dma_start3A_24 = tpu.memref_slice %arg4[%add3A_6, %dma_start3A_23] : memref<12672x128xi32, #tpu.memory_space<hbm>> -> memref<1x128xi32, #tpu.memory_space<hbm>>
    %dma_start3A_25 = tpu.memref_squeeze %dma_start3A_24 : memref<1x128xi32, #tpu.memory_space<hbm>> -> memref<128xi32, #tpu.memory_space<hbm>>
    %dma_start3A_26 = arith.constant 0 : i32
    %dma_start3A_27 = tpu.memref_slice %arg11[%dma_start3A_19, %dma_start3A_26] : memref<2x128xi32, #tpu.memory_space<vmem>> -> memref<1x128xi32, #tpu.memory_space<vmem>>
    %dma_start3A_28 = tpu.memref_squeeze %dma_start3A_27 : memref<1x128xi32, #tpu.memory_space<vmem>> -> memref<128xi32, #tpu.memory_space<vmem>>
    %dma_start3A_29 = arith.constant 0 : i32
    %dma_start3A_30 = tpu.memref_slice %arg4[%add3A_6, %dma_start3A_29] : memref<12672x128xi32, #tpu.memory_space<hbm>> -> memref<1x128xi32, #tpu.memory_space<hbm>>
    %dma_start3A_31 = tpu.memref_squeeze %dma_start3A_30 : memref<1x128xi32, #tpu.memory_space<hbm>> -> memref<128xi32, #tpu.memory_space<hbm>>
    tpu.enqueue_dma source(%dma_start3A_31 : memref<128xi32, #tpu.memory_space<hbm>>) target(%dma_start3A_28 : memref<128xi32, #tpu.memory_space<vmem>>) target_semaphore(%arg18 : memref<!tpu.dma_semaphore, #tpu.memory_space<semaphore_mem>>)
    %add3A_32 = arith.constant 1 : i32
    %add3A_33 = arith.addi %mul3A_4, %add3A_32 : i32
    %dma_start3A_34 = arith.constant 0 : i32
    %dma_start3A_35 = arith.constant 0 : i32
    %dma_start3A_36 = tpu.memref_slice %arg12[%dma_start3A_34, %dma_start3A_35] : memref<2x128xi32, #tpu.memory_space<vmem>> -> memref<1x128xi32, #tpu.memory_space<vmem>>
    %dma_start3A_37 = tpu.memref_squeeze %dma_start3A_36 : memref<1x128xi32, #tpu.memory_space<vmem>> -> memref<128xi32, #tpu.memory_space<vmem>>
    %dma_start3A_38 = arith.constant 0 : i32
    %dma_start3A_39 = tpu.memref_slice %arg3[%add3A_33, %dma_start3A_38] : memref<12672x128xi32, #tpu.memory_space<hbm>> -> memref<1x128xi32, #tpu.memory_space<hbm>>
    %dma_start3A_40 = tpu.memref_squeeze %dma_start3A_39 : memref<1x128xi32, #tpu.memory_space<hbm>> -> memref<128xi32, #tpu.memory_space<hbm>>
    %dma_start3A_41 = arith.constant 0 : i32
    %dma_start3A_42 = tpu.memref_slice %arg12[%dma_start3A_34, %dma_start3A_41] : memref<2x128xi32, #tpu.memory_space<vmem>> -> memref<1x128xi32, #tpu.memory_space<vmem>>
    %dma_start3A_43 = tpu.memref_squeeze %dma_start3A_42 : memref<1x128xi32, #tpu.memory_space<vmem>> -> memref<128xi32, #tpu.memory_space<vmem>>
    %dma_start3A_44 = arith.constant 0 : i32
    %dma_start3A_45 = tpu.memref_slice %arg3[%add3A_33, %dma_start3A_44] : memref<12672x128xi32, #tpu.memory_space<hbm>> -> memref<1x128xi32, #tpu.memory_space<hbm>>
    %dma_start3A_46 = tpu.memref_squeeze %dma_start3A_45 : memref<1x128xi32, #tpu.memory_space<hbm>> -> memref<128xi32, #tpu.memory_space<hbm>>
    tpu.enqueue_dma source(%dma_start3A_46 : memref<128xi32, #tpu.memory_space<hbm>>) target(%dma_start3A_43 : memref<128xi32, #tpu.memory_space<vmem>>) target_semaphore(%arg19 : memref<!tpu.dma_semaphore, #tpu.memory_space<semaphore_mem>>)
    %dma_start3A_47 = arith.constant 1 : i32
    %dma_start3A_48 = arith.constant 0 : i32
    %dma_start3A_49 = tpu.memref_slice %arg12[%dma_start3A_47, %dma_start3A_48] : memref<2x128xi32, #tpu.memory_space<vmem>> -> memref<1x128xi32, #tpu.memory_space<vmem>>
    %dma_start3A_50 = tpu.memref_squeeze %dma_start3A_49 : memref<1x128xi32, #tpu.memory_space<vmem>> -> memref<128xi32, #tpu.memory_space<vmem>>
    %dma_start3A_51 = arith.constant 0 : i32
    %dma_start3A_52 = tpu.memref_slice %arg4[%add3A_33, %dma_start3A_51] : memref<12672x128xi32, #tpu.memory_space<hbm>> -> memref<1x128xi32, #tpu.memory_space<hbm>>
    %dma_start3A_53 = tpu.memref_squeeze %dma_start3A_52 : memref<1x128xi32, #tpu.memory_space<hbm>> -> memref<128xi32, #tpu.memory_space<hbm>>
    %dma_start3A_54 = arith.constant 0 : i32
    %dma_start3A_55 = tpu.memref_slice %arg12[%dma_start3A_47, %dma_start3A_54] : memref<2x128xi32, #tpu.memory_space<vmem>> -> memref<1x128xi32, #tpu.memory_space<vmem>>
    %dma_start3A_56 = tpu.memref_squeeze %dma_start3A_55 : memref<1x128xi32, #tpu.memory_space<vmem>> -> memref<128xi32, #tpu.memory_space<vmem>>
    %dma_start3A_57 = arith.constant 0 : i32
    %dma_start3A_58 = tpu.memref_slice %arg4[%add3A_33, %dma_start3A_57] : memref<12672x128xi32, #tpu.memory_space<hbm>> -> memref<1x128xi32, #tpu.memory_space<hbm>>
    %dma_start3A_59 = tpu.memref_squeeze %dma_start3A_58 : memref<1x128xi32, #tpu.memory_space<hbm>> -> memref<128xi32, #tpu.memory_space<hbm>>
    tpu.enqueue_dma source(%dma_start3A_59 : memref<128xi32, #tpu.memory_space<hbm>>) target(%dma_start3A_56 : memref<128xi32, #tpu.memory_space<vmem>>) target_semaphore(%arg19 : memref<!tpu.dma_semaphore, #tpu.memory_space<semaphore_mem>>)
    %add3A_60 = arith.constant 2 : i32
    %add3A_61 = arith.addi %mul3A_4, %add3A_60 : i32
    %dma_start3A_62 = arith.constant 0 : i32
    %dma_start3A_63 = arith.constant 0 : i32
    %dma_start3A_64 = tpu.memref_slice %arg13[%dma_start3A_62, %dma_start3A_63] : memref<2x128xi32, #tpu.memory_space<vmem>> -> memref<1x128xi32, #tpu.memory_space<vmem>>
    %dma_start3A_65 = tpu.memref_squeeze %dma_start3A_64 : memref<1x128xi32, #tpu.memory_space<vmem>> -> memref<128xi32, #tpu.memory_space<vmem>>
    %dma_start3A_66 = arith.constant 0 : i32
    %dma_start3A_67 = tpu.memref_slice %arg3[%add3A_61, %dma_start3A_66] : memref<12672x128xi32, #tpu.memory_space<hbm>> -> memref<1x128xi32, #tpu.memory_space<hbm>>
    %dma_start3A_68 = tpu.memref_squeeze %dma_start3A_67 : memref<1x128xi32, #tpu.memory_space<hbm>> -> memref<128xi32, #tpu.memory_space<hbm>>
    %dma_start3A_69 = arith.constant 0 : i32
    %dma_start3A_70 = tpu.memref_slice %arg13[%dma_start3A_62, %dma_start3A_69] : memref<2x128xi32, #tpu.memory_space<vmem>> -> memref<1x128xi32, #tpu.memory_space<vmem>>
    %dma_start3A_71 = tpu.memref_squeeze %dma_start3A_70 : memref<1x128xi32, #tpu.memory_space<vmem>> -> memref<128xi32, #tpu.memory_space<vmem>>
    %dma_start3A_72 = arith.constant 0 : i32
    %dma_start3A_73 = tpu.memref_slice %arg3[%add3A_61, %dma_start3A_72] : memref<12672x128xi32, #tpu.memory_space<hbm>> -> memref<1x128xi32, #tpu.memory_space<hbm>>
    %dma_start3A_74 = tpu.memref_squeeze %dma_start3A_73 : memref<1x128xi32, #tpu.memory_space<hbm>> -> memref<128xi32, #tpu.memory_space<hbm>>
    tpu.enqueue_dma source(%dma_start3A_74 : memref<128xi32, #tpu.memory_space<hbm>>) target(%dma_start3A_71 : memref<128xi32, #tpu.memory_space<vmem>>) target_semaphore(%arg20 : memref<!tpu.dma_semaphore, #tpu.memory_space<semaphore_mem>>)
    %dma_start3A_75 = arith.constant 1 : i32
    %dma_start3A_76 = arith.constant 0 : i32
    %dma_start3A_77 = tpu.memref_slice %arg13[%dma_start3A_75, %dma_start3A_76] : memref<2x128xi32, #tpu.memory_space<vmem>> -> memref<1x128xi32, #tpu.memory_space<vmem>>
    %dma_start3A_78 = tpu.memref_squeeze %dma_start3A_77 : memref<1x128xi32, #tpu.memory_space<vmem>> -> memref<128xi32, #tpu.memory_space<vmem>>
    %dma_start3A_79 = arith.constant 0 : i32
    %dma_start3A_80 = tpu.memref_slice %arg4[%add3A_61, %dma_start3A_79] : memref<12672x128xi32, #tpu.memory_space<hbm>> -> memref<1x128xi32, #tpu.memory_space<hbm>>
    %dma_start3A_81 = tpu.memref_squeeze %dma_start3A_80 : memref<1x128xi32, #tpu.memory_space<hbm>> -> memref<128xi32, #tpu.memory_space<hbm>>
    %dma_start3A_82 = arith.constant 0 : i32
    %dma_start3A_83 = tpu.memref_slice %arg13[%dma_start3A_75, %dma_start3A_82] : memref<2x128xi32, #tpu.memory_space<vmem>> -> memref<1x128xi32, #tpu.memory_space<vmem>>
    %dma_start3A_84 = tpu.memref_squeeze %dma_start3A_83 : memref<1x128xi32, #tpu.memory_space<vmem>> -> memref<128xi32, #tpu.memory_space<vmem>>
    %dma_start3A_85 = arith.constant 0 : i32
    %dma_start3A_86 = tpu.memref_slice %arg4[%add3A_61, %dma_start3A_85] : memref<12672x128xi32, #tpu.memory_space<hbm>> -> memref<1x128xi32, #tpu.memory_space<hbm>>
    %dma_start3A_87 = tpu.memref_squeeze %dma_start3A_86 : memref<1x128xi32, #tpu.memory_space<hbm>> -> memref<128xi32, #tpu.memory_space<hbm>>
    tpu.enqueue_dma source(%dma_start3A_87 : memref<128xi32, #tpu.memory_space<hbm>>) target(%dma_start3A_84 : memref<128xi32, #tpu.memory_space<vmem>>) target_semaphore(%arg20 : memref<!tpu.dma_semaphore, #tpu.memory_space<semaphore_mem>>)
    %dma_wait3A = arith.constant 0 : i32
    %dma_wait3A_88 = tpu.memref_slice %arg3[%mul3A_4, %dma_wait3A] : memref<12672x128xi32, #tpu.memory_space<hbm>> -> memref<2x128xi32, #tpu.memory_space<hbm>>
    %dma_wait3A_89 = arith.constant 0 : i32
    %dma_wait3A_90 = tpu.memref_slice %arg3[%mul3A_4, %dma_wait3A_89] : memref<12672x128xi32, #tpu.memory_space<hbm>> -> memref<2x128xi32, #tpu.memory_space<hbm>>
    tpu.wait_dma2 semaphore(%arg18 : memref<!tpu.dma_semaphore, #tpu.memory_space<semaphore_mem>>) src(%dma_wait3A_90 : memref<2x128xi32, #tpu.memory_space<hbm>>) dst(%arg11 : memref<2x128xi32, #tpu.memory_space<vmem>>)
    %dma_start3A_91 = arith.constant 0 : i32
    %dma_start3A_92 = arith.constant 0 : i32
    %dma_start3A_93 = tpu.memref_slice %arg11[%dma_start3A_91, %dma_start3A_92] : memref<2x128xi32, #tpu.memory_space<vmem>> -> memref<1x128xi32, #tpu.memory_space<vmem>>
    %dma_start3A_94 = tpu.memref_squeeze %dma_start3A_93 : memref<1x128xi32, #tpu.memory_space<vmem>> -> memref<128xi32, #tpu.memory_space<vmem>>
    %dma_start3A_95 = arith.constant 0 : i32
    %dma_start3A_96 = arith.constant 0 : i32
    %dma_start3A_97 = tpu.memref_slice %arg2[%dma_start3A_95, %dma_start3A_96] : memref<50176x64xf32, #tpu.memory_space<hbm>> -> memref<50176x64xf32, #tpu.memory_space<hbm>>
    tpu.enqueue_indirect_dma source(%dma_start3A_97 : memref<50176x64xf32, #tpu.memory_space<hbm>>) target(%arg14 : memref<128x64xf32, #tpu.memory_space<vmem>>) offsets(%dma_start3A_94 : memref<128xi32, #tpu.memory_space<vmem>>) semaphore(%arg21 : memref<!tpu.dma_semaphore, #tpu.memory_space<semaphore_mem>>)
    %dma_wait3A_98 = arith.constant 0 : i32
    %dma_wait3A_99 = tpu.memref_slice %arg3[%mul3A_4, %dma_wait3A_98] : memref<12672x128xi32, #tpu.memory_space<hbm>> -> memref<2x128xi32, #tpu.memory_space<hbm>>
    %dma_wait3A_100 = arith.constant 0 : i32
    %dma_wait3A_101 = tpu.memref_slice %arg3[%mul3A_4, %dma_wait3A_100] : memref<12672x128xi32, #tpu.memory_space<hbm>> -> memref<2x128xi32, #tpu.memory_space<hbm>>
    tpu.wait_dma2 semaphore(%arg19 : memref<!tpu.dma_semaphore, #tpu.memory_space<semaphore_mem>>) src(%dma_wait3A_101 : memref<2x128xi32, #tpu.memory_space<hbm>>) dst(%arg12 : memref<2x128xi32, #tpu.memory_space<vmem>>)
    %dma_start3A_102 = arith.constant 0 : i32
    %dma_start3A_103 = arith.constant 0 : i32
    %dma_start3A_104 = tpu.memref_slice %arg12[%dma_start3A_102, %dma_start3A_103] : memref<2x128xi32, #tpu.memory_space<vmem>> -> memref<1x128xi32, #tpu.memory_space<vmem>>
    %dma_start3A_105 = tpu.memref_squeeze %dma_start3A_104 : memref<1x128xi32, #tpu.memory_space<vmem>> -> memref<128xi32, #tpu.memory_space<vmem>>
    %dma_start3A_106 = arith.constant 0 : i32
    %dma_start3A_107 = arith.constant 0 : i32
    %dma_start3A_108 = tpu.memref_slice %arg2[%dma_start3A_106, %dma_start3A_107] : memref<50176x64xf32, #tpu.memory_space<hbm>> -> memref<50176x64xf32, #tpu.memory_space<hbm>>
    tpu.enqueue_indirect_dma source(%dma_start3A_108 : memref<50176x64xf32, #tpu.memory_space<hbm>>) target(%arg15 : memref<128x64xf32, #tpu.memory_space<vmem>>) offsets(%dma_start3A_105 : memref<128xi32, #tpu.memory_space<vmem>>) semaphore(%arg22 : memref<!tpu.dma_semaphore, #tpu.memory_space<semaphore_mem>>)
    %scan3A = arith.constant 0 : i32
    %scan3A_109 = arith.constant 0 : i32
    %scan3A_110 = arith.constant 131 : i32
    %scan3A_111 = arith.addi %scan3A_109, %scan3A_110 : i32
    %scan3A_112 = arith.constant 1 : i32
    scf.for %scan3A_170 = %scan3A_109 to %scan3A_111 step %scan3A_112  : i32 {
      %mul3A_171 = arith.constant 3 : i32
      %mul3A_172 = arith.muli %mul3A_171, %scan3A_170 : i32
      %add3A_173 = arith.addi %mul3A_4, %mul3A_172 : i32
      %dma_wait3A_174 = arith.constant 0 : i32
      %dma_wait3A_175 = arith.constant 0 : i32
      %dma_wait3A_176 = tpu.memref_slice %arg11[%dma_wait3A_174, %dma_wait3A_175] : memref<2x128xi32, #tpu.memory_space<vmem>> -> memref<1x128xi32, #tpu.memory_space<vmem>>
      %dma_wait3A_177 = tpu.memref_squeeze %dma_wait3A_176 : memref<1x128xi32, #tpu.memory_space<vmem>> -> memref<128xi32, #tpu.memory_space<vmem>>
      %dma_wait3A_178 = arith.constant 0 : i32
      %dma_wait3A_179 = arith.constant 0 : i32
      %dma_wait3A_180 = tpu.memref_slice %arg2[%dma_wait3A_178, %dma_wait3A_179] : memref<50176x64xf32, #tpu.memory_space<hbm>> -> memref<50176x64xf32, #tpu.memory_space<hbm>>
      tpu.wait_indirect_dma semaphore(%arg21 : memref<!tpu.dma_semaphore, #tpu.memory_space<semaphore_mem>>) src(%dma_wait3A_180 : memref<50176x64xf32, #tpu.memory_space<hbm>>) dst(%arg14 : memref<128x64xf32, #tpu.memory_space<vmem>>)
      %run_scoped3A = arith.constant 1 : i32
      "tpu.region"() ({
        %run_scoped3A_320 = tpu.sem_alloc : memref<!tpu.dma_semaphore, #tpu.memory_space<semaphore_mem>>
        %dma_start3A_321 = arith.constant 0 : i32
        %dma_start3A_322 = tpu.memref_slice %arg11[%run_scoped3A, %dma_start3A_321] : memref<2x128xi32, #tpu.memory_space<vmem>> -> memref<1x128xi32, #tpu.memory_space<vmem>>
        %dma_start3A_323 = tpu.memref_squeeze %dma_start3A_322 : memref<1x128xi32, #tpu.memory_space<vmem>> -> memref<128xi32, #tpu.memory_space<vmem>>
        %dma_start3A_324 = arith.constant 0 : i32
        %dma_start3A_325 = arith.constant 0 : i32
        %dma_start3A_326 = tpu.memref_slice %arg10[%dma_start3A_324, %dma_start3A_325] : memref<25088x64xf32, #tpu.memory_space<vmem_shared>> -> memref<25088x64xf32, #tpu.memory_space<vmem_shared>>
        tpu.enqueue_indirect_dma source(%arg14 : memref<128x64xf32, #tpu.memory_space<vmem>>) target(%dma_start3A_326 : memref<25088x64xf32, #tpu.memory_space<vmem_shared>>) offsets(%dma_start3A_323 : memref<128xi32, #tpu.memory_space<vmem>>) semaphore(%run_scoped3A_320 : memref<!tpu.dma_semaphore, #tpu.memory_space<semaphore_mem>>) {add = true}
        %dma_wait3A_327 = arith.constant 0 : i32
        %dma_wait3A_328 = tpu.memref_slice %arg11[%run_scoped3A, %dma_wait3A_327] : memref<2x128xi32, #tpu.memory_space<vmem>> -> memref<1x128xi32, #tpu.memory_space<vmem>>
        %dma_wait3A_329 = tpu.memref_squeeze %dma_wait3A_328 : memref<1x128xi32, #tpu.memory_space<vmem>> -> memref<128xi32, #tpu.memory_space<vmem>>
        %dma_wait3A_330 = arith.constant 0 : i32
        %dma_wait3A_331 = arith.constant 0 : i32
        %dma_wait3A_332 = tpu.memref_slice %arg10[%dma_wait3A_330, %dma_wait3A_331] : memref<25088x64xf32, #tpu.memory_space<vmem_shared>> -> memref<25088x64xf32, #tpu.memory_space<vmem_shared>>
        tpu.wait_indirect_dma semaphore(%run_scoped3A_320 : memref<!tpu.dma_semaphore, #tpu.memory_space<semaphore_mem>>) src(%arg14 : memref<128x64xf32, #tpu.memory_space<vmem>>) dst(%dma_wait3A_332 : memref<25088x64xf32, #tpu.memory_space<vmem_shared>>)
        tpu.yield
      }) : () -> ()
      %add3A_181 = arith.constant 0 : i32
      %add3A_182 = arith.addi %add3A_173, %add3A_181 : i32
      %add3A_183 = arith.constant 3 : i32
      %add3A_184 = arith.addi %add3A_182, %add3A_183 : i32
      %dma_start3A_185 = arith.constant 0 : i32
      %dma_start3A_186 = arith.constant 0 : i32
      %dma_start3A_187 = tpu.memref_slice %arg11[%dma_start3A_185, %dma_start3A_186] : memref<2x128xi32, #tpu.memory_space<vmem>> -> memref<1x128xi32, #tpu.memory_space<vmem>>
      %dma_start3A_188 = tpu.memref_squeeze %dma_start3A_187 : memref<1x128xi32, #tpu.memory_space<vmem>> -> memref<128xi32, #tpu.memory_space<vmem>>
      %dma_start3A_189 = arith.constant 0 : i32
      %dma_start3A_190 = tpu.memref_slice %arg3[%add3A_184, %dma_start3A_189] : memref<12672x128xi32, #tpu.memory_space<hbm>> -> memref<1x128xi32, #tpu.memory_space<hbm>>
      %dma_start3A_191 = tpu.memref_squeeze %dma_start3A_190 : memref<1x128xi32, #tpu.memory_space<hbm>> -> memref<128xi32, #tpu.memory_space<hbm>>
      %dma_start3A_192 = arith.constant 0 : i32
      %dma_start3A_193 = tpu.memref_slice %arg11[%dma_start3A_185, %dma_start3A_192] : memref<2x128xi32, #tpu.memory_space<vmem>> -> memref<1x128xi32, #tpu.memory_space<vmem>>
      %dma_start3A_194 = tpu.memref_squeeze %dma_start3A_193 : memref<1x128xi32, #tpu.memory_space<vmem>> -> memref<128xi32, #tpu.memory_space<vmem>>
      %dma_start3A_195 = arith.constant 0 : i32
      %dma_start3A_196 = tpu.memref_slice %arg3[%add3A_184, %dma_start3A_195] : memref<12672x128xi32, #tpu.memory_space<hbm>> -> memref<1x128xi32, #tpu.memory_space<hbm>>
      %dma_start3A_197 = tpu.memref_squeeze %dma_start3A_196 : memref<1x128xi32, #tpu.memory_space<hbm>> -> memref<128xi32, #tpu.memory_space<hbm>>
      tpu.enqueue_dma source(%dma_start3A_197 : memref<128xi32, #tpu.memory_space<hbm>>) target(%dma_start3A_194 : memref<128xi32, #tpu.memory_space<vmem>>) target_semaphore(%arg18 : memref<!tpu.dma_semaphore, #tpu.memory_space<semaphore_mem>>)
      %dma_start3A_198 = arith.constant 1 : i32
      %dma_start3A_199 = arith.constant 0 : i32
      %dma_start3A_200 = tpu.memref_slice %arg11[%dma_start3A_198, %dma_start3A_199] : memref<2x128xi32, #tpu.memory_space<vmem>> -> memref<1x128xi32, #tpu.memory_space<vmem>>
      %dma_start3A_201 = tpu.memref_squeeze %dma_start3A_200 : memref<1x128xi32, #tpu.memory_space<vmem>> -> memref<128xi32, #tpu.memory_space<vmem>>
      %dma_start3A_202 = arith.constant 0 : i32
      %dma_start3A_203 = tpu.memref_slice %arg4[%add3A_184, %dma_start3A_202] : memref<12672x128xi32, #tpu.memory_space<hbm>> -> memref<1x128xi32, #tpu.memory_space<hbm>>
      %dma_start3A_204 = tpu.memref_squeeze %dma_start3A_203 : memref<1x128xi32, #tpu.memory_space<hbm>> -> memref<128xi32, #tpu.memory_space<hbm>>
      %dma_start3A_205 = arith.constant 0 : i32
      %dma_start3A_206 = tpu.memref_slice %arg11[%dma_start3A_198, %dma_start3A_205] : memref<2x128xi32, #tpu.memory_space<vmem>> -> memref<1x128xi32, #tpu.memory_space<vmem>>
      %dma_start3A_207 = tpu.memref_squeeze %dma_start3A_206 : memref<1x128xi32, #tpu.memory_space<vmem>> -> memref<128xi32, #tpu.memory_space<vmem>>
      %dma_start3A_208 = arith.constant 0 : i32
      %dma_start3A_209 = tpu.memref_slice %arg4[%add3A_184, %dma_start3A_208] : memref<12672x128xi32, #tpu.memory_space<hbm>> -> memref<1x128xi32, #tpu.memory_space<hbm>>
      %dma_start3A_210 = tpu.memref_squeeze %dma_start3A_209 : memref<1x128xi32, #tpu.memory_space<hbm>> -> memref<128xi32, #tpu.memory_space<hbm>>
      tpu.enqueue_dma source(%dma_start3A_210 : memref<128xi32, #tpu.memory_space<hbm>>) target(%dma_start3A_207 : memref<128xi32, #tpu.memory_space<vmem>>) target_semaphore(%arg18 : memref<!tpu.dma_semaphore, #tpu.memory_space<semaphore_mem>>)
      %dma_wait3A_211 = arith.constant 0 : i32
      %dma_wait3A_212 = tpu.memref_slice %arg3[%mul3A_4, %dma_wait3A_211] : memref<12672x128xi32, #tpu.memory_space<hbm>> -> memref<2x128xi32, #tpu.memory_space<hbm>>
      %dma_wait3A_213 = arith.constant 0 : i32
      %dma_wait3A_214 = tpu.memref_slice %arg3[%mul3A_4, %dma_wait3A_213] : memref<12672x128xi32, #tpu.memory_space<hbm>> -> memref<2x128xi32, #tpu.memory_space<hbm>>
      tpu.wait_dma2 semaphore(%arg20 : memref<!tpu.dma_semaphore, #tpu.memory_space<semaphore_mem>>) src(%dma_wait3A_214 : memref<2x128xi32, #tpu.memory_space<hbm>>) dst(%arg13 : memref<2x128xi32, #tpu.memory_space<vmem>>)
      %dma_start3A_215 = arith.constant 0 : i32
      %dma_start3A_216 = arith.constant 0 : i32
      %dma_start3A_217 = tpu.memref_slice %arg13[%dma_start3A_215, %dma_start3A_216] : memref<2x128xi32, #tpu.memory_space<vmem>> -> memref<1x128xi32, #tpu.memory_space<vmem>>
      %dma_start3A_218 = tpu.memref_squeeze %dma_start3A_217 : memref<1x128xi32, #tpu.memory_space<vmem>> -> memref<128xi32, #tpu.memory_space<vmem>>
      %dma_start3A_219 = arith.constant 0 : i32
      %dma_start3A_220 = arith.constant 0 : i32
      %dma_start3A_221 = tpu.memref_slice %arg2[%dma_start3A_219, %dma_start3A_220] : memref<50176x64xf32, #tpu.memory_space<hbm>> -> memref<50176x64xf32, #tpu.memory_space<hbm>>
      tpu.enqueue_indirect_dma source(%dma_start3A_221 : memref<50176x64xf32, #tpu.memory_space<hbm>>) target(%arg16 : memref<128x64xf32, #tpu.memory_space<vmem>>) offsets(%dma_start3A_218 : memref<128xi32, #tpu.memory_space<vmem>>) semaphore(%arg23 : memref<!tpu.dma_semaphore, #tpu.memory_space<semaphore_mem>>)
      %dma_wait3A_222 = arith.constant 0 : i32
      %dma_wait3A_223 = arith.constant 0 : i32
      %dma_wait3A_224 = tpu.memref_slice %arg12[%dma_wait3A_222, %dma_wait3A_223] : memref<2x128xi32, #tpu.memory_space<vmem>> -> memref<1x128xi32, #tpu.memory_space<vmem>>
      %dma_wait3A_225 = tpu.memref_squeeze %dma_wait3A_224 : memref<1x128xi32, #tpu.memory_space<vmem>> -> memref<128xi32, #tpu.memory_space<vmem>>
      %dma_wait3A_226 = arith.constant 0 : i32
      %dma_wait3A_227 = arith.constant 0 : i32
      %dma_wait3A_228 = tpu.memref_slice %arg2[%dma_wait3A_226, %dma_wait3A_227] : memref<50176x64xf32, #tpu.memory_space<hbm>> -> memref<50176x64xf32, #tpu.memory_space<hbm>>
      tpu.wait_indirect_dma semaphore(%arg22 : memref<!tpu.dma_semaphore, #tpu.memory_space<semaphore_mem>>) src(%dma_wait3A_228 : memref<50176x64xf32, #tpu.memory_space<hbm>>) dst(%arg15 : memref<128x64xf32, #tpu.memory_space<vmem>>)
      %run_scoped3A_229 = arith.constant 1 : i32
      "tpu.region"() ({
        %run_scoped3A_320 = tpu.sem_alloc : memref<!tpu.dma_semaphore, #tpu.memory_space<semaphore_mem>>
        %dma_start3A_321 = arith.constant 0 : i32
        %dma_start3A_322 = tpu.memref_slice %arg12[%run_scoped3A_229, %dma_start3A_321] : memref<2x128xi32, #tpu.memory_space<vmem>> -> memref<1x128xi32, #tpu.memory_space<vmem>>
        %dma_start3A_323 = tpu.memref_squeeze %dma_start3A_322 : memref<1x128xi32, #tpu.memory_space<vmem>> -> memref<128xi32, #tpu.memory_space<vmem>>
        %dma_start3A_324 = arith.constant 0 : i32
        %dma_start3A_325 = arith.constant 0 : i32
        %dma_start3A_326 = tpu.memref_slice %arg10[%dma_start3A_324, %dma_start3A_325] : memref<25088x64xf32, #tpu.memory_space<vmem_shared>> -> memref<25088x64xf32, #tpu.memory_space<vmem_shared>>
        tpu.enqueue_indirect_dma source(%arg15 : memref<128x64xf32, #tpu.memory_space<vmem>>) target(%dma_start3A_326 : memref<25088x64xf32, #tpu.memory_space<vmem_shared>>) offsets(%dma_start3A_323 : memref<128xi32, #tpu.memory_space<vmem>>) semaphore(%run_scoped3A_320 : memref<!tpu.dma_semaphore, #tpu.memory_space<semaphore_mem>>) {add = true}
        %dma_wait3A_327 = arith.constant 0 : i32
        %dma_wait3A_328 = tpu.memref_slice %arg12[%run_scoped3A_229, %dma_wait3A_327] : memref<2x128xi32, #tpu.memory_space<vmem>> -> memref<1x128xi32, #tpu.memory_space<vmem>>
        %dma_wait3A_329 = tpu.memref_squeeze %dma_wait3A_328 : memref<1x128xi32, #tpu.memory_space<vmem>> -> memref<128xi32, #tpu.memory_space<vmem>>
        %dma_wait3A_330 = arith.constant 0 : i32
        %dma_wait3A_331 = arith.constant 0 : i32
        %dma_wait3A_332 = tpu.memref_slice %arg10[%dma_wait3A_330, %dma_wait3A_331] : memref<25088x64xf32, #tpu.memory_space<vmem_shared>> -> memref<25088x64xf32, #tpu.memory_space<vmem_shared>>
        tpu.wait_indirect_dma semaphore(%run_scoped3A_320 : memref<!tpu.dma_semaphore, #tpu.memory_space<semaphore_mem>>) src(%arg15 : memref<128x64xf32, #tpu.memory_space<vmem>>) dst(%dma_wait3A_332 : memref<25088x64xf32, #tpu.memory_space<vmem_shared>>)
        tpu.yield
      }) : () -> ()
      %add3A_230 = arith.constant 1 : i32
      %add3A_231 = arith.addi %add3A_173, %add3A_230 : i32
      %add3A_232 = arith.constant 3 : i32
      %add3A_233 = arith.addi %add3A_231, %add3A_232 : i32
      %dma_start3A_234 = arith.constant 0 : i32
      %dma_start3A_235 = arith.constant 0 : i32
      %dma_start3A_236 = tpu.memref_slice %arg12[%dma_start3A_234, %dma_start3A_235] : memref<2x128xi32, #tpu.memory_space<vmem>> -> memref<1x128xi32, #tpu.memory_space<vmem>>
      %dma_start3A_237 = tpu.memref_squeeze %dma_start3A_236 : memref<1x128xi32, #tpu.memory_space<vmem>> -> memref<128xi32, #tpu.memory_space<vmem>>
      %dma_start3A_238 = arith.constant 0 : i32
      %dma_start3A_239 = tpu.memref_slice %arg3[%add3A_233, %dma_start3A_238] : memref<12672x128xi32, #tpu.memory_space<hbm>> -> memref<1x128xi32, #tpu.memory_space<hbm>>
      %dma_start3A_240 = tpu.memref_squeeze %dma_start3A_239 : memref<1x128xi32, #tpu.memory_space<hbm>> -> memref<128xi32, #tpu.memory_space<hbm>>
      %dma_start3A_241 = arith.constant 0 : i32
      %dma_start3A_242 = tpu.memref_slice %arg12[%dma_start3A_234, %dma_start3A_241] : memref<2x128xi32, #tpu.memory_space<vmem>> -> memref<1x128xi32, #tpu.memory_space<vmem>>
      %dma_start3A_243 = tpu.memref_squeeze %dma_start3A_242 : memref<1x128xi32, #tpu.memory_space<vmem>> -> memref<128xi32, #tpu.memory_space<vmem>>
      %dma_start3A_244 = arith.constant 0 : i32
      %dma_start3A_245 = tpu.memref_slice %arg3[%add3A_233, %dma_start3A_244] : memref<12672x128xi32, #tpu.memory_space<hbm>> -> memref<1x128xi32, #tpu.memory_space<hbm>>
      %dma_start3A_246 = tpu.memref_squeeze %dma_start3A_245 : memref<1x128xi32, #tpu.memory_space<hbm>> -> memref<128xi32, #tpu.memory_space<hbm>>
      tpu.enqueue_dma source(%dma_start3A_246 : memref<128xi32, #tpu.memory_space<hbm>>) target(%dma_start3A_243 : memref<128xi32, #tpu.memory_space<vmem>>) target_semaphore(%arg19 : memref<!tpu.dma_semaphore, #tpu.memory_space<semaphore_mem>>)
      %dma_start3A_247 = arith.constant 1 : i32
      %dma_start3A_248 = arith.constant 0 : i32
      %dma_start3A_249 = tpu.memref_slice %arg12[%dma_start3A_247, %dma_start3A_248] : memref<2x128xi32, #tpu.memory_space<vmem>> -> memref<1x128xi32, #tpu.memory_space<vmem>>
      %dma_start3A_250 = tpu.memref_squeeze %dma_start3A_249 : memref<1x128xi32, #tpu.memory_space<vmem>> -> memref<128xi32, #tpu.memory_space<vmem>>
      %dma_start3A_251 = arith.constant 0 : i32
      %dma_start3A_252 = tpu.memref_slice %arg4[%add3A_233, %dma_start3A_251] : memref<12672x128xi32, #tpu.memory_space<hbm>> -> memref<1x128xi32, #tpu.memory_space<hbm>>
      %dma_start3A_253 = tpu.memref_squeeze %dma_start3A_252 : memref<1x128xi32, #tpu.memory_space<hbm>> -> memref<128xi32, #tpu.memory_space<hbm>>
      %dma_start3A_254 = arith.constant 0 : i32
      %dma_start3A_255 = tpu.memref_slice %arg12[%dma_start3A_247, %dma_start3A_254] : memref<2x128xi32, #tpu.memory_space<vmem>> -> memref<1x128xi32, #tpu.memory_space<vmem>>
      %dma_start3A_256 = tpu.memref_squeeze %dma_start3A_255 : memref<1x128xi32, #tpu.memory_space<vmem>> -> memref<128xi32, #tpu.memory_space<vmem>>
      %dma_start3A_257 = arith.constant 0 : i32
      %dma_start3A_258 = tpu.memref_slice %arg4[%add3A_233, %dma_start3A_257] : memref<12672x128xi32, #tpu.memory_space<hbm>> -> memref<1x128xi32, #tpu.memory_space<hbm>>
      %dma_start3A_259 = tpu.memref_squeeze %dma_start3A_258 : memref<1x128xi32, #tpu.memory_space<hbm>> -> memref<128xi32, #tpu.memory_space<hbm>>
      tpu.enqueue_dma source(%dma_start3A_259 : memref<128xi32, #tpu.memory_space<hbm>>) target(%dma_start3A_256 : memref<128xi32, #tpu.memory_space<vmem>>) target_semaphore(%arg19 : memref<!tpu.dma_semaphore, #tpu.memory_space<semaphore_mem>>)
      %dma_wait3A_260 = arith.constant 0 : i32
      %dma_wait3A_261 = tpu.memref_slice %arg3[%mul3A_4, %dma_wait3A_260] : memref<12672x128xi32, #tpu.memory_space<hbm>> -> memref<2x128xi32, #tpu.memory_space<hbm>>
      %dma_wait3A_262 = arith.constant 0 : i32
      %dma_wait3A_263 = tpu.memref_slice %arg3[%mul3A_4, %dma_wait3A_262] : memref<12672x128xi32, #tpu.memory_space<hbm>> -> memref<2x128xi32, #tpu.memory_space<hbm>>
      tpu.wait_dma2 semaphore(%arg18 : memref<!tpu.dma_semaphore, #tpu.memory_space<semaphore_mem>>) src(%dma_wait3A_263 : memref<2x128xi32, #tpu.memory_space<hbm>>) dst(%arg11 : memref<2x128xi32, #tpu.memory_space<vmem>>)
      %dma_start3A_264 = arith.constant 0 : i32
      %dma_start3A_265 = arith.constant 0 : i32
      %dma_start3A_266 = tpu.memref_slice %arg11[%dma_start3A_264, %dma_start3A_265] : memref<2x128xi32, #tpu.memory_space<vmem>> -> memref<1x128xi32, #tpu.memory_space<vmem>>
      %dma_start3A_267 = tpu.memref_squeeze %dma_start3A_266 : memref<1x128xi32, #tpu.memory_space<vmem>> -> memref<128xi32, #tpu.memory_space<vmem>>
      %dma_start3A_268 = arith.constant 0 : i32
      %dma_start3A_269 = arith.constant 0 : i32
      %dma_start3A_270 = tpu.memref_slice %arg2[%dma_start3A_268, %dma_start3A_269] : memref<50176x64xf32, #tpu.memory_space<hbm>> -> memref<50176x64xf32, #tpu.memory_space<hbm>>
      tpu.enqueue_indirect_dma source(%dma_start3A_270 : memref<50176x64xf32, #tpu.memory_space<hbm>>) target(%arg14 : memref<128x64xf32, #tpu.memory_space<vmem>>) offsets(%dma_start3A_267 : memref<128xi32, #tpu.memory_space<vmem>>) semaphore(%arg21 : memref<!tpu.dma_semaphore, #tpu.memory_space<semaphore_mem>>)
      %dma_wait3A_271 = arith.constant 0 : i32
      %dma_wait3A_272 = arith.constant 0 : i32
      %dma_wait3A_273 = tpu.memref_slice %arg13[%dma_wait3A_271, %dma_wait3A_272] : memref<2x128xi32, #tpu.memory_space<vmem>> -> memref<1x128xi32, #tpu.memory_space<vmem>>
      %dma_wait3A_274 = tpu.memref_squeeze %dma_wait3A_273 : memref<1x128xi32, #tpu.memory_space<vmem>> -> memref<128xi32, #tpu.memory_space<vmem>>
      %dma_wait3A_275 = arith.constant 0 : i32
      %dma_wait3A_276 = arith.constant 0 : i32
      %dma_wait3A_277 = tpu.memref_slice %arg2[%dma_wait3A_275, %dma_wait3A_276] : memref<50176x64xf32, #tpu.memory_space<hbm>> -> memref<50176x64xf32, #tpu.memory_space<hbm>>
      tpu.wait_indirect_dma semaphore(%arg23 : memref<!tpu.dma_semaphore, #tpu.memory_space<semaphore_mem>>) src(%dma_wait3A_277 : memref<50176x64xf32, #tpu.memory_space<hbm>>) dst(%arg16 : memref<128x64xf32, #tpu.memory_space<vmem>>)
      %run_scoped3A_278 = arith.constant 1 : i32
      "tpu.region"() ({
        %run_scoped3A_320 = tpu.sem_alloc : memref<!tpu.dma_semaphore, #tpu.memory_space<semaphore_mem>>
        %dma_start3A_321 = arith.constant 0 : i32
        %dma_start3A_322 = tpu.memref_slice %arg13[%run_scoped3A_278, %dma_start3A_321] : memref<2x128xi32, #tpu.memory_space<vmem>> -> memref<1x128xi32, #tpu.memory_space<vmem>>
        %dma_start3A_323 = tpu.memref_squeeze %dma_start3A_322 : memref<1x128xi32, #tpu.memory_space<vmem>> -> memref<128xi32, #tpu.memory_space<vmem>>
        %dma_start3A_324 = arith.constant 0 : i32
        %dma_start3A_325 = arith.constant 0 : i32
        %dma_start3A_326 = tpu.memref_slice %arg10[%dma_start3A_324, %dma_start3A_325] : memref<25088x64xf32, #tpu.memory_space<vmem_shared>> -> memref<25088x64xf32, #tpu.memory_space<vmem_shared>>
        tpu.enqueue_indirect_dma source(%arg16 : memref<128x64xf32, #tpu.memory_space<vmem>>) target(%dma_start3A_326 : memref<25088x64xf32, #tpu.memory_space<vmem_shared>>) offsets(%dma_start3A_323 : memref<128xi32, #tpu.memory_space<vmem>>) semaphore(%run_scoped3A_320 : memref<!tpu.dma_semaphore, #tpu.memory_space<semaphore_mem>>) {add = true}
        %dma_wait3A_327 = arith.constant 0 : i32
        %dma_wait3A_328 = tpu.memref_slice %arg13[%run_scoped3A_278, %dma_wait3A_327] : memref<2x128xi32, #tpu.memory_space<vmem>> -> memref<1x128xi32, #tpu.memory_space<vmem>>
        %dma_wait3A_329 = tpu.memref_squeeze %dma_wait3A_328 : memref<1x128xi32, #tpu.memory_space<vmem>> -> memref<128xi32, #tpu.memory_space<vmem>>
        %dma_wait3A_330 = arith.constant 0 : i32
        %dma_wait3A_331 = arith.constant 0 : i32
        %dma_wait3A_332 = tpu.memref_slice %arg10[%dma_wait3A_330, %dma_wait3A_331] : memref<25088x64xf32, #tpu.memory_space<vmem_shared>> -> memref<25088x64xf32, #tpu.memory_space<vmem_shared>>
        tpu.wait_indirect_dma semaphore(%run_scoped3A_320 : memref<!tpu.dma_semaphore, #tpu.memory_space<semaphore_mem>>) src(%arg16 : memref<128x64xf32, #tpu.memory_space<vmem>>) dst(%dma_wait3A_332 : memref<25088x64xf32, #tpu.memory_space<vmem_shared>>)
        tpu.yield
      }) : () -> ()
      %add3A_279 = arith.constant 2 : i32
      %add3A_280 = arith.addi %add3A_173, %add3A_279 : i32
      %add3A_281 = arith.constant 3 : i32
      %add3A_282 = arith.addi %add3A_280, %add3A_281 : i32
      %dma_start3A_283 = arith.constant 0 : i32
      %dma_start3A_284 = arith.constant 0 : i32
      %dma_start3A_285 = tpu.memref_slice %arg13[%dma_start3A_283, %dma_start3A_284] : memref<2x128xi32, #tpu.memory_space<vmem>> -> memref<1x128xi32, #tpu.memory_space<vmem>>
      %dma_start3A_286 = tpu.memref_squeeze %dma_start3A_285 : memref<1x128xi32, #tpu.memory_space<vmem>> -> memref<128xi32, #tpu.memory_space<vmem>>
      %dma_start3A_287 = arith.constant 0 : i32
      %dma_start3A_288 = tpu.memref_slice %arg3[%add3A_282, %dma_start3A_287] : memref<12672x128xi32, #tpu.memory_space<hbm>> -> memref<1x128xi32, #tpu.memory_space<hbm>>
      %dma_start3A_289 = tpu.memref_squeeze %dma_start3A_288 : memref<1x128xi32, #tpu.memory_space<hbm>> -> memref<128xi32, #tpu.memory_space<hbm>>
      %dma_start3A_290 = arith.constant 0 : i32
      %dma_start3A_291 = tpu.memref_slice %arg13[%dma_start3A_283, %dma_start3A_290] : memref<2x128xi32, #tpu.memory_space<vmem>> -> memref<1x128xi32, #tpu.memory_space<vmem>>
      %dma_start3A_292 = tpu.memref_squeeze %dma_start3A_291 : memref<1x128xi32, #tpu.memory_space<vmem>> -> memref<128xi32, #tpu.memory_space<vmem>>
      %dma_start3A_293 = arith.constant 0 : i32
      %dma_start3A_294 = tpu.memref_slice %arg3[%add3A_282, %dma_start3A_293] : memref<12672x128xi32, #tpu.memory_space<hbm>> -> memref<1x128xi32, #tpu.memory_space<hbm>>
      %dma_start3A_295 = tpu.memref_squeeze %dma_start3A_294 : memref<1x128xi32, #tpu.memory_space<hbm>> -> memref<128xi32, #tpu.memory_space<hbm>>
      tpu.enqueue_dma source(%dma_start3A_295 : memref<128xi32, #tpu.memory_space<hbm>>) target(%dma_start3A_292 : memref<128xi32, #tpu.memory_space<vmem>>) target_semaphore(%arg20 : memref<!tpu.dma_semaphore, #tpu.memory_space<semaphore_mem>>)
      %dma_start3A_296 = arith.constant 1 : i32
      %dma_start3A_297 = arith.constant 0 : i32
      %dma_start3A_298 = tpu.memref_slice %arg13[%dma_start3A_296, %dma_start3A_297] : memref<2x128xi32, #tpu.memory_space<vmem>> -> memref<1x128xi32, #tpu.memory_space<vmem>>
      %dma_start3A_299 = tpu.memref_squeeze %dma_start3A_298 : memref<1x128xi32, #tpu.memory_space<vmem>> -> memref<128xi32, #tpu.memory_space<vmem>>
      %dma_start3A_300 = arith.constant 0 : i32
      %dma_start3A_301 = tpu.memref_slice %arg4[%add3A_282, %dma_start3A_300] : memref<12672x128xi32, #tpu.memory_space<hbm>> -> memref<1x128xi32, #tpu.memory_space<hbm>>
      %dma_start3A_302 = tpu.memref_squeeze %dma_start3A_301 : memref<1x128xi32, #tpu.memory_space<hbm>> -> memref<128xi32, #tpu.memory_space<hbm>>
      %dma_start3A_303 = arith.constant 0 : i32
      %dma_start3A_304 = tpu.memref_slice %arg13[%dma_start3A_296, %dma_start3A_303] : memref<2x128xi32, #tpu.memory_space<vmem>> -> memref<1x128xi32, #tpu.memory_space<vmem>>
      %dma_start3A_305 = tpu.memref_squeeze %dma_start3A_304 : memref<1x128xi32, #tpu.memory_space<vmem>> -> memref<128xi32, #tpu.memory_space<vmem>>
      %dma_start3A_306 = arith.constant 0 : i32
      %dma_start3A_307 = tpu.memref_slice %arg4[%add3A_282, %dma_start3A_306] : memref<12672x128xi32, #tpu.memory_space<hbm>> -> memref<1x128xi32, #tpu.memory_space<hbm>>
      %dma_start3A_308 = tpu.memref_squeeze %dma_start3A_307 : memref<1x128xi32, #tpu.memory_space<hbm>> -> memref<128xi32, #tpu.memory_space<hbm>>
      tpu.enqueue_dma source(%dma_start3A_308 : memref<128xi32, #tpu.memory_space<hbm>>) target(%dma_start3A_305 : memref<128xi32, #tpu.memory_space<vmem>>) target_semaphore(%arg20 : memref<!tpu.dma_semaphore, #tpu.memory_space<semaphore_mem>>)
      %dma_wait3A_309 = arith.constant 0 : i32
      %dma_wait3A_310 = tpu.memref_slice %arg3[%mul3A_4, %dma_wait3A_309] : memref<12672x128xi32, #tpu.memory_space<hbm>> -> memref<2x128xi32, #tpu.memory_space<hbm>>
      %dma_wait3A_311 = arith.constant 0 : i32
      %dma_wait3A_312 = tpu.memref_slice %arg3[%mul3A_4, %dma_wait3A_311] : memref<12672x128xi32, #tpu.memory_space<hbm>> -> memref<2x128xi32, #tpu.memory_space<hbm>>
      tpu.wait_dma2 semaphore(%arg19 : memref<!tpu.dma_semaphore, #tpu.memory_space<semaphore_mem>>) src(%dma_wait3A_312 : memref<2x128xi32, #tpu.memory_space<hbm>>) dst(%arg12 : memref<2x128xi32, #tpu.memory_space<vmem>>)
      %dma_start3A_313 = arith.constant 0 : i32
      %dma_start3A_314 = arith.constant 0 : i32
      %dma_start3A_315 = tpu.memref_slice %arg12[%dma_start3A_313, %dma_start3A_314] : memref<2x128xi32, #tpu.memory_space<vmem>> -> memref<1x128xi32, #tpu.memory_space<vmem>>
      %dma_start3A_316 = tpu.memref_squeeze %dma_start3A_315 : memref<1x128xi32, #tpu.memory_space<vmem>> -> memref<128xi32, #tpu.memory_space<vmem>>
      %dma_start3A_317 = arith.constant 0 : i32
      %dma_start3A_318 = arith.constant 0 : i32
      %dma_start3A_319 = tpu.memref_slice %arg2[%dma_start3A_317, %dma_start3A_318] : memref<50176x64xf32, #tpu.memory_space<hbm>> -> memref<50176x64xf32, #tpu.memory_space<hbm>>
      tpu.enqueue_indirect_dma source(%dma_start3A_319 : memref<50176x64xf32, #tpu.memory_space<hbm>>) target(%arg15 : memref<128x64xf32, #tpu.memory_space<vmem>>) offsets(%dma_start3A_316 : memref<128xi32, #tpu.memory_space<vmem>>) semaphore(%arg22 : memref<!tpu.dma_semaphore, #tpu.memory_space<semaphore_mem>>)
    }
    %scan3A_113 = arith.constant 131 : i32
    %dma_wait3A_114 = arith.constant 0 : i32
    %dma_wait3A_115 = arith.constant 0 : i32
    %dma_wait3A_116 = tpu.memref_slice %arg11[%dma_wait3A_114, %dma_wait3A_115] : memref<2x128xi32, #tpu.memory_space<vmem>> -> memref<1x128xi32, #tpu.memory_space<vmem>>
    %dma_wait3A_117 = tpu.memref_squeeze %dma_wait3A_116 : memref<1x128xi32, #tpu.memory_space<vmem>> -> memref<128xi32, #tpu.memory_space<vmem>>
    %dma_wait3A_118 = arith.constant 0 : i32
    %dma_wait3A_119 = arith.constant 0 : i32
    %dma_wait3A_120 = tpu.memref_slice %arg2[%dma_wait3A_118, %dma_wait3A_119] : memref<50176x64xf32, #tpu.memory_space<hbm>> -> memref<50176x64xf32, #tpu.memory_space<hbm>>
    tpu.wait_indirect_dma semaphore(%arg21 : memref<!tpu.dma_semaphore, #tpu.memory_space<semaphore_mem>>) src(%dma_wait3A_120 : memref<50176x64xf32, #tpu.memory_space<hbm>>) dst(%arg14 : memref<128x64xf32, #tpu.memory_space<vmem>>)
    %dma_wait3A_121 = arith.constant 0 : i32
    %dma_wait3A_122 = arith.constant 0 : i32
    %dma_wait3A_123 = tpu.memref_slice %arg12[%dma_wait3A_121, %dma_wait3A_122] : memref<2x128xi32, #tpu.memory_space<vmem>> -> memref<1x128xi32, #tpu.memory_space<vmem>>
    %dma_wait3A_124 = tpu.memref_squeeze %dma_wait3A_123 : memref<1x128xi32, #tpu.memory_space<vmem>> -> memref<128xi32, #tpu.memory_space<vmem>>
    %dma_wait3A_125 = arith.constant 0 : i32
    %dma_wait3A_126 = arith.constant 0 : i32
    %dma_wait3A_127 = tpu.memref_slice %arg2[%dma_wait3A_125, %dma_wait3A_126] : memref<50176x64xf32, #tpu.memory_space<hbm>> -> memref<50176x64xf32, #tpu.memory_space<hbm>>
    tpu.wait_indirect_dma semaphore(%arg22 : memref<!tpu.dma_semaphore, #tpu.memory_space<semaphore_mem>>) src(%dma_wait3A_127 : memref<50176x64xf32, #tpu.memory_space<hbm>>) dst(%arg15 : memref<128x64xf32, #tpu.memory_space<vmem>>)
    %dma_wait3A_128 = arith.constant 0 : i32
    %dma_wait3A_129 = tpu.memref_slice %arg3[%mul3A_4, %dma_wait3A_128] : memref<12672x128xi32, #tpu.memory_space<hbm>> -> memref<2x128xi32, #tpu.memory_space<hbm>>
    %dma_wait3A_130 = arith.constant 0 : i32
    %dma_wait3A_131 = tpu.memref_slice %arg3[%mul3A_4, %dma_wait3A_130] : memref<12672x128xi32, #tpu.memory_space<hbm>> -> memref<2x128xi32, #tpu.memory_space<hbm>>
    tpu.wait_dma2 semaphore(%arg20 : memref<!tpu.dma_semaphore, #tpu.memory_space<semaphore_mem>>) src(%dma_wait3A_131 : memref<2x128xi32, #tpu.memory_space<hbm>>) dst(%arg13 : memref<2x128xi32, #tpu.memory_space<vmem>>)
    %barrier3A_132 = arith.constant 0 : index
    tpu.barrier barrier_id(%barrier3A_132)
    %mul3A_133 = arith.constant 25088 : i32
    %mul3A_134 = arith.muli %arg0, %mul3A_133 : i32
    %mul3A_135 = arith.constant 1568 : i32
    %mul3A_136 = arith.muli %arg1, %mul3A_135 : i32
    %add3A_137 = arith.addi %mul3A_134, %mul3A_136 : i32
    %sub3A = arith.constant 1 : i32
    %sub3A_138 = arith.subi %sub3A, %arg0 : i32
    %mul3A_139 = arith.constant 25088 : i32
    %mul3A_140 = arith.muli %sub3A_138, %mul3A_139 : i32
    %mul3A_141 = arith.constant 1568 : i32
    %mul3A_142 = arith.muli %arg1, %mul3A_141 : i32
    %add3A_143 = arith.addi %mul3A_140, %mul3A_142 : i32
    "tpu.region"() ({
      %run_scoped3A = tpu.sem_alloc : memref<!tpu.dma_semaphore, #tpu.memory_space<semaphore_mem>>
      %dma_start3A_170 = tpu.memref_slice %arg6[%add3A_137] : memref<50176xf32, #tpu.memory_space<hbm>> -> memref<1568xf32, #tpu.memory_space<hbm>>
      %dma_start3A_171 = tpu.memref_slice %arg6[%add3A_137] : memref<50176xf32, #tpu.memory_space<hbm>> -> memref<1568xf32, #tpu.memory_space<hbm>>
      tpu.enqueue_dma source(%dma_start3A_171 : memref<1568xf32, #tpu.memory_space<hbm>>) target(%arg17 : memref<1568xf32, #tpu.memory_space<vmem>>) target_semaphore(%run_scoped3A : memref<!tpu.dma_semaphore, #tpu.memory_space<semaphore_mem>>)
      %dma_wait3A_172 = tpu.memref_slice %arg6[%add3A_137] : memref<50176xf32, #tpu.memory_space<hbm>> -> memref<1568xf32, #tpu.memory_space<hbm>>
      %dma_wait3A_173 = tpu.memref_slice %arg6[%add3A_137] : memref<50176xf32, #tpu.memory_space<hbm>> -> memref<1568xf32, #tpu.memory_space<hbm>>
      tpu.wait_dma2 semaphore(%run_scoped3A : memref<!tpu.dma_semaphore, #tpu.memory_space<semaphore_mem>>) src(%dma_wait3A_173 : memref<1568xf32, #tpu.memory_space<hbm>>) dst(%arg17 : memref<1568xf32, #tpu.memory_space<vmem>>)
      tpu.yield
    }) : () -> ()
    %scan3A_144 = arith.constant 0 : i32
    %scan3A_145 = arith.constant 0 : i32
    %scan3A_146 = arith.constant 14 : i32
    %scan3A_147 = arith.addi %scan3A_145, %scan3A_146 : i32
    %scan3A_148 = arith.constant 1 : i32
    scf.for %scan3A_170 = %scan3A_145 to %scan3A_147 step %scan3A_148  : i32 {
      %mul3A_171 = arith.constant 112 : i32
      %mul3A_172 = arith.muli %scan3A_170, %mul3A_171 : i32
      %gt3A = arith.constant 0 : i32
      %gt3A_173 = arith.cmpi sgt, %scan3A_170, %gt3A : i32
      %convert_element_type3A = arith.extui %gt3A_173 : i1 to i32
      %cond3A = arith.constant 0 : i32
      %cond3A_174 = arith.cmpi ne, %convert_element_type3A, %cond3A : i32
      scf.if %cond3A_174 {
        %dma_wait3A_207 = arith.constant 0 : i32
        %dma_wait3A_208 = arith.constant 0 : i32
        %dma_wait3A_209 = tpu.memref_slice %arg15[%dma_wait3A_207, %dma_wait3A_208] : memref<128x64xf32, #tpu.memory_space<vmem>> -> memref<112x64xf32, #tpu.memory_space<vmem>>
        %dma_wait3A_210 = arith.constant 0 : i32
        %dma_wait3A_211 = tpu.memref_slice %arg8[%add3A_137, %dma_wait3A_210] : memref<50176x64xf32, #tpu.memory_space<hbm>> -> memref<112x64xf32, #tpu.memory_space<hbm>>
        %dma_wait3A_212 = arith.constant 0 : i32
        %dma_wait3A_213 = tpu.memref_slice %arg8[%add3A_137, %dma_wait3A_212] : memref<50176x64xf32, #tpu.memory_space<hbm>> -> memref<112x64xf32, #tpu.memory_space<hbm>>
        %dma_wait3A_214 = arith.constant 0 : i32
        %dma_wait3A_215 = arith.constant 0 : i32
        %dma_wait3A_216 = tpu.memref_slice %arg15[%dma_wait3A_214, %dma_wait3A_215] : memref<128x64xf32, #tpu.memory_space<vmem>> -> memref<112x64xf32, #tpu.memory_space<vmem>>
        tpu.wait_dma2 semaphore(%arg21 : memref<!tpu.dma_semaphore, #tpu.memory_space<semaphore_mem>>) src(%dma_wait3A_216 : memref<112x64xf32, #tpu.memory_space<vmem>>) dst(%dma_wait3A_213 : memref<112x64xf32, #tpu.memory_space<hbm>>)
        %dma_wait3A_217 = arith.constant 0 : i32
        %dma_wait3A_218 = arith.constant 0 : i32
        %dma_wait3A_219 = tpu.memref_slice %arg15[%dma_wait3A_217, %dma_wait3A_218] : memref<128x64xf32, #tpu.memory_space<vmem>> -> memref<112x64xf32, #tpu.memory_space<vmem>>
        %dma_wait3A_220 = arith.constant 0 : i32
        %dma_wait3A_221 = tpu.memref_slice %arg8[%add3A_137, %dma_wait3A_220] : memref<50176x64xf32, #tpu.memory_space<hbm>> -> memref<112x64xf32, #tpu.memory_space<hbm>>
        %dma_wait3A_222 = arith.constant 0 : i32
        %dma_wait3A_223 = tpu.memref_slice %arg8[%add3A_137, %dma_wait3A_222] : memref<50176x64xf32, #tpu.memory_space<hbm>> -> memref<112x64xf32, #tpu.memory_space<hbm>>
        %dma_wait3A_224 = arith.constant 0 : i32
        %dma_wait3A_225 = arith.constant 0 : i32
        %dma_wait3A_226 = tpu.memref_slice %arg15[%dma_wait3A_224, %dma_wait3A_225] : memref<128x64xf32, #tpu.memory_space<vmem>> -> memref<112x64xf32, #tpu.memory_space<vmem>>
        tpu.wait_dma2 semaphore(%arg21 : memref<!tpu.dma_semaphore, #tpu.memory_space<semaphore_mem>>) src(%dma_wait3A_226 : memref<112x64xf32, #tpu.memory_space<vmem>>) dst(%dma_wait3A_223 : memref<112x64xf32, #tpu.memory_space<hbm>>)
      } else {
      }
      %mul3A_175 = arith.constant 1568 : i32
      %mul3A_176 = arith.muli %arg1, %mul3A_175 : i32
      %add3A_177 = arith.addi %mul3A_176, %mul3A_172 : i32
      "tpu.region"() ({
        %run_scoped3A = tpu.sem_alloc : memref<!tpu.dma_semaphore, #tpu.memory_space<semaphore_mem>>
        %dma_start3A_207 = arith.constant 0 : i32
        %dma_start3A_208 = arith.constant 0 : i32
        %dma_start3A_209 = tpu.memref_slice %arg14[%dma_start3A_207, %dma_start3A_208] : memref<128x64xf32, #tpu.memory_space<vmem>> -> memref<112x64xf32, #tpu.memory_space<vmem>>
        %dma_start3A_210 = arith.constant 0 : i32
        %dma_start3A_211 = tpu.memref_slice %arg10[%add3A_177, %dma_start3A_210] : memref<25088x64xf32, #tpu.memory_space<vmem_shared>> -> memref<112x64xf32, #tpu.memory_space<vmem_shared>>
        %dma_start3A_212 = arith.constant 0 : i32
        %dma_start3A_213 = arith.constant 0 : i32
        %dma_start3A_214 = tpu.memref_slice %arg14[%dma_start3A_212, %dma_start3A_213] : memref<128x64xf32, #tpu.memory_space<vmem>> -> memref<112x64xf32, #tpu.memory_space<vmem>>
        %dma_start3A_215 = arith.constant 0 : i32
        %dma_start3A_216 = tpu.memref_slice %arg10[%add3A_177, %dma_start3A_215] : memref<25088x64xf32, #tpu.memory_space<vmem_shared>> -> memref<112x64xf32, #tpu.memory_space<vmem_shared>>
        tpu.enqueue_dma source(%dma_start3A_216 : memref<112x64xf32, #tpu.memory_space<vmem_shared>>) target(%dma_start3A_214 : memref<112x64xf32, #tpu.memory_space<vmem>>) target_semaphore(%run_scoped3A : memref<!tpu.dma_semaphore, #tpu.memory_space<semaphore_mem>>)
        %dma_wait3A_217 = arith.constant 0 : i32
        %dma_wait3A_218 = arith.constant 0 : i32
        %dma_wait3A_219 = tpu.memref_slice %arg14[%dma_wait3A_217, %dma_wait3A_218] : memref<128x64xf32, #tpu.memory_space<vmem>> -> memref<112x64xf32, #tpu.memory_space<vmem>>
        %dma_wait3A_220 = arith.constant 0 : i32
        %dma_wait3A_221 = tpu.memref_slice %arg10[%add3A_177, %dma_wait3A_220] : memref<25088x64xf32, #tpu.memory_space<vmem_shared>> -> memref<112x64xf32, #tpu.memory_space<vmem_shared>>
        %dma_wait3A_222 = arith.constant 0 : i32
        %dma_wait3A_223 = arith.constant 0 : i32
        %dma_wait3A_224 = tpu.memref_slice %arg14[%dma_wait3A_222, %dma_wait3A_223] : memref<128x64xf32, #tpu.memory_space<vmem>> -> memref<112x64xf32, #tpu.memory_space<vmem>>
        %dma_wait3A_225 = arith.constant 0 : i32
        %dma_wait3A_226 = tpu.memref_slice %arg10[%add3A_177, %dma_wait3A_225] : memref<25088x64xf32, #tpu.memory_space<vmem_shared>> -> memref<112x64xf32, #tpu.memory_space<vmem_shared>>
        tpu.wait_dma2 semaphore(%run_scoped3A : memref<!tpu.dma_semaphore, #tpu.memory_space<semaphore_mem>>) src(%dma_wait3A_226 : memref<112x64xf32, #tpu.memory_space<vmem_shared>>) dst(%dma_wait3A_224 : memref<112x64xf32, #tpu.memory_space<vmem>>)
        tpu.yield
      }) : () -> ()
      %add3A_178 = arith.addi %add3A_137, %mul3A_172 : i32
      "tpu.region"() ({
        %run_scoped3A = tpu.sem_alloc : memref<!tpu.dma_semaphore, #tpu.memory_space<semaphore_mem>>
        %dma_start3A_207 = arith.constant 0 : i32
        %dma_start3A_208 = arith.constant 0 : i32
        %dma_start3A_209 = tpu.memref_slice %arg15[%dma_start3A_207, %dma_start3A_208] : memref<128x64xf32, #tpu.memory_space<vmem>> -> memref<112x64xf32, #tpu.memory_space<vmem>>
        %dma_start3A_210 = arith.constant 0 : i32
        %dma_start3A_211 = tpu.memref_slice %arg7[%add3A_178, %dma_start3A_210] : memref<50176x64xf32, #tpu.memory_space<hbm>> -> memref<112x64xf32, #tpu.memory_space<hbm>>
        %dma_start3A_212 = arith.constant 0 : i32
        %dma_start3A_213 = arith.constant 0 : i32
        %dma_start3A_214 = tpu.memref_slice %arg15[%dma_start3A_212, %dma_start3A_213] : memref<128x64xf32, #tpu.memory_space<vmem>> -> memref<112x64xf32, #tpu.memory_space<vmem>>
        %dma_start3A_215 = arith.constant 0 : i32
        %dma_start3A_216 = tpu.memref_slice %arg7[%add3A_178, %dma_start3A_215] : memref<50176x64xf32, #tpu.memory_space<hbm>> -> memref<112x64xf32, #tpu.memory_space<hbm>>
        tpu.enqueue_dma source(%dma_start3A_216 : memref<112x64xf32, #tpu.memory_space<hbm>>) target(%dma_start3A_214 : memref<112x64xf32, #tpu.memory_space<vmem>>) target_semaphore(%run_scoped3A : memref<!tpu.dma_semaphore, #tpu.memory_space<semaphore_mem>>)
        %dma_wait3A_217 = arith.constant 0 : i32
        %dma_wait3A_218 = arith.constant 0 : i32
        %dma_wait3A_219 = tpu.memref_slice %arg15[%dma_wait3A_217, %dma_wait3A_218] : memref<128x64xf32, #tpu.memory_space<vmem>> -> memref<112x64xf32, #tpu.memory_space<vmem>>
        %dma_wait3A_220 = arith.constant 0 : i32
        %dma_wait3A_221 = tpu.memref_slice %arg7[%add3A_178, %dma_wait3A_220] : memref<50176x64xf32, #tpu.memory_space<hbm>> -> memref<112x64xf32, #tpu.memory_space<hbm>>
        %dma_wait3A_222 = arith.constant 0 : i32
        %dma_wait3A_223 = arith.constant 0 : i32
        %dma_wait3A_224 = tpu.memref_slice %arg15[%dma_wait3A_222, %dma_wait3A_223] : memref<128x64xf32, #tpu.memory_space<vmem>> -> memref<112x64xf32, #tpu.memory_space<vmem>>
        %dma_wait3A_225 = arith.constant 0 : i32
        %dma_wait3A_226 = tpu.memref_slice %arg7[%add3A_178, %dma_wait3A_225] : memref<50176x64xf32, #tpu.memory_space<hbm>> -> memref<112x64xf32, #tpu.memory_space<hbm>>
        tpu.wait_dma2 semaphore(%run_scoped3A : memref<!tpu.dma_semaphore, #tpu.memory_space<semaphore_mem>>) src(%dma_wait3A_226 : memref<112x64xf32, #tpu.memory_space<hbm>>) dst(%dma_wait3A_224 : memref<112x64xf32, #tpu.memory_space<vmem>>)
        tpu.yield
      }) : () -> ()
      %scan3A_179 = arith.constant 0 : i32
      %scan3A_180 = arith.constant 0 : i32
      %scan3A_181 = arith.constant 112 : i32
      %scan3A_182 = arith.addi %scan3A_180, %scan3A_181 : i32
      %scan3A_183 = arith.constant 1 : i32
      scf.for %scan3A_207 = %scan3A_180 to %scan3A_182 step %scan3A_183  : i32 {
        %add3A_208 = arith.addi %mul3A_172, %scan3A_207 : i32
        %broadcast_in_dim3A = vector.broadcast %add3A_208 : i32 to vector<16xi32>
        %gather3A = tpu.vector_load_idx %arg17[%broadcast_in_dim3A] : memref<1568xf32, #tpu.memory_space<vmem>>[vector<16xi32>], vector<16xf32>,
        %get3A = arith.index_cast %scan3A_207 : i32 to index
        %get3A_209 = arith.constant 0 : index
        %get3A_210 = tpu.vector_load %arg14[%get3A, %get3A_209] {strides = array<i32>} : memref<128x64xf32, #tpu.memory_space<vmem>>, vector<16xf32>,
        %mul3A_211 = arith.mulf %get3A_210, %gather3A : vector<16xf32>
        %max3A = arith.constant 0.000000e+00 : f32
        %max3A_212 = vector.broadcast %max3A : f32 to vector<16xf32>
        %max3A_213 = arith.maximumf %mul3A_211, %max3A_212 : vector<16xf32>
        %get3A_214 = arith.index_cast %scan3A_207 : i32 to index
        %get3A_215 = arith.constant 0 : index
        %get3A_216 = tpu.vector_load %arg15[%get3A_214, %get3A_215] {strides = array<i32>} : memref<128x64xf32, #tpu.memory_space<vmem>>, vector<16xf32>,
        %add3A_217 = arith.addf %get3A_216, %max3A_213 : vector<16xf32>
        %swap3A = arith.index_cast %scan3A_207 : i32 to index
        %swap3A_218 = arith.constant 0 : index
        %swap3A_219 = tpu.vector_load %arg15[%swap3A, %swap3A_218] {strides = array<i32>} : memref<128x64xf32, #tpu.memory_space<vmem>>, vector<16xf32>,
        tpu.vector_store %arg15[%swap3A, %swap3A_218], %add3A_217 {strides = array<i32>} : memref<128x64xf32, #tpu.memory_space<vmem>>, vector<16xf32>,
        %mul3A_220 = arith.mulf %max3A_213, %gather3A : vector<16xf32>
        %swap3A_221 = arith.index_cast %scan3A_207 : i32 to index
        %swap3A_222 = arith.constant 0 : index
        %swap3A_223 = tpu.vector_load %arg14[%swap3A_221, %swap3A_222] {strides = array<i32>} : memref<128x64xf32, #tpu.memory_space<vmem>>, vector<16xf32>,
        tpu.vector_store %arg14[%swap3A_221, %swap3A_222], %mul3A_220 {strides = array<i32>} : memref<128x64xf32, #tpu.memory_space<vmem>>, vector<16xf32>,
        %get3A_224 = arith.index_cast %scan3A_207 : i32 to index
        %get3A_225 = arith.constant 16 : index
        %get3A_226 = tpu.vector_load %arg14[%get3A_224, %get3A_225] {strides = array<i32>} : memref<128x64xf32, #tpu.memory_space<vmem>>, vector<16xf32>,
        %mul3A_227 = arith.mulf %get3A_226, %gather3A : vector<16xf32>
        %max3A_228 = arith.constant 0.000000e+00 : f32
        %max3A_229 = vector.broadcast %max3A_228 : f32 to vector<16xf32>
        %max3A_230 = arith.maximumf %mul3A_227, %max3A_229 : vector<16xf32>
        %get3A_231 = arith.index_cast %scan3A_207 : i32 to index
        %get3A_232 = arith.constant 16 : index
        %get3A_233 = tpu.vector_load %arg15[%get3A_231, %get3A_232] {strides = array<i32>} : memref<128x64xf32, #tpu.memory_space<vmem>>, vector<16xf32>,
        %add3A_234 = arith.addf %get3A_233, %max3A_230 : vector<16xf32>
        %swap3A_235 = arith.index_cast %scan3A_207 : i32 to index
        %swap3A_236 = arith.constant 16 : index
        %swap3A_237 = tpu.vector_load %arg15[%swap3A_235, %swap3A_236] {strides = array<i32>} : memref<128x64xf32, #tpu.memory_space<vmem>>, vector<16xf32>,
        tpu.vector_store %arg15[%swap3A_235, %swap3A_236], %add3A_234 {strides = array<i32>} : memref<128x64xf32, #tpu.memory_space<vmem>>, vector<16xf32>,
        %mul3A_238 = arith.mulf %max3A_230, %gather3A : vector<16xf32>
        %swap3A_239 = arith.index_cast %scan3A_207 : i32 to index
        %swap3A_240 = arith.constant 16 : index
        %swap3A_241 = tpu.vector_load %arg14[%swap3A_239, %swap3A_240] {strides = array<i32>} : memref<128x64xf32, #tpu.memory_space<vmem>>, vector<16xf32>,
        tpu.vector_store %arg14[%swap3A_239, %swap3A_240], %mul3A_238 {strides = array<i32>} : memref<128x64xf32, #tpu.memory_space<vmem>>, vector<16xf32>,
        %get3A_242 = arith.index_cast %scan3A_207 : i32 to index
        %get3A_243 = arith.constant 32 : index
        %get3A_244 = tpu.vector_load %arg14[%get3A_242, %get3A_243] {strides = array<i32>} : memref<128x64xf32, #tpu.memory_space<vmem>>, vector<16xf32>,
        %mul3A_245 = arith.mulf %get3A_244, %gather3A : vector<16xf32>
        %max3A_246 = arith.constant 0.000000e+00 : f32
        %max3A_247 = vector.broadcast %max3A_246 : f32 to vector<16xf32>
        %max3A_248 = arith.maximumf %mul3A_245, %max3A_247 : vector<16xf32>
        %get3A_249 = arith.index_cast %scan3A_207 : i32 to index
        %get3A_250 = arith.constant 32 : index
        %get3A_251 = tpu.vector_load %arg15[%get3A_249, %get3A_250] {strides = array<i32>} : memref<128x64xf32, #tpu.memory_space<vmem>>, vector<16xf32>,
        %add3A_252 = arith.addf %get3A_251, %max3A_248 : vector<16xf32>
        %swap3A_253 = arith.index_cast %scan3A_207 : i32 to index
        %swap3A_254 = arith.constant 32 : index
        %swap3A_255 = tpu.vector_load %arg15[%swap3A_253, %swap3A_254] {strides = array<i32>} : memref<128x64xf32, #tpu.memory_space<vmem>>, vector<16xf32>,
        tpu.vector_store %arg15[%swap3A_253, %swap3A_254], %add3A_252 {strides = array<i32>} : memref<128x64xf32, #tpu.memory_space<vmem>>, vector<16xf32>,
        %mul3A_256 = arith.mulf %max3A_248, %gather3A : vector<16xf32>
        %swap3A_257 = arith.index_cast %scan3A_207 : i32 to index
        %swap3A_258 = arith.constant 32 : index
        %swap3A_259 = tpu.vector_load %arg14[%swap3A_257, %swap3A_258] {strides = array<i32>} : memref<128x64xf32, #tpu.memory_space<vmem>>, vector<16xf32>,
        tpu.vector_store %arg14[%swap3A_257, %swap3A_258], %mul3A_256 {strides = array<i32>} : memref<128x64xf32, #tpu.memory_space<vmem>>, vector<16xf32>,
        %get3A_260 = arith.index_cast %scan3A_207 : i32 to index
        %get3A_261 = arith.constant 48 : index
        %get3A_262 = tpu.vector_load %arg14[%get3A_260, %get3A_261] {strides = array<i32>} : memref<128x64xf32, #tpu.memory_space<vmem>>, vector<16xf32>,
        %mul3A_263 = arith.mulf %get3A_262, %gather3A : vector<16xf32>
        %max3A_264 = arith.constant 0.000000e+00 : f32
        %max3A_265 = vector.broadcast %max3A_264 : f32 to vector<16xf32>
        %max3A_266 = arith.maximumf %mul3A_263, %max3A_265 : vector<16xf32>
        %get3A_267 = arith.index_cast %scan3A_207 : i32 to index
        %get3A_268 = arith.constant 48 : index
        %get3A_269 = tpu.vector_load %arg15[%get3A_267, %get3A_268] {strides = array<i32>} : memref<128x64xf32, #tpu.memory_space<vmem>>, vector<16xf32>,
        %add3A_270 = arith.addf %get3A_269, %max3A_266 : vector<16xf32>
        %swap3A_271 = arith.index_cast %scan3A_207 : i32 to index
        %swap3A_272 = arith.constant 48 : index
        %swap3A_273 = tpu.vector_load %arg15[%swap3A_271, %swap3A_272] {strides = array<i32>} : memref<128x64xf32, #tpu.memory_space<vmem>>, vector<16xf32>,
        tpu.vector_store %arg15[%swap3A_271, %swap3A_272], %add3A_270 {strides = array<i32>} : memref<128x64xf32, #tpu.memory_space<vmem>>, vector<16xf32>,
        %mul3A_274 = arith.mulf %max3A_266, %gather3A : vector<16xf32>
        %swap3A_275 = arith.index_cast %scan3A_207 : i32 to index
        %swap3A_276 = arith.constant 48 : index
        %swap3A_277 = tpu.vector_load %arg14[%swap3A_275, %swap3A_276] {strides = array<i32>} : memref<128x64xf32, #tpu.memory_space<vmem>>, vector<16xf32>,
        tpu.vector_store %arg14[%swap3A_275, %swap3A_276], %mul3A_274 {strides = array<i32>} : memref<128x64xf32, #tpu.memory_space<vmem>>, vector<16xf32>,
      }
      %scan3A_184 = arith.constant 112 : i32
      %add3A_185 = arith.addi %add3A_137, %mul3A_172 : i32
      %dma_start3A_186 = arith.constant 0 : i32
      %dma_start3A_187 = arith.constant 0 : i32
      %dma_start3A_188 = tpu.memref_slice %arg15[%dma_start3A_186, %dma_start3A_187] : memref<128x64xf32, #tpu.memory_space<vmem>> -> memref<112x64xf32, #tpu.memory_space<vmem>>
      %dma_start3A_189 = arith.constant 0 : i32
      %dma_start3A_190 = tpu.memref_slice %arg8[%add3A_185, %dma_start3A_189] : memref<50176x64xf32, #tpu.memory_space<hbm>> -> memref<112x64xf32, #tpu.memory_space<hbm>>
      %dma_start3A_191 = arith.constant 0 : i32
      %dma_start3A_192 = tpu.memref_slice %arg8[%add3A_185, %dma_start3A_191] : memref<50176x64xf32, #tpu.memory_space<hbm>> -> memref<112x64xf32, #tpu.memory_space<hbm>>
      %dma_start3A_193 = arith.constant 0 : i32
      %dma_start3A_194 = arith.constant 0 : i32
      %dma_start3A_195 = tpu.memref_slice %arg15[%dma_start3A_193, %dma_start3A_194] : memref<128x64xf32, #tpu.memory_space<vmem>> -> memref<112x64xf32, #tpu.memory_space<vmem>>
      tpu.enqueue_dma source(%dma_start3A_195 : memref<112x64xf32, #tpu.memory_space<vmem>>) target(%dma_start3A_192 : memref<112x64xf32, #tpu.memory_space<hbm>>) target_semaphore(%arg21 : memref<!tpu.dma_semaphore, #tpu.memory_space<semaphore_mem>>)
      %add3A_196 = arith.addi %add3A_143, %mul3A_172 : i32
      %dma_start3A_197 = arith.constant 0 : i32
      %dma_start3A_198 = arith.constant 0 : i32
      %dma_start3A_199 = tpu.memref_slice %arg14[%dma_start3A_197, %dma_start3A_198] : memref<128x64xf32, #tpu.memory_space<vmem>> -> memref<112x64xf32, #tpu.memory_space<vmem>>
      %dma_start3A_200 = arith.constant 0 : i32
      %dma_start3A_201 = tpu.memref_slice %arg9[%add3A_196, %dma_start3A_200] : memref<50176x64xf32, #tpu.memory_space<hbm>> -> memref<112x64xf32, #tpu.memory_space<hbm>>
      %dma_start3A_202 = arith.constant 0 : i32
      %dma_start3A_203 = tpu.memref_slice %arg9[%add3A_196, %dma_start3A_202] : memref<50176x64xf32, #tpu.memory_space<hbm>> -> memref<112x64xf32, #tpu.memory_space<hbm>>
      %dma_start3A_204 = arith.constant 0 : i32
      %dma_start3A_205 = arith.constant 0 : i32
      %dma_start3A_206 = tpu.memref_slice %arg14[%dma_start3A_204, %dma_start3A_205] : memref<128x64xf32, #tpu.memory_space<vmem>> -> memref<112x64xf32, #tpu.memory_space<vmem>>
      tpu.enqueue_dma source(%dma_start3A_206 : memref<112x64xf32, #tpu.memory_space<vmem>>) target(%dma_start3A_203 : memref<112x64xf32, #tpu.memory_space<hbm>>) target_semaphore(%arg21 : memref<!tpu.dma_semaphore, #tpu.memory_space<semaphore_mem>>)
    }
    %scan3A_149 = arith.constant 14 : i32
    %dma_wait3A_150 = arith.constant 0 : i32
    %dma_wait3A_151 = arith.constant 0 : i32
    %dma_wait3A_152 = tpu.memref_slice %arg15[%dma_wait3A_150, %dma_wait3A_151] : memref<128x64xf32, #tpu.memory_space<vmem>> -> memref<112x64xf32, #tpu.memory_space<vmem>>
    %dma_wait3A_153 = arith.constant 0 : i32
    %dma_wait3A_154 = tpu.memref_slice %arg8[%add3A_137, %dma_wait3A_153] : memref<50176x64xf32, #tpu.memory_space<hbm>> -> memref<112x64xf32, #tpu.memory_space<hbm>>
    %dma_wait3A_155 = arith.constant 0 : i32
    %dma_wait3A_156 = tpu.memref_slice %arg8[%add3A_137, %dma_wait3A_155] : memref<50176x64xf32, #tpu.memory_space<hbm>> -> memref<112x64xf32, #tpu.memory_space<hbm>>
    %dma_wait3A_157 = arith.constant 0 : i32
    %dma_wait3A_158 = arith.constant 0 : i32
    %dma_wait3A_159 = tpu.memref_slice %arg15[%dma_wait3A_157, %dma_wait3A_158] : memref<128x64xf32, #tpu.memory_space<vmem>> -> memref<112x64xf32, #tpu.memory_space<vmem>>
    tpu.wait_dma2 semaphore(%arg21 : memref<!tpu.dma_semaphore, #tpu.memory_space<semaphore_mem>>) src(%dma_wait3A_159 : memref<112x64xf32, #tpu.memory_space<vmem>>) dst(%dma_wait3A_156 : memref<112x64xf32, #tpu.memory_space<hbm>>)
    %dma_wait3A_160 = arith.constant 0 : i32
    %dma_wait3A_161 = arith.constant 0 : i32
    %dma_wait3A_162 = tpu.memref_slice %arg15[%dma_wait3A_160, %dma_wait3A_161] : memref<128x64xf32, #tpu.memory_space<vmem>> -> memref<112x64xf32, #tpu.memory_space<vmem>>
    %dma_wait3A_163 = arith.constant 0 : i32
    %dma_wait3A_164 = tpu.memref_slice %arg8[%add3A_137, %dma_wait3A_163] : memref<50176x64xf32, #tpu.memory_space<hbm>> -> memref<112x64xf32, #tpu.memory_space<hbm>>
    %dma_wait3A_165 = arith.constant 0 : i32
    %dma_wait3A_166 = tpu.memref_slice %arg8[%add3A_137, %dma_wait3A_165] : memref<50176x64xf32, #tpu.memory_space<hbm>> -> memref<112x64xf32, #tpu.memory_space<hbm>>
    %dma_wait3A_167 = arith.constant 0 : i32
    %dma_wait3A_168 = arith.constant 0 : i32
    %dma_wait3A_169 = tpu.memref_slice %arg15[%dma_wait3A_167, %dma_wait3A_168] : memref<128x64xf32, #tpu.memory_space<vmem>> -> memref<112x64xf32, #tpu.memory_space<vmem>>
    tpu.wait_dma2 semaphore(%arg21 : memref<!tpu.dma_semaphore, #tpu.memory_space<semaphore_mem>>) src(%dma_wait3A_169 : memref<112x64xf32, #tpu.memory_space<vmem>>) dst(%dma_wait3A_166 : memref<112x64xf32, #tpu.memory_space<hbm>>)
    return
  }
}

#map = affine_map<(d0, d1) -> (0, 0)>
#map1 = affine_map<(d0, d1) -> (0)>
module attributes {stable_mosaic.version = 14 : i64} {
  func.func @body(%arg0: i32, %arg1: i32, %arg2: memref<50176x64xf32, #tpu.memory_space<hbm>>, %arg3: memref<12672x128xi32, #tpu.memory_space<hbm>>, %arg4: memref<12672x128xi32, #tpu.memory_space<hbm>>, %arg5: memref<25088x64xf32, #tpu.memory_space<hbm>>, %arg6: memref<50176xf32, #tpu.memory_space<hbm>>, %arg7: memref<50176x64xf32, #tpu.memory_space<hbm>>, %arg8: memref<50176x64xf32, #tpu.memory_space<hbm>>, %arg9: memref<25088x64xf32, #tpu.memory_space<vmem_shared>>, %arg10: memref<2x128xi32, #tpu.memory_space<vmem>>, %arg11: memref<2x128xi32, #tpu.memory_space<vmem>>, %arg12: memref<2x128xi32, #tpu.memory_space<vmem>>, %arg13: memref<128x64xf32, #tpu.memory_space<vmem>>, %arg14: memref<128x64xf32, #tpu.memory_space<vmem>>, %arg15: memref<128x64xf32, #tpu.memory_space<vmem>>, %arg16: memref<1568xf32, #tpu.memory_space<vmem>>, %arg17: memref<!tpu.dma_semaphore, #tpu.memory_space<semaphore_mem>>, %arg18: memref<!tpu.dma_semaphore, #tpu.memory_space<semaphore_mem>>, %arg19: memref<!tpu.dma_semaphore, #tpu.memory_space<semaphore_mem>>, %arg20: memref<!tpu.dma_semaphore, #tpu.memory_space<semaphore_mem>>, %arg21: memref<!tpu.dma_semaphore, #tpu.memory_space<semaphore_mem>>, %arg22: memref<!tpu.dma_semaphore, #tpu.memory_space<semaphore_mem>>) attributes {dimension_semantics = [#tpu.dimension_semantics<core_parallel>, #tpu.dimension_semantics<subcore_parallel>], iteration_bounds = array<i64: 2, 16>, scalar_prefetch = 0 : i64, scratch_operands = 14 : i64, tpu.core_type = #tpu.core_type<sc_vector_subcore>, window_params = [{transform_indices = #map}, {transform_indices = #map}, {transform_indices = #map}, {transform_indices = #map}, {transform_indices = #map1}, {transform_indices = #map}, {transform_indices = #map}]} {
    %mul3A = arith.constant 1568 : i32
    %mul3A_0 = arith.muli %arg1, %mul3A : i32
    "tpu.region"() ({
      %run_scoped3A = tpu.sem_alloc : memref<!tpu.dma_semaphore, #tpu.memory_space<semaphore_mem>>
      %dma_start3A_160 = arith.constant 0 : i32
      %dma_start3A_161 = tpu.memref_slice %arg9[%mul3A_0, %dma_start3A_160] : memref<25088x64xf32, #tpu.memory_space<vmem_shared>> -> memref<1568x64xf32, #tpu.memory_space<vmem_shared>>
      %dma_start3A_162 = arith.constant 0 : i32
      %dma_start3A_163 = tpu.memref_slice %arg5[%mul3A_0, %dma_start3A_162] : memref<25088x64xf32, #tpu.memory_space<hbm>> -> memref<1568x64xf32, #tpu.memory_space<hbm>>
      tpu.enqueue_dma source(%dma_start3A_163 : memref<1568x64xf32, #tpu.memory_space<hbm>>) target(%dma_start3A_161 : memref<1568x64xf32, #tpu.memory_space<vmem_shared>>) target_semaphore(%run_scoped3A : memref<!tpu.dma_semaphore, #tpu.memory_space<semaphore_mem>>)
      %dma_wait3A_164 = arith.constant 0 : i32
      %dma_wait3A_165 = tpu.memref_slice %arg9[%mul3A_0, %dma_wait3A_164] : memref<25088x64xf32, #tpu.memory_space<vmem_shared>> -> memref<1568x64xf32, #tpu.memory_space<vmem_shared>>
      %dma_wait3A_166 = arith.constant 0 : i32
      %dma_wait3A_167 = tpu.memref_slice %arg5[%mul3A_0, %dma_wait3A_166] : memref<25088x64xf32, #tpu.memory_space<hbm>> -> memref<1568x64xf32, #tpu.memory_space<hbm>>
      tpu.wait_dma2 semaphore(%run_scoped3A : memref<!tpu.dma_semaphore, #tpu.memory_space<semaphore_mem>>) src(%dma_wait3A_167 : memref<1568x64xf32, #tpu.memory_space<hbm>>) dst(%dma_wait3A_165 : memref<1568x64xf32, #tpu.memory_space<vmem_shared>>)
      tpu.yield
    }) : () -> ()
    %barrier3A = arith.constant 0 : index
    tpu.barrier barrier_id(%barrier3A)
    %mul3A_1 = arith.constant 16 : i32
    %mul3A_2 = arith.muli %arg0, %mul3A_1 : i32
    %add3A = arith.addi %mul3A_2, %arg1 : i32
    %mul3A_3 = arith.constant 396 : i32
    %mul3A_4 = arith.muli %add3A, %mul3A_3 : i32
    %add3A_5 = arith.constant 0 : i32
    %add3A_6 = arith.addi %mul3A_4, %add3A_5 : i32
    %dma_start3A = arith.constant 0 : i32
    %dma_start3A_7 = arith.constant 0 : i32
    %dma_start3A_8 = tpu.memref_slice %arg10[%dma_start3A, %dma_start3A_7] : memref<2x128xi32, #tpu.memory_space<vmem>> -> memref<1x128xi32, #tpu.memory_space<vmem>>
    %dma_start3A_9 = tpu.memref_squeeze %dma_start3A_8 : memref<1x128xi32, #tpu.memory_space<vmem>> -> memref<128xi32, #tpu.memory_space<vmem>>
    %dma_start3A_10 = arith.constant 0 : i32
    %dma_start3A_11 = tpu.memref_slice %arg3[%add3A_6, %dma_start3A_10] : memref<12672x128xi32, #tpu.memory_space<hbm>> -> memref<1x128xi32, #tpu.memory_space<hbm>>
    %dma_start3A_12 = tpu.memref_squeeze %dma_start3A_11 : memref<1x128xi32, #tpu.memory_space<hbm>> -> memref<128xi32, #tpu.memory_space<hbm>>
    %dma_start3A_13 = arith.constant 0 : i32
    %dma_start3A_14 = tpu.memref_slice %arg10[%dma_start3A, %dma_start3A_13] : memref<2x128xi32, #tpu.memory_space<vmem>> -> memref<1x128xi32, #tpu.memory_space<vmem>>
    %dma_start3A_15 = tpu.memref_squeeze %dma_start3A_14 : memref<1x128xi32, #tpu.memory_space<vmem>> -> memref<128xi32, #tpu.memory_space<vmem>>
    %dma_start3A_16 = arith.constant 0 : i32
    %dma_start3A_17 = tpu.memref_slice %arg3[%add3A_6, %dma_start3A_16] : memref<12672x128xi32, #tpu.memory_space<hbm>> -> memref<1x128xi32, #tpu.memory_space<hbm>>
    %dma_start3A_18 = tpu.memref_squeeze %dma_start3A_17 : memref<1x128xi32, #tpu.memory_space<hbm>> -> memref<128xi32, #tpu.memory_space<hbm>>
    tpu.enqueue_dma source(%dma_start3A_18 : memref<128xi32, #tpu.memory_space<hbm>>) target(%dma_start3A_15 : memref<128xi32, #tpu.memory_space<vmem>>) target_semaphore(%arg17 : memref<!tpu.dma_semaphore, #tpu.memory_space<semaphore_mem>>)
    %dma_start3A_19 = arith.constant 1 : i32
    %dma_start3A_20 = arith.constant 0 : i32
    %dma_start3A_21 = tpu.memref_slice %arg10[%dma_start3A_19, %dma_start3A_20] : memref<2x128xi32, #tpu.memory_space<vmem>> -> memref<1x128xi32, #tpu.memory_space<vmem>>
    %dma_start3A_22 = tpu.memref_squeeze %dma_start3A_21 : memref<1x128xi32, #tpu.memory_space<vmem>> -> memref<128xi32, #tpu.memory_space<vmem>>
    %dma_start3A_23 = arith.constant 0 : i32
    %dma_start3A_24 = tpu.memref_slice %arg4[%add3A_6, %dma_start3A_23] : memref<12672x128xi32, #tpu.memory_space<hbm>> -> memref<1x128xi32, #tpu.memory_space<hbm>>
    %dma_start3A_25 = tpu.memref_squeeze %dma_start3A_24 : memref<1x128xi32, #tpu.memory_space<hbm>> -> memref<128xi32, #tpu.memory_space<hbm>>
    %dma_start3A_26 = arith.constant 0 : i32
    %dma_start3A_27 = tpu.memref_slice %arg10[%dma_start3A_19, %dma_start3A_26] : memref<2x128xi32, #tpu.memory_space<vmem>> -> memref<1x128xi32, #tpu.memory_space<vmem>>
    %dma_start3A_28 = tpu.memref_squeeze %dma_start3A_27 : memref<1x128xi32, #tpu.memory_space<vmem>> -> memref<128xi32, #tpu.memory_space<vmem>>
    %dma_start3A_29 = arith.constant 0 : i32
    %dma_start3A_30 = tpu.memref_slice %arg4[%add3A_6, %dma_start3A_29] : memref<12672x128xi32, #tpu.memory_space<hbm>> -> memref<1x128xi32, #tpu.memory_space<hbm>>
    %dma_start3A_31 = tpu.memref_squeeze %dma_start3A_30 : memref<1x128xi32, #tpu.memory_space<hbm>> -> memref<128xi32, #tpu.memory_space<hbm>>
    tpu.enqueue_dma source(%dma_start3A_31 : memref<128xi32, #tpu.memory_space<hbm>>) target(%dma_start3A_28 : memref<128xi32, #tpu.memory_space<vmem>>) target_semaphore(%arg17 : memref<!tpu.dma_semaphore, #tpu.memory_space<semaphore_mem>>)
    %add3A_32 = arith.constant 1 : i32
    %add3A_33 = arith.addi %mul3A_4, %add3A_32 : i32
    %dma_start3A_34 = arith.constant 0 : i32
    %dma_start3A_35 = arith.constant 0 : i32
    %dma_start3A_36 = tpu.memref_slice %arg11[%dma_start3A_34, %dma_start3A_35] : memref<2x128xi32, #tpu.memory_space<vmem>> -> memref<1x128xi32, #tpu.memory_space<vmem>>
    %dma_start3A_37 = tpu.memref_squeeze %dma_start3A_36 : memref<1x128xi32, #tpu.memory_space<vmem>> -> memref<128xi32, #tpu.memory_space<vmem>>
    %dma_start3A_38 = arith.constant 0 : i32
    %dma_start3A_39 = tpu.memref_slice %arg3[%add3A_33, %dma_start3A_38] : memref<12672x128xi32, #tpu.memory_space<hbm>> -> memref<1x128xi32, #tpu.memory_space<hbm>>
    %dma_start3A_40 = tpu.memref_squeeze %dma_start3A_39 : memref<1x128xi32, #tpu.memory_space<hbm>> -> memref<128xi32, #tpu.memory_space<hbm>>
    %dma_start3A_41 = arith.constant 0 : i32
    %dma_start3A_42 = tpu.memref_slice %arg11[%dma_start3A_34, %dma_start3A_41] : memref<2x128xi32, #tpu.memory_space<vmem>> -> memref<1x128xi32, #tpu.memory_space<vmem>>
    %dma_start3A_43 = tpu.memref_squeeze %dma_start3A_42 : memref<1x128xi32, #tpu.memory_space<vmem>> -> memref<128xi32, #tpu.memory_space<vmem>>
    %dma_start3A_44 = arith.constant 0 : i32
    %dma_start3A_45 = tpu.memref_slice %arg3[%add3A_33, %dma_start3A_44] : memref<12672x128xi32, #tpu.memory_space<hbm>> -> memref<1x128xi32, #tpu.memory_space<hbm>>
    %dma_start3A_46 = tpu.memref_squeeze %dma_start3A_45 : memref<1x128xi32, #tpu.memory_space<hbm>> -> memref<128xi32, #tpu.memory_space<hbm>>
    tpu.enqueue_dma source(%dma_start3A_46 : memref<128xi32, #tpu.memory_space<hbm>>) target(%dma_start3A_43 : memref<128xi32, #tpu.memory_space<vmem>>) target_semaphore(%arg18 : memref<!tpu.dma_semaphore, #tpu.memory_space<semaphore_mem>>)
    %dma_start3A_47 = arith.constant 1 : i32
    %dma_start3A_48 = arith.constant 0 : i32
    %dma_start3A_49 = tpu.memref_slice %arg11[%dma_start3A_47, %dma_start3A_48] : memref<2x128xi32, #tpu.memory_space<vmem>> -> memref<1x128xi32, #tpu.memory_space<vmem>>
    %dma_start3A_50 = tpu.memref_squeeze %dma_start3A_49 : memref<1x128xi32, #tpu.memory_space<vmem>> -> memref<128xi32, #tpu.memory_space<vmem>>
    %dma_start3A_51 = arith.constant 0 : i32
    %dma_start3A_52 = tpu.memref_slice %arg4[%add3A_33, %dma_start3A_51] : memref<12672x128xi32, #tpu.memory_space<hbm>> -> memref<1x128xi32, #tpu.memory_space<hbm>>
    %dma_start3A_53 = tpu.memref_squeeze %dma_start3A_52 : memref<1x128xi32, #tpu.memory_space<hbm>> -> memref<128xi32, #tpu.memory_space<hbm>>
    %dma_start3A_54 = arith.constant 0 : i32
    %dma_start3A_55 = tpu.memref_slice %arg11[%dma_start3A_47, %dma_start3A_54] : memref<2x128xi32, #tpu.memory_space<vmem>> -> memref<1x128xi32, #tpu.memory_space<vmem>>
    %dma_start3A_56 = tpu.memref_squeeze %dma_start3A_55 : memref<1x128xi32, #tpu.memory_space<vmem>> -> memref<128xi32, #tpu.memory_space<vmem>>
    %dma_start3A_57 = arith.constant 0 : i32
    %dma_start3A_58 = tpu.memref_slice %arg4[%add3A_33, %dma_start3A_57] : memref<12672x128xi32, #tpu.memory_space<hbm>> -> memref<1x128xi32, #tpu.memory_space<hbm>>
    %dma_start3A_59 = tpu.memref_squeeze %dma_start3A_58 : memref<1x128xi32, #tpu.memory_space<hbm>> -> memref<128xi32, #tpu.memory_space<hbm>>
    tpu.enqueue_dma source(%dma_start3A_59 : memref<128xi32, #tpu.memory_space<hbm>>) target(%dma_start3A_56 : memref<128xi32, #tpu.memory_space<vmem>>) target_semaphore(%arg18 : memref<!tpu.dma_semaphore, #tpu.memory_space<semaphore_mem>>)
    %add3A_60 = arith.constant 2 : i32
    %add3A_61 = arith.addi %mul3A_4, %add3A_60 : i32
    %dma_start3A_62 = arith.constant 0 : i32
    %dma_start3A_63 = arith.constant 0 : i32
    %dma_start3A_64 = tpu.memref_slice %arg12[%dma_start3A_62, %dma_start3A_63] : memref<2x128xi32, #tpu.memory_space<vmem>> -> memref<1x128xi32, #tpu.memory_space<vmem>>
    %dma_start3A_65 = tpu.memref_squeeze %dma_start3A_64 : memref<1x128xi32, #tpu.memory_space<vmem>> -> memref<128xi32, #tpu.memory_space<vmem>>
    %dma_start3A_66 = arith.constant 0 : i32
    %dma_start3A_67 = tpu.memref_slice %arg3[%add3A_61, %dma_start3A_66] : memref<12672x128xi32, #tpu.memory_space<hbm>> -> memref<1x128xi32, #tpu.memory_space<hbm>>
    %dma_start3A_68 = tpu.memref_squeeze %dma_start3A_67 : memref<1x128xi32, #tpu.memory_space<hbm>> -> memref<128xi32, #tpu.memory_space<hbm>>
    %dma_start3A_69 = arith.constant 0 : i32
    %dma_start3A_70 = tpu.memref_slice %arg12[%dma_start3A_62, %dma_start3A_69] : memref<2x128xi32, #tpu.memory_space<vmem>> -> memref<1x128xi32, #tpu.memory_space<vmem>>
    %dma_start3A_71 = tpu.memref_squeeze %dma_start3A_70 : memref<1x128xi32, #tpu.memory_space<vmem>> -> memref<128xi32, #tpu.memory_space<vmem>>
    %dma_start3A_72 = arith.constant 0 : i32
    %dma_start3A_73 = tpu.memref_slice %arg3[%add3A_61, %dma_start3A_72] : memref<12672x128xi32, #tpu.memory_space<hbm>> -> memref<1x128xi32, #tpu.memory_space<hbm>>
    %dma_start3A_74 = tpu.memref_squeeze %dma_start3A_73 : memref<1x128xi32, #tpu.memory_space<hbm>> -> memref<128xi32, #tpu.memory_space<hbm>>
    tpu.enqueue_dma source(%dma_start3A_74 : memref<128xi32, #tpu.memory_space<hbm>>) target(%dma_start3A_71 : memref<128xi32, #tpu.memory_space<vmem>>) target_semaphore(%arg19 : memref<!tpu.dma_semaphore, #tpu.memory_space<semaphore_mem>>)
    %dma_start3A_75 = arith.constant 1 : i32
    %dma_start3A_76 = arith.constant 0 : i32
    %dma_start3A_77 = tpu.memref_slice %arg12[%dma_start3A_75, %dma_start3A_76] : memref<2x128xi32, #tpu.memory_space<vmem>> -> memref<1x128xi32, #tpu.memory_space<vmem>>
    %dma_start3A_78 = tpu.memref_squeeze %dma_start3A_77 : memref<1x128xi32, #tpu.memory_space<vmem>> -> memref<128xi32, #tpu.memory_space<vmem>>
    %dma_start3A_79 = arith.constant 0 : i32
    %dma_start3A_80 = tpu.memref_slice %arg4[%add3A_61, %dma_start3A_79] : memref<12672x128xi32, #tpu.memory_space<hbm>> -> memref<1x128xi32, #tpu.memory_space<hbm>>
    %dma_start3A_81 = tpu.memref_squeeze %dma_start3A_80 : memref<1x128xi32, #tpu.memory_space<hbm>> -> memref<128xi32, #tpu.memory_space<hbm>>
    %dma_start3A_82 = arith.constant 0 : i32
    %dma_start3A_83 = tpu.memref_slice %arg12[%dma_start3A_75, %dma_start3A_82] : memref<2x128xi32, #tpu.memory_space<vmem>> -> memref<1x128xi32, #tpu.memory_space<vmem>>
    %dma_start3A_84 = tpu.memref_squeeze %dma_start3A_83 : memref<1x128xi32, #tpu.memory_space<vmem>> -> memref<128xi32, #tpu.memory_space<vmem>>
    %dma_start3A_85 = arith.constant 0 : i32
    %dma_start3A_86 = tpu.memref_slice %arg4[%add3A_61, %dma_start3A_85] : memref<12672x128xi32, #tpu.memory_space<hbm>> -> memref<1x128xi32, #tpu.memory_space<hbm>>
    %dma_start3A_87 = tpu.memref_squeeze %dma_start3A_86 : memref<1x128xi32, #tpu.memory_space<hbm>> -> memref<128xi32, #tpu.memory_space<hbm>>
    tpu.enqueue_dma source(%dma_start3A_87 : memref<128xi32, #tpu.memory_space<hbm>>) target(%dma_start3A_84 : memref<128xi32, #tpu.memory_space<vmem>>) target_semaphore(%arg19 : memref<!tpu.dma_semaphore, #tpu.memory_space<semaphore_mem>>)
    %dma_wait3A = arith.constant 0 : i32
    %dma_wait3A_88 = tpu.memref_slice %arg3[%mul3A_4, %dma_wait3A] : memref<12672x128xi32, #tpu.memory_space<hbm>> -> memref<2x128xi32, #tpu.memory_space<hbm>>
    %dma_wait3A_89 = arith.constant 0 : i32
    %dma_wait3A_90 = tpu.memref_slice %arg3[%mul3A_4, %dma_wait3A_89] : memref<12672x128xi32, #tpu.memory_space<hbm>> -> memref<2x128xi32, #tpu.memory_space<hbm>>
    tpu.wait_dma2 semaphore(%arg17 : memref<!tpu.dma_semaphore, #tpu.memory_space<semaphore_mem>>) src(%dma_wait3A_90 : memref<2x128xi32, #tpu.memory_space<hbm>>) dst(%arg10 : memref<2x128xi32, #tpu.memory_space<vmem>>)
    %dma_start3A_91 = arith.constant 0 : i32
    %dma_start3A_92 = arith.constant 0 : i32
    %dma_start3A_93 = tpu.memref_slice %arg10[%dma_start3A_91, %dma_start3A_92] : memref<2x128xi32, #tpu.memory_space<vmem>> -> memref<1x128xi32, #tpu.memory_space<vmem>>
    %dma_start3A_94 = tpu.memref_squeeze %dma_start3A_93 : memref<1x128xi32, #tpu.memory_space<vmem>> -> memref<128xi32, #tpu.memory_space<vmem>>
    %dma_start3A_95 = arith.constant 0 : i32
    %dma_start3A_96 = arith.constant 0 : i32
    %dma_start3A_97 = tpu.memref_slice %arg2[%dma_start3A_95, %dma_start3A_96] : memref<50176x64xf32, #tpu.memory_space<hbm>> -> memref<50176x64xf32, #tpu.memory_space<hbm>>
    tpu.enqueue_indirect_dma source(%dma_start3A_97 : memref<50176x64xf32, #tpu.memory_space<hbm>>) target(%arg13 : memref<128x64xf32, #tpu.memory_space<vmem>>) offsets(%dma_start3A_94 : memref<128xi32, #tpu.memory_space<vmem>>) semaphore(%arg20 : memref<!tpu.dma_semaphore, #tpu.memory_space<semaphore_mem>>)
    %dma_wait3A_98 = arith.constant 0 : i32
    %dma_wait3A_99 = tpu.memref_slice %arg3[%mul3A_4, %dma_wait3A_98] : memref<12672x128xi32, #tpu.memory_space<hbm>> -> memref<2x128xi32, #tpu.memory_space<hbm>>
    %dma_wait3A_100 = arith.constant 0 : i32
    %dma_wait3A_101 = tpu.memref_slice %arg3[%mul3A_4, %dma_wait3A_100] : memref<12672x128xi32, #tpu.memory_space<hbm>> -> memref<2x128xi32, #tpu.memory_space<hbm>>
    tpu.wait_dma2 semaphore(%arg18 : memref<!tpu.dma_semaphore, #tpu.memory_space<semaphore_mem>>) src(%dma_wait3A_101 : memref<2x128xi32, #tpu.memory_space<hbm>>) dst(%arg11 : memref<2x128xi32, #tpu.memory_space<vmem>>)
    %dma_start3A_102 = arith.constant 0 : i32
    %dma_start3A_103 = arith.constant 0 : i32
    %dma_start3A_104 = tpu.memref_slice %arg11[%dma_start3A_102, %dma_start3A_103] : memref<2x128xi32, #tpu.memory_space<vmem>> -> memref<1x128xi32, #tpu.memory_space<vmem>>
    %dma_start3A_105 = tpu.memref_squeeze %dma_start3A_104 : memref<1x128xi32, #tpu.memory_space<vmem>> -> memref<128xi32, #tpu.memory_space<vmem>>
    %dma_start3A_106 = arith.constant 0 : i32
    %dma_start3A_107 = arith.constant 0 : i32
    %dma_start3A_108 = tpu.memref_slice %arg2[%dma_start3A_106, %dma_start3A_107] : memref<50176x64xf32, #tpu.memory_space<hbm>> -> memref<50176x64xf32, #tpu.memory_space<hbm>>
    tpu.enqueue_indirect_dma source(%dma_start3A_108 : memref<50176x64xf32, #tpu.memory_space<hbm>>) target(%arg14 : memref<128x64xf32, #tpu.memory_space<vmem>>) offsets(%dma_start3A_105 : memref<128xi32, #tpu.memory_space<vmem>>) semaphore(%arg21 : memref<!tpu.dma_semaphore, #tpu.memory_space<semaphore_mem>>)
    %scan3A = arith.constant 0 : i32
    %scan3A_109 = arith.constant 0 : i32
    %scan3A_110 = arith.constant 131 : i32
    %scan3A_111 = arith.addi %scan3A_109, %scan3A_110 : i32
    %scan3A_112 = arith.constant 1 : i32
    scf.for %scan3A_160 = %scan3A_109 to %scan3A_111 step %scan3A_112  : i32 {
      %mul3A_161 = arith.constant 3 : i32
      %mul3A_162 = arith.muli %mul3A_161, %scan3A_160 : i32
      %add3A_163 = arith.addi %mul3A_4, %mul3A_162 : i32
      %dma_wait3A_164 = arith.constant 0 : i32
      %dma_wait3A_165 = arith.constant 0 : i32
      %dma_wait3A_166 = tpu.memref_slice %arg10[%dma_wait3A_164, %dma_wait3A_165] : memref<2x128xi32, #tpu.memory_space<vmem>> -> memref<1x128xi32, #tpu.memory_space<vmem>>
      %dma_wait3A_167 = tpu.memref_squeeze %dma_wait3A_166 : memref<1x128xi32, #tpu.memory_space<vmem>> -> memref<128xi32, #tpu.memory_space<vmem>>
      %dma_wait3A_168 = arith.constant 0 : i32
      %dma_wait3A_169 = arith.constant 0 : i32
      %dma_wait3A_170 = tpu.memref_slice %arg2[%dma_wait3A_168, %dma_wait3A_169] : memref<50176x64xf32, #tpu.memory_space<hbm>> -> memref<50176x64xf32, #tpu.memory_space<hbm>>
      tpu.wait_indirect_dma semaphore(%arg20 : memref<!tpu.dma_semaphore, #tpu.memory_space<semaphore_mem>>) src(%dma_wait3A_170 : memref<50176x64xf32, #tpu.memory_space<hbm>>) dst(%arg13 : memref<128x64xf32, #tpu.memory_space<vmem>>)
      %run_scoped3A = arith.constant 1 : i32
      "tpu.region"() ({
        %run_scoped3A_310 = tpu.sem_alloc : memref<!tpu.dma_semaphore, #tpu.memory_space<semaphore_mem>>
        %dma_start3A_311 = arith.constant 0 : i32
        %dma_start3A_312 = tpu.memref_slice %arg10[%run_scoped3A, %dma_start3A_311] : memref<2x128xi32, #tpu.memory_space<vmem>> -> memref<1x128xi32, #tpu.memory_space<vmem>>
        %dma_start3A_313 = tpu.memref_squeeze %dma_start3A_312 : memref<1x128xi32, #tpu.memory_space<vmem>> -> memref<128xi32, #tpu.memory_space<vmem>>
        %dma_start3A_314 = arith.constant 0 : i32
        %dma_start3A_315 = arith.constant 0 : i32
        %dma_start3A_316 = tpu.memref_slice %arg9[%dma_start3A_314, %dma_start3A_315] : memref<25088x64xf32, #tpu.memory_space<vmem_shared>> -> memref<25088x64xf32, #tpu.memory_space<vmem_shared>>
        tpu.enqueue_indirect_dma source(%arg13 : memref<128x64xf32, #tpu.memory_space<vmem>>) target(%dma_start3A_316 : memref<25088x64xf32, #tpu.memory_space<vmem_shared>>) offsets(%dma_start3A_313 : memref<128xi32, #tpu.memory_space<vmem>>) semaphore(%run_scoped3A_310 : memref<!tpu.dma_semaphore, #tpu.memory_space<semaphore_mem>>) {add = true}
        %dma_wait3A_317 = arith.constant 0 : i32
        %dma_wait3A_318 = tpu.memref_slice %arg10[%run_scoped3A, %dma_wait3A_317] : memref<2x128xi32, #tpu.memory_space<vmem>> -> memref<1x128xi32, #tpu.memory_space<vmem>>
        %dma_wait3A_319 = tpu.memref_squeeze %dma_wait3A_318 : memref<1x128xi32, #tpu.memory_space<vmem>> -> memref<128xi32, #tpu.memory_space<vmem>>
        %dma_wait3A_320 = arith.constant 0 : i32
        %dma_wait3A_321 = arith.constant 0 : i32
        %dma_wait3A_322 = tpu.memref_slice %arg9[%dma_wait3A_320, %dma_wait3A_321] : memref<25088x64xf32, #tpu.memory_space<vmem_shared>> -> memref<25088x64xf32, #tpu.memory_space<vmem_shared>>
        tpu.wait_indirect_dma semaphore(%run_scoped3A_310 : memref<!tpu.dma_semaphore, #tpu.memory_space<semaphore_mem>>) src(%arg13 : memref<128x64xf32, #tpu.memory_space<vmem>>) dst(%dma_wait3A_322 : memref<25088x64xf32, #tpu.memory_space<vmem_shared>>)
        tpu.yield
      }) : () -> ()
      %add3A_171 = arith.constant 0 : i32
      %add3A_172 = arith.addi %add3A_163, %add3A_171 : i32
      %add3A_173 = arith.constant 3 : i32
      %add3A_174 = arith.addi %add3A_172, %add3A_173 : i32
      %dma_start3A_175 = arith.constant 0 : i32
      %dma_start3A_176 = arith.constant 0 : i32
      %dma_start3A_177 = tpu.memref_slice %arg10[%dma_start3A_175, %dma_start3A_176] : memref<2x128xi32, #tpu.memory_space<vmem>> -> memref<1x128xi32, #tpu.memory_space<vmem>>
      %dma_start3A_178 = tpu.memref_squeeze %dma_start3A_177 : memref<1x128xi32, #tpu.memory_space<vmem>> -> memref<128xi32, #tpu.memory_space<vmem>>
      %dma_start3A_179 = arith.constant 0 : i32
      %dma_start3A_180 = tpu.memref_slice %arg3[%add3A_174, %dma_start3A_179] : memref<12672x128xi32, #tpu.memory_space<hbm>> -> memref<1x128xi32, #tpu.memory_space<hbm>>
      %dma_start3A_181 = tpu.memref_squeeze %dma_start3A_180 : memref<1x128xi32, #tpu.memory_space<hbm>> -> memref<128xi32, #tpu.memory_space<hbm>>
      %dma_start3A_182 = arith.constant 0 : i32
      %dma_start3A_183 = tpu.memref_slice %arg10[%dma_start3A_175, %dma_start3A_182] : memref<2x128xi32, #tpu.memory_space<vmem>> -> memref<1x128xi32, #tpu.memory_space<vmem>>
      %dma_start3A_184 = tpu.memref_squeeze %dma_start3A_183 : memref<1x128xi32, #tpu.memory_space<vmem>> -> memref<128xi32, #tpu.memory_space<vmem>>
      %dma_start3A_185 = arith.constant 0 : i32
      %dma_start3A_186 = tpu.memref_slice %arg3[%add3A_174, %dma_start3A_185] : memref<12672x128xi32, #tpu.memory_space<hbm>> -> memref<1x128xi32, #tpu.memory_space<hbm>>
      %dma_start3A_187 = tpu.memref_squeeze %dma_start3A_186 : memref<1x128xi32, #tpu.memory_space<hbm>> -> memref<128xi32, #tpu.memory_space<hbm>>
      tpu.enqueue_dma source(%dma_start3A_187 : memref<128xi32, #tpu.memory_space<hbm>>) target(%dma_start3A_184 : memref<128xi32, #tpu.memory_space<vmem>>) target_semaphore(%arg17 : memref<!tpu.dma_semaphore, #tpu.memory_space<semaphore_mem>>)
      %dma_start3A_188 = arith.constant 1 : i32
      %dma_start3A_189 = arith.constant 0 : i32
      %dma_start3A_190 = tpu.memref_slice %arg10[%dma_start3A_188, %dma_start3A_189] : memref<2x128xi32, #tpu.memory_space<vmem>> -> memref<1x128xi32, #tpu.memory_space<vmem>>
      %dma_start3A_191 = tpu.memref_squeeze %dma_start3A_190 : memref<1x128xi32, #tpu.memory_space<vmem>> -> memref<128xi32, #tpu.memory_space<vmem>>
      %dma_start3A_192 = arith.constant 0 : i32
      %dma_start3A_193 = tpu.memref_slice %arg4[%add3A_174, %dma_start3A_192] : memref<12672x128xi32, #tpu.memory_space<hbm>> -> memref<1x128xi32, #tpu.memory_space<hbm>>
      %dma_start3A_194 = tpu.memref_squeeze %dma_start3A_193 : memref<1x128xi32, #tpu.memory_space<hbm>> -> memref<128xi32, #tpu.memory_space<hbm>>
      %dma_start3A_195 = arith.constant 0 : i32
      %dma_start3A_196 = tpu.memref_slice %arg10[%dma_start3A_188, %dma_start3A_195] : memref<2x128xi32, #tpu.memory_space<vmem>> -> memref<1x128xi32, #tpu.memory_space<vmem>>
      %dma_start3A_197 = tpu.memref_squeeze %dma_start3A_196 : memref<1x128xi32, #tpu.memory_space<vmem>> -> memref<128xi32, #tpu.memory_space<vmem>>
      %dma_start3A_198 = arith.constant 0 : i32
      %dma_start3A_199 = tpu.memref_slice %arg4[%add3A_174, %dma_start3A_198] : memref<12672x128xi32, #tpu.memory_space<hbm>> -> memref<1x128xi32, #tpu.memory_space<hbm>>
      %dma_start3A_200 = tpu.memref_squeeze %dma_start3A_199 : memref<1x128xi32, #tpu.memory_space<hbm>> -> memref<128xi32, #tpu.memory_space<hbm>>
      tpu.enqueue_dma source(%dma_start3A_200 : memref<128xi32, #tpu.memory_space<hbm>>) target(%dma_start3A_197 : memref<128xi32, #tpu.memory_space<vmem>>) target_semaphore(%arg17 : memref<!tpu.dma_semaphore, #tpu.memory_space<semaphore_mem>>)
      %dma_wait3A_201 = arith.constant 0 : i32
      %dma_wait3A_202 = tpu.memref_slice %arg3[%mul3A_4, %dma_wait3A_201] : memref<12672x128xi32, #tpu.memory_space<hbm>> -> memref<2x128xi32, #tpu.memory_space<hbm>>
      %dma_wait3A_203 = arith.constant 0 : i32
      %dma_wait3A_204 = tpu.memref_slice %arg3[%mul3A_4, %dma_wait3A_203] : memref<12672x128xi32, #tpu.memory_space<hbm>> -> memref<2x128xi32, #tpu.memory_space<hbm>>
      tpu.wait_dma2 semaphore(%arg19 : memref<!tpu.dma_semaphore, #tpu.memory_space<semaphore_mem>>) src(%dma_wait3A_204 : memref<2x128xi32, #tpu.memory_space<hbm>>) dst(%arg12 : memref<2x128xi32, #tpu.memory_space<vmem>>)
      %dma_start3A_205 = arith.constant 0 : i32
      %dma_start3A_206 = arith.constant 0 : i32
      %dma_start3A_207 = tpu.memref_slice %arg12[%dma_start3A_205, %dma_start3A_206] : memref<2x128xi32, #tpu.memory_space<vmem>> -> memref<1x128xi32, #tpu.memory_space<vmem>>
      %dma_start3A_208 = tpu.memref_squeeze %dma_start3A_207 : memref<1x128xi32, #tpu.memory_space<vmem>> -> memref<128xi32, #tpu.memory_space<vmem>>
      %dma_start3A_209 = arith.constant 0 : i32
      %dma_start3A_210 = arith.constant 0 : i32
      %dma_start3A_211 = tpu.memref_slice %arg2[%dma_start3A_209, %dma_start3A_210] : memref<50176x64xf32, #tpu.memory_space<hbm>> -> memref<50176x64xf32, #tpu.memory_space<hbm>>
      tpu.enqueue_indirect_dma source(%dma_start3A_211 : memref<50176x64xf32, #tpu.memory_space<hbm>>) target(%arg15 : memref<128x64xf32, #tpu.memory_space<vmem>>) offsets(%dma_start3A_208 : memref<128xi32, #tpu.memory_space<vmem>>) semaphore(%arg22 : memref<!tpu.dma_semaphore, #tpu.memory_space<semaphore_mem>>)
      %dma_wait3A_212 = arith.constant 0 : i32
      %dma_wait3A_213 = arith.constant 0 : i32
      %dma_wait3A_214 = tpu.memref_slice %arg11[%dma_wait3A_212, %dma_wait3A_213] : memref<2x128xi32, #tpu.memory_space<vmem>> -> memref<1x128xi32, #tpu.memory_space<vmem>>
      %dma_wait3A_215 = tpu.memref_squeeze %dma_wait3A_214 : memref<1x128xi32, #tpu.memory_space<vmem>> -> memref<128xi32, #tpu.memory_space<vmem>>
      %dma_wait3A_216 = arith.constant 0 : i32
      %dma_wait3A_217 = arith.constant 0 : i32
      %dma_wait3A_218 = tpu.memref_slice %arg2[%dma_wait3A_216, %dma_wait3A_217] : memref<50176x64xf32, #tpu.memory_space<hbm>> -> memref<50176x64xf32, #tpu.memory_space<hbm>>
      tpu.wait_indirect_dma semaphore(%arg21 : memref<!tpu.dma_semaphore, #tpu.memory_space<semaphore_mem>>) src(%dma_wait3A_218 : memref<50176x64xf32, #tpu.memory_space<hbm>>) dst(%arg14 : memref<128x64xf32, #tpu.memory_space<vmem>>)
      %run_scoped3A_219 = arith.constant 1 : i32
      "tpu.region"() ({
        %run_scoped3A_310 = tpu.sem_alloc : memref<!tpu.dma_semaphore, #tpu.memory_space<semaphore_mem>>
        %dma_start3A_311 = arith.constant 0 : i32
        %dma_start3A_312 = tpu.memref_slice %arg11[%run_scoped3A_219, %dma_start3A_311] : memref<2x128xi32, #tpu.memory_space<vmem>> -> memref<1x128xi32, #tpu.memory_space<vmem>>
        %dma_start3A_313 = tpu.memref_squeeze %dma_start3A_312 : memref<1x128xi32, #tpu.memory_space<vmem>> -> memref<128xi32, #tpu.memory_space<vmem>>
        %dma_start3A_314 = arith.constant 0 : i32
        %dma_start3A_315 = arith.constant 0 : i32
        %dma_start3A_316 = tpu.memref_slice %arg9[%dma_start3A_314, %dma_start3A_315] : memref<25088x64xf32, #tpu.memory_space<vmem_shared>> -> memref<25088x64xf32, #tpu.memory_space<vmem_shared>>
        tpu.enqueue_indirect_dma source(%arg14 : memref<128x64xf32, #tpu.memory_space<vmem>>) target(%dma_start3A_316 : memref<25088x64xf32, #tpu.memory_space<vmem_shared>>) offsets(%dma_start3A_313 : memref<128xi32, #tpu.memory_space<vmem>>) semaphore(%run_scoped3A_310 : memref<!tpu.dma_semaphore, #tpu.memory_space<semaphore_mem>>) {add = true}
        %dma_wait3A_317 = arith.constant 0 : i32
        %dma_wait3A_318 = tpu.memref_slice %arg11[%run_scoped3A_219, %dma_wait3A_317] : memref<2x128xi32, #tpu.memory_space<vmem>> -> memref<1x128xi32, #tpu.memory_space<vmem>>
        %dma_wait3A_319 = tpu.memref_squeeze %dma_wait3A_318 : memref<1x128xi32, #tpu.memory_space<vmem>> -> memref<128xi32, #tpu.memory_space<vmem>>
        %dma_wait3A_320 = arith.constant 0 : i32
        %dma_wait3A_321 = arith.constant 0 : i32
        %dma_wait3A_322 = tpu.memref_slice %arg9[%dma_wait3A_320, %dma_wait3A_321] : memref<25088x64xf32, #tpu.memory_space<vmem_shared>> -> memref<25088x64xf32, #tpu.memory_space<vmem_shared>>
        tpu.wait_indirect_dma semaphore(%run_scoped3A_310 : memref<!tpu.dma_semaphore, #tpu.memory_space<semaphore_mem>>) src(%arg14 : memref<128x64xf32, #tpu.memory_space<vmem>>) dst(%dma_wait3A_322 : memref<25088x64xf32, #tpu.memory_space<vmem_shared>>)
        tpu.yield
      }) : () -> ()
      %add3A_220 = arith.constant 1 : i32
      %add3A_221 = arith.addi %add3A_163, %add3A_220 : i32
      %add3A_222 = arith.constant 3 : i32
      %add3A_223 = arith.addi %add3A_221, %add3A_222 : i32
      %dma_start3A_224 = arith.constant 0 : i32
      %dma_start3A_225 = arith.constant 0 : i32
      %dma_start3A_226 = tpu.memref_slice %arg11[%dma_start3A_224, %dma_start3A_225] : memref<2x128xi32, #tpu.memory_space<vmem>> -> memref<1x128xi32, #tpu.memory_space<vmem>>
      %dma_start3A_227 = tpu.memref_squeeze %dma_start3A_226 : memref<1x128xi32, #tpu.memory_space<vmem>> -> memref<128xi32, #tpu.memory_space<vmem>>
      %dma_start3A_228 = arith.constant 0 : i32
      %dma_start3A_229 = tpu.memref_slice %arg3[%add3A_223, %dma_start3A_228] : memref<12672x128xi32, #tpu.memory_space<hbm>> -> memref<1x128xi32, #tpu.memory_space<hbm>>
      %dma_start3A_230 = tpu.memref_squeeze %dma_start3A_229 : memref<1x128xi32, #tpu.memory_space<hbm>> -> memref<128xi32, #tpu.memory_space<hbm>>
      %dma_start3A_231 = arith.constant 0 : i32
      %dma_start3A_232 = tpu.memref_slice %arg11[%dma_start3A_224, %dma_start3A_231] : memref<2x128xi32, #tpu.memory_space<vmem>> -> memref<1x128xi32, #tpu.memory_space<vmem>>
      %dma_start3A_233 = tpu.memref_squeeze %dma_start3A_232 : memref<1x128xi32, #tpu.memory_space<vmem>> -> memref<128xi32, #tpu.memory_space<vmem>>
      %dma_start3A_234 = arith.constant 0 : i32
      %dma_start3A_235 = tpu.memref_slice %arg3[%add3A_223, %dma_start3A_234] : memref<12672x128xi32, #tpu.memory_space<hbm>> -> memref<1x128xi32, #tpu.memory_space<hbm>>
      %dma_start3A_236 = tpu.memref_squeeze %dma_start3A_235 : memref<1x128xi32, #tpu.memory_space<hbm>> -> memref<128xi32, #tpu.memory_space<hbm>>
      tpu.enqueue_dma source(%dma_start3A_236 : memref<128xi32, #tpu.memory_space<hbm>>) target(%dma_start3A_233 : memref<128xi32, #tpu.memory_space<vmem>>) target_semaphore(%arg18 : memref<!tpu.dma_semaphore, #tpu.memory_space<semaphore_mem>>)
      %dma_start3A_237 = arith.constant 1 : i32
      %dma_start3A_238 = arith.constant 0 : i32
      %dma_start3A_239 = tpu.memref_slice %arg11[%dma_start3A_237, %dma_start3A_238] : memref<2x128xi32, #tpu.memory_space<vmem>> -> memref<1x128xi32, #tpu.memory_space<vmem>>
      %dma_start3A_240 = tpu.memref_squeeze %dma_start3A_239 : memref<1x128xi32, #tpu.memory_space<vmem>> -> memref<128xi32, #tpu.memory_space<vmem>>
      %dma_start3A_241 = arith.constant 0 : i32
      %dma_start3A_242 = tpu.memref_slice %arg4[%add3A_223, %dma_start3A_241] : memref<12672x128xi32, #tpu.memory_space<hbm>> -> memref<1x128xi32, #tpu.memory_space<hbm>>
      %dma_start3A_243 = tpu.memref_squeeze %dma_start3A_242 : memref<1x128xi32, #tpu.memory_space<hbm>> -> memref<128xi32, #tpu.memory_space<hbm>>
      %dma_start3A_244 = arith.constant 0 : i32
      %dma_start3A_245 = tpu.memref_slice %arg11[%dma_start3A_237, %dma_start3A_244] : memref<2x128xi32, #tpu.memory_space<vmem>> -> memref<1x128xi32, #tpu.memory_space<vmem>>
      %dma_start3A_246 = tpu.memref_squeeze %dma_start3A_245 : memref<1x128xi32, #tpu.memory_space<vmem>> -> memref<128xi32, #tpu.memory_space<vmem>>
      %dma_start3A_247 = arith.constant 0 : i32
      %dma_start3A_248 = tpu.memref_slice %arg4[%add3A_223, %dma_start3A_247] : memref<12672x128xi32, #tpu.memory_space<hbm>> -> memref<1x128xi32, #tpu.memory_space<hbm>>
      %dma_start3A_249 = tpu.memref_squeeze %dma_start3A_248 : memref<1x128xi32, #tpu.memory_space<hbm>> -> memref<128xi32, #tpu.memory_space<hbm>>
      tpu.enqueue_dma source(%dma_start3A_249 : memref<128xi32, #tpu.memory_space<hbm>>) target(%dma_start3A_246 : memref<128xi32, #tpu.memory_space<vmem>>) target_semaphore(%arg18 : memref<!tpu.dma_semaphore, #tpu.memory_space<semaphore_mem>>)
      %dma_wait3A_250 = arith.constant 0 : i32
      %dma_wait3A_251 = tpu.memref_slice %arg3[%mul3A_4, %dma_wait3A_250] : memref<12672x128xi32, #tpu.memory_space<hbm>> -> memref<2x128xi32, #tpu.memory_space<hbm>>
      %dma_wait3A_252 = arith.constant 0 : i32
      %dma_wait3A_253 = tpu.memref_slice %arg3[%mul3A_4, %dma_wait3A_252] : memref<12672x128xi32, #tpu.memory_space<hbm>> -> memref<2x128xi32, #tpu.memory_space<hbm>>
      tpu.wait_dma2 semaphore(%arg17 : memref<!tpu.dma_semaphore, #tpu.memory_space<semaphore_mem>>) src(%dma_wait3A_253 : memref<2x128xi32, #tpu.memory_space<hbm>>) dst(%arg10 : memref<2x128xi32, #tpu.memory_space<vmem>>)
      %dma_start3A_254 = arith.constant 0 : i32
      %dma_start3A_255 = arith.constant 0 : i32
      %dma_start3A_256 = tpu.memref_slice %arg10[%dma_start3A_254, %dma_start3A_255] : memref<2x128xi32, #tpu.memory_space<vmem>> -> memref<1x128xi32, #tpu.memory_space<vmem>>
      %dma_start3A_257 = tpu.memref_squeeze %dma_start3A_256 : memref<1x128xi32, #tpu.memory_space<vmem>> -> memref<128xi32, #tpu.memory_space<vmem>>
      %dma_start3A_258 = arith.constant 0 : i32
      %dma_start3A_259 = arith.constant 0 : i32
      %dma_start3A_260 = tpu.memref_slice %arg2[%dma_start3A_258, %dma_start3A_259] : memref<50176x64xf32, #tpu.memory_space<hbm>> -> memref<50176x64xf32, #tpu.memory_space<hbm>>
      tpu.enqueue_indirect_dma source(%dma_start3A_260 : memref<50176x64xf32, #tpu.memory_space<hbm>>) target(%arg13 : memref<128x64xf32, #tpu.memory_space<vmem>>) offsets(%dma_start3A_257 : memref<128xi32, #tpu.memory_space<vmem>>) semaphore(%arg20 : memref<!tpu.dma_semaphore, #tpu.memory_space<semaphore_mem>>)
      %dma_wait3A_261 = arith.constant 0 : i32
      %dma_wait3A_262 = arith.constant 0 : i32
      %dma_wait3A_263 = tpu.memref_slice %arg12[%dma_wait3A_261, %dma_wait3A_262] : memref<2x128xi32, #tpu.memory_space<vmem>> -> memref<1x128xi32, #tpu.memory_space<vmem>>
      %dma_wait3A_264 = tpu.memref_squeeze %dma_wait3A_263 : memref<1x128xi32, #tpu.memory_space<vmem>> -> memref<128xi32, #tpu.memory_space<vmem>>
      %dma_wait3A_265 = arith.constant 0 : i32
      %dma_wait3A_266 = arith.constant 0 : i32
      %dma_wait3A_267 = tpu.memref_slice %arg2[%dma_wait3A_265, %dma_wait3A_266] : memref<50176x64xf32, #tpu.memory_space<hbm>> -> memref<50176x64xf32, #tpu.memory_space<hbm>>
      tpu.wait_indirect_dma semaphore(%arg22 : memref<!tpu.dma_semaphore, #tpu.memory_space<semaphore_mem>>) src(%dma_wait3A_267 : memref<50176x64xf32, #tpu.memory_space<hbm>>) dst(%arg15 : memref<128x64xf32, #tpu.memory_space<vmem>>)
      %run_scoped3A_268 = arith.constant 1 : i32
      "tpu.region"() ({
        %run_scoped3A_310 = tpu.sem_alloc : memref<!tpu.dma_semaphore, #tpu.memory_space<semaphore_mem>>
        %dma_start3A_311 = arith.constant 0 : i32
        %dma_start3A_312 = tpu.memref_slice %arg12[%run_scoped3A_268, %dma_start3A_311] : memref<2x128xi32, #tpu.memory_space<vmem>> -> memref<1x128xi32, #tpu.memory_space<vmem>>
        %dma_start3A_313 = tpu.memref_squeeze %dma_start3A_312 : memref<1x128xi32, #tpu.memory_space<vmem>> -> memref<128xi32, #tpu.memory_space<vmem>>
        %dma_start3A_314 = arith.constant 0 : i32
        %dma_start3A_315 = arith.constant 0 : i32
        %dma_start3A_316 = tpu.memref_slice %arg9[%dma_start3A_314, %dma_start3A_315] : memref<25088x64xf32, #tpu.memory_space<vmem_shared>> -> memref<25088x64xf32, #tpu.memory_space<vmem_shared>>
        tpu.enqueue_indirect_dma source(%arg15 : memref<128x64xf32, #tpu.memory_space<vmem>>) target(%dma_start3A_316 : memref<25088x64xf32, #tpu.memory_space<vmem_shared>>) offsets(%dma_start3A_313 : memref<128xi32, #tpu.memory_space<vmem>>) semaphore(%run_scoped3A_310 : memref<!tpu.dma_semaphore, #tpu.memory_space<semaphore_mem>>) {add = true}
        %dma_wait3A_317 = arith.constant 0 : i32
        %dma_wait3A_318 = tpu.memref_slice %arg12[%run_scoped3A_268, %dma_wait3A_317] : memref<2x128xi32, #tpu.memory_space<vmem>> -> memref<1x128xi32, #tpu.memory_space<vmem>>
        %dma_wait3A_319 = tpu.memref_squeeze %dma_wait3A_318 : memref<1x128xi32, #tpu.memory_space<vmem>> -> memref<128xi32, #tpu.memory_space<vmem>>
        %dma_wait3A_320 = arith.constant 0 : i32
        %dma_wait3A_321 = arith.constant 0 : i32
        %dma_wait3A_322 = tpu.memref_slice %arg9[%dma_wait3A_320, %dma_wait3A_321] : memref<25088x64xf32, #tpu.memory_space<vmem_shared>> -> memref<25088x64xf32, #tpu.memory_space<vmem_shared>>
        tpu.wait_indirect_dma semaphore(%run_scoped3A_310 : memref<!tpu.dma_semaphore, #tpu.memory_space<semaphore_mem>>) src(%arg15 : memref<128x64xf32, #tpu.memory_space<vmem>>) dst(%dma_wait3A_322 : memref<25088x64xf32, #tpu.memory_space<vmem_shared>>)
        tpu.yield
      }) : () -> ()
      %add3A_269 = arith.constant 2 : i32
      %add3A_270 = arith.addi %add3A_163, %add3A_269 : i32
      %add3A_271 = arith.constant 3 : i32
      %add3A_272 = arith.addi %add3A_270, %add3A_271 : i32
      %dma_start3A_273 = arith.constant 0 : i32
      %dma_start3A_274 = arith.constant 0 : i32
      %dma_start3A_275 = tpu.memref_slice %arg12[%dma_start3A_273, %dma_start3A_274] : memref<2x128xi32, #tpu.memory_space<vmem>> -> memref<1x128xi32, #tpu.memory_space<vmem>>
      %dma_start3A_276 = tpu.memref_squeeze %dma_start3A_275 : memref<1x128xi32, #tpu.memory_space<vmem>> -> memref<128xi32, #tpu.memory_space<vmem>>
      %dma_start3A_277 = arith.constant 0 : i32
      %dma_start3A_278 = tpu.memref_slice %arg3[%add3A_272, %dma_start3A_277] : memref<12672x128xi32, #tpu.memory_space<hbm>> -> memref<1x128xi32, #tpu.memory_space<hbm>>
      %dma_start3A_279 = tpu.memref_squeeze %dma_start3A_278 : memref<1x128xi32, #tpu.memory_space<hbm>> -> memref<128xi32, #tpu.memory_space<hbm>>
      %dma_start3A_280 = arith.constant 0 : i32
      %dma_start3A_281 = tpu.memref_slice %arg12[%dma_start3A_273, %dma_start3A_280] : memref<2x128xi32, #tpu.memory_space<vmem>> -> memref<1x128xi32, #tpu.memory_space<vmem>>
      %dma_start3A_282 = tpu.memref_squeeze %dma_start3A_281 : memref<1x128xi32, #tpu.memory_space<vmem>> -> memref<128xi32, #tpu.memory_space<vmem>>
      %dma_start3A_283 = arith.constant 0 : i32
      %dma_start3A_284 = tpu.memref_slice %arg3[%add3A_272, %dma_start3A_283] : memref<12672x128xi32, #tpu.memory_space<hbm>> -> memref<1x128xi32, #tpu.memory_space<hbm>>
      %dma_start3A_285 = tpu.memref_squeeze %dma_start3A_284 : memref<1x128xi32, #tpu.memory_space<hbm>> -> memref<128xi32, #tpu.memory_space<hbm>>
      tpu.enqueue_dma source(%dma_start3A_285 : memref<128xi32, #tpu.memory_space<hbm>>) target(%dma_start3A_282 : memref<128xi32, #tpu.memory_space<vmem>>) target_semaphore(%arg19 : memref<!tpu.dma_semaphore, #tpu.memory_space<semaphore_mem>>)
      %dma_start3A_286 = arith.constant 1 : i32
      %dma_start3A_287 = arith.constant 0 : i32
      %dma_start3A_288 = tpu.memref_slice %arg12[%dma_start3A_286, %dma_start3A_287] : memref<2x128xi32, #tpu.memory_space<vmem>> -> memref<1x128xi32, #tpu.memory_space<vmem>>
      %dma_start3A_289 = tpu.memref_squeeze %dma_start3A_288 : memref<1x128xi32, #tpu.memory_space<vmem>> -> memref<128xi32, #tpu.memory_space<vmem>>
      %dma_start3A_290 = arith.constant 0 : i32
      %dma_start3A_291 = tpu.memref_slice %arg4[%add3A_272, %dma_start3A_290] : memref<12672x128xi32, #tpu.memory_space<hbm>> -> memref<1x128xi32, #tpu.memory_space<hbm>>
      %dma_start3A_292 = tpu.memref_squeeze %dma_start3A_291 : memref<1x128xi32, #tpu.memory_space<hbm>> -> memref<128xi32, #tpu.memory_space<hbm>>
      %dma_start3A_293 = arith.constant 0 : i32
      %dma_start3A_294 = tpu.memref_slice %arg12[%dma_start3A_286, %dma_start3A_293] : memref<2x128xi32, #tpu.memory_space<vmem>> -> memref<1x128xi32, #tpu.memory_space<vmem>>
      %dma_start3A_295 = tpu.memref_squeeze %dma_start3A_294 : memref<1x128xi32, #tpu.memory_space<vmem>> -> memref<128xi32, #tpu.memory_space<vmem>>
      %dma_start3A_296 = arith.constant 0 : i32
      %dma_start3A_297 = tpu.memref_slice %arg4[%add3A_272, %dma_start3A_296] : memref<12672x128xi32, #tpu.memory_space<hbm>> -> memref<1x128xi32, #tpu.memory_space<hbm>>
      %dma_start3A_298 = tpu.memref_squeeze %dma_start3A_297 : memref<1x128xi32, #tpu.memory_space<hbm>> -> memref<128xi32, #tpu.memory_space<hbm>>
      tpu.enqueue_dma source(%dma_start3A_298 : memref<128xi32, #tpu.memory_space<hbm>>) target(%dma_start3A_295 : memref<128xi32, #tpu.memory_space<vmem>>) target_semaphore(%arg19 : memref<!tpu.dma_semaphore, #tpu.memory_space<semaphore_mem>>)
      %dma_wait3A_299 = arith.constant 0 : i32
      %dma_wait3A_300 = tpu.memref_slice %arg3[%mul3A_4, %dma_wait3A_299] : memref<12672x128xi32, #tpu.memory_space<hbm>> -> memref<2x128xi32, #tpu.memory_space<hbm>>
      %dma_wait3A_301 = arith.constant 0 : i32
      %dma_wait3A_302 = tpu.memref_slice %arg3[%mul3A_4, %dma_wait3A_301] : memref<12672x128xi32, #tpu.memory_space<hbm>> -> memref<2x128xi32, #tpu.memory_space<hbm>>
      tpu.wait_dma2 semaphore(%arg18 : memref<!tpu.dma_semaphore, #tpu.memory_space<semaphore_mem>>) src(%dma_wait3A_302 : memref<2x128xi32, #tpu.memory_space<hbm>>) dst(%arg11 : memref<2x128xi32, #tpu.memory_space<vmem>>)
      %dma_start3A_303 = arith.constant 0 : i32
      %dma_start3A_304 = arith.constant 0 : i32
      %dma_start3A_305 = tpu.memref_slice %arg11[%dma_start3A_303, %dma_start3A_304] : memref<2x128xi32, #tpu.memory_space<vmem>> -> memref<1x128xi32, #tpu.memory_space<vmem>>
      %dma_start3A_306 = tpu.memref_squeeze %dma_start3A_305 : memref<1x128xi32, #tpu.memory_space<vmem>> -> memref<128xi32, #tpu.memory_space<vmem>>
      %dma_start3A_307 = arith.constant 0 : i32
      %dma_start3A_308 = arith.constant 0 : i32
      %dma_start3A_309 = tpu.memref_slice %arg2[%dma_start3A_307, %dma_start3A_308] : memref<50176x64xf32, #tpu.memory_space<hbm>> -> memref<50176x64xf32, #tpu.memory_space<hbm>>
      tpu.enqueue_indirect_dma source(%dma_start3A_309 : memref<50176x64xf32, #tpu.memory_space<hbm>>) target(%arg14 : memref<128x64xf32, #tpu.memory_space<vmem>>) offsets(%dma_start3A_306 : memref<128xi32, #tpu.memory_space<vmem>>) semaphore(%arg21 : memref<!tpu.dma_semaphore, #tpu.memory_space<semaphore_mem>>)
    }
    %scan3A_113 = arith.constant 131 : i32
    %dma_wait3A_114 = arith.constant 0 : i32
    %dma_wait3A_115 = arith.constant 0 : i32
    %dma_wait3A_116 = tpu.memref_slice %arg10[%dma_wait3A_114, %dma_wait3A_115] : memref<2x128xi32, #tpu.memory_space<vmem>> -> memref<1x128xi32, #tpu.memory_space<vmem>>
    %dma_wait3A_117 = tpu.memref_squeeze %dma_wait3A_116 : memref<1x128xi32, #tpu.memory_space<vmem>> -> memref<128xi32, #tpu.memory_space<vmem>>
    %dma_wait3A_118 = arith.constant 0 : i32
    %dma_wait3A_119 = arith.constant 0 : i32
    %dma_wait3A_120 = tpu.memref_slice %arg2[%dma_wait3A_118, %dma_wait3A_119] : memref<50176x64xf32, #tpu.memory_space<hbm>> -> memref<50176x64xf32, #tpu.memory_space<hbm>>
    tpu.wait_indirect_dma semaphore(%arg20 : memref<!tpu.dma_semaphore, #tpu.memory_space<semaphore_mem>>) src(%dma_wait3A_120 : memref<50176x64xf32, #tpu.memory_space<hbm>>) dst(%arg13 : memref<128x64xf32, #tpu.memory_space<vmem>>)
    %dma_wait3A_121 = arith.constant 0 : i32
    %dma_wait3A_122 = arith.constant 0 : i32
    %dma_wait3A_123 = tpu.memref_slice %arg11[%dma_wait3A_121, %dma_wait3A_122] : memref<2x128xi32, #tpu.memory_space<vmem>> -> memref<1x128xi32, #tpu.memory_space<vmem>>
    %dma_wait3A_124 = tpu.memref_squeeze %dma_wait3A_123 : memref<1x128xi32, #tpu.memory_space<vmem>> -> memref<128xi32, #tpu.memory_space<vmem>>
    %dma_wait3A_125 = arith.constant 0 : i32
    %dma_wait3A_126 = arith.constant 0 : i32
    %dma_wait3A_127 = tpu.memref_slice %arg2[%dma_wait3A_125, %dma_wait3A_126] : memref<50176x64xf32, #tpu.memory_space<hbm>> -> memref<50176x64xf32, #tpu.memory_space<hbm>>
    tpu.wait_indirect_dma semaphore(%arg21 : memref<!tpu.dma_semaphore, #tpu.memory_space<semaphore_mem>>) src(%dma_wait3A_127 : memref<50176x64xf32, #tpu.memory_space<hbm>>) dst(%arg14 : memref<128x64xf32, #tpu.memory_space<vmem>>)
    %dma_wait3A_128 = arith.constant 0 : i32
    %dma_wait3A_129 = tpu.memref_slice %arg3[%mul3A_4, %dma_wait3A_128] : memref<12672x128xi32, #tpu.memory_space<hbm>> -> memref<2x128xi32, #tpu.memory_space<hbm>>
    %dma_wait3A_130 = arith.constant 0 : i32
    %dma_wait3A_131 = tpu.memref_slice %arg3[%mul3A_4, %dma_wait3A_130] : memref<12672x128xi32, #tpu.memory_space<hbm>> -> memref<2x128xi32, #tpu.memory_space<hbm>>
    tpu.wait_dma2 semaphore(%arg19 : memref<!tpu.dma_semaphore, #tpu.memory_space<semaphore_mem>>) src(%dma_wait3A_131 : memref<2x128xi32, #tpu.memory_space<hbm>>) dst(%arg12 : memref<2x128xi32, #tpu.memory_space<vmem>>)
    %barrier3A_132 = arith.constant 0 : index
    tpu.barrier barrier_id(%barrier3A_132)
    %mul3A_133 = arith.constant 25088 : i32
    %mul3A_134 = arith.muli %arg0, %mul3A_133 : i32
    %mul3A_135 = arith.constant 1568 : i32
    %mul3A_136 = arith.muli %arg1, %mul3A_135 : i32
    %add3A_137 = arith.addi %mul3A_134, %mul3A_136 : i32
    %sub3A = arith.constant 1 : i32
    %sub3A_138 = arith.subi %sub3A, %arg0 : i32
    %mul3A_139 = arith.constant 25088 : i32
    %mul3A_140 = arith.muli %sub3A_138, %mul3A_139 : i32
    %mul3A_141 = arith.constant 1568 : i32
    %mul3A_142 = arith.muli %arg1, %mul3A_141 : i32
    %add3A_143 = arith.addi %mul3A_140, %mul3A_142 : i32
    "tpu.region"() ({
      %run_scoped3A = tpu.sem_alloc : memref<!tpu.dma_semaphore, #tpu.memory_space<semaphore_mem>>
      %dma_start3A_160 = tpu.memref_slice %arg6[%add3A_137] : memref<50176xf32, #tpu.memory_space<hbm>> -> memref<1568xf32, #tpu.memory_space<hbm>>
      %dma_start3A_161 = tpu.memref_slice %arg6[%add3A_137] : memref<50176xf32, #tpu.memory_space<hbm>> -> memref<1568xf32, #tpu.memory_space<hbm>>
      tpu.enqueue_dma source(%dma_start3A_161 : memref<1568xf32, #tpu.memory_space<hbm>>) target(%arg16 : memref<1568xf32, #tpu.memory_space<vmem>>) target_semaphore(%run_scoped3A : memref<!tpu.dma_semaphore, #tpu.memory_space<semaphore_mem>>)
      %dma_wait3A_162 = tpu.memref_slice %arg6[%add3A_137] : memref<50176xf32, #tpu.memory_space<hbm>> -> memref<1568xf32, #tpu.memory_space<hbm>>
      %dma_wait3A_163 = tpu.memref_slice %arg6[%add3A_137] : memref<50176xf32, #tpu.memory_space<hbm>> -> memref<1568xf32, #tpu.memory_space<hbm>>
      tpu.wait_dma2 semaphore(%run_scoped3A : memref<!tpu.dma_semaphore, #tpu.memory_space<semaphore_mem>>) src(%dma_wait3A_163 : memref<1568xf32, #tpu.memory_space<hbm>>) dst(%arg16 : memref<1568xf32, #tpu.memory_space<vmem>>)
      tpu.yield
    }) : () -> ()
    %scan3A_144 = arith.constant 0 : i32
    %scan3A_145 = arith.constant 0 : i32
    %scan3A_146 = arith.constant 14 : i32
    %scan3A_147 = arith.addi %scan3A_145, %scan3A_146 : i32
    %scan3A_148 = arith.constant 1 : i32
    scf.for %scan3A_160 = %scan3A_145 to %scan3A_147 step %scan3A_148  : i32 {
      %mul3A_161 = arith.constant 112 : i32
      %mul3A_162 = arith.muli %scan3A_160, %mul3A_161 : i32
      %gt3A = arith.constant 0 : i32
      %gt3A_163 = arith.cmpi sgt, %scan3A_160, %gt3A : i32
      %convert_element_type3A = arith.extui %gt3A_163 : i1 to i32
      %cond3A = arith.constant 0 : i32
      %cond3A_164 = arith.cmpi ne, %convert_element_type3A, %cond3A : i32
      scf.if %cond3A_164 {
        %dma_wait3A_186 = arith.constant 0 : i32
        %dma_wait3A_187 = arith.constant 0 : i32
        %dma_wait3A_188 = tpu.memref_slice %arg14[%dma_wait3A_186, %dma_wait3A_187] : memref<128x64xf32, #tpu.memory_space<vmem>> -> memref<112x64xf32, #tpu.memory_space<vmem>>
        %dma_wait3A_189 = arith.constant 0 : i32
        %dma_wait3A_190 = tpu.memref_slice %arg8[%add3A_137, %dma_wait3A_189] : memref<50176x64xf32, #tpu.memory_space<hbm>> -> memref<112x64xf32, #tpu.memory_space<hbm>>
        %dma_wait3A_191 = arith.constant 0 : i32
        %dma_wait3A_192 = tpu.memref_slice %arg8[%add3A_137, %dma_wait3A_191] : memref<50176x64xf32, #tpu.memory_space<hbm>> -> memref<112x64xf32, #tpu.memory_space<hbm>>
        %dma_wait3A_193 = arith.constant 0 : i32
        %dma_wait3A_194 = arith.constant 0 : i32
        %dma_wait3A_195 = tpu.memref_slice %arg14[%dma_wait3A_193, %dma_wait3A_194] : memref<128x64xf32, #tpu.memory_space<vmem>> -> memref<112x64xf32, #tpu.memory_space<vmem>>
        tpu.wait_dma2 semaphore(%arg20 : memref<!tpu.dma_semaphore, #tpu.memory_space<semaphore_mem>>) src(%dma_wait3A_195 : memref<112x64xf32, #tpu.memory_space<vmem>>) dst(%dma_wait3A_192 : memref<112x64xf32, #tpu.memory_space<hbm>>)
      } else {
      }
      %mul3A_165 = arith.constant 1568 : i32
      %mul3A_166 = arith.muli %arg1, %mul3A_165 : i32
      %add3A_167 = arith.addi %mul3A_166, %mul3A_162 : i32
      "tpu.region"() ({
        %run_scoped3A = tpu.sem_alloc : memref<!tpu.dma_semaphore, #tpu.memory_space<semaphore_mem>>
        %dma_start3A_186 = arith.constant 0 : i32
        %dma_start3A_187 = arith.constant 0 : i32
        %dma_start3A_188 = tpu.memref_slice %arg13[%dma_start3A_186, %dma_start3A_187] : memref<128x64xf32, #tpu.memory_space<vmem>> -> memref<112x64xf32, #tpu.memory_space<vmem>>
        %dma_start3A_189 = arith.constant 0 : i32
        %dma_start3A_190 = tpu.memref_slice %arg9[%add3A_167, %dma_start3A_189] : memref<25088x64xf32, #tpu.memory_space<vmem_shared>> -> memref<112x64xf32, #tpu.memory_space<vmem_shared>>
        %dma_start3A_191 = arith.constant 0 : i32
        %dma_start3A_192 = arith.constant 0 : i32
        %dma_start3A_193 = tpu.memref_slice %arg13[%dma_start3A_191, %dma_start3A_192] : memref<128x64xf32, #tpu.memory_space<vmem>> -> memref<112x64xf32, #tpu.memory_space<vmem>>
        %dma_start3A_194 = arith.constant 0 : i32
        %dma_start3A_195 = tpu.memref_slice %arg9[%add3A_167, %dma_start3A_194] : memref<25088x64xf32, #tpu.memory_space<vmem_shared>> -> memref<112x64xf32, #tpu.memory_space<vmem_shared>>
        tpu.enqueue_dma source(%dma_start3A_195 : memref<112x64xf32, #tpu.memory_space<vmem_shared>>) target(%dma_start3A_193 : memref<112x64xf32, #tpu.memory_space<vmem>>) target_semaphore(%run_scoped3A : memref<!tpu.dma_semaphore, #tpu.memory_space<semaphore_mem>>)
        %dma_wait3A_196 = arith.constant 0 : i32
        %dma_wait3A_197 = arith.constant 0 : i32
        %dma_wait3A_198 = tpu.memref_slice %arg13[%dma_wait3A_196, %dma_wait3A_197] : memref<128x64xf32, #tpu.memory_space<vmem>> -> memref<112x64xf32, #tpu.memory_space<vmem>>
        %dma_wait3A_199 = arith.constant 0 : i32
        %dma_wait3A_200 = tpu.memref_slice %arg9[%add3A_167, %dma_wait3A_199] : memref<25088x64xf32, #tpu.memory_space<vmem_shared>> -> memref<112x64xf32, #tpu.memory_space<vmem_shared>>
        %dma_wait3A_201 = arith.constant 0 : i32
        %dma_wait3A_202 = arith.constant 0 : i32
        %dma_wait3A_203 = tpu.memref_slice %arg13[%dma_wait3A_201, %dma_wait3A_202] : memref<128x64xf32, #tpu.memory_space<vmem>> -> memref<112x64xf32, #tpu.memory_space<vmem>>
        %dma_wait3A_204 = arith.constant 0 : i32
        %dma_wait3A_205 = tpu.memref_slice %arg9[%add3A_167, %dma_wait3A_204] : memref<25088x64xf32, #tpu.memory_space<vmem_shared>> -> memref<112x64xf32, #tpu.memory_space<vmem_shared>>
        tpu.wait_dma2 semaphore(%run_scoped3A : memref<!tpu.dma_semaphore, #tpu.memory_space<semaphore_mem>>) src(%dma_wait3A_205 : memref<112x64xf32, #tpu.memory_space<vmem_shared>>) dst(%dma_wait3A_203 : memref<112x64xf32, #tpu.memory_space<vmem>>)
        tpu.yield
      }) : () -> ()
      %add3A_168 = arith.addi %add3A_137, %mul3A_162 : i32
      "tpu.region"() ({
        %run_scoped3A = tpu.sem_alloc : memref<!tpu.dma_semaphore, #tpu.memory_space<semaphore_mem>>
        %dma_start3A_186 = arith.constant 0 : i32
        %dma_start3A_187 = arith.constant 0 : i32
        %dma_start3A_188 = tpu.memref_slice %arg14[%dma_start3A_186, %dma_start3A_187] : memref<128x64xf32, #tpu.memory_space<vmem>> -> memref<112x64xf32, #tpu.memory_space<vmem>>
        %dma_start3A_189 = arith.constant 0 : i32
        %dma_start3A_190 = tpu.memref_slice %arg7[%add3A_168, %dma_start3A_189] : memref<50176x64xf32, #tpu.memory_space<hbm>> -> memref<112x64xf32, #tpu.memory_space<hbm>>
        %dma_start3A_191 = arith.constant 0 : i32
        %dma_start3A_192 = arith.constant 0 : i32
        %dma_start3A_193 = tpu.memref_slice %arg14[%dma_start3A_191, %dma_start3A_192] : memref<128x64xf32, #tpu.memory_space<vmem>> -> memref<112x64xf32, #tpu.memory_space<vmem>>
        %dma_start3A_194 = arith.constant 0 : i32
        %dma_start3A_195 = tpu.memref_slice %arg7[%add3A_168, %dma_start3A_194] : memref<50176x64xf32, #tpu.memory_space<hbm>> -> memref<112x64xf32, #tpu.memory_space<hbm>>
        tpu.enqueue_dma source(%dma_start3A_195 : memref<112x64xf32, #tpu.memory_space<hbm>>) target(%dma_start3A_193 : memref<112x64xf32, #tpu.memory_space<vmem>>) target_semaphore(%run_scoped3A : memref<!tpu.dma_semaphore, #tpu.memory_space<semaphore_mem>>)
        %dma_wait3A_196 = arith.constant 0 : i32
        %dma_wait3A_197 = arith.constant 0 : i32
        %dma_wait3A_198 = tpu.memref_slice %arg14[%dma_wait3A_196, %dma_wait3A_197] : memref<128x64xf32, #tpu.memory_space<vmem>> -> memref<112x64xf32, #tpu.memory_space<vmem>>
        %dma_wait3A_199 = arith.constant 0 : i32
        %dma_wait3A_200 = tpu.memref_slice %arg7[%add3A_168, %dma_wait3A_199] : memref<50176x64xf32, #tpu.memory_space<hbm>> -> memref<112x64xf32, #tpu.memory_space<hbm>>
        %dma_wait3A_201 = arith.constant 0 : i32
        %dma_wait3A_202 = arith.constant 0 : i32
        %dma_wait3A_203 = tpu.memref_slice %arg14[%dma_wait3A_201, %dma_wait3A_202] : memref<128x64xf32, #tpu.memory_space<vmem>> -> memref<112x64xf32, #tpu.memory_space<vmem>>
        %dma_wait3A_204 = arith.constant 0 : i32
        %dma_wait3A_205 = tpu.memref_slice %arg7[%add3A_168, %dma_wait3A_204] : memref<50176x64xf32, #tpu.memory_space<hbm>> -> memref<112x64xf32, #tpu.memory_space<hbm>>
        tpu.wait_dma2 semaphore(%run_scoped3A : memref<!tpu.dma_semaphore, #tpu.memory_space<semaphore_mem>>) src(%dma_wait3A_205 : memref<112x64xf32, #tpu.memory_space<hbm>>) dst(%dma_wait3A_203 : memref<112x64xf32, #tpu.memory_space<vmem>>)
        tpu.yield
      }) : () -> ()
      %scan3A_169 = arith.constant 0 : i32
      %scan3A_170 = arith.constant 0 : i32
      %scan3A_171 = arith.constant 112 : i32
      %scan3A_172 = arith.addi %scan3A_170, %scan3A_171 : i32
      %scan3A_173 = arith.constant 1 : i32
      scf.for %scan3A_186 = %scan3A_170 to %scan3A_172 step %scan3A_173  : i32 {
        %add3A_187 = arith.addi %mul3A_162, %scan3A_186 : i32
        %broadcast_in_dim3A = vector.broadcast %add3A_187 : i32 to vector<16xi32>
        %gather3A = tpu.vector_load_idx %arg16[%broadcast_in_dim3A] : memref<1568xf32, #tpu.memory_space<vmem>>[vector<16xi32>], vector<16xf32>,
        %get3A = arith.index_cast %scan3A_186 : i32 to index
        %get3A_188 = arith.constant 0 : index
        %get3A_189 = tpu.vector_load %arg13[%get3A, %get3A_188] {strides = array<i32>} : memref<128x64xf32, #tpu.memory_space<vmem>>, vector<16xf32>,
        %mul3A_190 = arith.mulf %get3A_189, %gather3A : vector<16xf32>
        %get3A_191 = arith.index_cast %scan3A_186 : i32 to index
        %get3A_192 = arith.constant 0 : index
        %get3A_193 = tpu.vector_load %arg14[%get3A_191, %get3A_192] {strides = array<i32>} : memref<128x64xf32, #tpu.memory_space<vmem>>, vector<16xf32>,
        %add3A_194 = arith.addf %get3A_193, %mul3A_190 : vector<16xf32>
        %swap3A = arith.index_cast %scan3A_186 : i32 to index
        %swap3A_195 = arith.constant 0 : index
        %swap3A_196 = tpu.vector_load %arg14[%swap3A, %swap3A_195] {strides = array<i32>} : memref<128x64xf32, #tpu.memory_space<vmem>>, vector<16xf32>,
        tpu.vector_store %arg14[%swap3A, %swap3A_195], %add3A_194 {strides = array<i32>} : memref<128x64xf32, #tpu.memory_space<vmem>>, vector<16xf32>,
        %get3A_197 = arith.index_cast %scan3A_186 : i32 to index
        %get3A_198 = arith.constant 16 : index
        %get3A_199 = tpu.vector_load %arg13[%get3A_197, %get3A_198] {strides = array<i32>} : memref<128x64xf32, #tpu.memory_space<vmem>>, vector<16xf32>,
        %mul3A_200 = arith.mulf %get3A_199, %gather3A : vector<16xf32>
        %get3A_201 = arith.index_cast %scan3A_186 : i32 to index
        %get3A_202 = arith.constant 16 : index
        %get3A_203 = tpu.vector_load %arg14[%get3A_201, %get3A_202] {strides = array<i32>} : memref<128x64xf32, #tpu.memory_space<vmem>>, vector<16xf32>,
        %add3A_204 = arith.addf %get3A_203, %mul3A_200 : vector<16xf32>
        %swap3A_205 = arith.index_cast %scan3A_186 : i32 to index
        %swap3A_206 = arith.constant 16 : index
        %swap3A_207 = tpu.vector_load %arg14[%swap3A_205, %swap3A_206] {strides = array<i32>} : memref<128x64xf32, #tpu.memory_space<vmem>>, vector<16xf32>,
        tpu.vector_store %arg14[%swap3A_205, %swap3A_206], %add3A_204 {strides = array<i32>} : memref<128x64xf32, #tpu.memory_space<vmem>>, vector<16xf32>,
        %get3A_208 = arith.index_cast %scan3A_186 : i32 to index
        %get3A_209 = arith.constant 32 : index
        %get3A_210 = tpu.vector_load %arg13[%get3A_208, %get3A_209] {strides = array<i32>} : memref<128x64xf32, #tpu.memory_space<vmem>>, vector<16xf32>,
        %mul3A_211 = arith.mulf %get3A_210, %gather3A : vector<16xf32>
        %get3A_212 = arith.index_cast %scan3A_186 : i32 to index
        %get3A_213 = arith.constant 32 : index
        %get3A_214 = tpu.vector_load %arg14[%get3A_212, %get3A_213] {strides = array<i32>} : memref<128x64xf32, #tpu.memory_space<vmem>>, vector<16xf32>,
        %add3A_215 = arith.addf %get3A_214, %mul3A_211 : vector<16xf32>
        %swap3A_216 = arith.index_cast %scan3A_186 : i32 to index
        %swap3A_217 = arith.constant 32 : index
        %swap3A_218 = tpu.vector_load %arg14[%swap3A_216, %swap3A_217] {strides = array<i32>} : memref<128x64xf32, #tpu.memory_space<vmem>>, vector<16xf32>,
        tpu.vector_store %arg14[%swap3A_216, %swap3A_217], %add3A_215 {strides = array<i32>} : memref<128x64xf32, #tpu.memory_space<vmem>>, vector<16xf32>,
        %get3A_219 = arith.index_cast %scan3A_186 : i32 to index
        %get3A_220 = arith.constant 48 : index
        %get3A_221 = tpu.vector_load %arg13[%get3A_219, %get3A_220] {strides = array<i32>} : memref<128x64xf32, #tpu.memory_space<vmem>>, vector<16xf32>,
        %mul3A_222 = arith.mulf %get3A_221, %gather3A : vector<16xf32>
        %get3A_223 = arith.index_cast %scan3A_186 : i32 to index
        %get3A_224 = arith.constant 48 : index
        %get3A_225 = tpu.vector_load %arg14[%get3A_223, %get3A_224] {strides = array<i32>} : memref<128x64xf32, #tpu.memory_space<vmem>>, vector<16xf32>,
        %add3A_226 = arith.addf %get3A_225, %mul3A_222 : vector<16xf32>
        %swap3A_227 = arith.index_cast %scan3A_186 : i32 to index
        %swap3A_228 = arith.constant 48 : index
        %swap3A_229 = tpu.vector_load %arg14[%swap3A_227, %swap3A_228] {strides = array<i32>} : memref<128x64xf32, #tpu.memory_space<vmem>>, vector<16xf32>,
        tpu.vector_store %arg14[%swap3A_227, %swap3A_228], %add3A_226 {strides = array<i32>} : memref<128x64xf32, #tpu.memory_space<vmem>>, vector<16xf32>,
      }
      %scan3A_174 = arith.constant 112 : i32
      %add3A_175 = arith.addi %add3A_137, %mul3A_162 : i32
      %dma_start3A_176 = arith.constant 0 : i32
      %dma_start3A_177 = arith.constant 0 : i32
      %dma_start3A_178 = tpu.memref_slice %arg14[%dma_start3A_176, %dma_start3A_177] : memref<128x64xf32, #tpu.memory_space<vmem>> -> memref<112x64xf32, #tpu.memory_space<vmem>>
      %dma_start3A_179 = arith.constant 0 : i32
      %dma_start3A_180 = tpu.memref_slice %arg8[%add3A_175, %dma_start3A_179] : memref<50176x64xf32, #tpu.memory_space<hbm>> -> memref<112x64xf32, #tpu.memory_space<hbm>>
      %dma_start3A_181 = arith.constant 0 : i32
      %dma_start3A_182 = tpu.memref_slice %arg8[%add3A_175, %dma_start3A_181] : memref<50176x64xf32, #tpu.memory_space<hbm>> -> memref<112x64xf32, #tpu.memory_space<hbm>>
      %dma_start3A_183 = arith.constant 0 : i32
      %dma_start3A_184 = arith.constant 0 : i32
      %dma_start3A_185 = tpu.memref_slice %arg14[%dma_start3A_183, %dma_start3A_184] : memref<128x64xf32, #tpu.memory_space<vmem>> -> memref<112x64xf32, #tpu.memory_space<vmem>>
      tpu.enqueue_dma source(%dma_start3A_185 : memref<112x64xf32, #tpu.memory_space<vmem>>) target(%dma_start3A_182 : memref<112x64xf32, #tpu.memory_space<hbm>>) target_semaphore(%arg20 : memref<!tpu.dma_semaphore, #tpu.memory_space<semaphore_mem>>)
    }
    %scan3A_149 = arith.constant 14 : i32
    %dma_wait3A_150 = arith.constant 0 : i32
    %dma_wait3A_151 = arith.constant 0 : i32
    %dma_wait3A_152 = tpu.memref_slice %arg14[%dma_wait3A_150, %dma_wait3A_151] : memref<128x64xf32, #tpu.memory_space<vmem>> -> memref<112x64xf32, #tpu.memory_space<vmem>>
    %dma_wait3A_153 = arith.constant 0 : i32
    %dma_wait3A_154 = tpu.memref_slice %arg8[%add3A_137, %dma_wait3A_153] : memref<50176x64xf32, #tpu.memory_space<hbm>> -> memref<112x64xf32, #tpu.memory_space<hbm>>
    %dma_wait3A_155 = arith.constant 0 : i32
    %dma_wait3A_156 = tpu.memref_slice %arg8[%add3A_137, %dma_wait3A_155] : memref<50176x64xf32, #tpu.memory_space<hbm>> -> memref<112x64xf32, #tpu.memory_space<hbm>>
    %dma_wait3A_157 = arith.constant 0 : i32
    %dma_wait3A_158 = arith.constant 0 : i32
    %dma_wait3A_159 = tpu.memref_slice %arg14[%dma_wait3A_157, %dma_wait3A_158] : memref<128x64xf32, #tpu.memory_space<vmem>> -> memref<112x64xf32, #tpu.memory_space<vmem>>
    tpu.wait_dma2 semaphore(%arg20 : memref<!tpu.dma_semaphore, #tpu.memory_space<semaphore_mem>>) src(%dma_wait3A_159 : memref<112x64xf32, #tpu.memory_space<vmem>>) dst(%dma_wait3A_156 : memref<112x64xf32, #tpu.memory_space<hbm>>)
    return
  }
}

#map = affine_map<(d0, d1) -> (0, 0)>
#map1 = affine_map<(d0, d1) -> (0)>
module attributes {stable_mosaic.version = 14 : i64} {
  func.func @body(%arg0: i32, %arg1: i32, %arg2: memref<50176x64xf32, #tpu.memory_space<hbm>>, %arg3: memref<8192xi32, #tpu.memory_space<hbm>>, %arg4: memref<8192x64xf32, #tpu.memory_space<hbm>>, %arg5: memref<128xi32, #tpu.memory_space<vmem>>, %arg6: memref<128x64xf32, #tpu.memory_space<vmem>>, %arg7: memref<!tpu.dma_semaphore, #tpu.memory_space<semaphore_mem>>) attributes {dimension_semantics = [#tpu.dimension_semantics<core_parallel>, #tpu.dimension_semantics<subcore_parallel>], iteration_bounds = array<i64: 2, 16>, scalar_prefetch = 0 : i64, scratch_operands = 3 : i64, tpu.core_type = #tpu.core_type<sc_vector_subcore>, window_params = [{transform_indices = #map}, {transform_indices = #map1}, {transform_indices = #map}]} {
    %mul3A = arith.constant 16 : i32
    %mul3A_0 = arith.muli %arg0, %mul3A : i32
    %add3A = arith.addi %mul3A_0, %arg1 : i32
    %mul3A_1 = arith.constant 256 : i32
    %mul3A_2 = arith.muli %add3A, %mul3A_1 : i32
    %add3A_3 = arith.constant 0 : i32
    %add3A_4 = arith.addi %mul3A_2, %add3A_3 : i32
    "tpu.region"() ({
      %run_scoped3A = tpu.sem_alloc : memref<!tpu.dma_semaphore, #tpu.memory_space<semaphore_mem>>
      %dma_start3A_17 = tpu.memref_slice %arg3[%add3A_4] : memref<8192xi32, #tpu.memory_space<hbm>> -> memref<128xi32, #tpu.memory_space<hbm>>
      %dma_start3A_18 = tpu.memref_slice %arg3[%add3A_4] : memref<8192xi32, #tpu.memory_space<hbm>> -> memref<128xi32, #tpu.memory_space<hbm>>
      tpu.enqueue_dma source(%dma_start3A_18 : memref<128xi32, #tpu.memory_space<hbm>>) target(%arg5 : memref<128xi32, #tpu.memory_space<vmem>>) target_semaphore(%run_scoped3A : memref<!tpu.dma_semaphore, #tpu.memory_space<semaphore_mem>>)
      %dma_wait3A_19 = tpu.memref_slice %arg3[%add3A_4] : memref<8192xi32, #tpu.memory_space<hbm>> -> memref<128xi32, #tpu.memory_space<hbm>>
      %dma_wait3A_20 = tpu.memref_slice %arg3[%add3A_4] : memref<8192xi32, #tpu.memory_space<hbm>> -> memref<128xi32, #tpu.memory_space<hbm>>
      tpu.wait_dma2 semaphore(%run_scoped3A : memref<!tpu.dma_semaphore, #tpu.memory_space<semaphore_mem>>) src(%dma_wait3A_20 : memref<128xi32, #tpu.memory_space<hbm>>) dst(%arg5 : memref<128xi32, #tpu.memory_space<vmem>>)
      tpu.yield
    }) : () -> ()
    %dma_start3A = arith.constant 0 : i32
    %dma_start3A_5 = arith.constant 0 : i32
    %dma_start3A_6 = tpu.memref_slice %arg2[%dma_start3A, %dma_start3A_5] : memref<50176x64xf32, #tpu.memory_space<hbm>> -> memref<50176x64xf32, #tpu.memory_space<hbm>>
    tpu.enqueue_indirect_dma source(%dma_start3A_6 : memref<50176x64xf32, #tpu.memory_space<hbm>>) target(%arg6 : memref<128x64xf32, #tpu.memory_space<vmem>>) offsets(%arg5 : memref<128xi32, #tpu.memory_space<vmem>>) semaphore(%arg7 : memref<!tpu.dma_semaphore, #tpu.memory_space<semaphore_mem>>)
    %dma_wait3A = arith.constant 0 : i32
    %dma_wait3A_7 = arith.constant 0 : i32
    %dma_wait3A_8 = tpu.memref_slice %arg2[%dma_wait3A, %dma_wait3A_7] : memref<50176x64xf32, #tpu.memory_space<hbm>> -> memref<50176x64xf32, #tpu.memory_space<hbm>>
    tpu.wait_indirect_dma semaphore(%arg7 : memref<!tpu.dma_semaphore, #tpu.memory_space<semaphore_mem>>) src(%dma_wait3A_8 : memref<50176x64xf32, #tpu.memory_space<hbm>>) dst(%arg6 : memref<128x64xf32, #tpu.memory_space<vmem>>)
    "tpu.region"() ({
      %run_scoped3A = tpu.sem_alloc : memref<!tpu.dma_semaphore, #tpu.memory_space<semaphore_mem>>
      %dma_start3A_17 = arith.constant 0 : i32
      %dma_start3A_18 = tpu.memref_slice %arg4[%add3A_4, %dma_start3A_17] : memref<8192x64xf32, #tpu.memory_space<hbm>> -> memref<128x64xf32, #tpu.memory_space<hbm>>
      %dma_start3A_19 = arith.constant 0 : i32
      %dma_start3A_20 = tpu.memref_slice %arg4[%add3A_4, %dma_start3A_19] : memref<8192x64xf32, #tpu.memory_space<hbm>> -> memref<128x64xf32, #tpu.memory_space<hbm>>
      tpu.enqueue_dma source(%arg6 : memref<128x64xf32, #tpu.memory_space<vmem>>) target(%dma_start3A_20 : memref<128x64xf32, #tpu.memory_space<hbm>>) target_semaphore(%run_scoped3A : memref<!tpu.dma_semaphore, #tpu.memory_space<semaphore_mem>>)
      %dma_wait3A_21 = arith.constant 0 : i32
      %dma_wait3A_22 = tpu.memref_slice %arg4[%add3A_4, %dma_wait3A_21] : memref<8192x64xf32, #tpu.memory_space<hbm>> -> memref<128x64xf32, #tpu.memory_space<hbm>>
      %dma_wait3A_23 = arith.constant 0 : i32
      %dma_wait3A_24 = tpu.memref_slice %arg4[%add3A_4, %dma_wait3A_23] : memref<8192x64xf32, #tpu.memory_space<hbm>> -> memref<128x64xf32, #tpu.memory_space<hbm>>
      tpu.wait_dma2 semaphore(%run_scoped3A : memref<!tpu.dma_semaphore, #tpu.memory_space<semaphore_mem>>) src(%arg6 : memref<128x64xf32, #tpu.memory_space<vmem>>) dst(%dma_wait3A_24 : memref<128x64xf32, #tpu.memory_space<hbm>>)
      tpu.yield
    }) : () -> ()
    %add3A_9 = arith.constant 128 : i32
    %add3A_10 = arith.addi %mul3A_2, %add3A_9 : i32
    "tpu.region"() ({
      %run_scoped3A = tpu.sem_alloc : memref<!tpu.dma_semaphore, #tpu.memory_space<semaphore_mem>>
      %dma_start3A_17 = tpu.memref_slice %arg3[%add3A_10] : memref<8192xi32, #tpu.memory_space<hbm>> -> memref<128xi32, #tpu.memory_space<hbm>>
      %dma_start3A_18 = tpu.memref_slice %arg3[%add3A_10] : memref<8192xi32, #tpu.memory_space<hbm>> -> memref<128xi32, #tpu.memory_space<hbm>>
      tpu.enqueue_dma source(%dma_start3A_18 : memref<128xi32, #tpu.memory_space<hbm>>) target(%arg5 : memref<128xi32, #tpu.memory_space<vmem>>) target_semaphore(%run_scoped3A : memref<!tpu.dma_semaphore, #tpu.memory_space<semaphore_mem>>)
      %dma_wait3A_19 = tpu.memref_slice %arg3[%add3A_10] : memref<8192xi32, #tpu.memory_space<hbm>> -> memref<128xi32, #tpu.memory_space<hbm>>
      %dma_wait3A_20 = tpu.memref_slice %arg3[%add3A_10] : memref<8192xi32, #tpu.memory_space<hbm>> -> memref<128xi32, #tpu.memory_space<hbm>>
      tpu.wait_dma2 semaphore(%run_scoped3A : memref<!tpu.dma_semaphore, #tpu.memory_space<semaphore_mem>>) src(%dma_wait3A_20 : memref<128xi32, #tpu.memory_space<hbm>>) dst(%arg5 : memref<128xi32, #tpu.memory_space<vmem>>)
      tpu.yield
    }) : () -> ()
    %dma_start3A_11 = arith.constant 0 : i32
    %dma_start3A_12 = arith.constant 0 : i32
    %dma_start3A_13 = tpu.memref_slice %arg2[%dma_start3A_11, %dma_start3A_12] : memref<50176x64xf32, #tpu.memory_space<hbm>> -> memref<50176x64xf32, #tpu.memory_space<hbm>>
    tpu.enqueue_indirect_dma source(%dma_start3A_13 : memref<50176x64xf32, #tpu.memory_space<hbm>>) target(%arg6 : memref<128x64xf32, #tpu.memory_space<vmem>>) offsets(%arg5 : memref<128xi32, #tpu.memory_space<vmem>>) semaphore(%arg7 : memref<!tpu.dma_semaphore, #tpu.memory_space<semaphore_mem>>)
    %dma_wait3A_14 = arith.constant 0 : i32
    %dma_wait3A_15 = arith.constant 0 : i32
    %dma_wait3A_16 = tpu.memref_slice %arg2[%dma_wait3A_14, %dma_wait3A_15] : memref<50176x64xf32, #tpu.memory_space<hbm>> -> memref<50176x64xf32, #tpu.memory_space<hbm>>
    tpu.wait_indirect_dma semaphore(%arg7 : memref<!tpu.dma_semaphore, #tpu.memory_space<semaphore_mem>>) src(%dma_wait3A_16 : memref<50176x64xf32, #tpu.memory_space<hbm>>) dst(%arg6 : memref<128x64xf32, #tpu.memory_space<vmem>>)
    "tpu.region"() ({
      %run_scoped3A = tpu.sem_alloc : memref<!tpu.dma_semaphore, #tpu.memory_space<semaphore_mem>>
      %dma_start3A_17 = arith.constant 0 : i32
      %dma_start3A_18 = tpu.memref_slice %arg4[%add3A_10, %dma_start3A_17] : memref<8192x64xf32, #tpu.memory_space<hbm>> -> memref<128x64xf32, #tpu.memory_space<hbm>>
      %dma_start3A_19 = arith.constant 0 : i32
      %dma_start3A_20 = tpu.memref_slice %arg4[%add3A_10, %dma_start3A_19] : memref<8192x64xf32, #tpu.memory_space<hbm>> -> memref<128x64xf32, #tpu.memory_space<hbm>>
      tpu.enqueue_dma source(%arg6 : memref<128x64xf32, #tpu.memory_space<vmem>>) target(%dma_start3A_20 : memref<128x64xf32, #tpu.memory_space<hbm>>) target_semaphore(%run_scoped3A : memref<!tpu.dma_semaphore, #tpu.memory_space<semaphore_mem>>)
      %dma_wait3A_21 = arith.constant 0 : i32
      %dma_wait3A_22 = tpu.memref_slice %arg4[%add3A_10, %dma_wait3A_21] : memref<8192x64xf32, #tpu.memory_space<hbm>> -> memref<128x64xf32, #tpu.memory_space<hbm>>
      %dma_wait3A_23 = arith.constant 0 : i32
      %dma_wait3A_24 = tpu.memref_slice %arg4[%add3A_10, %dma_wait3A_23] : memref<8192x64xf32, #tpu.memory_space<hbm>> -> memref<128x64xf32, #tpu.memory_space<hbm>>
      tpu.wait_dma2 semaphore(%run_scoped3A : memref<!tpu.dma_semaphore, #tpu.memory_space<semaphore_mem>>) src(%arg6 : memref<128x64xf32, #tpu.memory_space<vmem>>) dst(%dma_wait3A_24 : memref<128x64xf32, #tpu.memory_space<hbm>>)
      tpu.yield
    }) : () -> ()
    return
  }
}

module attributes {stable_mosaic.version = 14 : i64} {
  func.func @body(%arg0: i32, %arg1: memref<2048x64xf32, #tpu.memory_space<vmem>>, %arg2: memref<2048x64xf32, #tpu.memory_space<vmem>>, %arg3: memref<2048x1xf32, #tpu.memory_space<vmem>>) attributes {dimension_semantics = [#tpu.dimension_semantics<arbitrary>], iteration_bounds = array<i64: 2>, scalar_prefetch = 0 : i64, scratch_operands = 0 : i64, tpu.core_type = #tpu.core_type<tc>, window_params = [{transform_indices = @transform_0, window_bounds = array<i64: 2048, 64>}, {transform_indices = @transform_1, window_bounds = array<i64: 2048, 64>}, {transform_indices = @transform_2, window_bounds = array<i64: 2048, 1>}]} {
    %get3A = arith.constant 0 : index
    %get3A_0 = arith.constant 0 : index
    %get3A_1 = vector.load %arg1[%get3A, %get3A_0] : memref<2048x64xf32, #tpu.memory_space<vmem>>, vector<2048x64xf32>
    %get3A_2 = arith.constant 0 : index
    %get3A_3 = arith.constant 0 : index
    %get3A_4 = vector.load %arg2[%get3A_2, %get3A_3] : memref<2048x64xf32, #tpu.memory_space<vmem>>, vector<2048x64xf32>
    %mul3A = arith.mulf %get3A_1, %get3A_4 : vector<2048x64xf32>
    %reduce_sum3A = arith.constant dense<0.000000e+00> : vector<2048xf32>
    %reduce_sum3A_5 = vector.multi_reduction <add>, %mul3A, %reduce_sum3A [1] : vector<2048x64xf32> to vector<2048xf32>
    %broadcast_in_dim3A = vector.shape_cast %reduce_sum3A_5 : vector<2048xf32> to vector<2048x1xf32>
    %mul3A_6 = arith.constant 6.250000e-02 : f32
    %mul3A_7 = vector.broadcast %mul3A_6 : f32 to vector<2048x1xf32>
    %mul3A_8 = arith.mulf %broadcast_in_dim3A, %mul3A_7 : vector<2048x1xf32>
    %swap3A = arith.constant 0 : index
    %swap3A_9 = arith.constant 0 : index
    %swap3A_10 = vector.load %arg3[%swap3A, %swap3A_9] : memref<2048x1xf32, #tpu.memory_space<vmem>>, vector<2048x1xf32>
    tpu.vector_store %arg3[%swap3A, %swap3A_9], %mul3A_8 {strides = array<i32>} : memref<2048x1xf32, #tpu.memory_space<vmem>>, vector<2048x1xf32>,
    return
  }
  func.func @transform_0(%arg0: i32) -> (i32, i32) {
    %c0_i32 = arith.constant 0 : i32
    %c0_i32_0 = arith.constant 0 : i32
    return %arg0, %c0_i32 : i32, i32
  }
  func.func @transform_1(%arg0: i32) -> (i32, i32) {
    %add3A = arith.constant 2 : i32
    %add3A_0 = arith.addi %arg0, %add3A : i32
    %c0_i32 = arith.constant 0 : i32
    %c0_i32_1 = arith.constant 0 : i32
    return %add3A_0, %c0_i32 : i32, i32
  }
  func.func @transform_2(%arg0: i32) -> (i32, i32) {
    %c0_i32 = arith.constant 0 : i32
    %c0_i32_0 = arith.constant 0 : i32
    return %arg0, %c0_i32 : i32, i32
  }
}

</mosaic_0001>

<sc_bundles>
// kernel: kernel.11.cloned.1.call-start
scs
__scs_entry_jumppad:
0x0: {  	(pc) =	sbr.rel $0x88, $3  }
0x1: {  	(tag) =	ssettag $0x0;
	lr =	simm.s32 $0x1  }
0x2: {  	[smem:$0x3F9C] =	sst lr;
	_ =	strace $0xD0000000  }
0x3: {  	_ = 	snop  }
0x4: {  	_ = 	snop  }
0x5: {  	_ = 	snop  }
0x6: {  	_ = 	snop  }
0x7: {  	_ = 	snop  }
__scs_overlays_trampoline_lowered:
0x8: {  	[smem:$0x3FAB] =	sst s0  }
0x9: {  	[smem:$0x3FAC] =	sst s1  }
0xa: {  	[smem:$0x3FAD] =	sst s2  }
0xb: {  	[smem:$0x3FAE] =	sst s3  }
0xc: {  	[smem:$0x3FAF] =	sst s4  }
0xd: {  	[smem:$0x3FB0] =	sst s5  }
0xe: {  	[smem:$0x3FB1] =	sst s6  }
0xf: {  	[smem:$0x3FB2] =	sst s7  }
0x10: {  	[smem:$0x3FB3] =	sst s8  }
0x11: {  	[smem:$0x3FB4] =	sst s9;
	s0 =	simm.s32 @!p0 $0x0  }
0x12: {  	s1 =	sld [smem:$0x3F9A];
	s0 =	simm.s32 @p0 $0x1  }
0x13: {  	[smem:$0x3FB5] =	sst s0;
	s0 =	simm.s32 @!p1 $0x0  }
0x14: {  	s2 =	sld [smem:$0x3F99];
	s0 =	simm.s32 @p1 $0x1  }
0x15: {  	[smem:$0x3FB6] =	sst s0;
	s0 =	simm.s32 @!p2 $0x0  }
0x16: {  	s3 =	sld [smem:$0x3FDB];
	s0 =	simm.s32 @p2 $0x1  }
0x17: {  	s4 =	simm.s32 $0x1BF5;
	[smem:$0x3FB8] =	sst s0  }
0x18: {  	s0 =	sld [smem:$0x3F9B];
	_ =	swait.ge [sflag:s4], $0x0  }
0x19: {  	s7 =	sld [smem:$0x3F9C]  }
0x1a: {  	s8 =	sadd.s32 $0xFFFFE003, lr  }
0x1b: {  	s9 =	sadd.s32 $0xFFFFFEF7, lr;
	s5 =	simm.s32 $0xFFFFFFFF;
	p2 =	slt.u32 s8, $0xFFFFF086  }
0x1c: {  	p1 =	slt.u32 s9, $0xF7A;
	s5 =	simm.s32 @!p2 $0x0  }
0x1d: {  	s5 =	simm.s32 @p1 $0x1;
	p0 =	seq.s32 s7, s2  }
0x1e: {  	s7 =	smul.u32 @!p0 $0xF7A, s2;
	p2 =	seq.s32 @!p0 s5, $0x0  }
0x1f: {  	s9 =	smul.u32 $0xF7A, s1;
	s8 =	simm.s32 @!p0 $0x1BF5;
	p2 =	por !p2, p0  }
0x20: {  	[sflag:s8] =	ssyncset.s32 @!p0 $0xFFFFF086;
	s6 =	sadd.s32 @!p0 s3, s7;
	s7 =	simm.s32 @!p0 $0x108  }
0x21: {  	s3 =	sadd.s32 s3, s9;
	s6 =	sadd.s32 @!p0 $0x88, s6;
	s7 =	simm.s32 @p2 $0x1082  }
0x22: {  	[simem:s7], [sflag:s8] =	dma.local @!p0 [hbm:s6], $0xF7A  }
0x23: {  	s9 =	sor.u32 $0xD0000000, s2;
	s6 =	simm.s32 $0x108;
	_ =	swait.ge @!p0 [sflag:s8], $0x0  }
0x24: {  	s3 =	sadd.s32 $0x88, s3;
	s6 =	simm.s32 @!p1 $0x1082;
	[sflag:s4] =	ssyncset.s32 $0xFFFFF086  }
0x25: {  	[simem:s6], [sflag:s4] =	dma.local [hbm:s3], $0xF7A  }
0x26: {  	[smem:$0x3F9C] =	sst s1;
	(tag) =	ssettag s2;
	_ =	strace s9  }
0x27: {  	s1 =	sld [smem:$0x3FAC]  }
0x28: {  	s2 =	sld [smem:$0x3FAD]  }
0x29: {  	s4 =	sld [smem:$0x3FAF]  }
0x2a: {  	p0 =	seq.s32 s5, $0x0;
	s5 =	sld [smem:$0x3FB0]  }
0x2b: {  	s6 =	sld [smem:$0x3FB1]  }
0x2c: {  	s7 =	sld [smem:$0x3FB2]  }
0x2d: {  	s3 =	simm.s32 $0x108;
	s8 =	sld [smem:$0x3FB3]  }
0x2e: {  	s3 =	simm.s32 @!p0 $0x1082;
	s9 =	sld [smem:$0x3FB4]  }
0x2f: {  	lr =	sadd.s32 s0, s3;
	s0 =	sld [smem:$0x3FAB]  }
0x30: {  	s3 =	sld [smem:$0x3FAE]  }
0x31: {  	[smem:$0x3FB7] =	sst s10  }
0x32: {  	s10 =	sld [smem:$0x3FB5];
	_ =	sdelay $0x3  }
0x33: {  	p0 =	seq.s32 s10, $0x1;
	s10 =	sld [smem:$0x3FB7];
	_ =	sdelay $0x3  }
0x34: {  	[smem:$0x3FB7] =	sst s10  }
0x35: {  	s10 =	sld [smem:$0x3FB6];
	_ =	sdelay $0x3  }
0x36: {  	p1 =	seq.s32 s10, $0x1;
	s10 =	sld [smem:$0x3FB7];
	_ =	sdelay $0x3  }
0x37: {  	[smem:$0x3FB7] =	sst s10  }
0x38: {  	s10 =	sld [smem:$0x3FB8]  }
0x39: {  	_ = 	snop;
	(pc) =	sbr.ind lr, $3  }
0x3a: {  	_ = 	snop  }
0x3b: {  	_ = 	snop  }
0x3c: {  	p2 =	seq.s32 s10, $0x1;
	s10 =	sld [smem:$0x3FB7]  }
0x3d: {  	_ =	shalt  }
0x3e: {  	_ =	shalt  }
0x3f: {  	_ =	shalt  }
0x40: {  	_ =	shalt  }
0x41: {  	_ =	shalt  }
0x42: {  	_ =	shalt  }
0x43: {  	_ =	shalt  }
0x44: {  	_ =	shalt  }
0x45: {  	_ =	shalt  }
0x46: {  	_ =	shalt  }
0x47: {  	_ =	shalt  }
0x48: {  	_ =	shalt  }
0x49: {  	_ =	shalt  }
0x4a: {  	_ =	shalt  }
0x4b: {  	_ =	shalt  }
0x4c: {  	_ =	shalt  }
0x4d: {  	_ =	shalt  }
0x4e: {  	_ =	shalt  }
0x4f: {  	_ =	shalt  }
0x50: {  	_ =	shalt  }
0x51: {  	_ =	shalt  }
0x52: {  	_ =	shalt  }
0x53: {  	_ =	shalt  }
0x54: {  	_ =	shalt  }
0x55: {  	_ =	shalt  }
0x56: {  	_ =	shalt  }
0x57: {  	_ =	shalt  }
0x58: {  	_ =	shalt  }
0x59: {  	_ =	shalt  }
0x5a: {  	_ =	shalt  }
0x5b: {  	_ =	shalt  }
0x5c: {  	_ =	shalt  }
0x5d: {  	_ =	shalt  }
0x5e: {  	_ =	shalt  }
0x5f: {  	_ =	shalt  }
0x60: {  	_ =	shalt  }
0x61: {  	_ =	shalt  }
0x62: {  	_ =	shalt  }
0x63: {  	_ =	shalt  }
0x64: {  	_ =	shalt  }
0x65: {  	_ =	shalt  }
0x66: {  	_ =	shalt  }
0x67: {  	_ =	shalt  }
0x68: {  	_ =	shalt  }
0x69: {  	_ =	shalt  }
0x6a: {  	_ =	shalt  }
0x6b: {  	_ =	shalt  }
0x6c: {  	_ =	shalt  }
0x6d: {  	_ =	shalt  }
0x6e: {  	_ =	shalt  }
0x6f: {  	_ =	shalt  }
0x70: {  	_ =	shalt  }
0x71: {  	_ =	shalt  }
0x72: {  	_ =	shalt  }
0x73: {  	_ =	shalt  }
0x74: {  	_ =	shalt  }
0x75: {  	_ =	shalt  }
0x76: {  	_ =	shalt  }
0x77: {  	_ =	shalt  }
0x78: {  	_ =	shalt  }
0x79: {  	_ =	shalt  }
0x7a: {  	_ =	shalt  }
0x7b: {  	_ =	shalt  }
0x7c: {  	_ =	shalt  }
0x7d: {  	_ =	shalt  }
0x7e: {  	_ =	shalt  }
0x7f: {  	_ =	shalt  }
0x80: {  	_ =	shalt  }
0x81: {  	_ =	shalt  }
0x82: {  	_ =	shalt  }
0x83: {  	_ =	shalt  }
0x84: {  	_ =	shalt  }
0x85: {  	_ =	shalt  }
0x86: {  	_ =	shalt  }
0x87: {  	_ =	shalt  }
.Lfunc_end0:
.L_simem_size_0:
called_computation.1_lowered:
.L_overlay_start_0:
0x88: {  	s2 =	sld [smem:$0x3FD9]  }
0x89: {  	s3 =	sld [smem:$0x3FFE];
	_ =	sdelay $0x1  }
0x8a: {  	s1 =	srdreg.scid  }
0x8b: {  	s0 =	sand.u32 $0x1, s1  }
0x8c: {  	s16 =	sshll.u32 s0, $0xA;
	s2 =	sadd.s32 s3, s2  }
0x8d: {  	s2 =	sadd.s32 s2, s16  }
0x8e: {  	[smem:$0x3FC3] =	sst s2  }
0x8f: {  	_ = 	snop  }
0x90: {  	(tm) =	ssettm $0x1  }
0x91: {  	s17 =	sld [smem:$0x3FFB];
	_ =	sdelay $0x3  }
0x92: {  	_ =	strace s17  }
0x93: {  	s2 =	sld [smem:$0x3FFC];
	_ =	sdelay $0x3  }
0x94: {  	_ =	strace s2  }
0x95: {  	s2 =	sld [smem:$0x3FFD];
	_ =	sdelay $0x3  }
0x96: {  	_ =	strace s2  }
0x97: {  	_ =	strace $0x8FFFFFFF  }
0x98: {  	s18 =	sld [smem:$0x3FDB];
	_ =	sdelay $0x1  }
0x99: {  	s19 =	simm.s32 $_scs_section_size  }
0x9a: {  	s4 =	simm.s32 $_size__tile_overlayer_lowered;
	s5 =	simm.s32 $_tile_overlayer_lowered  }
0x9b: {  	s22 =	simm.s32 $0x1BFF;
	s21 =	sshll.u32 s5, $0x1;
	s2 =	sadd.s32 s19, s18  }
0x9c: {  	s6 =	simm.s32 $0x0;
	s20 =	sshll.u32 s4, $0x1;
	s4 =	sadd.s32 s21, s2  }
0x9d: {  	[timem:s6], [sflag:s22] =	dma.local [hbm:s4], s20  }
0x9e: {  	_ =	swait.ge [sflag:s22], s20  }
0x9f: {  	s3 =	ssub.s32 $0x0, s20;
	[sflag:s22] =	ssyncset.done $0x0  }
0xa0: {  	[sflag:s22] =	ssyncadd.s32 s3;
	_ =	sdelay $0x1  }
0xa1: {  	s23 =	simm.s32 $0x1B8B  }
0xa2: {  	_ =	swait.ge [sflag:s23], $0x1  }
0xa3: {  	[sflag:s23] =	ssyncset.done $0x0  }
0xa4: {  	s25 =	simm.s32 $0x1B8E;
	s24 =	sld [smem:$0x3FFE];
	[sflag:s23] =	ssyncadd.s32 $0xFFFFFFFF  }
0xa5: {  	s26 =	simm.s32 $execute0_lowered;
	[smem:$0x3FD2] =	sst s25  }
0xa6: {  	s4 =	sshll.u32 s26, $0x1;
	_ =	strace $0x80000049;
	[dreg:$0x1] =	wrdreg $0xFFFFFFFF  }
0xa7: {  	s28 =	simm.s32 $_size_execute0_lowered;
	s2 =	sadd.s32 s2, s4;
	[dreg:$0x0] =	wrdreg $0x0  }
0xa8: {  	s4 =	sshll.u32 s28, $0x1;
	[dreg:$0x2] =	wrdreg s2  }
0xa9: {  	[dreg:$0x3] =	wrdreg s4  }
0xaa: {  	[dreg:$0x4] =	wrdreg $0xC0  }
0xab: {  	_ =	task [dreg:s6], $0x5FFFF  }
0xac: {  	[dreg:$0x1] =	wrdreg $0xFFFFFFFF  }
0xad: {  	[dreg:$0x0] =	wrdreg $0x60  }
0xae: {  	[dreg:$0x2] =	wrdreg s24  }
0xaf: {  	[dreg:$0x3] =	wrdreg $0x0  }
0xb0: {  	[dreg:$0x4] =	wrdreg $0x9  }
0xb1: {  	_ =	task.clear_ibuf [dreg:s6], $0x5FFFF;
	_ =	strace $0x90000049  }
0xb2: {  	s29 =	simm.s32 $0x9;
	_ =	strace $0x8000004B  }
0xb3: {  	_ =	swait.ge [sflag:s29], $0x1  }
0xb4: {  	[sflag:s29] =	ssyncadd.s32 $0xFFFFFFFF  }
0xb5: {  	_ =	strace $0x9000004B  }
0xb6: {  	_ =	sfence  }
0xb7: {  	s30 =	sld [smem:$0x0];
	_ =	sdelay $0x2  }
0xb8: {  	s31 =	sshll.u32 s1, $0xD;
	s1 =	sshrl.u32 s1, $0x2  }
0xb9: {  	s3 =	sand.u32 $0x4000, s31;
	s1 =	sadd.s32 s1, s30  }
0xba: {  	s0 =	sor.u32 s3, s0;
	s1 =	sshll.u32 s1, $0x11  }
0xbb: {  	s0 =	sor.u32 s1, s0  }
0xbc: {  	s0 =	sadd.s32 $0x8F2B, s0  }
0xbd: {  	[sflag:s0] =	ssyncadd.remote.s32 $0x1  }
0xbe: {  	_ =	sfence.sel $0xFFFF  }
0xbf: {  	[dreg:$0x0] =	wrdreg $0xFFFFFFFF;
	(pc) =	sbr.abs _section_cstart, $3  }
0xc0: {  	[dreg:$0x1] =	wrdreg $0xFFFFFFFF  }
0xc1: {  	_ =	task.clear_ibuf [dreg:s6], $0x2FFFF;
	_ =	strace $0x9FFFFFFF  }
0xc2: {  	(tm) =	ssettm $0x7FFFFFFF  }
0xc3: {  	_ =	shalt  }
tec
execute0_lowered:
.L_overlay_start_1:
0x0: {  	(tag) =	ssettag $0x1  }
0x1: {  	s0 =	rddreg [dreg:$0x0]  }
0x2: {  	s2 =	rddreg [dreg:$0x1];
	s13 =	stileid.u32  }
0x3: {  	s4 =	srdreg.scid;
	s3 =	simm.s32 $0x0;
	s28 =	simm.s32 $0x18980  }
0x4: {  	s29 =	simm.s32 $0x18A00;
	s30 =	simm.s32 $0x18A80;
	s1 =	smul.u32 $0x18800, s13  }
0x5: {  	s31 =	simm.s32 $0x1;
	s4 =	sand.u32 $0x1, s4;
	s14 =	smul.u32 $0x620, s13  }
0x6: {  	[smem:$0x7FF] =	sst s3;
	s5 =	sadd.s32 $0xC7800, s0;
	s7 =	sadd.s32 $0x129800, s0  }
0x7: {  	s10 =	sadd.s32 $0x34000, s0;
	s11 =	sadd.s32 $0x18C000, s0;
	s15 =	sshll.u32 s13, $0x6  }
0x8: {  	s22 =	smul.u32 $0x18C0, s13;
	_ =	strace $0x8000004A;
	[dreg:$0x6] =	wrdreg s10  }
0x9: {  	s6 =	smul.u32 $0x6200, s4;
	s24 =	ssub.s32 $0x2, s4;
	[dreg:$0x7] =	wrdreg s11  }
0xa: {  	s12 =	sshll.u32 s4, $0x4;
	s16 =	sor.u32 $0x1C07, s15;
	s17 =	sxor.u32 $0x1, s4  }
0xb: {  	s4 =	smul.u32 $0x18C00, s4;
	s15 =	simm.s32 $0x5;
	s8 =	sshrl.u32 s1, $0x3  }
0xc: {  	s25 =	sshrl.u32 s24, $0x1;
	s12 =	sor.u32 s13, s12;
	[dreg:$0xa] =	wrdreg s16  }
0xd: {  	s1 =	sadd.s32 s1, s2;
	[dreg:$0x4] =	wrdreg s14;
	s13 =	simm.s32 $0x3  }
0xe: {  	s16 =	simm.s32 $0x6;
	s9 =	sadd.s32 s14, s6;
	s6 =	sadd.s32 $0x96000, s0  }
0xf: {  	s8 =	sadd.s32 s8, s0;
	s26 =	ssub.s32 s24, s25;
	s10 =	smul.u32 $0x18C0, s12  }
0x10: {  	s12 =	simm.s32 $0x4;
	[dreg:$0x5] =	wrdreg s9;
	s9 =	sshrl.u32 s9, $0x3  }
0x11: {  	s8 =	sadd.s32 $0x15B000, s8;
	s25 =	sadd.s32 s4, s6;
	s9 =	sadd.s32 s9, s0  }
0x12: {  	s0 =	sadd.s32 $0x1EE000, s0;
	[dreg:$0x9] =	wrdreg s8;
	s18 =	sadd.s32 s7, s10  }
0x13: {  	s19 =	sor.u32 $0x10, s10;
	s8 =	smul.u32 $0x6200, s17;
	[dreg:$0x8] =	wrdreg s0  }
0x14: {  	s20 =	sadd.s32 s6, s10;
	s10 =	sor.u32 $0x20, s10;
	[dreg:$0xb] =	wrdreg s18  }
0x15: {  	s17 =	simm.s32 $0x1EB00;
	[dreg:$0xc] =	wrdreg s20;
	s21 =	sadd.s32 s7, s19  }
0x16: {  	s11 =	sadd.s32 s6, s19;
	s23 =	sadd.s32 s7, s10;
	[dreg:$0xd] =	wrdreg s21  }
0x17: {  	s10 =	sadd.s32 s6, s10;
	s7 =	sadd.s32 s4, s7;
	[dreg:$0xe] =	wrdreg s11  }
0x18: {  	s24 =	sadd.s32 $0xEC00, s9;
	s0 =	smax.u32 s26, $0x1;
	[dreg:$0xf] =	wrdreg s23  }
0x19: {  	s26 =	sshrl.u32 s1, $0x3;
	s1 =	simm.s32 $0x18B00;
	[dreg:$0x10] =	wrdreg s10  }
0x1a: {  	s6 =	simm.s32 $0x0;
	s20 =	simm.s32 $0x0;
	[dreg:$0x12] =	wrdreg s24  }
0x1b: {  	s8 =	sadd.s32 s14, s8;
	s7 =	sadd.s32 s22, s7;
	[dreg:$0x13] =	wrdreg s0  }
0x1c: {  	s21 =	sadd.s32 s22, s25;
	[dreg:$0x14] =	wrdreg s26;
	s23 =	simm.s32 $0x7  }
0x1d: {  	s24 =	simm.s32 $0x18800;
	s25 =	simm.s32 $0x18880;
	s26 =	simm.s32 $0x18900  }
0x1e: {  	s0 =	simm.s32 $0x80;
	s10 =	simm.s32 $0x2;
	[dreg:$0x11] =	wrdreg s8  }
0x1f: {  	s11 =	simm.s32 $0x1AB00;
	s14 =	simm.s32 $0x1CB00;
	[dreg:$0x3] =	wrdreg s7  }
.LBB2_1:
0x20: {  	[dreg:$0x15] =	wrdreg s6  }
0x21: {  	s4 =	rddreg [dreg:$0x9]  }
0x22: {  	s22 =	rddreg [dreg:$0xa]  }
0x23: {  	s7 =	rddreg [dreg:$0x14]  }
0x24: {  	[spmem:s7], [sflag:s22] =	dma.local [hbm:s4], $0x3100  }
0x25: {  	_ =	swait.ge [sflag:s23], $0x3100  }
0x26: {  	[sflag:s23] =	ssyncset.done $0x0  }
0x27: {  	[sflag:s23] =	ssyncadd.s32 $0xFFFFCF00  }
0x28: {  	[bflag:$0x0] =	sbarrier.arrive $0xFFFF  }
0x29: {  	s7 =	rddreg [dreg:$0xb]  }
0x2a: {  	[tilespmem:s24], [sflag:$0x1] =	stream.linear.gather [hbm4b:s7+s3], $0x80, $0x38;
	[tilespmem:$0x1F120] =	vst v63  }
0x2b: {  	s8 =	rddreg [dreg:$0xc]  }
0x2c: {  	[tilespmem:s25], [sflag:$0x1] =	stream.linear.gather [hbm4b:s8+s3], $0x80, $0x38;
	[tilespmem:$0x1F120] =	vst v63  }
0x2d: {  	s9 =	rddreg [dreg:$0xd]  }
0x2e: {  	[tilespmem:s26], [sflag:$0x2] =	stream.linear.gather [hbm4b:s9+s3], $0x80, $0x38;
	[tilespmem:$0x1F120] =	vst v63  }
0x2f: {  	s18 =	rddreg [dreg:$0xe]  }
0x30: {  	[tilespmem:s28], [sflag:$0x2] =	stream.linear.gather [hbm4b:s18+s3], $0x80, $0x38;
	[tilespmem:$0x1F120] =	vst v63  }
0x31: {  	s19 =	rddreg [dreg:$0xf]  }
0x32: {  	[tilespmem:s29], [sflag:$0x3] =	stream.linear.gather [hbm4b:s19+s3], $0x80, $0x38;
	[tilespmem:$0x1F120] =	vst v63  }
0x33: {  	s22 =	rddreg [dreg:$0x10]  }
0x34: {  	[tilespmem:s30], [sflag:$0x3] =	stream.linear.gather [hbm4b:s22+s3], $0x80, $0x38;
	[tilespmem:$0x1F120] =	vst v63  }
0x35: {  	_ =	swait.ge [sflag:s31], $0x100  }
0x36: {  	[sflag:s31] =	ssyncset.done $0x0  }
0x37: {  	[sflag:s31] =	ssyncadd.s32 $0xFFFFFF00  }
0x38: {  	[tilespmem:s1], [sflag:$0x4] =	stream.indirect.gather [hbm4b:s5+s0], $0x40, s24, s0, $0xb8;
	[tilespmem:$0x1F120] =	vst v63  }
0x39: {  	_ =	swait.ge [sflag:s10], $0x100  }
0x3a: {  	[sflag:s10] =	ssyncset.done $0x0  }
0x3b: {  	[sflag:s10] =	ssyncadd.s32 $0xFFFFFF00  }
0x3c: {  	[tilespmem:s11], [sflag:$0x5] =	stream.indirect.gather [hbm4b:s5+s0], $0x40, s26, s0, $0xb8;
	[tilespmem:$0x1F120] =	vst v63  }
0x3d: {  	_ =	swait.ge [sflag:s12], $0x2000  }
0x3e: {  	[sflag:s12] =	ssyncset.done $0x0  }
0x3f: {  	[sflag:s12] =	ssyncadd.s32 $0xFFFFE000  }
0x40: {  	[spmem:s2] =	stream.indirect.scatter.add.f32 [tilespmem:s1], [sflag:$0x7], $0x40, s25, s0, $0xb8;
	[tilespmem:$0x1F120] =	vst v63  }
0x41: {  	_ =	swait.ge [sflag:s23], $0x2000  }
0x42: {  	s6 =	rddreg [dreg:$0x3]  }
0x43: {  	[sflag:s23] =	ssyncset.done $0x0;
	s4 =	sadd.s32 $0x0, s6  }
0x44: {  	s8 =	sadd.s32 $0x0, s21;
	[sflag:s23] =	ssyncadd.s32 $0xFFFFE000;
	s7 =	sadd.s32 $0x30, s4  }
0x45: {  	[tilespmem:s24], [sflag:$0x1] =	stream.linear.gather [hbm4b:s7+s3], $0x80, $0x38;
	[tilespmem:$0x1F120] =	vst v63  }
0x46: {  	s9 =	sadd.s32 $0x30, s8  }
0x47: {  	[tilespmem:s25], [sflag:$0x1] =	stream.linear.gather [hbm4b:s9+s3], $0x80, $0x38;
	[tilespmem:$0x1F120] =	vst v63  }
0x48: {  	_ =	swait.ge [sflag:s13], $0x100  }
0x49: {  	[sflag:s13] =	ssyncset.done $0x0  }
0x4a: {  	[sflag:s13] =	ssyncadd.s32 $0xFFFFFF00  }
0x4b: {  	[tilespmem:s14], [sflag:$0x6] =	stream.indirect.gather [hbm4b:s5+s0], $0x40, s29, s0, $0xb8;
	[tilespmem:$0x1F120] =	vst v63  }
0x4c: {  	_ =	swait.ge [sflag:s15], $0x2000  }
0x4d: {  	[sflag:s15] =	ssyncset.done $0x0  }
0x4e: {  	[sflag:s15] =	ssyncadd.s32 $0xFFFFE000  }
0x4f: {  	[spmem:s2] =	stream.indirect.scatter.add.f32 [tilespmem:s11], [sflag:$0x7], $0x40, s28, s0, $0xb8;
	[tilespmem:$0x1F120] =	vst v63  }
0x50: {  	_ =	swait.ge [sflag:s23], $0x2000  }
0x51: {  	[sflag:s23] =	ssyncset.done $0x0  }
0x52: {  	s18 =	sadd.s32 $0x40, s4;
	[sflag:s23] =	ssyncadd.s32 $0xFFFFE000  }
0x53: {  	[tilespmem:s26], [sflag:$0x2] =	stream.linear.gather [hbm4b:s18+s3], $0x80, $0x38;
	[tilespmem:$0x1F120] =	vst v63  }
0x54: {  	s19 =	sadd.s32 $0x40, s8  }
0x55: {  	[tilespmem:s28], [sflag:$0x2] =	stream.linear.gather [hbm4b:s19+s3], $0x80, $0x38;
	[tilespmem:$0x1F120] =	vst v63  }
0x56: {  	_ =	swait.ge [sflag:s31], $0x100  }
0x57: {  	[sflag:s31] =	ssyncset.done $0x0  }
0x58: {  	[sflag:s31] =	ssyncadd.s32 $0xFFFFFF00  }
0x59: {  	[tilespmem:s1], [sflag:$0x4] =	stream.indirect.gather [hbm4b:s5+s0], $0x40, s24, s0, $0xb8;
	[tilespmem:$0x1F120] =	vst v63  }
0x5a: {  	_ =	swait.ge [sflag:s16], $0x2000  }
0x5b: {  	[sflag:s16] =	ssyncset.done $0x0  }
0x5c: {  	[sflag:s16] =	ssyncadd.s32 $0xFFFFE000  }
0x5d: {  	[spmem:s2] =	stream.indirect.scatter.add.f32 [tilespmem:s14], [sflag:$0x7], $0x40, s30, s0, $0xb8;
	[tilespmem:$0x1F120] =	vst v63  }
0x5e: {  	_ =	swait.ge [sflag:s23], $0x2000  }
0x5f: {  	[sflag:s23] =	ssyncset.done $0x0  }
0x60: {  	s4 =	sadd.s32 $0x50, s4;
	[sflag:s23] =	ssyncadd.s32 $0xFFFFE000  }
0x61: {  	[tilespmem:s29], [sflag:$0x3] =	stream.linear.gather [hbm4b:s4+s3], $0x80, $0x38;
	[tilespmem:$0x1F120] =	vst v63  }
0x62: {  	s22 =	sadd.s32 $0x50, s8  }
0x63: {  	[tilespmem:s30], [sflag:$0x3] =	stream.linear.gather [hbm4b:s22+s3], $0x80, $0x38;
	[tilespmem:$0x1F120] =	vst v63  }
0x64: {  	_ =	swait.ge [sflag:s10], $0x100  }
0x65: {  	[sflag:s10] =	ssyncset.done $0x0  }
0x66: {  	s4 =	simm.s32 $0x30;
	[sflag:s10] =	ssyncadd.s32 $0xFFFFFF00  }
.LBB2_2:
0x67: {  	[tilespmem:s11], [sflag:$0x5] =	stream.indirect.gather [hbm4b:s5+s0], $0x40, s26, s0, $0xb8;
	[tilespmem:$0x1F120] =	vst v63  }
0x68: {  	_ =	swait.ge [sflag:s12], $0x2000  }
0x69: {  	[sflag:s12] =	ssyncset.done $0x0  }
0x6a: {  	[sflag:s12] =	ssyncadd.s32 $0xFFFFE000  }
0x6b: {  	[spmem:s2] =	stream.indirect.scatter.add.f32 [tilespmem:s1], [sflag:$0x7], $0x40, s25, s0, $0xb8;
	[tilespmem:$0x1F120] =	vst v63  }
0x6c: {  	_ =	swait.ge [sflag:s23], $0x2000  }
0x6d: {  	s6 =	smov.u32 s4;
	s7 =	rddreg [dreg:$0x3]  }
0x6e: {  	[sflag:s23] =	ssyncset.done $0x0;
	s7 =	sadd.s32 s6, s7  }
0x6f: {  	[sflag:s23] =	ssyncadd.s32 $0xFFFFE000;
	s6 =	sadd.s32 s6, s21;
	s8 =	sadd.s32 $0x30, s7  }
0x70: {  	[tilespmem:s24], [sflag:$0x1] =	stream.linear.gather [hbm4b:s8+s3], $0x80, $0x38;
	[tilespmem:$0x1F120] =	vst v63  }
0x71: {  	s18 =	sadd.s32 $0x30, s6  }
0x72: {  	[tilespmem:s25], [sflag:$0x1] =	stream.linear.gather [hbm4b:s18+s3], $0x80, $0x38;
	[tilespmem:$0x1F120] =	vst v63  }
0x73: {  	_ =	swait.ge [sflag:s13], $0x100  }
0x74: {  	[sflag:s13] =	ssyncset.done $0x0  }
0x75: {  	[sflag:s13] =	ssyncadd.s32 $0xFFFFFF00  }
0x76: {  	[tilespmem:s14], [sflag:$0x6] =	stream.indirect.gather [hbm4b:s5+s0], $0x40, s29, s0, $0xb8;
	[tilespmem:$0x1F120] =	vst v63  }
0x77: {  	_ =	swait.ge [sflag:s15], $0x2000  }
0x78: {  	[sflag:s15] =	ssyncset.done $0x0  }
0x79: {  	[sflag:s15] =	ssyncadd.s32 $0xFFFFE000  }
0x7a: {  	[spmem:s2] =	stream.indirect.scatter.add.f32 [tilespmem:s11], [sflag:$0x7], $0x40, s28, s0, $0xb8;
	[tilespmem:$0x1F120] =	vst v63  }
0x7b: {  	_ =	swait.ge [sflag:s23], $0x2000  }
0x7c: {  	[sflag:s23] =	ssyncset.done $0x0  }
0x7d: {  	s19 =	sadd.s32 $0x40, s7;
	[sflag:s23] =	ssyncadd.s32 $0xFFFFE000  }
0x7e: {  	[tilespmem:s26], [sflag:$0x2] =	stream.linear.gather [hbm4b:s19+s3], $0x80, $0x38;
	[tilespmem:$0x1F120] =	vst v63  }
0x7f: {  	s22 =	sadd.s32 $0x40, s6  }
0x80: {  	[tilespmem:s28], [sflag:$0x2] =	stream.linear.gather [hbm4b:s22+s3], $0x80, $0x38;
	[tilespmem:$0x1F120] =	vst v63  }
0x81: {  	_ =	swait.ge [sflag:s31], $0x100  }
0x82: {  	[sflag:s31] =	ssyncset.done $0x0  }
0x83: {  	[sflag:s31] =	ssyncadd.s32 $0xFFFFFF00  }
0x84: {  	[tilespmem:s1], [sflag:$0x4] =	stream.indirect.gather [hbm4b:s5+s0], $0x40, s24, s0, $0xb8;
	[tilespmem:$0x1F120] =	vst v63  }
0x85: {  	_ =	swait.ge [sflag:s16], $0x2000  }
0x86: {  	[sflag:s16] =	ssyncset.done $0x0  }
0x87: {  	[sflag:s16] =	ssyncadd.s32 $0xFFFFE000  }
0x88: {  	[spmem:s2] =	stream.indirect.scatter.add.f32 [tilespmem:s14], [sflag:$0x7], $0x40, s30, s0, $0xb8;
	[tilespmem:$0x1F120] =	vst v63  }
0x89: {  	_ =	swait.ge [sflag:s23], $0x2000  }
0x8a: {  	[sflag:s23] =	ssyncset.done $0x0  }
0x8b: {  	p0 =	sne.s32 s4, $0x1860;
	s7 =	sadd.s32 $0x50, s7;
	[sflag:s23] =	ssyncadd.s32 $0xFFFFE000  }
0x8c: {  	[tilespmem:s29], [sflag:$0x3] =	stream.linear.gather [hbm4b:s7+s3], $0x80, $0x38;
	[tilespmem:$0x1F120] =	vst v63  }
.Ltmp0:
0x8d: {  	s6 =	sadd.s32 $0x50, s6;
	(pc) =	sbr.rel @p0 .LBB2_2-.Ltmp0, $4  }
0x8e: {  	[tilespmem:s30], [sflag:$0x3] =	stream.linear.gather [hbm4b:s6+s3], $0x80, $0x38;
	[tilespmem:$0x1F120] =	vst v63  }
0x8f: {  	_ =	swait.ge [sflag:s10], $0x100  }
0x90: {  	[sflag:s10] =	ssyncset.done $0x0  }
0x91: {  	s4 =	sadd.s32 $0x30, s4;
	[sflag:s10] =	ssyncadd.s32 $0xFFFFFF00  }
0x92: {  	[tilespmem:s11], [sflag:$0x5] =	stream.indirect.gather [hbm4b:s5+s0], $0x40, s26, s0, $0xb8;
	[tilespmem:$0x1F120] =	vst v63  }
0x93: {  	_ =	swait.ge [sflag:s12], $0x2000  }
0x94: {  	[sflag:s12] =	ssyncset.done $0x0  }
0x95: {  	[sflag:s12] =	ssyncadd.s32 $0xFFFFE000  }
0x96: {  	_ =	swait.ge [sflag:s15], $0x2000  }
0x97: {  	[sflag:s15] =	ssyncset.done $0x0  }
0x98: {  	[sflag:s15] =	ssyncadd.s32 $0xFFFFE000  }
0x99: {  	_ =	swait.ge [sflag:s13], $0x100  }
0x9a: {  	[sflag:s13] =	ssyncset.done $0x0  }
0x9b: {  	[sflag:s13] =	ssyncadd.s32 $0xFFFFFF00  }
0x9c: {  	[bflag:$0x0] =	sbarrier.arrive $0xFFFF  }
0x9d: {  	s4 =	rddreg [dreg:$0x12]  }
0x9e: {  	[tilespmem:s17], [sflag:$0x7] =	stream.linear.gather [hbm4b:s4+s20], $0x620, $0x38;
	[tilespmem:$0x1F120] =	vst v63  }
0x9f: {  	_ =	swait.ge [sflag:s23], $0x620  }
0xa0: {  	[sflag:s23] =	ssyncset.done $0x0  }
0xa1: {  	s9 =	simm.s32 $0x0;
	s19 =	simm.s32 $0x0;
	[sflag:s23] =	ssyncadd.s32 $0xFFFFF9E0  }
.LBB2_4:
0xa2: {  	p0 =	seq.s32 s19, $0x0  }
0xa3: {  	s6 =	simm.s32 @!p0 $0x4  }
0xa4: {  	s4 =	smul.u32 $0x70, s19;
	_ =	swait.ge @!p0 [sflag:s6], $0x1C00  }
0xa5: {  	[sflag:s6] =	ssyncset.done @!p0 $0x0;
	s7 =	rddreg [dreg:$0x4]  }
0xa6: {  	[sflag:s6] =	ssyncadd.s32 @!p0 $0xFFFFE400;
	s7 =	sadd.s32 s7, s4  }
0xa7: {  	_ =	swait.ge @!p0 [sflag:s6], $0x1C00;
	s7 =	sshll.u32 s7, $0x6  }
0xa8: {  	[sflag:s6] =	ssyncset.done @!p0 $0x0;
	s7 =	sand.u32 $0x3FFFFFC0, s7  }
0xa9: {  	[sflag:s6] =	ssyncadd.s32 @!p0 $0xFFFFE400;
	s8 =	sadd.s32 s7, s2  }
0xaa: {  	[tilespmem:s1], [sflag:$0x7] =	stream.linear.gather [spmem:s8], $0x1C00, $0x38;
	[tilespmem:$0x1F120] =	vst v63  }
0xab: {  	_ =	swait.ge [sflag:s23], $0x1C00  }
0xac: {  	s18 =	rddreg [dreg:$0x5]  }
0xad: {  	s6 =	sadd.s32 s18, s4  }
0xae: {  	[sflag:s23] =	ssyncset.done $0x0;
	s22 =	rddreg [dreg:$0x6];
	s6 =	sshll.u32 s6, $0x3  }
0xaf: {  	[sflag:s23] =	ssyncadd.s32 $0xFFFFE400;
	s7 =	sadd.s32 s22, s6  }
0xb0: {  	[tilespmem:s11], [sflag:$0x7] =	stream.linear.gather [hbm4b:s7+s20], $0x1C00, $0x38;
	[tilespmem:$0x1F120] =	vst v63  }
0xb1: {  	v0 =	vmov s9;
	_ =	swait.ge [sflag:s23], $0x1C00  }
0xb2: {  	[sflag:s23] =	ssyncset.done $0x0  }
0xb3: {  	s7 =	simm.s32 $0x0;
	[sflag:s23] =	ssyncadd.s32 $0xFFFFE400  }
0xb4: {  	v3 =	vld [tilespmem:s7+$0x18B00]  }
0xb5: {  	v2 =	vld [tilespmem:s7+$0x18B30]  }
0xb6: {  	v0 =	vld.idx.msk [tilespmem:v0+s17+$0x0], $0xffff  }
0xb7: {  	v6 =	vld [tilespmem:s7+$0x18B20]  }
0xb8: {  	v4 =	vld [tilespmem:s7+$0x18B10]  }
0xb9: {  	v1 =	vld [tilespmem:s7+$0x1AB10]  }
0xba: {  	s8 =	simm.s32 $0x100;
	s22 =	smov.u32 s9;
	v5 =	vld [tilespmem:s7+$0x1AB20]  }
.LBB2_5:
0xbb: {  	p0 =	sne.s32 s8, $0x6F00  }
0xbc: {  	v7 =	vld [tilespmem:s7+$0x1AB00];
	s22 =	sadd.s32 $0x1, s22;
	s18 =	smov.u32 s8;
	s8 =	sadd.s32 $0x100, s8  }
0xbd: {  	v3 =	vmul.f32 v3, v0;
	v6 =	vmul.f32 v6, v0;
	v8 =	vld [tilespmem:s7+$0x1AB30]  }
0xbe: {  	v2 =	vmul.f32 v2, v0;
	v4 =	vmul.f32 v4, v0  }
0xbf: {  	v9 =	vmov s22;
	v3 =	vmax.f32 v3, $0.0e+00;
	v6 =	vmax.f32 v6, $0.0e+00  }
0xc0: {  	v4 =	vmax.f32 v4, $0.0e+00;
	v5 =	vadd.f32 v6, v5;
	v6 =	vmul.f32 v6, v0  }
0xc1: {  	v2 =	vmax.f32 v2, $0.0e+00;
	v1 =	vadd.f32 v4, v1;
	v4 =	vmul.f32 v4, v0  }
0xc2: {  	s18 =	sshra.s32 s18, $0x2;
	v7 =	vadd.f32 v3, v7;
	[tilespmem:s7+$0x1AB20] =	vst v5;
	v5 =	vadd.f32 v2, v8;
	v2 =	vmul.f32 v2, v0  }
0xc3: {  	v0 =	vmul.f32 v3, v0;
	[tilespmem:s7+$0x18B20] =	vst v6  }
0xc4: {  	[tilespmem:s7+$0x1AB00] =	vst v7  }
0xc5: {  	[tilespmem:s7+$0x18B30] =	vst v2  }
0xc6: {  	[tilespmem:s7+$0x18B00] =	vst v0  }
0xc7: {  	[tilespmem:s7+$0x1AB30] =	vst v5  }
0xc8: {  	v3 =	vld [tilespmem:s18+$0x18B00];
	[tilespmem:s7+$0x1AB10] =	vst v1  }
0xc9: {  	v2 =	vld [tilespmem:s18+$0x18B30];
	[tilespmem:s7+$0x18B10] =	vst v4;
	s7 =	smov.u32 s18  }
.Ltmp1:
0xca: {  	v0 =	vld.idx.msk [tilespmem:v9+s17+$0x0], $0xffff;
	(pc) =	sbr.rel @p0 .LBB2_5-.Ltmp1, $4  }
0xcb: {  	v6 =	vld [tilespmem:s7+$0x18B20]  }
0xcc: {  	v4 =	vld [tilespmem:s7+$0x18B10]  }
0xcd: {  	v1 =	vld [tilespmem:s7+$0x1AB10]  }
0xce: {  	v5 =	vld [tilespmem:s7+$0x1AB20]  }
0xcf: {  	v2 =	vmul.f32 v2, v0  }
0xd0: {  	v7 =	vld [tilespmem:s7+$0x1AB00];
	v6 =	vmul.f32 v6, v0  }
0xd1: {  	v2 =	vmax.f32 v2, $0.0e+00  }
0xd2: {  	v3 =	vmul.f32 v3, v0;
	v8 =	vld [tilespmem:s7+$0x1AB30];
	v6 =	vmax.f32 v6, $0.0e+00;
	v62 =	vmul.f32 v2, v0  }
0xd3: {  	v5 =	vadd.f32 v6, v5  }
0xd4: {  	v3 =	vmax.f32 v3, $0.0e+00;
	v6 =	vmul.f32 v6, v0;
	[tilespmem:s7+$0x18B30] =	vst v62  }
0xd5: {  	v4 =	vmul.f32 v4, v0;
	v7 =	vadd.f32 v3, v7;
	[tilespmem:s7+$0x1AB20] =	vst v5  }
0xd6: {  	v3 =	vmul.f32 v3, v0;
	[tilespmem:s7+$0x18B20] =	vst v6  }
0xd7: {  	v4 =	vmax.f32 v4, $0.0e+00;
	v2 =	vadd.f32 v2, v8;
	[tilespmem:s7+$0x1AB00] =	vst v7  }
0xd8: {  	s19 =	sadd.s32 $0x1, s19;
	v1 =	vadd.f32 v4, v1;
	[tilespmem:s7+$0x18B00] =	vst v3  }
0xd9: {  	s18 =	rddreg [dreg:$0x11];
	p0 =	sne.s32 s19, $0xE;
	v63 =	vmul.f32 v4, v0;
	[tilespmem:s7+$0x1AB30] =	vst v2  }
.Ltmp2:
0xda: {  	s8 =	rddreg [dreg:$0x7];
	s4 =	sadd.s32 s4, s18;
	[tilespmem:s7+$0x1AB10] =	vst v1;
	(pc) =	sbr.rel @p0 .LBB2_4-.Ltmp2, $4  }
0xdb: {  	s22 =	rddreg [dreg:$0x8];
	s6 =	sadd.s32 s8, s6;
	s4 =	sshll.u32 s4, $0x3;
	[tilespmem:s7+$0x18B10] =	vst v63  }
0xdc: {  	[hbm4b:s6+s3] =	stream.linear.scatter [tilespmem:s11], [sflag:$0x4], $0x1C00, $0x38;
	[tilespmem:$0x1F120] =	vst v63  }
0xdd: {  	s9 =	sadd.s32 $0x70, s9;
	s4 =	sadd.s32 s22, s4  }
0xde: {  	[hbm4b:s4+s3] =	stream.linear.scatter [tilespmem:s1], [sflag:$0x4], $0x1C00, $0x38;
	[tilespmem:$0x1F120] =	vst v63  }
0xdf: {  	_ =	swait.ge [sflag:s12], $0x1C00  }
0xe0: {  	[sflag:s12] =	ssyncset.done $0x0  }
0xe1: {  	[sflag:s12] =	ssyncadd.s32 $0xFFFFE400  }
0xe2: {  	_ =	swait.ge [sflag:s12], $0x1C00  }
0xe3: {  	s6 =	rddreg [dreg:$0x15]  }
0xe4: {  	s4 =	rddreg [dreg:$0x13];
	s6 =	sadd.s32 $0x1, s6  }
0xe5: {  	p0 =	sne.s32 s6, s4  }
.Ltmp3:
0xe6: {  	_ = 	snop;
	(pc) =	sbr.rel @p0 .LBB2_1-.Ltmp3, $3  }
0xe7: {  	_ =	sdelay $0x1  }
0xe8: {  	[sflag:s12] =	ssyncset.done $0x0  }
0xe9: {  	[sflag:s12] =	ssyncadd.s32 $0xFFFFE400  }
0xea: {  	_ =	sfence.sel $0x180000  }
0xeb: {  	[bflag:$0x0] =	sbarrier.arrive $0xFFFF  }
0xec: {  	_ =	strace $0x9000004A  }
0xed: {  	s0 =	stileid.u32;
	[bflag:$0x2] =	sbarrier.arrive $0xFFFF  }
0xee: {  	p0 =	sne.s32 s0, $0x0;
	s0 =	rddreg [dreg:$0x2]  }
0xef: {  	s0 =	sadd.s32 @!p0 $0x100000, s0  }
0xf0: {  	[sflag:s0] =	ssyncadd.tile.s32 @!p0 $0x1;
	_ =	shalt  }
.Lfunc_end2:
_tile_overlayer_lowered:
.L_overlay_start_2:
0xf1: {  	(tag) =	ssettag $0x2  }
0xf2: {  	s0 =	rddreg [dreg:$0x0];
	s2 =	stileid.u32  }
0xf3: {  	s1 =	rddreg [dreg:$0x1];
	p0 =	sne.s32 s2, $0x0  }
0xf4: {  	s3 =	rddreg [dreg:$0x2];
	[bflag:$0x3] =	sbarrier.arrive $0xFFFF;
	s2 =	simm.s32 @!p0 $0x1C07  }
0xf5: {  	[timem:s3], [sflag:s2] =	dma.local @!p0 [hbm:s0], s1  }
0xf6: {  	s0 =	simm.s32 @!p0 $0x7  }
0xf7: {  	_ =	swait.ge @!p0 [sflag:s0], s1  }
0xf8: {  	s1 =	ssub.s32 @!p0 $0x0, s1;
	[sflag:s0] =	ssyncset.done @!p0 $0x0  }
0xf9: {  	[sflag:s0] =	ssyncadd.s32 @!p0 s1  }
0xfa: {  	[bflag:$0x3] =	sbarrier.arrive $0xFFFF  }
0xfb: {  	_ =	shalt  }

// kernel: kernel.14.cloned.1.call-start
scs
__scs_entry_jumppad:
0x0: {  	(pc) =	sbr.rel $0x88, $3  }
0x1: {  	(tag) =	ssettag $0x0;
	lr =	simm.s32 $0x1  }
0x2: {  	[smem:$0x3F9C] =	sst lr;
	_ =	strace $0xD0000000  }
0x3: {  	_ = 	snop  }
0x4: {  	_ = 	snop  }
0x5: {  	_ = 	snop  }
0x6: {  	_ = 	snop  }
0x7: {  	_ = 	snop  }
__scs_overlays_trampoline_lowered:
0x8: {  	[smem:$0x3FAB] =	sst s0  }
0x9: {  	[smem:$0x3FAC] =	sst s1  }
0xa: {  	[smem:$0x3FAD] =	sst s2  }
0xb: {  	[smem:$0x3FAE] =	sst s3  }
0xc: {  	[smem:$0x3FAF] =	sst s4  }
0xd: {  	[smem:$0x3FB0] =	sst s5  }
0xe: {  	[smem:$0x3FB1] =	sst s6  }
0xf: {  	[smem:$0x3FB2] =	sst s7  }
0x10: {  	[smem:$0x3FB3] =	sst s8  }
0x11: {  	[smem:$0x3FB4] =	sst s9;
	s0 =	simm.s32 @!p0 $0x0  }
0x12: {  	s1 =	sld [smem:$0x3F9A];
	s0 =	simm.s32 @p0 $0x1  }
0x13: {  	[smem:$0x3FB5] =	sst s0;
	s0 =	simm.s32 @!p1 $0x0  }
0x14: {  	s2 =	sld [smem:$0x3F99];
	s0 =	simm.s32 @p1 $0x1  }
0x15: {  	[smem:$0x3FB6] =	sst s0;
	s0 =	simm.s32 @!p2 $0x0  }
0x16: {  	s3 =	sld [smem:$0x3FDB];
	s0 =	simm.s32 @p2 $0x1  }
0x17: {  	s4 =	simm.s32 $0x1BF5;
	[smem:$0x3FB8] =	sst s0  }
0x18: {  	s0 =	sld [smem:$0x3F9B];
	_ =	swait.ge [sflag:s4], $0x0  }
0x19: {  	s7 =	sld [smem:$0x3F9C]  }
0x1a: {  	s8 =	sadd.s32 $0xFFFFE003, lr  }
0x1b: {  	s9 =	sadd.s32 $0xFFFFFEF7, lr;
	s5 =	simm.s32 $0xFFFFFFFF;
	p2 =	slt.u32 s8, $0xFFFFF086  }
0x1c: {  	p1 =	slt.u32 s9, $0xF7A;
	s5 =	simm.s32 @!p2 $0x0  }
0x1d: {  	s5 =	simm.s32 @p1 $0x1;
	p0 =	seq.s32 s7, s2  }
0x1e: {  	s7 =	smul.u32 @!p0 $0xF7A, s2;
	p2 =	seq.s32 @!p0 s5, $0x0  }
0x1f: {  	s9 =	smul.u32 $0xF7A, s1;
	s8 =	simm.s32 @!p0 $0x1BF5;
	p2 =	por !p2, p0  }
0x20: {  	[sflag:s8] =	ssyncset.s32 @!p0 $0xFFFFF086;
	s6 =	sadd.s32 @!p0 s3, s7;
	s7 =	simm.s32 @!p0 $0x108  }
0x21: {  	s3 =	sadd.s32 s3, s9;
	s6 =	sadd.s32 @!p0 $0x88, s6;
	s7 =	simm.s32 @p2 $0x1082  }
0x22: {  	[simem:s7], [sflag:s8] =	dma.local @!p0 [hbm:s6], $0xF7A  }
0x23: {  	s9 =	sor.u32 $0xD0000000, s2;
	s6 =	simm.s32 $0x108;
	_ =	swait.ge @!p0 [sflag:s8], $0x0  }
0x24: {  	s3 =	sadd.s32 $0x88, s3;
	s6 =	simm.s32 @!p1 $0x1082;
	[sflag:s4] =	ssyncset.s32 $0xFFFFF086  }
0x25: {  	[simem:s6], [sflag:s4] =	dma.local [hbm:s3], $0xF7A  }
0x26: {  	[smem:$0x3F9C] =	sst s1;
	(tag) =	ssettag s2;
	_ =	strace s9  }
0x27: {  	s1 =	sld [smem:$0x3FAC]  }
0x28: {  	s2 =	sld [smem:$0x3FAD]  }
0x29: {  	s4 =	sld [smem:$0x3FAF]  }
0x2a: {  	p0 =	seq.s32 s5, $0x0;
	s5 =	sld [smem:$0x3FB0]  }
0x2b: {  	s6 =	sld [smem:$0x3FB1]  }
0x2c: {  	s7 =	sld [smem:$0x3FB2]  }
0x2d: {  	s3 =	simm.s32 $0x108;
	s8 =	sld [smem:$0x3FB3]  }
0x2e: {  	s3 =	simm.s32 @!p0 $0x1082;
	s9 =	sld [smem:$0x3FB4]  }
0x2f: {  	lr =	sadd.s32 s0, s3;
	s0 =	sld [smem:$0x3FAB]  }
0x30: {  	s3 =	sld [smem:$0x3FAE]  }
0x31: {  	[smem:$0x3FB7] =	sst s10  }
0x32: {  	s10 =	sld [smem:$0x3FB5];
	_ =	sdelay $0x3  }
0x33: {  	p0 =	seq.s32 s10, $0x1;
	s10 =	sld [smem:$0x3FB7];
	_ =	sdelay $0x3  }
0x34: {  	[smem:$0x3FB7] =	sst s10  }
0x35: {  	s10 =	sld [smem:$0x3FB6];
	_ =	sdelay $0x3  }
0x36: {  	p1 =	seq.s32 s10, $0x1;
	s10 =	sld [smem:$0x3FB7];
	_ =	sdelay $0x3  }
0x37: {  	[smem:$0x3FB7] =	sst s10  }
0x38: {  	s10 =	sld [smem:$0x3FB8]  }
0x39: {  	_ = 	snop;
	(pc) =	sbr.ind lr, $3  }
0x3a: {  	_ = 	snop  }
0x3b: {  	_ = 	snop  }
0x3c: {  	p2 =	seq.s32 s10, $0x1;
	s10 =	sld [smem:$0x3FB7]  }
0x3d: {  	_ =	shalt  }
0x3e: {  	_ =	shalt  }
0x3f: {  	_ =	shalt  }
0x40: {  	_ =	shalt  }
0x41: {  	_ =	shalt  }
0x42: {  	_ =	shalt  }
0x43: {  	_ =	shalt  }
0x44: {  	_ =	shalt  }
0x45: {  	_ =	shalt  }
0x46: {  	_ =	shalt  }
0x47: {  	_ =	shalt  }
0x48: {  	_ =	shalt  }
0x49: {  	_ =	shalt  }
0x4a: {  	_ =	shalt  }
0x4b: {  	_ =	shalt  }
0x4c: {  	_ =	shalt  }
0x4d: {  	_ =	shalt  }
0x4e: {  	_ =	shalt  }
0x4f: {  	_ =	shalt  }
0x50: {  	_ =	shalt  }
0x51: {  	_ =	shalt  }
0x52: {  	_ =	shalt  }
0x53: {  	_ =	shalt  }
0x54: {  	_ =	shalt  }
0x55: {  	_ =	shalt  }
0x56: {  	_ =	shalt  }
0x57: {  	_ =	shalt  }
0x58: {  	_ =	shalt  }
0x59: {  	_ =	shalt  }
0x5a: {  	_ =	shalt  }
0x5b: {  	_ =	shalt  }
0x5c: {  	_ =	shalt  }
0x5d: {  	_ =	shalt  }
0x5e: {  	_ =	shalt  }
0x5f: {  	_ =	shalt  }
0x60: {  	_ =	shalt  }
0x61: {  	_ =	shalt  }
0x62: {  	_ =	shalt  }
0x63: {  	_ =	shalt  }
0x64: {  	_ =	shalt  }
0x65: {  	_ =	shalt  }
0x66: {  	_ =	shalt  }
0x67: {  	_ =	shalt  }
0x68: {  	_ =	shalt  }
0x69: {  	_ =	shalt  }
0x6a: {  	_ =	shalt  }
0x6b: {  	_ =	shalt  }
0x6c: {  	_ =	shalt  }
0x6d: {  	_ =	shalt  }
0x6e: {  	_ =	shalt  }
0x6f: {  	_ =	shalt  }
0x70: {  	_ =	shalt  }
0x71: {  	_ =	shalt  }
0x72: {  	_ =	shalt  }
0x73: {  	_ =	shalt  }
0x74: {  	_ =	shalt  }
0x75: {  	_ =	shalt  }
0x76: {  	_ =	shalt  }
0x77: {  	_ =	shalt  }
0x78: {  	_ =	shalt  }
0x79: {  	_ =	shalt  }
0x7a: {  	_ =	shalt  }
0x7b: {  	_ =	shalt  }
0x7c: {  	_ =	shalt  }
0x7d: {  	_ =	shalt  }
0x7e: {  	_ =	shalt  }
0x7f: {  	_ =	shalt  }
0x80: {  	_ =	shalt  }
0x81: {  	_ =	shalt  }
0x82: {  	_ =	shalt  }
0x83: {  	_ =	shalt  }
0x84: {  	_ =	shalt  }
0x85: {  	_ =	shalt  }
0x86: {  	_ =	shalt  }
0x87: {  	_ =	shalt  }
.Lfunc_end0:
.L_simem_size_0:
called_computation.2_lowered:
.L_overlay_start_0:
0x88: {  	s2 =	sld [smem:$0x3FD9]  }
0x89: {  	s3 =	sld [smem:$0x3FFE];
	_ =	sdelay $0x1  }
0x8a: {  	s1 =	srdreg.scid  }
0x8b: {  	s0 =	sand.u32 $0x1, s1  }
0x8c: {  	s16 =	sshll.u32 s0, $0xA;
	s2 =	sadd.s32 s3, s2  }
0x8d: {  	s2 =	sadd.s32 s2, s16  }
0x8e: {  	[smem:$0x3FC3] =	sst s2  }
0x8f: {  	_ = 	snop  }
0x90: {  	(tm) =	ssettm $0x1  }
0x91: {  	s17 =	sld [smem:$0x3FFB];
	_ =	sdelay $0x3  }
0x92: {  	_ =	strace s17  }
0x93: {  	s2 =	sld [smem:$0x3FFC];
	_ =	sdelay $0x3  }
0x94: {  	_ =	strace s2  }
0x95: {  	s2 =	sld [smem:$0x3FFD];
	_ =	sdelay $0x3  }
0x96: {  	_ =	strace s2  }
0x97: {  	_ =	strace $0x8FFFFFFF  }
0x98: {  	s18 =	sld [smem:$0x3FDB];
	_ =	sdelay $0x1  }
0x99: {  	s19 =	simm.s32 $_scs_section_size  }
0x9a: {  	s4 =	simm.s32 $_size__tile_overlayer_lowered;
	s5 =	simm.s32 $_tile_overlayer_lowered  }
0x9b: {  	s22 =	simm.s32 $0x1BFF;
	s21 =	sshll.u32 s5, $0x1;
	s2 =	sadd.s32 s19, s18  }
0x9c: {  	s6 =	simm.s32 $0x0;
	s20 =	sshll.u32 s4, $0x1;
	s4 =	sadd.s32 s21, s2  }
0x9d: {  	[timem:s6], [sflag:s22] =	dma.local [hbm:s4], s20  }
0x9e: {  	_ =	swait.ge [sflag:s22], s20  }
0x9f: {  	s3 =	ssub.s32 $0x0, s20;
	[sflag:s22] =	ssyncset.done $0x0  }
0xa0: {  	[sflag:s22] =	ssyncadd.s32 s3;
	_ =	sdelay $0x1  }
0xa1: {  	s23 =	simm.s32 $0x1B8B  }
0xa2: {  	_ =	swait.ge [sflag:s23], $0x1  }
0xa3: {  	[sflag:s23] =	ssyncset.done $0x0  }
0xa4: {  	s25 =	simm.s32 $0x1B8E;
	s24 =	sld [smem:$0x3FFE];
	[sflag:s23] =	ssyncadd.s32 $0xFFFFFFFF  }
0xa5: {  	s26 =	simm.s32 $execute0_lowered;
	[smem:$0x3FD2] =	sst s25  }
0xa6: {  	s4 =	sshll.u32 s26, $0x1;
	_ =	strace $0x8000004C;
	[dreg:$0x1] =	wrdreg $0xFFFFFFFF  }
0xa7: {  	s28 =	simm.s32 $_size_execute0_lowered;
	s2 =	sadd.s32 s2, s4;
	[dreg:$0x0] =	wrdreg $0x0  }
0xa8: {  	s4 =	sshll.u32 s28, $0x1;
	[dreg:$0x2] =	wrdreg s2  }
0xa9: {  	[dreg:$0x3] =	wrdreg s4  }
0xaa: {  	[dreg:$0x4] =	wrdreg $0xC0  }
0xab: {  	_ =	task [dreg:s6], $0x5FFFF  }
0xac: {  	[dreg:$0x1] =	wrdreg $0xFFFFFFFF  }
0xad: {  	[dreg:$0x0] =	wrdreg $0x60  }
0xae: {  	[dreg:$0x2] =	wrdreg s24  }
0xaf: {  	[dreg:$0x3] =	wrdreg $0x0  }
0xb0: {  	[dreg:$0x4] =	wrdreg $0x9  }
0xb1: {  	_ =	task.clear_ibuf [dreg:s6], $0x5FFFF;
	_ =	strace $0x9000004C  }
0xb2: {  	s29 =	simm.s32 $0x9;
	_ =	strace $0x8000004E  }
0xb3: {  	_ =	swait.ge [sflag:s29], $0x1  }
0xb4: {  	[sflag:s29] =	ssyncadd.s32 $0xFFFFFFFF  }
0xb5: {  	_ =	strace $0x9000004E  }
0xb6: {  	_ =	sfence  }
0xb7: {  	s30 =	sld [smem:$0x0];
	_ =	sdelay $0x2  }
0xb8: {  	s31 =	sshll.u32 s1, $0xD;
	s1 =	sshrl.u32 s1, $0x2  }
0xb9: {  	s3 =	sand.u32 $0x4000, s31;
	s1 =	sadd.s32 s1, s30  }
0xba: {  	s0 =	sor.u32 s3, s0;
	s1 =	sshll.u32 s1, $0x11  }
0xbb: {  	s0 =	sor.u32 s1, s0  }
0xbc: {  	s0 =	sadd.s32 $0x8F2B, s0  }
0xbd: {  	[sflag:s0] =	ssyncadd.remote.s32 $0x1  }
0xbe: {  	_ =	sfence.sel $0xFFFF  }
0xbf: {  	[dreg:$0x0] =	wrdreg $0xFFFFFFFF;
	(pc) =	sbr.abs _section_cstart, $3  }
0xc0: {  	[dreg:$0x1] =	wrdreg $0xFFFFFFFF  }
0xc1: {  	_ =	task.clear_ibuf [dreg:s6], $0x2FFFF;
	_ =	strace $0x9FFFFFFF  }
0xc2: {  	(tm) =	ssettm $0x7FFFFFFF  }
0xc3: {  	_ =	shalt  }
tec
execute0_lowered:
.L_overlay_start_1:
0x0: {  	(tag) =	ssettag $0x1  }
0x1: {  	s0 =	rddreg [dreg:$0x0]  }
0x2: {  	s2 =	rddreg [dreg:$0x1];
	s13 =	stileid.u32  }
0x3: {  	s4 =	srdreg.scid;
	s3 =	simm.s32 $0x0;
	s28 =	simm.s32 $0x18980  }
0x4: {  	s29 =	simm.s32 $0x18A00;
	s30 =	simm.s32 $0x18A80;
	s1 =	smul.u32 $0x18800, s13  }
0x5: {  	s31 =	simm.s32 $0x1;
	s4 =	sand.u32 $0x1, s4;
	s14 =	smul.u32 $0x620, s13  }
0x6: {  	[smem:$0x7FF] =	sst s3;
	s5 =	sadd.s32 $0x1EE000, s0;
	s7 =	sadd.s32 $0x129800, s0  }
0x7: {  	s10 =	sadd.s32 $0x18C000, s0;
	s11 =	sadd.s32 $0xC7800, s0;
	s15 =	sshll.u32 s13, $0x6  }
0x8: {  	s22 =	smul.u32 $0x18C0, s13;
	_ =	strace $0x8000004D;
	[dreg:$0x6] =	wrdreg s10  }
0x9: {  	s6 =	smul.u32 $0x6200, s4;
	s24 =	ssub.s32 $0x2, s4;
	[dreg:$0x7] =	wrdreg s11  }
0xa: {  	s12 =	sshll.u32 s4, $0x4;
	s16 =	sor.u32 $0x1C07, s15;
	s17 =	sxor.u32 $0x1, s4  }
0xb: {  	s4 =	smul.u32 $0x18C00, s4;
	s15 =	simm.s32 $0x5;
	s8 =	sshrl.u32 s1, $0x3  }
0xc: {  	s25 =	sshrl.u32 s24, $0x1;
	s12 =	sor.u32 s13, s12;
	[dreg:$0xa] =	wrdreg s16  }
0xd: {  	s1 =	sadd.s32 s1, s2;
	[dreg:$0x4] =	wrdreg s14;
	s13 =	simm.s32 $0x3  }
0xe: {  	s16 =	simm.s32 $0x6;
	s9 =	sadd.s32 s14, s6;
	s6 =	sadd.s32 $0x96000, s0  }
0xf: {  	s8 =	sadd.s32 s8, s0;
	s26 =	ssub.s32 s24, s25;
	s10 =	smul.u32 $0x18C0, s12  }
0x10: {  	s12 =	simm.s32 $0x4;
	[dreg:$0x5] =	wrdreg s9;
	s9 =	sshrl.u32 s9, $0x3  }
0x11: {  	s8 =	sadd.s32 $0x15B000, s8;
	s25 =	sadd.s32 s4, s6;
	s9 =	sadd.s32 s9, s0  }
0x12: {  	s0 =	sadd.s32 $0x10600, s0;
	[dreg:$0x9] =	wrdreg s8;
	s18 =	sadd.s32 s7, s10  }
0x13: {  	s19 =	sor.u32 $0x10, s10;
	s8 =	smul.u32 $0x6200, s17;
	[dreg:$0x8] =	wrdreg s0  }
0x14: {  	s20 =	sadd.s32 s6, s10;
	s10 =	sor.u32 $0x20, s10;
	[dreg:$0xb] =	wrdreg s18  }
0x15: {  	s17 =	simm.s32 $0x1EB00;
	[dreg:$0xc] =	wrdreg s20;
	s21 =	sadd.s32 s7, s19  }
0x16: {  	s11 =	sadd.s32 s6, s19;
	s23 =	sadd.s32 s7, s10;
	[dreg:$0xd] =	wrdreg s21  }
0x17: {  	s10 =	sadd.s32 s6, s10;
	s7 =	sadd.s32 s4, s7;
	[dreg:$0xe] =	wrdreg s11  }
0x18: {  	s24 =	sadd.s32 $0xEC00, s9;
	s0 =	smax.u32 s26, $0x1;
	[dreg:$0xf] =	wrdreg s23  }
0x19: {  	s26 =	sshrl.u32 s1, $0x3;
	s1 =	simm.s32 $0x18B00;
	[dreg:$0x10] =	wrdreg s10  }
0x1a: {  	s6 =	simm.s32 $0x0;
	s20 =	simm.s32 $0x0;
	[dreg:$0x12] =	wrdreg s24  }
0x1b: {  	s8 =	sadd.s32 s14, s8;
	s7 =	sadd.s32 s22, s7;
	[dreg:$0x13] =	wrdreg s0  }
0x1c: {  	s21 =	sadd.s32 s22, s25;
	[dreg:$0x14] =	wrdreg s26;
	s23 =	simm.s32 $0x7  }
0x1d: {  	s24 =	simm.s32 $0x18800;
	s25 =	simm.s32 $0x18880;
	s26 =	simm.s32 $0x18900  }
0x1e: {  	s0 =	simm.s32 $0x80;
	s10 =	simm.s32 $0x2;
	[dreg:$0x11] =	wrdreg s8  }
0x1f: {  	s11 =	simm.s32 $0x1AB00;
	s14 =	simm.s32 $0x1CB00;
	[dreg:$0x3] =	wrdreg s7  }
.LBB2_1:
0x20: {  	[dreg:$0x15] =	wrdreg s6  }
0x21: {  	s4 =	rddreg [dreg:$0x9]  }
0x22: {  	s22 =	rddreg [dreg:$0xa]  }
0x23: {  	s7 =	rddreg [dreg:$0x14]  }
0x24: {  	[spmem:s7], [sflag:s22] =	dma.local [hbm:s4], $0x3100  }
0x25: {  	_ =	swait.ge [sflag:s23], $0x3100  }
0x26: {  	[sflag:s23] =	ssyncset.done $0x0  }
0x27: {  	[sflag:s23] =	ssyncadd.s32 $0xFFFFCF00  }
0x28: {  	[bflag:$0x0] =	sbarrier.arrive $0xFFFF  }
0x29: {  	s7 =	rddreg [dreg:$0xb]  }
0x2a: {  	[tilespmem:s24], [sflag:$0x1] =	stream.linear.gather [hbm4b:s7+s3], $0x80, $0x38;
	[tilespmem:$0x1F120] =	vst v63  }
0x2b: {  	s8 =	rddreg [dreg:$0xc]  }
0x2c: {  	[tilespmem:s25], [sflag:$0x1] =	stream.linear.gather [hbm4b:s8+s3], $0x80, $0x38;
	[tilespmem:$0x1F120] =	vst v63  }
0x2d: {  	s9 =	rddreg [dreg:$0xd]  }
0x2e: {  	[tilespmem:s26], [sflag:$0x2] =	stream.linear.gather [hbm4b:s9+s3], $0x80, $0x38;
	[tilespmem:$0x1F120] =	vst v63  }
0x2f: {  	s18 =	rddreg [dreg:$0xe]  }
0x30: {  	[tilespmem:s28], [sflag:$0x2] =	stream.linear.gather [hbm4b:s18+s3], $0x80, $0x38;
	[tilespmem:$0x1F120] =	vst v63  }
0x31: {  	s19 =	rddreg [dreg:$0xf]  }
0x32: {  	[tilespmem:s29], [sflag:$0x3] =	stream.linear.gather [hbm4b:s19+s3], $0x80, $0x38;
	[tilespmem:$0x1F120] =	vst v63  }
0x33: {  	s22 =	rddreg [dreg:$0x10]  }
0x34: {  	[tilespmem:s30], [sflag:$0x3] =	stream.linear.gather [hbm4b:s22+s3], $0x80, $0x38;
	[tilespmem:$0x1F120] =	vst v63  }
0x35: {  	_ =	swait.ge [sflag:s31], $0x100  }
0x36: {  	[sflag:s31] =	ssyncset.done $0x0  }
0x37: {  	[sflag:s31] =	ssyncadd.s32 $0xFFFFFF00  }
0x38: {  	[tilespmem:s1], [sflag:$0x4] =	stream.indirect.gather [hbm4b:s5+s0], $0x40, s24, s0, $0xb8;
	[tilespmem:$0x1F120] =	vst v63  }
0x39: {  	_ =	swait.ge [sflag:s10], $0x100  }
0x3a: {  	[sflag:s10] =	ssyncset.done $0x0  }
0x3b: {  	[sflag:s10] =	ssyncadd.s32 $0xFFFFFF00  }
0x3c: {  	[tilespmem:s11], [sflag:$0x5] =	stream.indirect.gather [hbm4b:s5+s0], $0x40, s26, s0, $0xb8;
	[tilespmem:$0x1F120] =	vst v63  }
0x3d: {  	_ =	swait.ge [sflag:s12], $0x2000  }
0x3e: {  	[sflag:s12] =	ssyncset.done $0x0  }
0x3f: {  	[sflag:s12] =	ssyncadd.s32 $0xFFFFE000  }
0x40: {  	[spmem:s2] =	stream.indirect.scatter.add.f32 [tilespmem:s1], [sflag:$0x7], $0x40, s25, s0, $0xb8;
	[tilespmem:$0x1F120] =	vst v63  }
0x41: {  	_ =	swait.ge [sflag:s23], $0x2000  }
0x42: {  	s6 =	rddreg [dreg:$0x3]  }
0x43: {  	[sflag:s23] =	ssyncset.done $0x0;
	s4 =	sadd.s32 $0x0, s6  }
0x44: {  	s8 =	sadd.s32 $0x0, s21;
	[sflag:s23] =	ssyncadd.s32 $0xFFFFE000;
	s7 =	sadd.s32 $0x30, s4  }
0x45: {  	[tilespmem:s24], [sflag:$0x1] =	stream.linear.gather [hbm4b:s7+s3], $0x80, $0x38;
	[tilespmem:$0x1F120] =	vst v63  }
0x46: {  	s9 =	sadd.s32 $0x30, s8  }
0x47: {  	[tilespmem:s25], [sflag:$0x1] =	stream.linear.gather [hbm4b:s9+s3], $0x80, $0x38;
	[tilespmem:$0x1F120] =	vst v63  }
0x48: {  	_ =	swait.ge [sflag:s13], $0x100  }
0x49: {  	[sflag:s13] =	ssyncset.done $0x0  }
0x4a: {  	[sflag:s13] =	ssyncadd.s32 $0xFFFFFF00  }
0x4b: {  	[tilespmem:s14], [sflag:$0x6] =	stream.indirect.gather [hbm4b:s5+s0], $0x40, s29, s0, $0xb8;
	[tilespmem:$0x1F120] =	vst v63  }
0x4c: {  	_ =	swait.ge [sflag:s15], $0x2000  }
0x4d: {  	[sflag:s15] =	ssyncset.done $0x0  }
0x4e: {  	[sflag:s15] =	ssyncadd.s32 $0xFFFFE000  }
0x4f: {  	[spmem:s2] =	stream.indirect.scatter.add.f32 [tilespmem:s11], [sflag:$0x7], $0x40, s28, s0, $0xb8;
	[tilespmem:$0x1F120] =	vst v63  }
0x50: {  	_ =	swait.ge [sflag:s23], $0x2000  }
0x51: {  	[sflag:s23] =	ssyncset.done $0x0  }
0x52: {  	s18 =	sadd.s32 $0x40, s4;
	[sflag:s23] =	ssyncadd.s32 $0xFFFFE000  }
0x53: {  	[tilespmem:s26], [sflag:$0x2] =	stream.linear.gather [hbm4b:s18+s3], $0x80, $0x38;
	[tilespmem:$0x1F120] =	vst v63  }
0x54: {  	s19 =	sadd.s32 $0x40, s8  }
0x55: {  	[tilespmem:s28], [sflag:$0x2] =	stream.linear.gather [hbm4b:s19+s3], $0x80, $0x38;
	[tilespmem:$0x1F120] =	vst v63  }
0x56: {  	_ =	swait.ge [sflag:s31], $0x100  }
0x57: {  	[sflag:s31] =	ssyncset.done $0x0  }
0x58: {  	[sflag:s31] =	ssyncadd.s32 $0xFFFFFF00  }
0x59: {  	[tilespmem:s1], [sflag:$0x4] =	stream.indirect.gather [hbm4b:s5+s0], $0x40, s24, s0, $0xb8;
	[tilespmem:$0x1F120] =	vst v63  }
0x5a: {  	_ =	swait.ge [sflag:s16], $0x2000  }
0x5b: {  	[sflag:s16] =	ssyncset.done $0x0  }
0x5c: {  	[sflag:s16] =	ssyncadd.s32 $0xFFFFE000  }
0x5d: {  	[spmem:s2] =	stream.indirect.scatter.add.f32 [tilespmem:s14], [sflag:$0x7], $0x40, s30, s0, $0xb8;
	[tilespmem:$0x1F120] =	vst v63  }
0x5e: {  	_ =	swait.ge [sflag:s23], $0x2000  }
0x5f: {  	[sflag:s23] =	ssyncset.done $0x0  }
0x60: {  	s4 =	sadd.s32 $0x50, s4;
	[sflag:s23] =	ssyncadd.s32 $0xFFFFE000  }
0x61: {  	[tilespmem:s29], [sflag:$0x3] =	stream.linear.gather [hbm4b:s4+s3], $0x80, $0x38;
	[tilespmem:$0x1F120] =	vst v63  }
0x62: {  	s22 =	sadd.s32 $0x50, s8  }
0x63: {  	[tilespmem:s30], [sflag:$0x3] =	stream.linear.gather [hbm4b:s22+s3], $0x80, $0x38;
	[tilespmem:$0x1F120] =	vst v63  }
0x64: {  	_ =	swait.ge [sflag:s10], $0x100  }
0x65: {  	[sflag:s10] =	ssyncset.done $0x0  }
0x66: {  	s4 =	simm.s32 $0x30;
	[sflag:s10] =	ssyncadd.s32 $0xFFFFFF00  }
.LBB2_2:
0x67: {  	[tilespmem:s11], [sflag:$0x5] =	stream.indirect.gather [hbm4b:s5+s0], $0x40, s26, s0, $0xb8;
	[tilespmem:$0x1F120] =	vst v63  }
0x68: {  	_ =	swait.ge [sflag:s12], $0x2000  }
0x69: {  	[sflag:s12] =	ssyncset.done $0x0  }
0x6a: {  	[sflag:s12] =	ssyncadd.s32 $0xFFFFE000  }
0x6b: {  	[spmem:s2] =	stream.indirect.scatter.add.f32 [tilespmem:s1], [sflag:$0x7], $0x40, s25, s0, $0xb8;
	[tilespmem:$0x1F120] =	vst v63  }
0x6c: {  	_ =	swait.ge [sflag:s23], $0x2000  }
0x6d: {  	s6 =	smov.u32 s4;
	s7 =	rddreg [dreg:$0x3]  }
0x6e: {  	[sflag:s23] =	ssyncset.done $0x0;
	s7 =	sadd.s32 s6, s7  }
0x6f: {  	[sflag:s23] =	ssyncadd.s32 $0xFFFFE000;
	s6 =	sadd.s32 s6, s21;
	s8 =	sadd.s32 $0x30, s7  }
0x70: {  	[tilespmem:s24], [sflag:$0x1] =	stream.linear.gather [hbm4b:s8+s3], $0x80, $0x38;
	[tilespmem:$0x1F120] =	vst v63  }
0x71: {  	s18 =	sadd.s32 $0x30, s6  }
0x72: {  	[tilespmem:s25], [sflag:$0x1] =	stream.linear.gather [hbm4b:s18+s3], $0x80, $0x38;
	[tilespmem:$0x1F120] =	vst v63  }
0x73: {  	_ =	swait.ge [sflag:s13], $0x100  }
0x74: {  	[sflag:s13] =	ssyncset.done $0x0  }
0x75: {  	[sflag:s13] =	ssyncadd.s32 $0xFFFFFF00  }
0x76: {  	[tilespmem:s14], [sflag:$0x6] =	stream.indirect.gather [hbm4b:s5+s0], $0x40, s29, s0, $0xb8;
	[tilespmem:$0x1F120] =	vst v63  }
0x77: {  	_ =	swait.ge [sflag:s15], $0x2000  }
0x78: {  	[sflag:s15] =	ssyncset.done $0x0  }
0x79: {  	[sflag:s15] =	ssyncadd.s32 $0xFFFFE000  }
0x7a: {  	[spmem:s2] =	stream.indirect.scatter.add.f32 [tilespmem:s11], [sflag:$0x7], $0x40, s28, s0, $0xb8;
	[tilespmem:$0x1F120] =	vst v63  }
0x7b: {  	_ =	swait.ge [sflag:s23], $0x2000  }
0x7c: {  	[sflag:s23] =	ssyncset.done $0x0  }
0x7d: {  	s19 =	sadd.s32 $0x40, s7;
	[sflag:s23] =	ssyncadd.s32 $0xFFFFE000  }
0x7e: {  	[tilespmem:s26], [sflag:$0x2] =	stream.linear.gather [hbm4b:s19+s3], $0x80, $0x38;
	[tilespmem:$0x1F120] =	vst v63  }
0x7f: {  	s22 =	sadd.s32 $0x40, s6  }
0x80: {  	[tilespmem:s28], [sflag:$0x2] =	stream.linear.gather [hbm4b:s22+s3], $0x80, $0x38;
	[tilespmem:$0x1F120] =	vst v63  }
0x81: {  	_ =	swait.ge [sflag:s31], $0x100  }
0x82: {  	[sflag:s31] =	ssyncset.done $0x0  }
0x83: {  	[sflag:s31] =	ssyncadd.s32 $0xFFFFFF00  }
0x84: {  	[tilespmem:s1], [sflag:$0x4] =	stream.indirect.gather [hbm4b:s5+s0], $0x40, s24, s0, $0xb8;
	[tilespmem:$0x1F120] =	vst v63  }
0x85: {  	_ =	swait.ge [sflag:s16], $0x2000  }
0x86: {  	[sflag:s16] =	ssyncset.done $0x0  }
0x87: {  	[sflag:s16] =	ssyncadd.s32 $0xFFFFE000  }
0x88: {  	[spmem:s2] =	stream.indirect.scatter.add.f32 [tilespmem:s14], [sflag:$0x7], $0x40, s30, s0, $0xb8;
	[tilespmem:$0x1F120] =	vst v63  }
0x89: {  	_ =	swait.ge [sflag:s23], $0x2000  }
0x8a: {  	[sflag:s23] =	ssyncset.done $0x0  }
0x8b: {  	p0 =	sne.s32 s4, $0x1860;
	s7 =	sadd.s32 $0x50, s7;
	[sflag:s23] =	ssyncadd.s32 $0xFFFFE000  }
0x8c: {  	[tilespmem:s29], [sflag:$0x3] =	stream.linear.gather [hbm4b:s7+s3], $0x80, $0x38;
	[tilespmem:$0x1F120] =	vst v63  }
.Ltmp0:
0x8d: {  	s6 =	sadd.s32 $0x50, s6;
	(pc) =	sbr.rel @p0 .LBB2_2-.Ltmp0, $4  }
0x8e: {  	[tilespmem:s30], [sflag:$0x3] =	stream.linear.gather [hbm4b:s6+s3], $0x80, $0x38;
	[tilespmem:$0x1F120] =	vst v63  }
0x8f: {  	_ =	swait.ge [sflag:s10], $0x100  }
0x90: {  	[sflag:s10] =	ssyncset.done $0x0  }
0x91: {  	s4 =	sadd.s32 $0x30, s4;
	[sflag:s10] =	ssyncadd.s32 $0xFFFFFF00  }
0x92: {  	[tilespmem:s11], [sflag:$0x5] =	stream.indirect.gather [hbm4b:s5+s0], $0x40, s26, s0, $0xb8;
	[tilespmem:$0x1F120] =	vst v63  }
0x93: {  	_ =	swait.ge [sflag:s12], $0x2000  }
0x94: {  	[sflag:s12] =	ssyncset.done $0x0  }
0x95: {  	[sflag:s12] =	ssyncadd.s32 $0xFFFFE000  }
0x96: {  	_ =	swait.ge [sflag:s15], $0x2000  }
0x97: {  	[sflag:s15] =	ssyncset.done $0x0  }
0x98: {  	[sflag:s15] =	ssyncadd.s32 $0xFFFFE000  }
0x99: {  	_ =	swait.ge [sflag:s13], $0x100  }
0x9a: {  	[sflag:s13] =	ssyncset.done $0x0  }
0x9b: {  	[sflag:s13] =	ssyncadd.s32 $0xFFFFFF00  }
0x9c: {  	[bflag:$0x0] =	sbarrier.arrive $0xFFFF  }
0x9d: {  	s4 =	rddreg [dreg:$0x12]  }
0x9e: {  	[tilespmem:s17], [sflag:$0x7] =	stream.linear.gather [hbm4b:s4+s20], $0x620, $0x38;
	[tilespmem:$0x1F120] =	vst v63  }
0x9f: {  	_ =	swait.ge [sflag:s23], $0x620  }
0xa0: {  	[sflag:s23] =	ssyncset.done $0x0  }
0xa1: {  	s9 =	simm.s32 $0x0;
	s19 =	simm.s32 $0x0;
	[sflag:s23] =	ssyncadd.s32 $0xFFFFF9E0  }
.LBB2_4:
0xa2: {  	p0 =	seq.s32 s19, $0x0  }
0xa3: {  	s6 =	simm.s32 @!p0 $0x4  }
0xa4: {  	s4 =	smul.u32 $0x70, s19;
	_ =	swait.ge @!p0 [sflag:s6], $0x1C00  }
0xa5: {  	[sflag:s6] =	ssyncset.done @!p0 $0x0;
	s7 =	rddreg [dreg:$0x4]  }
0xa6: {  	[sflag:s6] =	ssyncadd.s32 @!p0 $0xFFFFE400;
	s7 =	sadd.s32 s7, s4  }
0xa7: {  	_ =	swait.ge @!p0 [sflag:s6], $0x1C00;
	s7 =	sshll.u32 s7, $0x6  }
0xa8: {  	[sflag:s6] =	ssyncset.done @!p0 $0x0;
	s7 =	sand.u32 $0x3FFFFFC0, s7  }
0xa9: {  	[sflag:s6] =	ssyncadd.s32 @!p0 $0xFFFFE400;
	s8 =	sadd.s32 s7, s2  }
0xaa: {  	[tilespmem:s1], [sflag:$0x7] =	stream.linear.gather [spmem:s8], $0x1C00, $0x38;
	[tilespmem:$0x1F120] =	vst v63  }
0xab: {  	_ =	swait.ge [sflag:s23], $0x1C00  }
0xac: {  	s18 =	rddreg [dreg:$0x5]  }
0xad: {  	s6 =	sadd.s32 s18, s4  }
0xae: {  	[sflag:s23] =	ssyncset.done $0x0;
	s22 =	rddreg [dreg:$0x6];
	s6 =	sshll.u32 s6, $0x3  }
0xaf: {  	[sflag:s23] =	ssyncadd.s32 $0xFFFFE400;
	s7 =	sadd.s32 s22, s6  }
0xb0: {  	[tilespmem:s11], [sflag:$0x7] =	stream.linear.gather [hbm4b:s7+s20], $0x1C00, $0x38;
	[tilespmem:$0x1F120] =	vst v63  }
0xb1: {  	v0 =	vmov s9;
	_ =	swait.ge [sflag:s23], $0x1C00  }
0xb2: {  	[sflag:s23] =	ssyncset.done $0x0  }
0xb3: {  	s7 =	simm.s32 $0x0;
	[sflag:s23] =	ssyncadd.s32 $0xFFFFE400  }
0xb4: {  	v3 =	vld [tilespmem:s7+$0x18B00]  }
0xb5: {  	v2 =	vld [tilespmem:s7+$0x18B30]  }
0xb6: {  	v0 =	vld.idx.msk [tilespmem:v0+s17+$0x0], $0xffff  }
0xb7: {  	v6 =	vld [tilespmem:s7+$0x18B20]  }
0xb8: {  	v4 =	vld [tilespmem:s7+$0x18B10]  }
0xb9: {  	v1 =	vld [tilespmem:s7+$0x1AB10]  }
0xba: {  	s8 =	simm.s32 $0x100;
	s22 =	smov.u32 s9;
	v5 =	vld [tilespmem:s7+$0x1AB20]  }
.LBB2_5:
0xbb: {  	p0 =	sne.s32 s8, $0x6F00  }
0xbc: {  	v7 =	vld [tilespmem:s7+$0x1AB00];
	s22 =	sadd.s32 $0x1, s22;
	s18 =	smov.u32 s8;
	s8 =	sadd.s32 $0x100, s8  }
0xbd: {  	v3 =	vmul.f32 v3, v0;
	v6 =	vmul.f32 v6, v0;
	v8 =	vld [tilespmem:s7+$0x1AB30]  }
0xbe: {  	v2 =	vmul.f32 v2, v0;
	v4 =	vmul.f32 v4, v0  }
0xbf: {  	v9 =	vmov s22;
	v3 =	vmax.f32 v3, $0.0e+00;
	v6 =	vmax.f32 v6, $0.0e+00  }
0xc0: {  	v4 =	vmax.f32 v4, $0.0e+00;
	v5 =	vadd.f32 v6, v5;
	v6 =	vmul.f32 v6, v0  }
0xc1: {  	v2 =	vmax.f32 v2, $0.0e+00;
	v1 =	vadd.f32 v4, v1;
	v4 =	vmul.f32 v4, v0  }
0xc2: {  	s18 =	sshra.s32 s18, $0x2;
	v7 =	vadd.f32 v3, v7;
	[tilespmem:s7+$0x1AB20] =	vst v5;
	v5 =	vadd.f32 v2, v8;
	v2 =	vmul.f32 v2, v0  }
0xc3: {  	v0 =	vmul.f32 v3, v0;
	[tilespmem:s7+$0x18B20] =	vst v6  }
0xc4: {  	[tilespmem:s7+$0x1AB00] =	vst v7  }
0xc5: {  	[tilespmem:s7+$0x18B30] =	vst v2  }
0xc6: {  	[tilespmem:s7+$0x18B00] =	vst v0  }
0xc7: {  	[tilespmem:s7+$0x1AB30] =	vst v5  }
0xc8: {  	v3 =	vld [tilespmem:s18+$0x18B00];
	[tilespmem:s7+$0x1AB10] =	vst v1  }
0xc9: {  	v2 =	vld [tilespmem:s18+$0x18B30];
	[tilespmem:s7+$0x18B10] =	vst v4;
	s7 =	smov.u32 s18  }
.Ltmp1:
0xca: {  	v0 =	vld.idx.msk [tilespmem:v9+s17+$0x0], $0xffff;
	(pc) =	sbr.rel @p0 .LBB2_5-.Ltmp1, $4  }
0xcb: {  	v6 =	vld [tilespmem:s7+$0x18B20]  }
0xcc: {  	v4 =	vld [tilespmem:s7+$0x18B10]  }
0xcd: {  	v1 =	vld [tilespmem:s7+$0x1AB10]  }
0xce: {  	v5 =	vld [tilespmem:s7+$0x1AB20]  }
0xcf: {  	v2 =	vmul.f32 v2, v0  }
0xd0: {  	v7 =	vld [tilespmem:s7+$0x1AB00];
	v6 =	vmul.f32 v6, v0  }
0xd1: {  	v2 =	vmax.f32 v2, $0.0e+00  }
0xd2: {  	v3 =	vmul.f32 v3, v0;
	v8 =	vld [tilespmem:s7+$0x1AB30];
	v6 =	vmax.f32 v6, $0.0e+00;
	v62 =	vmul.f32 v2, v0  }
0xd3: {  	v5 =	vadd.f32 v6, v5  }
0xd4: {  	v3 =	vmax.f32 v3, $0.0e+00;
	v6 =	vmul.f32 v6, v0;
	[tilespmem:s7+$0x18B30] =	vst v62  }
0xd5: {  	v4 =	vmul.f32 v4, v0;
	v7 =	vadd.f32 v3, v7;
	[tilespmem:s7+$0x1AB20] =	vst v5  }
0xd6: {  	v3 =	vmul.f32 v3, v0;
	[tilespmem:s7+$0x18B20] =	vst v6  }
0xd7: {  	v4 =	vmax.f32 v4, $0.0e+00;
	v2 =	vadd.f32 v2, v8;
	[tilespmem:s7+$0x1AB00] =	vst v7  }
0xd8: {  	s19 =	sadd.s32 $0x1, s19;
	v1 =	vadd.f32 v4, v1;
	[tilespmem:s7+$0x18B00] =	vst v3  }
0xd9: {  	s18 =	rddreg [dreg:$0x11];
	p0 =	sne.s32 s19, $0xE;
	v63 =	vmul.f32 v4, v0;
	[tilespmem:s7+$0x1AB30] =	vst v2  }
.Ltmp2:
0xda: {  	s8 =	rddreg [dreg:$0x7];
	s4 =	sadd.s32 s4, s18;
	[tilespmem:s7+$0x1AB10] =	vst v1;
	(pc) =	sbr.rel @p0 .LBB2_4-.Ltmp2, $4  }
0xdb: {  	s22 =	rddreg [dreg:$0x8];
	s6 =	sadd.s32 s8, s6;
	s4 =	sshll.u32 s4, $0x3;
	[tilespmem:s7+$0x18B10] =	vst v63  }
0xdc: {  	[hbm4b:s6+s3] =	stream.linear.scatter [tilespmem:s11], [sflag:$0x4], $0x1C00, $0x38;
	[tilespmem:$0x1F120] =	vst v63  }
0xdd: {  	s9 =	sadd.s32 $0x70, s9;
	s4 =	sadd.s32 s22, s4  }
0xde: {  	[hbm4b:s4+s3] =	stream.linear.scatter [tilespmem:s1], [sflag:$0x4], $0x1C00, $0x38;
	[tilespmem:$0x1F120] =	vst v63  }
0xdf: {  	_ =	swait.ge [sflag:s12], $0x1C00  }
0xe0: {  	[sflag:s12] =	ssyncset.done $0x0  }
0xe1: {  	[sflag:s12] =	ssyncadd.s32 $0xFFFFE400  }
0xe2: {  	_ =	swait.ge [sflag:s12], $0x1C00  }
0xe3: {  	s6 =	rddreg [dreg:$0x15]  }
0xe4: {  	s4 =	rddreg [dreg:$0x13];
	s6 =	sadd.s32 $0x1, s6  }
0xe5: {  	p0 =	sne.s32 s6, s4  }
.Ltmp3:
0xe6: {  	_ = 	snop;
	(pc) =	sbr.rel @p0 .LBB2_1-.Ltmp3, $3  }
0xe7: {  	_ =	sdelay $0x1  }
0xe8: {  	[sflag:s12] =	ssyncset.done $0x0  }
0xe9: {  	[sflag:s12] =	ssyncadd.s32 $0xFFFFE400  }
0xea: {  	_ =	sfence.sel $0x180000  }
0xeb: {  	[bflag:$0x0] =	sbarrier.arrive $0xFFFF  }
0xec: {  	_ =	strace $0x9000004D  }
0xed: {  	s0 =	stileid.u32;
	[bflag:$0x2] =	sbarrier.arrive $0xFFFF  }
0xee: {  	p0 =	sne.s32 s0, $0x0;
	s0 =	rddreg [dreg:$0x2]  }
0xef: {  	s0 =	sadd.s32 @!p0 $0x100000, s0  }
0xf0: {  	[sflag:s0] =	ssyncadd.tile.s32 @!p0 $0x1;
	_ =	shalt  }
.Lfunc_end2:
_tile_overlayer_lowered:
.L_overlay_start_2:
0xf1: {  	(tag) =	ssettag $0x2  }
0xf2: {  	s0 =	rddreg [dreg:$0x0];
	s2 =	stileid.u32  }
0xf3: {  	s1 =	rddreg [dreg:$0x1];
	p0 =	sne.s32 s2, $0x0  }
0xf4: {  	s3 =	rddreg [dreg:$0x2];
	[bflag:$0x3] =	sbarrier.arrive $0xFFFF;
	s2 =	simm.s32 @!p0 $0x1C07  }
0xf5: {  	[timem:s3], [sflag:s2] =	dma.local @!p0 [hbm:s0], s1  }
0xf6: {  	s0 =	simm.s32 @!p0 $0x7  }
0xf7: {  	_ =	swait.ge @!p0 [sflag:s0], s1  }
0xf8: {  	s1 =	ssub.s32 @!p0 $0x0, s1;
	[sflag:s0] =	ssyncset.done @!p0 $0x0  }
0xf9: {  	[sflag:s0] =	ssyncadd.s32 @!p0 s1  }
0xfa: {  	[bflag:$0x3] =	sbarrier.arrive $0xFFFF  }
0xfb: {  	_ =	shalt  }

// kernel: kernel.17.cloned.1.call-start
scs
__scs_entry_jumppad:
0x0: {  	(pc) =	sbr.rel $0x88, $3  }
0x1: {  	(tag) =	ssettag $0x0;
	lr =	simm.s32 $0x1  }
0x2: {  	[smem:$0x3F9C] =	sst lr;
	_ =	strace $0xD0000000  }
0x3: {  	_ = 	snop  }
0x4: {  	_ = 	snop  }
0x5: {  	_ = 	snop  }
0x6: {  	_ = 	snop  }
0x7: {  	_ = 	snop  }
__scs_overlays_trampoline_lowered:
0x8: {  	[smem:$0x3FAB] =	sst s0  }
0x9: {  	[smem:$0x3FAC] =	sst s1  }
0xa: {  	[smem:$0x3FAD] =	sst s2  }
0xb: {  	[smem:$0x3FAE] =	sst s3  }
0xc: {  	[smem:$0x3FAF] =	sst s4  }
0xd: {  	[smem:$0x3FB0] =	sst s5  }
0xe: {  	[smem:$0x3FB1] =	sst s6  }
0xf: {  	[smem:$0x3FB2] =	sst s7  }
0x10: {  	[smem:$0x3FB3] =	sst s8  }
0x11: {  	[smem:$0x3FB4] =	sst s9;
	s0 =	simm.s32 @!p0 $0x0  }
0x12: {  	s1 =	sld [smem:$0x3F9A];
	s0 =	simm.s32 @p0 $0x1  }
0x13: {  	[smem:$0x3FB5] =	sst s0;
	s0 =	simm.s32 @!p1 $0x0  }
0x14: {  	s2 =	sld [smem:$0x3F99];
	s0 =	simm.s32 @p1 $0x1  }
0x15: {  	[smem:$0x3FB6] =	sst s0;
	s0 =	simm.s32 @!p2 $0x0  }
0x16: {  	s3 =	sld [smem:$0x3FDB];
	s0 =	simm.s32 @p2 $0x1  }
0x17: {  	s4 =	simm.s32 $0x1BF5;
	[smem:$0x3FB8] =	sst s0  }
0x18: {  	s0 =	sld [smem:$0x3F9B];
	_ =	swait.ge [sflag:s4], $0x0  }
0x19: {  	s7 =	sld [smem:$0x3F9C]  }
0x1a: {  	s8 =	sadd.s32 $0xFFFFE003, lr  }
0x1b: {  	s9 =	sadd.s32 $0xFFFFFEF7, lr;
	s5 =	simm.s32 $0xFFFFFFFF;
	p2 =	slt.u32 s8, $0xFFFFF086  }
0x1c: {  	p1 =	slt.u32 s9, $0xF7A;
	s5 =	simm.s32 @!p2 $0x0  }
0x1d: {  	s5 =	simm.s32 @p1 $0x1;
	p0 =	seq.s32 s7, s2  }
0x1e: {  	s7 =	smul.u32 @!p0 $0xF7A, s2;
	p2 =	seq.s32 @!p0 s5, $0x0  }
0x1f: {  	s9 =	smul.u32 $0xF7A, s1;
	s8 =	simm.s32 @!p0 $0x1BF5;
	p2 =	por !p2, p0  }
0x20: {  	[sflag:s8] =	ssyncset.s32 @!p0 $0xFFFFF086;
	s6 =	sadd.s32 @!p0 s3, s7;
	s7 =	simm.s32 @!p0 $0x108  }
0x21: {  	s3 =	sadd.s32 s3, s9;
	s6 =	sadd.s32 @!p0 $0x88, s6;
	s7 =	simm.s32 @p2 $0x1082  }
0x22: {  	[simem:s7], [sflag:s8] =	dma.local @!p0 [hbm:s6], $0xF7A  }
0x23: {  	s9 =	sor.u32 $0xD0000000, s2;
	s6 =	simm.s32 $0x108;
	_ =	swait.ge @!p0 [sflag:s8], $0x0  }
0x24: {  	s3 =	sadd.s32 $0x88, s3;
	s6 =	simm.s32 @!p1 $0x1082;
	[sflag:s4] =	ssyncset.s32 $0xFFFFF086  }
0x25: {  	[simem:s6], [sflag:s4] =	dma.local [hbm:s3], $0xF7A  }
0x26: {  	[smem:$0x3F9C] =	sst s1;
	(tag) =	ssettag s2;
	_ =	strace s9  }
0x27: {  	s1 =	sld [smem:$0x3FAC]  }
0x28: {  	s2 =	sld [smem:$0x3FAD]  }
0x29: {  	s4 =	sld [smem:$0x3FAF]  }
0x2a: {  	p0 =	seq.s32 s5, $0x0;
	s5 =	sld [smem:$0x3FB0]  }
0x2b: {  	s6 =	sld [smem:$0x3FB1]  }
0x2c: {  	s7 =	sld [smem:$0x3FB2]  }
0x2d: {  	s3 =	simm.s32 $0x108;
	s8 =	sld [smem:$0x3FB3]  }
0x2e: {  	s3 =	simm.s32 @!p0 $0x1082;
	s9 =	sld [smem:$0x3FB4]  }
0x2f: {  	lr =	sadd.s32 s0, s3;
	s0 =	sld [smem:$0x3FAB]  }
0x30: {  	s3 =	sld [smem:$0x3FAE]  }
0x31: {  	[smem:$0x3FB7] =	sst s10  }
0x32: {  	s10 =	sld [smem:$0x3FB5];
	_ =	sdelay $0x3  }
0x33: {  	p0 =	seq.s32 s10, $0x1;
	s10 =	sld [smem:$0x3FB7];
	_ =	sdelay $0x3  }
0x34: {  	[smem:$0x3FB7] =	sst s10  }
0x35: {  	s10 =	sld [smem:$0x3FB6];
	_ =	sdelay $0x3  }
0x36: {  	p1 =	seq.s32 s10, $0x1;
	s10 =	sld [smem:$0x3FB7];
	_ =	sdelay $0x3  }
0x37: {  	[smem:$0x3FB7] =	sst s10  }
0x38: {  	s10 =	sld [smem:$0x3FB8]  }
0x39: {  	_ = 	snop;
	(pc) =	sbr.ind lr, $3  }
0x3a: {  	_ = 	snop  }
0x3b: {  	_ = 	snop  }
0x3c: {  	p2 =	seq.s32 s10, $0x1;
	s10 =	sld [smem:$0x3FB7]  }
0x3d: {  	_ =	shalt  }
0x3e: {  	_ =	shalt  }
0x3f: {  	_ =	shalt  }
0x40: {  	_ =	shalt  }
0x41: {  	_ =	shalt  }
0x42: {  	_ =	shalt  }
0x43: {  	_ =	shalt  }
0x44: {  	_ =	shalt  }
0x45: {  	_ =	shalt  }
0x46: {  	_ =	shalt  }
0x47: {  	_ =	shalt  }
0x48: {  	_ =	shalt  }
0x49: {  	_ =	shalt  }
0x4a: {  	_ =	shalt  }
0x4b: {  	_ =	shalt  }
0x4c: {  	_ =	shalt  }
0x4d: {  	_ =	shalt  }
0x4e: {  	_ =	shalt  }
0x4f: {  	_ =	shalt  }
0x50: {  	_ =	shalt  }
0x51: {  	_ =	shalt  }
0x52: {  	_ =	shalt  }
0x53: {  	_ =	shalt  }
0x54: {  	_ =	shalt  }
0x55: {  	_ =	shalt  }
0x56: {  	_ =	shalt  }
0x57: {  	_ =	shalt  }
0x58: {  	_ =	shalt  }
0x59: {  	_ =	shalt  }
0x5a: {  	_ =	shalt  }
0x5b: {  	_ =	shalt  }
0x5c: {  	_ =	shalt  }
0x5d: {  	_ =	shalt  }
0x5e: {  	_ =	shalt  }
0x5f: {  	_ =	shalt  }
0x60: {  	_ =	shalt  }
0x61: {  	_ =	shalt  }
0x62: {  	_ =	shalt  }
0x63: {  	_ =	shalt  }
0x64: {  	_ =	shalt  }
0x65: {  	_ =	shalt  }
0x66: {  	_ =	shalt  }
0x67: {  	_ =	shalt  }
0x68: {  	_ =	shalt  }
0x69: {  	_ =	shalt  }
0x6a: {  	_ =	shalt  }
0x6b: {  	_ =	shalt  }
0x6c: {  	_ =	shalt  }
0x6d: {  	_ =	shalt  }
0x6e: {  	_ =	shalt  }
0x6f: {  	_ =	shalt  }
0x70: {  	_ =	shalt  }
0x71: {  	_ =	shalt  }
0x72: {  	_ =	shalt  }
0x73: {  	_ =	shalt  }
0x74: {  	_ =	shalt  }
0x75: {  	_ =	shalt  }
0x76: {  	_ =	shalt  }
0x77: {  	_ =	shalt  }
0x78: {  	_ =	shalt  }
0x79: {  	_ =	shalt  }
0x7a: {  	_ =	shalt  }
0x7b: {  	_ =	shalt  }
0x7c: {  	_ =	shalt  }
0x7d: {  	_ =	shalt  }
0x7e: {  	_ =	shalt  }
0x7f: {  	_ =	shalt  }
0x80: {  	_ =	shalt  }
0x81: {  	_ =	shalt  }
0x82: {  	_ =	shalt  }
0x83: {  	_ =	shalt  }
0x84: {  	_ =	shalt  }
0x85: {  	_ =	shalt  }
0x86: {  	_ =	shalt  }
0x87: {  	_ =	shalt  }
.Lfunc_end0:
.L_simem_size_0:
called_computation.3_lowered:
.L_overlay_start_0:
0x88: {  	s2 =	sld [smem:$0x3FD9]  }
0x89: {  	s3 =	sld [smem:$0x3FFE];
	_ =	sdelay $0x1  }
0x8a: {  	s1 =	srdreg.scid  }
0x8b: {  	s0 =	sand.u32 $0x1, s1  }
0x8c: {  	s16 =	sshll.u32 s0, $0xA;
	s2 =	sadd.s32 s3, s2  }
0x8d: {  	s2 =	sadd.s32 s2, s16  }
0x8e: {  	[smem:$0x3FC3] =	sst s2  }
0x8f: {  	_ = 	snop  }
0x90: {  	(tm) =	ssettm $0x1  }
0x91: {  	s17 =	sld [smem:$0x3FFB];
	_ =	sdelay $0x3  }
0x92: {  	_ =	strace s17  }
0x93: {  	s2 =	sld [smem:$0x3FFC];
	_ =	sdelay $0x3  }
0x94: {  	_ =	strace s2  }
0x95: {  	s2 =	sld [smem:$0x3FFD];
	_ =	sdelay $0x3  }
0x96: {  	_ =	strace s2  }
0x97: {  	_ =	strace $0x8FFFFFFF  }
0x98: {  	s18 =	sld [smem:$0x3FDB];
	_ =	sdelay $0x1  }
0x99: {  	s19 =	simm.s32 $_scs_section_size  }
0x9a: {  	s4 =	simm.s32 $_size__tile_overlayer_lowered;
	s5 =	simm.s32 $_tile_overlayer_lowered  }
0x9b: {  	s22 =	simm.s32 $0x1BFF;
	s21 =	sshll.u32 s5, $0x1;
	s2 =	sadd.s32 s19, s18  }
0x9c: {  	s6 =	simm.s32 $0x0;
	s20 =	sshll.u32 s4, $0x1;
	s4 =	sadd.s32 s21, s2  }
0x9d: {  	[timem:s6], [sflag:s22] =	dma.local [hbm:s4], s20  }
0x9e: {  	_ =	swait.ge [sflag:s22], s20  }
0x9f: {  	s3 =	ssub.s32 $0x0, s20;
	[sflag:s22] =	ssyncset.done $0x0  }
0xa0: {  	[sflag:s22] =	ssyncadd.s32 s3;
	_ =	sdelay $0x1  }
0xa1: {  	s23 =	simm.s32 $0x1B8B  }
0xa2: {  	_ =	swait.ge [sflag:s23], $0x1  }
0xa3: {  	[sflag:s23] =	ssyncset.done $0x0  }
0xa4: {  	s25 =	simm.s32 $0x1B8E;
	s24 =	sld [smem:$0x3FFE];
	[sflag:s23] =	ssyncadd.s32 $0xFFFFFFFF  }
0xa5: {  	s26 =	simm.s32 $execute0_lowered;
	[smem:$0x3FD2] =	sst s25  }
0xa6: {  	s4 =	sshll.u32 s26, $0x1;
	_ =	strace $0x8000004F;
	[dreg:$0x1] =	wrdreg $0xFFFFFFFF  }
0xa7: {  	s28 =	simm.s32 $_size_execute0_lowered;
	s2 =	sadd.s32 s2, s4;
	[dreg:$0x0] =	wrdreg $0x0  }
0xa8: {  	s4 =	sshll.u32 s28, $0x1;
	[dreg:$0x2] =	wrdreg s2  }
0xa9: {  	[dreg:$0x3] =	wrdreg s4  }
0xaa: {  	[dreg:$0x4] =	wrdreg $0xC0  }
0xab: {  	_ =	task [dreg:s6], $0x5FFFF  }
0xac: {  	[dreg:$0x1] =	wrdreg $0xFFFFFFFF  }
0xad: {  	[dreg:$0x0] =	wrdreg $0x60  }
0xae: {  	[dreg:$0x2] =	wrdreg s24  }
0xaf: {  	[dreg:$0x3] =	wrdreg $0x0  }
0xb0: {  	[dreg:$0x4] =	wrdreg $0x9  }
0xb1: {  	_ =	task.clear_ibuf [dreg:s6], $0x5FFFF;
	_ =	strace $0x9000004F  }
0xb2: {  	s29 =	simm.s32 $0x9;
	_ =	strace $0x80000051  }
0xb3: {  	_ =	swait.ge [sflag:s29], $0x1  }
0xb4: {  	[sflag:s29] =	ssyncadd.s32 $0xFFFFFFFF  }
0xb5: {  	_ =	strace $0x90000051  }
0xb6: {  	_ =	sfence  }
0xb7: {  	s30 =	sld [smem:$0x0];
	_ =	sdelay $0x2  }
0xb8: {  	s31 =	sshll.u32 s1, $0xD;
	s1 =	sshrl.u32 s1, $0x2  }
0xb9: {  	s3 =	sand.u32 $0x4000, s31;
	s1 =	sadd.s32 s1, s30  }
0xba: {  	s0 =	sor.u32 s3, s0;
	s1 =	sshll.u32 s1, $0x11  }
0xbb: {  	s0 =	sor.u32 s1, s0  }
0xbc: {  	s0 =	sadd.s32 $0x8F2B, s0  }
0xbd: {  	[sflag:s0] =	ssyncadd.remote.s32 $0x1  }
0xbe: {  	_ =	sfence.sel $0xFFFF  }
0xbf: {  	[dreg:$0x0] =	wrdreg $0xFFFFFFFF;
	(pc) =	sbr.abs _section_cstart, $3  }
0xc0: {  	[dreg:$0x1] =	wrdreg $0xFFFFFFFF  }
0xc1: {  	_ =	task.clear_ibuf [dreg:s6], $0x2FFFF;
	_ =	strace $0x9FFFFFFF  }
0xc2: {  	(tm) =	ssettm $0x7FFFFFFF  }
0xc3: {  	_ =	shalt  }
tec
execute0_lowered:
.L_overlay_start_1:
0x0: {  	(tag) =	ssettag $0x1  }
0x1: {  	s0 =	rddreg [dreg:$0x0]  }
0x2: {  	s2 =	rddreg [dreg:$0x1]  }
0x3: {  	s13 =	stileid.u32;
	s1 =	srdreg.scid  }
0x4: {  	s3 =	simm.s32 $0x0;
	s28 =	simm.s32 $0x18A80;
	s29 =	simm.s32 $0x1  }
0x5: {  	s30 =	simm.s32 $0x80;
	s31 =	simm.s32 $0x18B00;
	s8 =	smul.u32 $0x620, s13  }
0x6: {  	s1 =	sand.u32 $0x1, s1;
	[smem:$0x7FF] =	sst s3;
	s6 =	smul.u32 $0x18800, s13  }
0x7: {  	s5 =	sadd.s32 $0x10600, s0;
	s7 =	sadd.s32 $0x129800, s0;
	s22 =	smul.u32 $0x18C0, s13  }
0x8: {  	s11 =	sadd.s32 $0xC7800, s0;
	s15 =	sshll.u32 s13, $0x6;
	s4 =	smul.u32 $0x6200, s1  }
0x9: {  	_ =	strace $0x80000050;
	s25 =	sshll.u32 s1, $0x4;
	[dreg:$0x6] =	wrdreg s11  }
0xa: {  	s26 =	ssub.s32 $0x2, s1;
	s16 =	sor.u32 $0x1C07, s15;
	s1 =	smul.u32 $0x18C00, s1  }
0xb: {  	s11 =	simm.s32 $0x1CB00;
	[dreg:$0x4] =	wrdreg s8;
	s24 =	sshrl.u32 s6, $0x3  }
0xc: {  	s12 =	sor.u32 s13, s25;
	s14 =	sshrl.u32 s26, $0x1;
	s6 =	sadd.s32 s6, s2  }
0xd: {  	[dreg:$0x8] =	wrdreg s16;
	s13 =	simm.s32 $0x6;
	s9 =	sadd.s32 s8, s4  }
0xe: {  	s4 =	sadd.s32 $0x96000, s0;
	s10 =	sadd.s32 s24, s0;
	s8 =	sadd.s32 $0x18C000, s0  }
0xf: {  	s12 =	smul.u32 $0x18C0, s12;
	[dreg:$0x5] =	wrdreg s9;
	s9 =	sshrl.u32 s9, $0x3  }
0x10: {  	s10 =	sadd.s32 $0x15B000, s10;
	s25 =	sadd.s32 s1, s4;
	s9 =	sadd.s32 s9, s0  }
0x11: {  	s0 =	ssub.s32 s26, s14;
	[dreg:$0x7] =	wrdreg s10;
	s17 =	sadd.s32 s7, s12  }
0x12: {  	s18 =	sadd.s32 s4, s12;
	s19 =	sor.u32 $0x10, s12;
	s21 =	sor.u32 $0x20, s12  }
0x13: {  	s26 =	sshrl.u32 s6, $0x3;
	s12 =	simm.s32 $0x5;
	[dreg:$0x9] =	wrdreg s17  }
0x14: {  	s14 =	simm.s32 $0x1EB00;
	s6 =	simm.s32 $0x0;
	[dreg:$0xa] =	wrdreg s18  }
0x15: {  	s20 =	sadd.s32 s7, s19;
	s10 =	sadd.s32 s4, s19;
	[dreg:$0x11] =	wrdreg s26  }
0x16: {  	s23 =	sadd.s32 s7, s21;
	s7 =	sadd.s32 s1, s7;
	[dreg:$0xb] =	wrdreg s20  }
0x17: {  	s24 =	sadd.s32 s4, s21;
	s9 =	sadd.s32 $0xEC00, s9;
	[dreg:$0xc] =	wrdreg s10  }
0x18: {  	s0 =	smax.u32 s0, $0x1;
	s19 =	sadd.s32 s22, s25;
	[dreg:$0xd] =	wrdreg s23  }
0x19: {  	s21 =	simm.s32 $0x7;
	s25 =	simm.s32 $0x18980;
	[dreg:$0xe] =	wrdreg s24  }
0x1a: {  	s26 =	simm.s32 $0x18A00;
	s1 =	simm.s32 $0x1AB00;
	[dreg:$0xf] =	wrdreg s9  }
0x1b: {  	s7 =	sadd.s32 s22, s7;
	[dreg:$0x10] =	wrdreg s0;
	s22 =	simm.s32 $0x18800  }
0x1c: {  	s23 =	simm.s32 $0x18880;
	s24 =	simm.s32 $0x18900;
	s0 =	simm.s32 $0x2  }
0x1d: {  	s9 =	simm.s32 $0x4;
	s10 =	simm.s32 $0x3;
	[dreg:$0x3] =	wrdreg s7  }
.LBB2_1:
0x1e: {  	[dreg:$0x12] =	wrdreg s6  }
0x1f: {  	s4 =	rddreg [dreg:$0x7]  }
0x20: {  	s20 =	rddreg [dreg:$0x8]  }
0x21: {  	s7 =	rddreg [dreg:$0x11]  }
0x22: {  	[spmem:s7], [sflag:s20] =	dma.local [hbm:s4], $0x3100  }
0x23: {  	_ =	swait.ge [sflag:s21], $0x3100  }
0x24: {  	[sflag:s21] =	ssyncset.done $0x0  }
0x25: {  	[sflag:s21] =	ssyncadd.s32 $0xFFFFCF00  }
0x26: {  	[bflag:$0x0] =	sbarrier.arrive $0xFFFF  }
0x27: {  	s7 =	rddreg [dreg:$0x9]  }
0x28: {  	[tilespmem:s22], [sflag:$0x1] =	stream.linear.gather [hbm4b:s7+s3], $0x80, $0x38;
	[tilespmem:$0x1F120] =	vst v63  }
0x29: {  	s15 =	rddreg [dreg:$0xa]  }
0x2a: {  	[tilespmem:s23], [sflag:$0x1] =	stream.linear.gather [hbm4b:s15+s3], $0x80, $0x38;
	[tilespmem:$0x1F120] =	vst v63  }
0x2b: {  	s16 =	rddreg [dreg:$0xb]  }
0x2c: {  	[tilespmem:s24], [sflag:$0x2] =	stream.linear.gather [hbm4b:s16+s3], $0x80, $0x38;
	[tilespmem:$0x1F120] =	vst v63  }
0x2d: {  	s17 =	rddreg [dreg:$0xc]  }
0x2e: {  	[tilespmem:s25], [sflag:$0x2] =	stream.linear.gather [hbm4b:s17+s3], $0x80, $0x38;
	[tilespmem:$0x1F120] =	vst v63  }
0x2f: {  	s18 =	rddreg [dreg:$0xd]  }
0x30: {  	[tilespmem:s26], [sflag:$0x3] =	stream.linear.gather [hbm4b:s18+s3], $0x80, $0x38;
	[tilespmem:$0x1F120] =	vst v63  }
0x31: {  	s20 =	rddreg [dreg:$0xe]  }
0x32: {  	[tilespmem:s28], [sflag:$0x3] =	stream.linear.gather [hbm4b:s20+s3], $0x80, $0x38;
	[tilespmem:$0x1F120] =	vst v63  }
0x33: {  	_ =	swait.ge [sflag:s29], $0x100  }
0x34: {  	[sflag:s29] =	ssyncset.done $0x0  }
0x35: {  	[sflag:s29] =	ssyncadd.s32 $0xFFFFFF00  }
0x36: {  	[tilespmem:s31], [sflag:$0x4] =	stream.indirect.gather [hbm4b:s5+s30], $0x40, s22, s30, $0xb8;
	[tilespmem:$0x1F120] =	vst v63  }
0x37: {  	_ =	swait.ge [sflag:s0], $0x100  }
0x38: {  	[sflag:s0] =	ssyncset.done $0x0  }
0x39: {  	[sflag:s0] =	ssyncadd.s32 $0xFFFFFF00  }
0x3a: {  	[tilespmem:s1], [sflag:$0x5] =	stream.indirect.gather [hbm4b:s5+s30], $0x40, s24, s30, $0xb8;
	[tilespmem:$0x1F120] =	vst v63  }
0x3b: {  	_ =	swait.ge [sflag:s9], $0x2000  }
0x3c: {  	[sflag:s9] =	ssyncset.done $0x0  }
0x3d: {  	[sflag:s9] =	ssyncadd.s32 $0xFFFFE000  }
0x3e: {  	[spmem:s2] =	stream.indirect.scatter.add.f32 [tilespmem:s31], [sflag:$0x7], $0x40, s23, s30, $0xb8;
	[tilespmem:$0x1F120] =	vst v63  }
0x3f: {  	_ =	swait.ge [sflag:s21], $0x2000  }
0x40: {  	s6 =	rddreg [dreg:$0x3]  }
0x41: {  	[sflag:s21] =	ssyncset.done $0x0;
	s4 =	sadd.s32 $0x0, s6  }
0x42: {  	s15 =	sadd.s32 $0x0, s19;
	[sflag:s21] =	ssyncadd.s32 $0xFFFFE000;
	s7 =	sadd.s32 $0x30, s4  }
0x43: {  	[tilespmem:s22], [sflag:$0x1] =	stream.linear.gather [hbm4b:s7+s3], $0x80, $0x38;
	[tilespmem:$0x1F120] =	vst v63  }
0x44: {  	s16 =	sadd.s32 $0x30, s15  }
0x45: {  	[tilespmem:s23], [sflag:$0x1] =	stream.linear.gather [hbm4b:s16+s3], $0x80, $0x38;
	[tilespmem:$0x1F120] =	vst v63  }
0x46: {  	_ =	swait.ge [sflag:s10], $0x100  }
0x47: {  	[sflag:s10] =	ssyncset.done $0x0  }
0x48: {  	[sflag:s10] =	ssyncadd.s32 $0xFFFFFF00  }
0x49: {  	[tilespmem:s11], [sflag:$0x6] =	stream.indirect.gather [hbm4b:s5+s30], $0x40, s26, s30, $0xb8;
	[tilespmem:$0x1F120] =	vst v63  }
0x4a: {  	_ =	swait.ge [sflag:s12], $0x2000  }
0x4b: {  	[sflag:s12] =	ssyncset.done $0x0  }
0x4c: {  	[sflag:s12] =	ssyncadd.s32 $0xFFFFE000  }
0x4d: {  	[spmem:s2] =	stream.indirect.scatter.add.f32 [tilespmem:s1], [sflag:$0x7], $0x40, s25, s30, $0xb8;
	[tilespmem:$0x1F120] =	vst v63  }
0x4e: {  	_ =	swait.ge [sflag:s21], $0x2000  }
0x4f: {  	[sflag:s21] =	ssyncset.done $0x0  }
0x50: {  	s17 =	sadd.s32 $0x40, s4;
	[sflag:s21] =	ssyncadd.s32 $0xFFFFE000  }
0x51: {  	[tilespmem:s24], [sflag:$0x2] =	stream.linear.gather [hbm4b:s17+s3], $0x80, $0x38;
	[tilespmem:$0x1F120] =	vst v63  }
0x52: {  	s18 =	sadd.s32 $0x40, s15  }
0x53: {  	[tilespmem:s25], [sflag:$0x2] =	stream.linear.gather [hbm4b:s18+s3], $0x80, $0x38;
	[tilespmem:$0x1F120] =	vst v63  }
0x54: {  	_ =	swait.ge [sflag:s29], $0x100  }
0x55: {  	[sflag:s29] =	ssyncset.done $0x0  }
0x56: {  	[sflag:s29] =	ssyncadd.s32 $0xFFFFFF00  }
0x57: {  	[tilespmem:s31], [sflag:$0x4] =	stream.indirect.gather [hbm4b:s5+s30], $0x40, s22, s30, $0xb8;
	[tilespmem:$0x1F120] =	vst v63  }
0x58: {  	_ =	swait.ge [sflag:s13], $0x2000  }
0x59: {  	[sflag:s13] =	ssyncset.done $0x0  }
0x5a: {  	[sflag:s13] =	ssyncadd.s32 $0xFFFFE000  }
0x5b: {  	[spmem:s2] =	stream.indirect.scatter.add.f32 [tilespmem:s11], [sflag:$0x7], $0x40, s28, s30, $0xb8;
	[tilespmem:$0x1F120] =	vst v63  }
0x5c: {  	_ =	swait.ge [sflag:s21], $0x2000  }
0x5d: {  	[sflag:s21] =	ssyncset.done $0x0  }
0x5e: {  	s4 =	sadd.s32 $0x50, s4;
	[sflag:s21] =	ssyncadd.s32 $0xFFFFE000  }
0x5f: {  	[tilespmem:s26], [sflag:$0x3] =	stream.linear.gather [hbm4b:s4+s3], $0x80, $0x38;
	[tilespmem:$0x1F120] =	vst v63  }
0x60: {  	s20 =	sadd.s32 $0x50, s15  }
0x61: {  	[tilespmem:s28], [sflag:$0x3] =	stream.linear.gather [hbm4b:s20+s3], $0x80, $0x38;
	[tilespmem:$0x1F120] =	vst v63  }
0x62: {  	_ =	swait.ge [sflag:s0], $0x100  }
0x63: {  	[sflag:s0] =	ssyncset.done $0x0  }
0x64: {  	s16 =	simm.s32 $0x30;
	[sflag:s0] =	ssyncadd.s32 $0xFFFFFF00  }
.LBB2_2:
0x65: {  	[tilespmem:s1], [sflag:$0x5] =	stream.indirect.gather [hbm4b:s5+s30], $0x40, s24, s30, $0xb8;
	[tilespmem:$0x1F120] =	vst v63  }
0x66: {  	_ =	swait.ge [sflag:s9], $0x2000  }
0x67: {  	[sflag:s9] =	ssyncset.done $0x0  }
0x68: {  	[sflag:s9] =	ssyncadd.s32 $0xFFFFE000  }
0x69: {  	[spmem:s2] =	stream.indirect.scatter.add.f32 [tilespmem:s31], [sflag:$0x7], $0x40, s23, s30, $0xb8;
	[tilespmem:$0x1F120] =	vst v63  }
0x6a: {  	_ =	swait.ge [sflag:s21], $0x2000  }
0x6b: {  	s4 =	smov.u32 s16;
	s6 =	rddreg [dreg:$0x3]  }
0x6c: {  	[sflag:s21] =	ssyncset.done $0x0;
	s6 =	sadd.s32 s4, s6  }
0x6d: {  	[sflag:s21] =	ssyncadd.s32 $0xFFFFE000;
	s4 =	sadd.s32 s4, s19;
	s7 =	sadd.s32 $0x30, s6  }
0x6e: {  	[tilespmem:s22], [sflag:$0x1] =	stream.linear.gather [hbm4b:s7+s3], $0x80, $0x38;
	[tilespmem:$0x1F120] =	vst v63  }
0x6f: {  	s17 =	sadd.s32 $0x30, s4  }
0x70: {  	[tilespmem:s23], [sflag:$0x1] =	stream.linear.gather [hbm4b:s17+s3], $0x80, $0x38;
	[tilespmem:$0x1F120] =	vst v63  }
0x71: {  	_ =	swait.ge [sflag:s10], $0x100  }
0x72: {  	[sflag:s10] =	ssyncset.done $0x0  }
0x73: {  	[sflag:s10] =	ssyncadd.s32 $0xFFFFFF00  }
0x74: {  	[tilespmem:s11], [sflag:$0x6] =	stream.indirect.gather [hbm4b:s5+s30], $0x40, s26, s30, $0xb8;
	[tilespmem:$0x1F120] =	vst v63  }
0x75: {  	_ =	swait.ge [sflag:s12], $0x2000  }
0x76: {  	[sflag:s12] =	ssyncset.done $0x0  }
0x77: {  	[sflag:s12] =	ssyncadd.s32 $0xFFFFE000  }
0x78: {  	[spmem:s2] =	stream.indirect.scatter.add.f32 [tilespmem:s1], [sflag:$0x7], $0x40, s25, s30, $0xb8;
	[tilespmem:$0x1F120] =	vst v63  }
0x79: {  	_ =	swait.ge [sflag:s21], $0x2000  }
0x7a: {  	[sflag:s21] =	ssyncset.done $0x0  }
0x7b: {  	s18 =	sadd.s32 $0x40, s6;
	[sflag:s21] =	ssyncadd.s32 $0xFFFFE000  }
0x7c: {  	[tilespmem:s24], [sflag:$0x2] =	stream.linear.gather [hbm4b:s18+s3], $0x80, $0x38;
	[tilespmem:$0x1F120] =	vst v63  }
0x7d: {  	s20 =	sadd.s32 $0x40, s4  }
0x7e: {  	[tilespmem:s25], [sflag:$0x2] =	stream.linear.gather [hbm4b:s20+s3], $0x80, $0x38;
	[tilespmem:$0x1F120] =	vst v63  }
0x7f: {  	_ =	swait.ge [sflag:s29], $0x100  }
0x80: {  	[sflag:s29] =	ssyncset.done $0x0  }
0x81: {  	[sflag:s29] =	ssyncadd.s32 $0xFFFFFF00  }
0x82: {  	[tilespmem:s31], [sflag:$0x4] =	stream.indirect.gather [hbm4b:s5+s30], $0x40, s22, s30, $0xb8;
	[tilespmem:$0x1F120] =	vst v63  }
0x83: {  	_ =	swait.ge [sflag:s13], $0x2000  }
0x84: {  	[sflag:s13] =	ssyncset.done $0x0  }
0x85: {  	[sflag:s13] =	ssyncadd.s32 $0xFFFFE000  }
0x86: {  	[spmem:s2] =	stream.indirect.scatter.add.f32 [tilespmem:s11], [sflag:$0x7], $0x40, s28, s30, $0xb8;
	[tilespmem:$0x1F120] =	vst v63  }
0x87: {  	_ =	swait.ge [sflag:s21], $0x2000  }
0x88: {  	[sflag:s21] =	ssyncset.done $0x0  }
0x89: {  	p0 =	sne.s32 s16, $0x1860;
	s6 =	sadd.s32 $0x50, s6;
	[sflag:s21] =	ssyncadd.s32 $0xFFFFE000  }
0x8a: {  	[tilespmem:s26], [sflag:$0x3] =	stream.linear.gather [hbm4b:s6+s3], $0x80, $0x38;
	[tilespmem:$0x1F120] =	vst v63  }
.Ltmp0:
0x8b: {  	s4 =	sadd.s32 $0x50, s4;
	(pc) =	sbr.rel @p0 .LBB2_2-.Ltmp0, $4  }
0x8c: {  	[tilespmem:s28], [sflag:$0x3] =	stream.linear.gather [hbm4b:s4+s3], $0x80, $0x38;
	[tilespmem:$0x1F120] =	vst v63  }
0x8d: {  	_ =	swait.ge [sflag:s0], $0x100  }
0x8e: {  	[sflag:s0] =	ssyncset.done $0x0  }
0x8f: {  	s16 =	sadd.s32 $0x30, s16;
	[sflag:s0] =	ssyncadd.s32 $0xFFFFFF00  }
0x90: {  	[tilespmem:s1], [sflag:$0x5] =	stream.indirect.gather [hbm4b:s5+s30], $0x40, s24, s30, $0xb8;
	[tilespmem:$0x1F120] =	vst v63  }
0x91: {  	_ =	swait.ge [sflag:s9], $0x2000  }
0x92: {  	[sflag:s9] =	ssyncset.done $0x0  }
0x93: {  	[sflag:s9] =	ssyncadd.s32 $0xFFFFE000  }
0x94: {  	_ =	swait.ge [sflag:s12], $0x2000  }
0x95: {  	[sflag:s12] =	ssyncset.done $0x0  }
0x96: {  	[sflag:s12] =	ssyncadd.s32 $0xFFFFE000  }
0x97: {  	_ =	swait.ge [sflag:s10], $0x100  }
0x98: {  	[sflag:s10] =	ssyncset.done $0x0  }
0x99: {  	[sflag:s10] =	ssyncadd.s32 $0xFFFFFF00  }
0x9a: {  	[bflag:$0x0] =	sbarrier.arrive $0xFFFF  }
0x9b: {  	s16 =	simm.s32 $0x0;
	s4 =	rddreg [dreg:$0xf]  }
0x9c: {  	[tilespmem:s14], [sflag:$0x7] =	stream.linear.gather [hbm4b:s4+s16], $0x620, $0x38;
	[tilespmem:$0x1F120] =	vst v63  }
0x9d: {  	_ =	swait.ge [sflag:s21], $0x620  }
0x9e: {  	[sflag:s21] =	ssyncset.done $0x0  }
0x9f: {  	s17 =	simm.s32 $0x0;
	s18 =	simm.s32 $0x0;
	[sflag:s21] =	ssyncadd.s32 $0xFFFFF9E0  }
.LBB2_4:
0xa0: {  	s4 =	smul.u32 $0x70, s18  }
0xa1: {  	p0 =	seq.s32 s18, $0x0;
	s7 =	rddreg [dreg:$0x4]  }
0xa2: {  	s6 =	simm.s32 @!p0 $0x4;
	s7 =	sadd.s32 s7, s4  }
0xa3: {  	_ =	swait.ge @!p0 [sflag:s6], $0x1C00;
	s7 =	sshll.u32 s7, $0x6  }
0xa4: {  	[sflag:s6] =	ssyncset.done @!p0 $0x0;
	s7 =	sand.u32 $0x3FFFFFC0, s7  }
0xa5: {  	[sflag:s6] =	ssyncadd.s32 @!p0 $0xFFFFE400;
	s20 =	sadd.s32 s7, s2  }
0xa6: {  	[tilespmem:s31], [sflag:$0x7] =	stream.linear.gather [spmem:s20], $0x1C00, $0x38;
	[tilespmem:$0x1F120] =	vst v63  }
0xa7: {  	_ =	swait.ge [sflag:s21], $0x1C00  }
0xa8: {  	s7 =	rddreg [dreg:$0x5]  }
0xa9: {  	s4 =	sadd.s32 s7, s4  }
0xaa: {  	[sflag:s21] =	ssyncset.done $0x0;
	s15 =	rddreg [dreg:$0x6];
	s20 =	sshll.u32 s4, $0x3  }
0xab: {  	[sflag:s21] =	ssyncadd.s32 $0xFFFFE400;
	s4 =	sadd.s32 s15, s20  }
0xac: {  	[tilespmem:s1], [sflag:$0x7] =	stream.linear.gather [hbm4b:s4+s16], $0x1C00, $0x38;
	[tilespmem:$0x1F120] =	vst v63  }
0xad: {  	_ =	swait.ge [sflag:s21], $0x1C00  }
0xae: {  	[sflag:s21] =	ssyncset.done $0x0  }
0xaf: {  	v0 =	vmov s17;
	s15 =	simm.s32 $0x0;
	[sflag:s21] =	ssyncadd.s32 $0xFFFFE400  }
0xb0: {  	v1 =	vld [tilespmem:s15+$0x18B00]  }
0xb1: {  	v2 =	vld [tilespmem:s15+$0x18B10]  }
0xb2: {  	v3 =	vld [tilespmem:s15+$0x18B20]  }
0xb3: {  	v4 =	vld [tilespmem:s15+$0x18B30]  }
0xb4: {  	v0 =	vld.idx.msk [tilespmem:v0+s14+$0x0], $0xffff  }
0xb5: {  	v5 =	vld [tilespmem:s15+$0x1AB30]  }
0xb6: {  	v6 =	vld [tilespmem:s15+$0x1AB10]  }
0xb7: {  	v7 =	vld [tilespmem:s15+$0x1AB00]  }
0xb8: {  	v8 =	vld [tilespmem:s15+$0x1AB20];
	_ =	sdelay $0x1  }
0xb9: {  	v1 =	vmul.f32 v1, v0;
	v9 =	vmul.f32 v2, v0  }
0xba: {  	v3 =	vmul.f32 v3, v0;
	v10 =	vmul.f32 v4, v0  }
0xbb: {  	s4 =	sadd.s32 $0x1, s17;
	v2 =	vadd.f32 v1, v7;
	v1 =	vadd.f32 v9, v6  }
0xbc: {  	s6 =	simm.s32 $0x40;
	s7 =	simm.s32 $0x200;
	v0 =	vmov s4;
	v4 =	vadd.f32 v3, v8;
	v3 =	vadd.f32 v10, v5  }
.LBB2_5:
0xbd: {  	p0 =	sne.s32 s7, $0x6F00;
	v5 =	vld [tilespmem:s6+$0x18B00];
	[tilespmem:s15+$0x1AB00] =	vst v2  }
0xbe: {  	v2 =	vld [tilespmem:s6+$0x18B10];
	[tilespmem:s15+$0x1AB10] =	vst v1  }
0xbf: {  	v1 =	vld [tilespmem:s6+$0x18B20];
	[tilespmem:s15+$0x1AB20] =	vst v4  }
0xc0: {  	v4 =	vld [tilespmem:s6+$0x18B30];
	[tilespmem:s15+$0x1AB30] =	vst v3;
	s15 =	smov.u32 s6  }
0xc1: {  	v0 =	vld.idx.msk [tilespmem:v0+s14+$0x0], $0xffff  }
0xc2: {  	v3 =	vld [tilespmem:s15+$0x1AB30]  }
0xc3: {  	v6 =	vld [tilespmem:s15+$0x1AB10]  }
0xc4: {  	v7 =	vld [tilespmem:s15+$0x1AB00]  }
0xc5: {  	v8 =	vld [tilespmem:s15+$0x1AB20]  }
.Ltmp1:
0xc6: {  	(pc) =	sbr.rel @p0 .LBB2_5-.Ltmp1, $4  }
0xc7: {  	v5 =	vmul.f32 v5, v0;
	v9 =	vmul.f32 v2, v0  }
0xc8: {  	v10 =	vmul.f32 v1, v0;
	v11 =	vmul.f32 v4, v0  }
0xc9: {  	s4 =	sadd.s32 $0x1, s4;
	v1 =	vadd.f32 v9, v6;
	v2 =	vadd.f32 v5, v7  }
0xca: {  	s6 =	sshra.s32 s7, $0x2;
	s7 =	sadd.s32 $0x100, s7;
	v0 =	vmov s4;
	v3 =	vadd.f32 v11, v3;
	v4 =	vadd.f32 v10, v8  }
0xcb: {  	v5 =	vld [tilespmem:s6+$0x18B00];
	[tilespmem:s15+$0x1AB00] =	vst v2  }
0xcc: {  	v2 =	vld [tilespmem:s6+$0x18B10];
	[tilespmem:s15+$0x1AB10] =	vst v1  }
0xcd: {  	v1 =	vld [tilespmem:s6+$0x18B20];
	[tilespmem:s15+$0x1AB20] =	vst v4  }
0xce: {  	v4 =	vld [tilespmem:s6+$0x18B30];
	[tilespmem:s15+$0x1AB30] =	vst v3  }
0xcf: {  	v0 =	vld.idx.msk [tilespmem:v0+s14+$0x0], $0xffff;
	_ =	sdelay $0x1  }
0xd0: {  	v3 =	vld [tilespmem:s6+$0x1AB00]  }
0xd1: {  	v6 =	vld [tilespmem:s6+$0x1AB10]  }
0xd2: {  	v7 =	vld [tilespmem:s6+$0x1AB20]  }
0xd3: {  	v8 =	vld [tilespmem:s6+$0x1AB30];
	v5 =	vmul.f32 v5, v0  }
0xd4: {  	v2 =	vmul.f32 v2, v0  }
0xd5: {  	s18 =	sadd.s32 $0x1, s18;
	v1 =	vmul.f32 v1, v0;
	v3 =	vadd.f32 v5, v3  }
0xd6: {  	p0 =	sne.s32 s18, $0xE;
	v0 =	vmul.f32 v4, v0;
	v2 =	vadd.f32 v2, v6  }
.Ltmp2:
0xd7: {  	v1 =	vadd.f32 v1, v7;
	[tilespmem:s6+$0x1AB00] =	vst v3;
	(pc) =	sbr.rel @p0 .LBB2_4-.Ltmp2, $4  }
0xd8: {  	v0 =	vadd.f32 v0, v8;
	[tilespmem:s6+$0x1AB10] =	vst v2  }
0xd9: {  	[tilespmem:s6+$0x1AB20] =	vst v1  }
0xda: {  	s4 =	sadd.s32 s8, s20;
	s17 =	sadd.s32 $0x70, s17;
	[tilespmem:s6+$0x1AB30] =	vst v0  }
0xdb: {  	[hbm4b:s4+s3] =	stream.linear.scatter [tilespmem:s1], [sflag:$0x4], $0x1C00, $0x38;
	[tilespmem:$0x1F120] =	vst v63  }
0xdc: {  	_ =	swait.ge [sflag:s9], $0x1C00  }
0xdd: {  	s6 =	rddreg [dreg:$0x12]  }
0xde: {  	s4 =	rddreg [dreg:$0x10];
	s6 =	sadd.s32 $0x1, s6  }
0xdf: {  	p0 =	sne.s32 s6, s4  }
.Ltmp3:
0xe0: {  	_ = 	snop;
	(pc) =	sbr.rel @p0 .LBB2_1-.Ltmp3, $3  }
0xe1: {  	_ =	sdelay $0x1  }
0xe2: {  	[sflag:s9] =	ssyncset.done $0x0  }
0xe3: {  	[sflag:s9] =	ssyncadd.s32 $0xFFFFE400  }
0xe4: {  	_ =	sfence.sel $0x180000  }
0xe5: {  	[bflag:$0x0] =	sbarrier.arrive $0xFFFF  }
0xe6: {  	_ =	strace $0x90000050  }
0xe7: {  	s0 =	stileid.u32;
	[bflag:$0x2] =	sbarrier.arrive $0xFFFF  }
0xe8: {  	p0 =	sne.s32 s0, $0x0;
	s0 =	rddreg [dreg:$0x2]  }
0xe9: {  	s0 =	sadd.s32 @!p0 $0x100000, s0  }
0xea: {  	[sflag:s0] =	ssyncadd.tile.s32 @!p0 $0x1;
	_ =	shalt  }
.Lfunc_end2:
_tile_overlayer_lowered:
.L_overlay_start_2:
0xeb: {  	(tag) =	ssettag $0x2  }
0xec: {  	s0 =	rddreg [dreg:$0x0];
	s2 =	stileid.u32  }
0xed: {  	s1 =	rddreg [dreg:$0x1];
	p0 =	sne.s32 s2, $0x0  }
0xee: {  	s3 =	rddreg [dreg:$0x2];
	[bflag:$0x3] =	sbarrier.arrive $0xFFFF;
	s2 =	simm.s32 @!p0 $0x1C07  }
0xef: {  	[timem:s3], [sflag:s2] =	dma.local @!p0 [hbm:s0], s1  }
0xf0: {  	s0 =	simm.s32 @!p0 $0x7  }
0xf1: {  	_ =	swait.ge @!p0 [sflag:s0], s1  }
0xf2: {  	s1 =	ssub.s32 @!p0 $0x0, s1;
	[sflag:s0] =	ssyncset.done @!p0 $0x0  }
0xf3: {  	[sflag:s0] =	ssyncadd.s32 @!p0 s1  }
0xf4: {  	[bflag:$0x3] =	sbarrier.arrive $0xFFFF  }
0xf5: {  	_ =	shalt  }

// kernel: kernel.20.cloned.1.call-start
scs
__scs_entry_jumppad:
0x0: {  	(pc) =	sbr.rel $0x88, $3  }
0x1: {  	(tag) =	ssettag $0x0;
	lr =	simm.s32 $0x1  }
0x2: {  	[smem:$0x3F9C] =	sst lr;
	_ =	strace $0xD0000000  }
0x3: {  	_ = 	snop  }
0x4: {  	_ = 	snop  }
0x5: {  	_ = 	snop  }
0x6: {  	_ = 	snop  }
0x7: {  	_ = 	snop  }
__scs_overlays_trampoline_lowered:
0x8: {  	[smem:$0x3FAB] =	sst s0  }
0x9: {  	[smem:$0x3FAC] =	sst s1  }
0xa: {  	[smem:$0x3FAD] =	sst s2  }
0xb: {  	[smem:$0x3FAE] =	sst s3  }
0xc: {  	[smem:$0x3FAF] =	sst s4  }
0xd: {  	[smem:$0x3FB0] =	sst s5  }
0xe: {  	[smem:$0x3FB1] =	sst s6  }
0xf: {  	[smem:$0x3FB2] =	sst s7  }
0x10: {  	[smem:$0x3FB3] =	sst s8  }
0x11: {  	[smem:$0x3FB4] =	sst s9;
	s0 =	simm.s32 @!p0 $0x0  }
0x12: {  	s1 =	sld [smem:$0x3F9A];
	s0 =	simm.s32 @p0 $0x1  }
0x13: {  	[smem:$0x3FB5] =	sst s0;
	s0 =	simm.s32 @!p1 $0x0  }
0x14: {  	s2 =	sld [smem:$0x3F99];
	s0 =	simm.s32 @p1 $0x1  }
0x15: {  	[smem:$0x3FB6] =	sst s0;
	s0 =	simm.s32 @!p2 $0x0  }
0x16: {  	s3 =	sld [smem:$0x3FDB];
	s0 =	simm.s32 @p2 $0x1  }
0x17: {  	s4 =	simm.s32 $0x1BF5;
	[smem:$0x3FB8] =	sst s0  }
0x18: {  	s0 =	sld [smem:$0x3F9B];
	_ =	swait.ge [sflag:s4], $0x0  }
0x19: {  	s7 =	sld [smem:$0x3F9C]  }
0x1a: {  	s8 =	sadd.s32 $0xFFFFE003, lr  }
0x1b: {  	s9 =	sadd.s32 $0xFFFFFEF7, lr;
	s5 =	simm.s32 $0xFFFFFFFF;
	p2 =	slt.u32 s8, $0xFFFFF086  }
0x1c: {  	p1 =	slt.u32 s9, $0xF7A;
	s5 =	simm.s32 @!p2 $0x0  }
0x1d: {  	s5 =	simm.s32 @p1 $0x1;
	p0 =	seq.s32 s7, s2  }
0x1e: {  	s7 =	smul.u32 @!p0 $0xF7A, s2;
	p2 =	seq.s32 @!p0 s5, $0x0  }
0x1f: {  	s9 =	smul.u32 $0xF7A, s1;
	s8 =	simm.s32 @!p0 $0x1BF5;
	p2 =	por !p2, p0  }
0x20: {  	[sflag:s8] =	ssyncset.s32 @!p0 $0xFFFFF086;
	s6 =	sadd.s32 @!p0 s3, s7;
	s7 =	simm.s32 @!p0 $0x108  }
0x21: {  	s3 =	sadd.s32 s3, s9;
	s6 =	sadd.s32 @!p0 $0x88, s6;
	s7 =	simm.s32 @p2 $0x1082  }
0x22: {  	[simem:s7], [sflag:s8] =	dma.local @!p0 [hbm:s6], $0xF7A  }
0x23: {  	s9 =	sor.u32 $0xD0000000, s2;
	s6 =	simm.s32 $0x108;
	_ =	swait.ge @!p0 [sflag:s8], $0x0  }
0x24: {  	s3 =	sadd.s32 $0x88, s3;
	s6 =	simm.s32 @!p1 $0x1082;
	[sflag:s4] =	ssyncset.s32 $0xFFFFF086  }
0x25: {  	[simem:s6], [sflag:s4] =	dma.local [hbm:s3], $0xF7A  }
0x26: {  	[smem:$0x3F9C] =	sst s1;
	(tag) =	ssettag s2;
	_ =	strace s9  }
0x27: {  	s1 =	sld [smem:$0x3FAC]  }
0x28: {  	s2 =	sld [smem:$0x3FAD]  }
0x29: {  	s4 =	sld [smem:$0x3FAF]  }
0x2a: {  	p0 =	seq.s32 s5, $0x0;
	s5 =	sld [smem:$0x3FB0]  }
0x2b: {  	s6 =	sld [smem:$0x3FB1]  }
0x2c: {  	s7 =	sld [smem:$0x3FB2]  }
0x2d: {  	s3 =	simm.s32 $0x108;
	s8 =	sld [smem:$0x3FB3]  }
0x2e: {  	s3 =	simm.s32 @!p0 $0x1082;
	s9 =	sld [smem:$0x3FB4]  }
0x2f: {  	lr =	sadd.s32 s0, s3;
	s0 =	sld [smem:$0x3FAB]  }
0x30: {  	s3 =	sld [smem:$0x3FAE]  }
0x31: {  	[smem:$0x3FB7] =	sst s10  }
0x32: {  	s10 =	sld [smem:$0x3FB5];
	_ =	sdelay $0x3  }
0x33: {  	p0 =	seq.s32 s10, $0x1;
	s10 =	sld [smem:$0x3FB7];
	_ =	sdelay $0x3  }
0x34: {  	[smem:$0x3FB7] =	sst s10  }
0x35: {  	s10 =	sld [smem:$0x3FB6];
	_ =	sdelay $0x3  }
0x36: {  	p1 =	seq.s32 s10, $0x1;
	s10 =	sld [smem:$0x3FB7];
	_ =	sdelay $0x3  }
0x37: {  	[smem:$0x3FB7] =	sst s10  }
0x38: {  	s10 =	sld [smem:$0x3FB8]  }
0x39: {  	_ = 	snop;
	(pc) =	sbr.ind lr, $3  }
0x3a: {  	_ = 	snop  }
0x3b: {  	_ = 	snop  }
0x3c: {  	p2 =	seq.s32 s10, $0x1;
	s10 =	sld [smem:$0x3FB7]  }
0x3d: {  	_ =	shalt  }
0x3e: {  	_ =	shalt  }
0x3f: {  	_ =	shalt  }
0x40: {  	_ =	shalt  }
0x41: {  	_ =	shalt  }
0x42: {  	_ =	shalt  }
0x43: {  	_ =	shalt  }
0x44: {  	_ =	shalt  }
0x45: {  	_ =	shalt  }
0x46: {  	_ =	shalt  }
0x47: {  	_ =	shalt  }
0x48: {  	_ =	shalt  }
0x49: {  	_ =	shalt  }
0x4a: {  	_ =	shalt  }
0x4b: {  	_ =	shalt  }
0x4c: {  	_ =	shalt  }
0x4d: {  	_ =	shalt  }
0x4e: {  	_ =	shalt  }
0x4f: {  	_ =	shalt  }
0x50: {  	_ =	shalt  }
0x51: {  	_ =	shalt  }
0x52: {  	_ =	shalt  }
0x53: {  	_ =	shalt  }
0x54: {  	_ =	shalt  }
0x55: {  	_ =	shalt  }
0x56: {  	_ =	shalt  }
0x57: {  	_ =	shalt  }
0x58: {  	_ =	shalt  }
0x59: {  	_ =	shalt  }
0x5a: {  	_ =	shalt  }
0x5b: {  	_ =	shalt  }
0x5c: {  	_ =	shalt  }
0x5d: {  	_ =	shalt  }
0x5e: {  	_ =	shalt  }
0x5f: {  	_ =	shalt  }
0x60: {  	_ =	shalt  }
0x61: {  	_ =	shalt  }
0x62: {  	_ =	shalt  }
0x63: {  	_ =	shalt  }
0x64: {  	_ =	shalt  }
0x65: {  	_ =	shalt  }
0x66: {  	_ =	shalt  }
0x67: {  	_ =	shalt  }
0x68: {  	_ =	shalt  }
0x69: {  	_ =	shalt  }
0x6a: {  	_ =	shalt  }
0x6b: {  	_ =	shalt  }
0x6c: {  	_ =	shalt  }
0x6d: {  	_ =	shalt  }
0x6e: {  	_ =	shalt  }
0x6f: {  	_ =	shalt  }
0x70: {  	_ =	shalt  }
0x71: {  	_ =	shalt  }
0x72: {  	_ =	shalt  }
0x73: {  	_ =	shalt  }
0x74: {  	_ =	shalt  }
0x75: {  	_ =	shalt  }
0x76: {  	_ =	shalt  }
0x77: {  	_ =	shalt  }
0x78: {  	_ =	shalt  }
0x79: {  	_ =	shalt  }
0x7a: {  	_ =	shalt  }
0x7b: {  	_ =	shalt  }
0x7c: {  	_ =	shalt  }
0x7d: {  	_ =	shalt  }
0x7e: {  	_ =	shalt  }
0x7f: {  	_ =	shalt  }
0x80: {  	_ =	shalt  }
0x81: {  	_ =	shalt  }
0x82: {  	_ =	shalt  }
0x83: {  	_ =	shalt  }
0x84: {  	_ =	shalt  }
0x85: {  	_ =	shalt  }
0x86: {  	_ =	shalt  }
0x87: {  	_ =	shalt  }
.Lfunc_end0:
.L_simem_size_0:
called_computation.4_lowered:
.L_overlay_start_0:
0x88: {  	s2 =	sld [smem:$0x3FD9]  }
0x89: {  	s3 =	sld [smem:$0x3FFE];
	_ =	sdelay $0x1  }
0x8a: {  	s1 =	srdreg.scid  }
0x8b: {  	s0 =	sand.u32 $0x1, s1  }
0x8c: {  	s16 =	sshll.u32 s0, $0xA;
	s2 =	sadd.s32 s3, s2  }
0x8d: {  	s2 =	sadd.s32 s2, s16  }
0x8e: {  	[smem:$0x3FC3] =	sst s2  }
0x8f: {  	_ = 	snop  }
0x90: {  	(tm) =	ssettm $0x1  }
0x91: {  	s17 =	sld [smem:$0x3FFB];
	_ =	sdelay $0x3  }
0x92: {  	_ =	strace s17  }
0x93: {  	s2 =	sld [smem:$0x3FFC];
	_ =	sdelay $0x3  }
0x94: {  	_ =	strace s2  }
0x95: {  	s2 =	sld [smem:$0x3FFD];
	_ =	sdelay $0x3  }
0x96: {  	_ =	strace s2  }
0x97: {  	_ =	strace $0x8FFFFFFF  }
0x98: {  	s18 =	sld [smem:$0x3FDB];
	_ =	sdelay $0x1  }
0x99: {  	s19 =	simm.s32 $_scs_section_size  }
0x9a: {  	s4 =	simm.s32 $_size__tile_overlayer_lowered;
	s5 =	simm.s32 $_tile_overlayer_lowered  }
0x9b: {  	s22 =	simm.s32 $0x1BFF;
	s21 =	sshll.u32 s5, $0x1;
	s2 =	sadd.s32 s19, s18  }
0x9c: {  	s6 =	simm.s32 $0x0;
	s20 =	sshll.u32 s4, $0x1;
	s4 =	sadd.s32 s21, s2  }
0x9d: {  	[timem:s6], [sflag:s22] =	dma.local [hbm:s4], s20  }
0x9e: {  	_ =	swait.ge [sflag:s22], s20  }
0x9f: {  	s3 =	ssub.s32 $0x0, s20;
	[sflag:s22] =	ssyncset.done $0x0  }
0xa0: {  	[sflag:s22] =	ssyncadd.s32 s3;
	_ =	sdelay $0x1  }
0xa1: {  	s23 =	simm.s32 $0x1B8B  }
0xa2: {  	_ =	swait.ge [sflag:s23], $0x1  }
0xa3: {  	[sflag:s23] =	ssyncset.done $0x0  }
0xa4: {  	s25 =	simm.s32 $0x1B8E;
	s24 =	sld [smem:$0x3FFE];
	[sflag:s23] =	ssyncadd.s32 $0xFFFFFFFF  }
0xa5: {  	s26 =	simm.s32 $execute0_lowered;
	[smem:$0x3FD2] =	sst s25  }
0xa6: {  	s4 =	sshll.u32 s26, $0x1;
	_ =	strace $0x80000052;
	[dreg:$0x1] =	wrdreg $0xFFFFFFFF  }
0xa7: {  	s28 =	simm.s32 $_size_execute0_lowered;
	s2 =	sadd.s32 s2, s4;
	[dreg:$0x0] =	wrdreg $0x0  }
0xa8: {  	s4 =	sshll.u32 s28, $0x1;
	[dreg:$0x2] =	wrdreg s2  }
0xa9: {  	[dreg:$0x3] =	wrdreg s4  }
0xaa: {  	[dreg:$0x4] =	wrdreg $0xC0  }
0xab: {  	_ =	task [dreg:s6], $0x5FFFF  }
0xac: {  	[dreg:$0x1] =	wrdreg $0xFFFFFFFF  }
0xad: {  	[dreg:$0x0] =	wrdreg $0x60  }
0xae: {  	[dreg:$0x2] =	wrdreg s24  }
0xaf: {  	[dreg:$0x3] =	wrdreg $0x9  }
0xb0: {  	_ =	task.clear_ibuf [dreg:s6], $0x4FFFF;
	_ =	strace $0x90000052  }
0xb1: {  	s29 =	simm.s32 $0x9;
	_ =	strace $0x80000054  }
0xb2: {  	_ =	swait.ge [sflag:s29], $0x1  }
0xb3: {  	[sflag:s29] =	ssyncadd.s32 $0xFFFFFFFF  }
0xb4: {  	_ =	strace $0x90000054  }
0xb5: {  	_ =	sfence  }
0xb6: {  	s30 =	sld [smem:$0x0];
	_ =	sdelay $0x2  }
0xb7: {  	s31 =	sshll.u32 s1, $0xD;
	s1 =	sshrl.u32 s1, $0x2  }
0xb8: {  	s3 =	sand.u32 $0x4000, s31;
	s1 =	sadd.s32 s1, s30  }
0xb9: {  	s0 =	sor.u32 s3, s0;
	s1 =	sshll.u32 s1, $0x11  }
0xba: {  	s0 =	sor.u32 s1, s0  }
0xbb: {  	s0 =	sadd.s32 $0x8F2B, s0  }
0xbc: {  	[sflag:s0] =	ssyncadd.remote.s32 $0x1  }
0xbd: {  	_ =	sfence.sel $0xFFFF  }
0xbe: {  	[dreg:$0x0] =	wrdreg $0xFFFFFFFF;
	(pc) =	sbr.abs _section_cstart, $3  }
0xbf: {  	[dreg:$0x1] =	wrdreg $0xFFFFFFFF  }
0xc0: {  	_ =	task.clear_ibuf [dreg:s6], $0x2FFFF;
	_ =	strace $0x9FFFFFFF  }
0xc1: {  	(tm) =	ssettm $0x7FFFFFFF  }
tec
execute0_lowered:
.L_overlay_start_1:
0x0: {  	(tag) =	ssettag $0x1  }
0x1: {  	s1 =	srdreg.scid  }
0x2: {  	s0 =	stileid.u32;
	s10 =	sand.u32 $0x1, s1  }
0x3: {  	s8 =	rddreg [dreg:$0x0];
	s4 =	sshll.u32 s0, $0x8;
	s3 =	sshll.u32 s10, $0xC  }
0x4: {  	s2 =	simm.s32 $0x0;
	s1 =	rddreg [dreg:$0x1];
	s9 =	sor.u32 s4, s3  }
0x5: {  	[smem:$0x7FF] =	sst s2;
	s11 =	sadd.s32 $0x2800, s8;
	s3 =	sshrl.u32 s9, $0x3  }
0x6: {  	_ =	strace $0x80000053;
	s4 =	sadd.s32 s11, s3;
	s3 =	simm.s32 $0x2  }
0x7: {  	[tilespmem:s2], [sflag:$0x2] =	stream.linear.gather [hbm4b:s4+s2], $0x80, $0x38;
	[tilespmem:$0x2080] =	vst v63  }
0x8: {  	_ =	swait.ge [sflag:s3], $0x80  }
0x9: {  	s6 =	simm.s32 $0x80;
	[sflag:s3] =	ssyncset.done $0x0  }
0xa: {  	s7 =	simm.s32 $0x1;
	s5 =	sadd.s32 $0x18C000, s8;
	[sflag:s3] =	ssyncadd.s32 $0xFFFFFF80  }
0xb: {  	[tilespmem:s6], [sflag:$0x1] =	stream.indirect.gather [hbm4b:s5+s6], $0x40, s2, s6, $0xb8;
	[tilespmem:$0x2080] =	vst v63  }
0xc: {  	_ =	swait.ge [sflag:s7], $0x2000  }
0xd: {  	s12 =	sadd.s32 $0x2C00, s8;
	s29 =	sshll.u32 s9, $0x3;
	[sflag:s7] =	ssyncset.done $0x0  }
0xe: {  	s8 =	sadd.s32 s12, s29;
	[sflag:s7] =	ssyncadd.s32 $0xFFFFE000  }
0xf: {  	[hbm4b:s8+s2] =	stream.linear.scatter [tilespmem:s6], [sflag:$0x2], $0x2000, $0x38;
	[tilespmem:$0x2080] =	vst v63  }
0x10: {  	s13 =	sor.u32 $0x80, s9;
	_ =	swait.ge [sflag:s3], $0x2000  }
0x11: {  	s9 =	sshrl.u32 s13, $0x3;
	[sflag:s3] =	ssyncset.done $0x0  }
0x12: {  	s10 =	ssub.s32 $0x2, s10;
	s9 =	sadd.s32 s11, s9;
	[sflag:s3] =	ssyncadd.s32 $0xFFFFE000  }
0x13: {  	[tilespmem:s2], [sflag:$0x2] =	stream.linear.gather [hbm4b:s9+s2], $0x80, $0x38;
	[tilespmem:$0x2080] =	vst v63  }
0x14: {  	s30 =	sshrl.u32 s10, $0x1;
	_ =	swait.ge [sflag:s3], $0x80  }
0x15: {  	s11 =	ssub.s32 s10, s30;
	[sflag:s3] =	ssyncset.done $0x0  }
0x16: {  	s11 =	smax.u32 s11, $0x1;
	[sflag:s3] =	ssyncadd.s32 $0xFFFFFF80  }
0x17: {  	[tilespmem:s6], [sflag:$0x1] =	stream.indirect.gather [hbm4b:s5+s6], $0x40, s2, s6, $0xb8;
	[tilespmem:$0x2080] =	vst v63  }
0x18: {  	p0 =	sne.s32 s11, $0x1;
	_ =	swait.ge [sflag:s7], $0x2000  }
.Ltmp0:
0x19: {  	s31 =	sshll.u32 s13, $0x3;
	[sflag:s7] =	ssyncset.done $0x0;
	(pc) =	sbr.rel @!p0 .LBB2_2-.Ltmp0, $4  }
0x1a: {  	s10 =	sadd.s32 s12, s31;
	[sflag:s7] =	ssyncadd.s32 $0xFFFFE000  }
0x1b: {  	[hbm4b:s10+s2] =	stream.linear.scatter [tilespmem:s6], [sflag:$0x2], $0x2000, $0x38;
	[tilespmem:$0x2080] =	vst v63  }
0x1c: {  	_ =	swait.ge [sflag:s3], $0x2000  }
0x1d: {  	s11 =	sadd.s32 $0xFFFFFFFF, s11;
	[sflag:s3] =	ssyncset.done $0x0  }
.LBB2_1:
0x1e: {  	p0 =	sne.s32 s11, $0x1;
	s11 =	sadd.s32 $0xFFFFFFFF, s11;
	[sflag:s3] =	ssyncadd.s32 $0xFFFFE000  }
0x1f: {  	[tilespmem:s2], [sflag:$0x2] =	stream.linear.gather [hbm4b:s4+s2], $0x80, $0x38;
	[tilespmem:$0x2080] =	vst v63  }
0x20: {  	_ =	swait.ge [sflag:s3], $0x80  }
0x21: {  	[sflag:s3] =	ssyncset.done $0x0  }
0x22: {  	[sflag:s3] =	ssyncadd.s32 $0xFFFFFF80  }
0x23: {  	[tilespmem:s6], [sflag:$0x1] =	stream.indirect.gather [hbm4b:s5+s6], $0x40, s2, s6, $0xb8;
	[tilespmem:$0x2080] =	vst v63  }
0x24: {  	_ =	swait.ge [sflag:s7], $0x2000  }
0x25: {  	[sflag:s7] =	ssyncset.done $0x0  }
0x26: {  	[sflag:s7] =	ssyncadd.s32 $0xFFFFE000  }
0x27: {  	[hbm4b:s8+s2] =	stream.linear.scatter [tilespmem:s6], [sflag:$0x2], $0x2000, $0x38;
	[tilespmem:$0x2080] =	vst v63  }
0x28: {  	_ =	swait.ge [sflag:s3], $0x2000  }
0x29: {  	[sflag:s3] =	ssyncset.done $0x0  }
0x2a: {  	[sflag:s3] =	ssyncadd.s32 $0xFFFFE000  }
0x2b: {  	[tilespmem:s2], [sflag:$0x2] =	stream.linear.gather [hbm4b:s9+s2], $0x80, $0x38;
	[tilespmem:$0x2080] =	vst v63  }
0x2c: {  	_ =	swait.ge [sflag:s3], $0x80  }
0x2d: {  	[sflag:s3] =	ssyncset.done $0x0  }
0x2e: {  	[sflag:s3] =	ssyncadd.s32 $0xFFFFFF80  }
0x2f: {  	[tilespmem:s6], [sflag:$0x1] =	stream.indirect.gather [hbm4b:s5+s6], $0x40, s2, s6, $0xb8;
	[tilespmem:$0x2080] =	vst v63  }
0x30: {  	_ =	swait.ge [sflag:s7], $0x2000  }
.Ltmp1:
0x31: {  	[sflag:s7] =	ssyncset.done $0x0;
	(pc) =	sbr.rel @p0 .LBB2_1-.Ltmp1, $4  }
0x32: {  	[sflag:s7] =	ssyncadd.s32 $0xFFFFE000  }
0x33: {  	[hbm4b:s10+s2] =	stream.linear.scatter [tilespmem:s6], [sflag:$0x2], $0x2000, $0x38;
	[tilespmem:$0x2080] =	vst v63  }
0x34: {  	_ =	swait.ge [sflag:s3], $0x2000  }
0x35: {  	[sflag:s3] =	ssyncset.done $0x0  }
.LBB2_2:
0x36: {  	[sflag:s3] =	ssyncadd.s32 $0xFFFFE000  }
0x37: {  	_ =	sfence.sel $0x180000  }
0x38: {  	[bflag:$0x0] =	sbarrier.arrive $0xFFFF  }
0x39: {  	p0 =	sne.s32 s0, $0x0;
	_ =	strace $0x90000053  }
0x3a: {  	s0 =	sadd.s32 @!p0 $0x100000, s1;
	[bflag:$0x2] =	sbarrier.arrive $0xFFFF  }
0x3b: {  	[sflag:s0] =	ssyncadd.tile.s32 @!p0 $0x1;
	_ =	shalt  }
.Lfunc_end2:
_tile_overlayer_lowered:
.L_overlay_start_2:
0x3c: {  	(tag) =	ssettag $0x2  }
0x3d: {  	s0 =	rddreg [dreg:$0x0];
	s2 =	stileid.u32  }
0x3e: {  	s1 =	rddreg [dreg:$0x1];
	p0 =	sne.s32 s2, $0x0  }
0x3f: {  	s3 =	rddreg [dreg:$0x2];
	[bflag:$0x3] =	sbarrier.arrive $0xFFFF;
	s2 =	simm.s32 @!p0 $0x1C02  }
0x40: {  	[timem:s3], [sflag:s2] =	dma.local @!p0 [hbm:s0], s1  }
0x41: {  	s0 =	simm.s32 @!p0 $0x2  }
0x42: {  	_ =	swait.ge @!p0 [sflag:s0], s1  }
0x43: {  	s1 =	ssub.s32 @!p0 $0x0, s1;
	[sflag:s0] =	ssyncset.done @!p0 $0x0  }
0x44: {  	[sflag:s0] =	ssyncadd.s32 @!p0 s1  }
0x45: {  	[bflag:$0x3] =	sbarrier.arrive $0xFFFF  }
0x46: {  	_ =	shalt  }

// kernel: kernel.8.cloned.1.call-start
scs
__scs_entry_jumppad:
0x0: {  	(pc) =	sbr.rel $0x88, $3  }
0x1: {  	(tag) =	ssettag $0x0;
	lr =	simm.s32 $0x1  }
0x2: {  	[smem:$0x3F9C] =	sst lr;
	_ =	strace $0xD0000000  }
0x3: {  	_ = 	snop  }
0x4: {  	_ = 	snop  }
0x5: {  	_ = 	snop  }
0x6: {  	_ = 	snop  }
0x7: {  	_ = 	snop  }
__scs_overlays_trampoline_lowered:
0x8: {  	[smem:$0x3FAB] =	sst s0  }
0x9: {  	[smem:$0x3FAC] =	sst s1  }
0xa: {  	[smem:$0x3FAD] =	sst s2  }
0xb: {  	[smem:$0x3FAE] =	sst s3  }
0xc: {  	[smem:$0x3FAF] =	sst s4  }
0xd: {  	[smem:$0x3FB0] =	sst s5  }
0xe: {  	[smem:$0x3FB1] =	sst s6  }
0xf: {  	[smem:$0x3FB2] =	sst s7  }
0x10: {  	[smem:$0x3FB3] =	sst s8  }
0x11: {  	[smem:$0x3FB4] =	sst s9;
	s0 =	simm.s32 @!p0 $0x0  }
0x12: {  	s1 =	sld [smem:$0x3F9A];
	s0 =	simm.s32 @p0 $0x1  }
0x13: {  	[smem:$0x3FB5] =	sst s0;
	s0 =	simm.s32 @!p1 $0x0  }
0x14: {  	s2 =	sld [smem:$0x3F99];
	s0 =	simm.s32 @p1 $0x1  }
0x15: {  	[smem:$0x3FB6] =	sst s0;
	s0 =	simm.s32 @!p2 $0x0  }
0x16: {  	s3 =	sld [smem:$0x3FDB];
	s0 =	simm.s32 @p2 $0x1  }
0x17: {  	s4 =	simm.s32 $0x1BF5;
	[smem:$0x3FB8] =	sst s0  }
0x18: {  	s0 =	sld [smem:$0x3F9B];
	_ =	swait.ge [sflag:s4], $0x0  }
0x19: {  	s7 =	sld [smem:$0x3F9C]  }
0x1a: {  	s8 =	sadd.s32 $0xFFFFE003, lr  }
0x1b: {  	s9 =	sadd.s32 $0xFFFFFEF7, lr;
	s5 =	simm.s32 $0xFFFFFFFF;
	p2 =	slt.u32 s8, $0xFFFFF086  }
0x1c: {  	p1 =	slt.u32 s9, $0xF7A;
	s5 =	simm.s32 @!p2 $0x0  }
0x1d: {  	s5 =	simm.s32 @p1 $0x1;
	p0 =	seq.s32 s7, s2  }
0x1e: {  	s7 =	smul.u32 @!p0 $0xF7A, s2;
	p2 =	seq.s32 @!p0 s5, $0x0  }
0x1f: {  	s9 =	smul.u32 $0xF7A, s1;
	s8 =	simm.s32 @!p0 $0x1BF5;
	p2 =	por !p2, p0  }
0x20: {  	[sflag:s8] =	ssyncset.s32 @!p0 $0xFFFFF086;
	s6 =	sadd.s32 @!p0 s3, s7;
	s7 =	simm.s32 @!p0 $0x108  }
0x21: {  	s3 =	sadd.s32 s3, s9;
	s6 =	sadd.s32 @!p0 $0x88, s6;
	s7 =	simm.s32 @p2 $0x1082  }
0x22: {  	[simem:s7], [sflag:s8] =	dma.local @!p0 [hbm:s6], $0xF7A  }
0x23: {  	s9 =	sor.u32 $0xD0000000, s2;
	s6 =	simm.s32 $0x108;
	_ =	swait.ge @!p0 [sflag:s8], $0x0  }
0x24: {  	s3 =	sadd.s32 $0x88, s3;
	s6 =	simm.s32 @!p1 $0x1082;
	[sflag:s4] =	ssyncset.s32 $0xFFFFF086  }
0x25: {  	[simem:s6], [sflag:s4] =	dma.local [hbm:s3], $0xF7A  }
0x26: {  	[smem:$0x3F9C] =	sst s1;
	(tag) =	ssettag s2;
	_ =	strace s9  }
0x27: {  	s1 =	sld [smem:$0x3FAC]  }
0x28: {  	s2 =	sld [smem:$0x3FAD]  }
0x29: {  	s4 =	sld [smem:$0x3FAF]  }
0x2a: {  	p0 =	seq.s32 s5, $0x0;
	s5 =	sld [smem:$0x3FB0]  }
0x2b: {  	s6 =	sld [smem:$0x3FB1]  }
0x2c: {  	s7 =	sld [smem:$0x3FB2]  }
0x2d: {  	s3 =	simm.s32 $0x108;
	s8 =	sld [smem:$0x3FB3]  }
0x2e: {  	s3 =	simm.s32 @!p0 $0x1082;
	s9 =	sld [smem:$0x3FB4]  }
0x2f: {  	lr =	sadd.s32 s0, s3;
	s0 =	sld [smem:$0x3FAB]  }
0x30: {  	s3 =	sld [smem:$0x3FAE]  }
0x31: {  	[smem:$0x3FB7] =	sst s10  }
0x32: {  	s10 =	sld [smem:$0x3FB5];
	_ =	sdelay $0x3  }
0x33: {  	p0 =	seq.s32 s10, $0x1;
	s10 =	sld [smem:$0x3FB7];
	_ =	sdelay $0x3  }
0x34: {  	[smem:$0x3FB7] =	sst s10  }
0x35: {  	s10 =	sld [smem:$0x3FB6];
	_ =	sdelay $0x3  }
0x36: {  	p1 =	seq.s32 s10, $0x1;
	s10 =	sld [smem:$0x3FB7];
	_ =	sdelay $0x3  }
0x37: {  	[smem:$0x3FB7] =	sst s10  }
0x38: {  	s10 =	sld [smem:$0x3FB8]  }
0x39: {  	_ = 	snop;
	(pc) =	sbr.ind lr, $3  }
0x3a: {  	_ = 	snop  }
0x3b: {  	_ = 	snop  }
0x3c: {  	p2 =	seq.s32 s10, $0x1;
	s10 =	sld [smem:$0x3FB7]  }
0x3d: {  	_ =	shalt  }
0x3e: {  	_ =	shalt  }
0x3f: {  	_ =	shalt  }
0x40: {  	_ =	shalt  }
0x41: {  	_ =	shalt  }
0x42: {  	_ =	shalt  }
0x43: {  	_ =	shalt  }
0x44: {  	_ =	shalt  }
0x45: {  	_ =	shalt  }
0x46: {  	_ =	shalt  }
0x47: {  	_ =	shalt  }
0x48: {  	_ =	shalt  }
0x49: {  	_ =	shalt  }
0x4a: {  	_ =	shalt  }
0x4b: {  	_ =	shalt  }
0x4c: {  	_ =	shalt  }
0x4d: {  	_ =	shalt  }
0x4e: {  	_ =	shalt  }
0x4f: {  	_ =	shalt  }
0x50: {  	_ =	shalt  }
0x51: {  	_ =	shalt  }
0x52: {  	_ =	shalt  }
0x53: {  	_ =	shalt  }
0x54: {  	_ =	shalt  }
0x55: {  	_ =	shalt  }
0x56: {  	_ =	shalt  }
0x57: {  	_ =	shalt  }
0x58: {  	_ =	shalt  }
0x59: {  	_ =	shalt  }
0x5a: {  	_ =	shalt  }
0x5b: {  	_ =	shalt  }
0x5c: {  	_ =	shalt  }
0x5d: {  	_ =	shalt  }
0x5e: {  	_ =	shalt  }
0x5f: {  	_ =	shalt  }
0x60: {  	_ =	shalt  }
0x61: {  	_ =	shalt  }
0x62: {  	_ =	shalt  }
0x63: {  	_ =	shalt  }
0x64: {  	_ =	shalt  }
0x65: {  	_ =	shalt  }
0x66: {  	_ =	shalt  }
0x67: {  	_ =	shalt  }
0x68: {  	_ =	shalt  }
0x69: {  	_ =	shalt  }
0x6a: {  	_ =	shalt  }
0x6b: {  	_ =	shalt  }
0x6c: {  	_ =	shalt  }
0x6d: {  	_ =	shalt  }
0x6e: {  	_ =	shalt  }
0x6f: {  	_ =	shalt  }
0x70: {  	_ =	shalt  }
0x71: {  	_ =	shalt  }
0x72: {  	_ =	shalt  }
0x73: {  	_ =	shalt  }
0x74: {  	_ =	shalt  }
0x75: {  	_ =	shalt  }
0x76: {  	_ =	shalt  }
0x77: {  	_ =	shalt  }
0x78: {  	_ =	shalt  }
0x79: {  	_ =	shalt  }
0x7a: {  	_ =	shalt  }
0x7b: {  	_ =	shalt  }
0x7c: {  	_ =	shalt  }
0x7d: {  	_ =	shalt  }
0x7e: {  	_ =	shalt  }
0x7f: {  	_ =	shalt  }
0x80: {  	_ =	shalt  }
0x81: {  	_ =	shalt  }
0x82: {  	_ =	shalt  }
0x83: {  	_ =	shalt  }
0x84: {  	_ =	shalt  }
0x85: {  	_ =	shalt  }
0x86: {  	_ =	shalt  }
0x87: {  	_ =	shalt  }
.Lfunc_end0:
.L_simem_size_0:
called_computation_lowered:
.L_overlay_start_0:
0x88: {  	s2 =	sld [smem:$0x3FD9]  }
0x89: {  	s3 =	sld [smem:$0x3FFE];
	_ =	sdelay $0x1  }
0x8a: {  	s1 =	srdreg.scid  }
0x8b: {  	s0 =	sand.u32 $0x1, s1  }
0x8c: {  	s17 =	sshll.u32 s0, $0xA;
	s2 =	sadd.s32 s3, s2  }
0x8d: {  	s2 =	sadd.s32 s2, s17  }
0x8e: {  	[smem:$0x3FC3] =	sst s2  }
0x8f: {  	_ = 	snop  }
0x90: {  	s2 =	sld [smem:$0x3FD0];
	(tm) =	ssettm $0x1  }
0x91: {  	s18 =	sld [smem:$0x3FFB];
	_ =	sdelay $0x3  }
0x92: {  	_ =	strace s18  }
0x93: {  	s3 =	sld [smem:$0x3FFC];
	_ =	sdelay $0x3  }
0x94: {  	_ =	strace s3  }
0x95: {  	s3 =	sld [smem:$0x3FFD];
	_ =	sdelay $0x3  }
0x96: {  	_ =	strace s3  }
0x97: {  	_ =	strace $0x8FFFFFFF  }
0x98: {  	s19 =	sld [smem:$0x3FDB];
	_ =	sdelay $0x1  }
0x99: {  	s4 =	simm.s32 $_scs_section_size  }
0x9a: {  	s5 =	simm.s32 $_size__tile_overlayer_lowered;
	s6 =	simm.s32 $_tile_overlayer_lowered  }
0x9b: {  	s22 =	simm.s32 $0x1BFF;
	s21 =	sshll.u32 s6, $0x1;
	s3 =	sadd.s32 s4, s19  }
0x9c: {  	s7 =	simm.s32 $0x0;
	s20 =	sshll.u32 s5, $0x1;
	s5 =	sadd.s32 s21, s3  }
0x9d: {  	[timem:s7], [sflag:s22] =	dma.local [hbm:s5], s20  }
0x9e: {  	_ =	swait.ge [sflag:s22], s20  }
0x9f: {  	s4 =	ssub.s32 $0x0, s20;
	[sflag:s22] =	ssyncset.done $0x0  }
0xa0: {  	[sflag:s22] =	ssyncadd.s32 s4;
	_ =	sdelay $0x1  }
0xa1: {  	s23 =	simm.s32 $0x1B8B  }
0xa2: {  	_ =	swait.ge [sflag:s23], $0x1  }
0xa3: {  	[sflag:s23] =	ssyncset.done $0x0  }
0xa4: {  	s25 =	simm.s32 $0x1B8E;
	s24 =	sld [smem:$0x3FFE];
	[sflag:s23] =	ssyncadd.s32 $0xFFFFFFFF  }
0xa5: {  	s26 =	simm.s32 $execute0_lowered;
	[smem:$0x3FD2] =	sst s25  }
0xa6: {  	s5 =	sshll.u32 s26, $0x1;
	_ =	strace $0x80000046;
	[dreg:$0x1] =	wrdreg $0xFFFFFFFF  }
0xa7: {  	s28 =	simm.s32 $_size_execute0_lowered;
	s3 =	sadd.s32 s3, s5;
	[dreg:$0x0] =	wrdreg $0x0  }
0xa8: {  	s5 =	sshll.u32 s28, $0x1;
	[dreg:$0x2] =	wrdreg s3  }
0xa9: {  	[dreg:$0x3] =	wrdreg s5  }
0xaa: {  	[dreg:$0x4] =	wrdreg $0xC0  }
0xab: {  	_ =	task [dreg:s7], $0x5FFFF  }
0xac: {  	[dreg:$0x1] =	wrdreg $0xFFFFFFFF  }
0xad: {  	[dreg:$0x0] =	wrdreg $0x60  }
0xae: {  	[dreg:$0x2] =	wrdreg s24  }
0xaf: {  	[dreg:$0x3] =	wrdreg s2  }
0xb0: {  	[dreg:$0x4] =	wrdreg $0x0  }
0xb1: {  	[dreg:$0x5] =	wrdreg $0x9  }
0xb2: {  	_ =	task.clear_ibuf [dreg:s7], $0x6FFFF;
	_ =	strace $0x90000046  }
0xb3: {  	s29 =	simm.s32 $0x9;
	_ =	strace $0x80000048  }
0xb4: {  	_ =	swait.ge [sflag:s29], $0x1  }
0xb5: {  	[sflag:s29] =	ssyncadd.s32 $0xFFFFFFFF  }
0xb6: {  	_ =	strace $0x90000048  }
0xb7: {  	_ =	sfence  }
0xb8: {  	s30 =	sld [smem:$0x0];
	_ =	sdelay $0x2  }
0xb9: {  	s31 =	sshll.u32 s1, $0xD;
	s1 =	sshrl.u32 s1, $0x2  }
0xba: {  	s3 =	sand.u32 $0x4000, s31;
	s1 =	sadd.s32 s1, s30  }
0xbb: {  	s0 =	sor.u32 s3, s0;
	s1 =	sshll.u32 s1, $0x11  }
0xbc: {  	s0 =	sor.u32 s1, s0  }
0xbd: {  	s0 =	sadd.s32 $0x8F2B, s0  }
0xbe: {  	[sflag:s0] =	ssyncadd.remote.s32 $0x1  }
0xbf: {  	_ =	sfence.sel $0xFFFF  }
0xc0: {  	[dreg:$0x0] =	wrdreg $0xFFFFFFFF;
	(pc) =	sbr.abs _section_cstart, $3  }
0xc1: {  	[dreg:$0x1] =	wrdreg $0xFFFFFFFF  }
0xc2: {  	_ =	task.clear_ibuf [dreg:s7], $0x2FFFF;
	_ =	strace $0x9FFFFFFF  }
0xc3: {  	(tm) =	ssettm $0x7FFFFFFF  }
tec
execute0_lowered:
.L_overlay_start_1:
0x0: {  	(tag) =	ssettag $0x1  }
0x1: {  	s0 =	rddreg [dreg:$0x0]  }
0x2: {  	s3 =	rddreg [dreg:$0x2];
	s4 =	simm.s32 $0x0  }
0x3: {  	s14 =	stileid.u32;
	s6 =	srdreg.scid;
	s28 =	simm.s32 $0x3  }
0x4: {  	s29 =	simm.s32 $0x6A00;
	s30 =	simm.s32 $0x8600;
	s31 =	simm.s32 $0x0  }
0x5: {  	[smem:$0x7FF] =	sst s4;
	s1 =	smul.u32 $0x6200, s14;
	s2 =	sadd.s32 $0x96000, s0  }
0x6: {  	s10 =	sand.u32 $0x1, s6;
	s6 =	sadd.s32 $0xEC00, s0;
	s7 =	smul.u32 $0x620, s14  }
0x7: {  	s22 =	sshll.u32 s14, $0x6;
	s26 =	smul.u32 $0x18C0, s14;
	_ =	strace $0x80000047  }
0x8: {  	s11 =	ssub.s32 $0x2, s10;
	s8 =	sshll.u32 s10, $0x4;
	s20 =	smul.u32 $0x6200, s10  }
0x9: {  	s21 =	sxor.u32 $0x1, s10;
	s23 =	smul.u32 $0x18C00, s10;
	s5 =	sshrl.u32 s1, $0x3  }
0xa: {  	s12 =	sshrl.u32 s11, $0x1;
	s13 =	sor.u32 s14, s8;
	s8 =	sadd.s32 $0xC7800, s0  }
0xb: {  	s1 =	sadd.s32 s1, s3;
	s9 =	sadd.s32 s5, s0;
	s19 =	smul.u32 $0x18C0, s13  }
0xc: {  	s5 =	sadd.s32 $0x34000, s0;
	s18 =	ssub.s32 s11, s12;
	s13 =	smul.u32 $0x6200, s21  }
0xd: {  	s14 =	sadd.s32 s7, s20;
	s20 =	simm.s32 $0x6200;
	s21 =	simm.s32 $0x8670  }
0xe: {  	s9 =	sadd.s32 $0x2800, s9;
	s0 =	smax.u32 s18, $0x1;
	s18 =	sshrl.u32 s1, $0x3  }
0xf: {  	[dreg:$0x4] =	wrdreg s9;
	s9 =	sor.u32 $0x1C04, s22;
	s11 =	sadd.s32 s2, s19  }
0x10: {  	s15 =	sadd.s32 s7, s13;
	s2 =	sadd.s32 s23, s2;
	[dreg:$0x8] =	wrdreg s0  }
0x11: {  	s19 =	simm.s32 $0x4;
	s22 =	simm.s32 $0x86F0;
	s23 =	simm.s32 $0x8770  }
0x12: {  	[dreg:$0x5] =	wrdreg s9;
	s24 =	sadd.s32 $0x10, s11;
	s25 =	sadd.s32 $0x20, s11  }
0x13: {  	v0 =	vlaneseq.u32;
	s17 =	sadd.s32 s26, s2;
	s26 =	simm.s32 $0x2;
	[dreg:$0x6] =	wrdreg s24  }
0x14: {  	v0 =	vmul.u32 $0x10, v0;
	[dreg:$0x7] =	wrdreg s25;
	s24 =	simm.s32 $0x1;
	s25 =	simm.s32 $0x80  }
.LBB2_1:
0x15: {  	s0 =	rddreg [dreg:$0x4]  }
0x16: {  	s1 =	rddreg [dreg:$0x5]  }
0x17: {  	[spmem:s18], [sflag:s1] =	dma.local [hbm:s0], $0xC40  }
0x18: {  	_ =	swait.ge [sflag:s19], $0xC40  }
0x19: {  	[sflag:s19] =	ssyncset.done $0x0  }
0x1a: {  	[sflag:s19] =	ssyncadd.s32 $0xFFFFF3C0  }
0x1b: {  	s2 =	rddreg [dreg:$0x1]  }
0x1c: {  	[tilespmem:s20], [sflag:$0x4] =	stream.linear.gather [hbm4b:s2+s4], $0x800, $0x38;
	[tilespmem:$0x87F0] =	vst v63  }
0x1d: {  	_ =	swait.ge [sflag:s19], $0x800  }
0x1e: {  	[sflag:s19] =	ssyncset.done $0x0  }
0x1f: {  	[sflag:s19] =	ssyncadd.s32 $0xFFFFF800  }
0x20: {  	[bflag:$0x0] =	sbarrier.arrive $0xFFFF  }
0x21: {  	[tilespmem:s21], [sflag:$0x1] =	stream.linear.gather [hbm4b:s11+s4], $0x80, $0x38;
	[tilespmem:$0x87F0] =	vst v63  }
0x22: {  	s9 =	rddreg [dreg:$0x6]  }
0x23: {  	[tilespmem:s22], [sflag:$0x2] =	stream.linear.gather [hbm4b:s9+s4], $0x80, $0x38;
	[tilespmem:$0x87F0] =	vst v63  }
0x24: {  	s10 =	rddreg [dreg:$0x7]  }
0x25: {  	[tilespmem:s23], [sflag:$0x3] =	stream.linear.gather [hbm4b:s10+s4], $0x80, $0x38;
	[tilespmem:$0x87F0] =	vst v63  }
0x26: {  	_ =	swait.ge [sflag:s24], $0x80  }
0x27: {  	[sflag:s24] =	ssyncset.done $0x0  }
0x28: {  	[sflag:s24] =	ssyncadd.s32 $0xFFFFFF80  }
0x29: {  	[spmem:s3] =	stream.indirect.scatter.add.f32 [tilespmem:s20], [sflag:$0x4], $0x10, s21, s25, $0xb8;
	[tilespmem:$0x87F0] =	vst v63  }
0x2a: {  	_ =	swait.ge [sflag:s19], $0x800  }
0x2b: {  	s12 =	sadd.s32 $0xFFFFE770, s17;
	[sflag:s19] =	ssyncset.done $0x0  }
0x2c: {  	s13 =	sadd.s32 $0x18C0, s12;
	[sflag:s19] =	ssyncadd.s32 $0xFFFFF800  }
0x2d: {  	[tilespmem:s21], [sflag:$0x1] =	stream.linear.gather [hbm4b:s13+s4], $0x80, $0x38;
	[tilespmem:$0x87F0] =	vst v63  }
0x2e: {  	_ =	swait.ge [sflag:s26], $0x80  }
0x2f: {  	[sflag:s26] =	ssyncset.done $0x0  }
0x30: {  	[sflag:s26] =	ssyncadd.s32 $0xFFFFFF80  }
0x31: {  	[spmem:s3] =	stream.indirect.scatter.add.f32 [tilespmem:s20], [sflag:$0x4], $0x10, s22, s25, $0xb8;
	[tilespmem:$0x87F0] =	vst v63  }
0x32: {  	_ =	swait.ge [sflag:s19], $0x800  }
0x33: {  	[sflag:s19] =	ssyncset.done $0x0  }
0x34: {  	s16 =	sadd.s32 $0x18D0, s12;
	[sflag:s19] =	ssyncadd.s32 $0xFFFFF800  }
0x35: {  	[tilespmem:s22], [sflag:$0x2] =	stream.linear.gather [hbm4b:s16+s4], $0x80, $0x38;
	[tilespmem:$0x87F0] =	vst v63  }
0x36: {  	_ =	swait.ge [sflag:s28], $0x80  }
0x37: {  	[sflag:s28] =	ssyncset.done $0x0  }
0x38: {  	[sflag:s28] =	ssyncadd.s32 $0xFFFFFF80  }
0x39: {  	[spmem:s3] =	stream.indirect.scatter.add.f32 [tilespmem:s20], [sflag:$0x4], $0x10, s23, s25, $0xb8;
	[tilespmem:$0x87F0] =	vst v63  }
0x3a: {  	_ =	swait.ge [sflag:s19], $0x800  }
0x3b: {  	[sflag:s19] =	ssyncset.done $0x0  }
0x3c: {  	s0 =	simm.s32 $0xFFFFE7A0;
	s1 =	sadd.s32 $0x18E0, s12;
	[sflag:s19] =	ssyncadd.s32 $0xFFFFF800  }
.LBB2_2:
0x3d: {  	[tilespmem:s23], [sflag:$0x3] =	stream.linear.gather [hbm4b:s1+s4], $0x80, $0x38;
	[tilespmem:$0x87F0] =	vst v63  }
0x3e: {  	s1 =	smov.u32 s0  }
0x3f: {  	p0 =	sne.s32 s0, $0xFFFFFFD0;
	s0 =	sadd.s32 $0x30, s0;
	_ =	swait.ge [sflag:s24], $0x80  }
0x40: {  	[sflag:s24] =	ssyncset.done $0x0  }
0x41: {  	[sflag:s24] =	ssyncadd.s32 $0xFFFFFF80  }
0x42: {  	[spmem:s3] =	stream.indirect.scatter.add.f32 [tilespmem:s20], [sflag:$0x4], $0x10, s21, s25, $0xb8;
	[tilespmem:$0x87F0] =	vst v63  }
0x43: {  	_ =	swait.ge [sflag:s19], $0x800  }
0x44: {  	s1 =	sadd.s32 s1, s17;
	[sflag:s19] =	ssyncset.done $0x0  }
0x45: {  	s2 =	sadd.s32 $0x18C0, s1;
	[sflag:s19] =	ssyncadd.s32 $0xFFFFF800  }
0x46: {  	[tilespmem:s21], [sflag:$0x1] =	stream.linear.gather [hbm4b:s2+s4], $0x80, $0x38;
	[tilespmem:$0x87F0] =	vst v63  }
0x47: {  	_ =	swait.ge [sflag:s26], $0x80  }
0x48: {  	[sflag:s26] =	ssyncset.done $0x0  }
0x49: {  	[sflag:s26] =	ssyncadd.s32 $0xFFFFFF80  }
0x4a: {  	[spmem:s3] =	stream.indirect.scatter.add.f32 [tilespmem:s20], [sflag:$0x4], $0x10, s22, s25, $0xb8;
	[tilespmem:$0x87F0] =	vst v63  }
0x4b: {  	_ =	swait.ge [sflag:s19], $0x800  }
0x4c: {  	[sflag:s19] =	ssyncset.done $0x0  }
0x4d: {  	s2 =	sadd.s32 $0x18D0, s1;
	[sflag:s19] =	ssyncadd.s32 $0xFFFFF800  }
0x4e: {  	[tilespmem:s22], [sflag:$0x2] =	stream.linear.gather [hbm4b:s2+s4], $0x80, $0x38;
	[tilespmem:$0x87F0] =	vst v63  }
0x4f: {  	_ =	swait.ge [sflag:s28], $0x80  }
0x50: {  	[sflag:s28] =	ssyncset.done $0x0  }
.Ltmp0:
0x51: {  	[sflag:s28] =	ssyncadd.s32 $0xFFFFFF80;
	(pc) =	sbr.rel @p0 .LBB2_2-.Ltmp0, $4  }
0x52: {  	[spmem:s3] =	stream.indirect.scatter.add.f32 [tilespmem:s20], [sflag:$0x4], $0x10, s23, s25, $0xb8;
	[tilespmem:$0x87F0] =	vst v63  }
0x53: {  	_ =	swait.ge [sflag:s19], $0x800  }
0x54: {  	[sflag:s19] =	ssyncset.done $0x0  }
0x55: {  	s1 =	sadd.s32 $0x18E0, s1;
	[sflag:s19] =	ssyncadd.s32 $0xFFFFF800  }
0x56: {  	[tilespmem:s23], [sflag:$0x3] =	stream.linear.gather [hbm4b:s1+s4], $0x80, $0x38;
	[tilespmem:$0x87F0] =	vst v63  }
0x57: {  	_ =	swait.ge [sflag:s24], $0x80  }
0x58: {  	[sflag:s24] =	ssyncset.done $0x0  }
0x59: {  	[sflag:s24] =	ssyncadd.s32 $0xFFFFFF80  }
0x5a: {  	_ =	swait.ge [sflag:s26], $0x80  }
0x5b: {  	[sflag:s26] =	ssyncset.done $0x0  }
0x5c: {  	[sflag:s26] =	ssyncadd.s32 $0xFFFFFF80  }
0x5d: {  	_ =	swait.ge [sflag:s28], $0x80  }
0x5e: {  	[sflag:s28] =	ssyncset.done $0x0  }
0x5f: {  	[sflag:s28] =	ssyncadd.s32 $0xFFFFFF80  }
0x60: {  	s0 =	simm.s32 $0x0;
	s1 =	simm.s32 $0x0;
	[bflag:$0x0] =	sbarrier.arrive $0xFFFF  }
.LBB2_4:
0x61: {  	p0 =	seq.s32 s1, $0x0  }
0x62: {  	s9 =	simm.s32 @!p0 $0x1  }
0x63: {  	s2 =	smul.u32 $0x70, s1;
	_ =	swait.ge @!p0 [sflag:s9], $0x70  }
0x64: {  	[sflag:s9] =	ssyncset.done @!p0 $0x0  }
0x65: {  	s10 =	sadd.s32 s7, s2;
	[sflag:s9] =	ssyncadd.s32 @!p0 $0xFFFFFF90  }
0x66: {  	s10 =	sshll.u32 s10, $0x4;
	_ =	swait.ge @!p0 [sflag:s9], $0x1C00  }
0x67: {  	s10 =	sand.u32 $0x3FFFFFF0, s10;
	[sflag:s9] =	ssyncset.done @!p0 $0x0  }
0x68: {  	s12 =	sadd.s32 s10, s3;
	[sflag:s9] =	ssyncadd.s32 @!p0 $0xFFFFE400  }
0x69: {  	[tilespmem:s20], [sflag:$0x4] =	stream.linear.gather [spmem:s12], $0x700, $0x38;
	[tilespmem:$0x87F0] =	vst v63  }
0x6a: {  	v1 =	vmov s0;
	s9 =	sadd.s32 s2, s14;
	_ =	swait.ge [sflag:s19], $0x700  }
0x6b: {  	v1 =	vshll.u32 v1, $0x4;
	s13 =	sshll.u32 s9, $0x3;
	[sflag:s19] =	ssyncset.done $0x0  }
0x6c: {  	v1 =	vor.u32 v0, v1;
	s10 =	sadd.s32 s5, s13;
	[sflag:s19] =	ssyncadd.s32 $0xFFFFF900  }
0x6d: {  	[tilespmem:s29], [sflag:$0x4] =	stream.linear.gather [hbm4b:s10+s0], $0x1C00, $0x38;
	[tilespmem:$0x87F0] =	vst v63  }
0x6e: {  	_ =	swait.ge [sflag:s19], $0x1C00  }
0x6f: {  	[sflag:s19] =	ssyncset.done $0x0  }
0x70: {  	[sflag:s19] =	ssyncadd.s32 $0xFFFFE400  }
0x71: {  	v1 =	vld.idx.msk [tilespmem:v1+s20+$0x0], $0xffff;
	_ =	sdelay $0x4  }
0x72: {  	v1 =	vmax.f32 v1, $1.000000000e+00  }
0x73: {  	v2 =	vshra.s32 v1, $0x1;
	v1 =	vmul.f32 $5.000000000e-01, v1  }
0x74: {  	v2 =	vsub.s32 $0x5F3759DF, v2  }
0x75: {  	v3 =	vmul.f32 v2, v1;
	_ =	sdelay $0x1  }
0x76: {  	v3 =	vmul.f32 v2, v3;
	_ =	sdelay $0x1  }
0x77: {  	v3 =	vsub.f32 $1.500000000e+00, v3;
	_ =	sdelay $0x1  }
0x78: {  	v2 =	vmul.f32 v2, v3;
	_ =	sdelay $0x1  }
0x79: {  	v1 =	vmul.f32 v2, v1  }
0x7a: {  	s16 =	simm.s32 $0x10  }
0x7b: {  	v3 =	vmov s16;
	v1 =	vmul.f32 v1, v2  }
0x7c: {  	v3 =	vshll.u32 v3, $0x4  }
0x7d: {  	v3 =	vor.u32 v0, v3;
	v1 =	vsub.f32 $1.500000000e+00, v1;
	_ =	sdelay $0x1  }
0x7e: {  	v1 =	vmul.f32 v1, v2  }
0x7f: {  	s10 =	simm.s32 $0x8600  }
0x80: {  	[tilespmem:s10+$0x0] =	vst v1  }
0x81: {  	v1 =	vld.idx.msk [tilespmem:v3+s20+$0x0], $0xffff;
	_ =	sdelay $0x4  }
0x82: {  	v1 =	vmax.f32 v1, $1.000000000e+00  }
0x83: {  	v2 =	vshra.s32 v1, $0x1;
	v3 =	vmul.f32 $5.000000000e-01, v1  }
0x84: {  	v1 =	vsub.s32 $0x5F3759DF, v2  }
0x85: {  	v2 =	vmul.f32 v1, v3;
	_ =	sdelay $0x1  }
0x86: {  	v2 =	vmul.f32 v1, v2;
	_ =	sdelay $0x1  }
0x87: {  	v2 =	vsub.f32 $1.500000000e+00, v2;
	_ =	sdelay $0x1  }
0x88: {  	v1 =	vmul.f32 v1, v2;
	_ =	sdelay $0x1  }
0x89: {  	v2 =	vmul.f32 v1, v3  }
0x8a: {  	s12 =	simm.s32 $0x20  }
0x8b: {  	v3 =	vmov s12;
	s12 =	simm.s32 $0x30;
	v2 =	vmul.f32 v2, v1  }
.LBB2_5:
0x8c: {  	p0 =	sne.s32 s12, $0x60;
	v3 =	vshll.u32 v3, $0x4  }
0x8d: {  	v3 =	vor.u32 v0, v3;
	v2 =	vsub.f32 $1.500000000e+00, v2;
	_ =	sdelay $0x1  }
0x8e: {  	v1 =	vmul.f32 v2, v1  }
0x8f: {  	s10 =	sadd.s32 $0x10, s10  }
0x90: {  	[tilespmem:s10+$0x0] =	vst v1  }
0x91: {  	v1 =	vld.idx.msk [tilespmem:v3+s20+$0x0], $0xffff;
	_ =	sdelay $0x5  }
0x92: {  	v1 =	vmax.f32 v1, $1.000000000e+00  }
0x93: {  	v2 =	vshra.s32 v1, $0x1;
	v3 =	vmul.f32 $5.000000000e-01, v1  }
0x94: {  	v1 =	vsub.s32 $0x5F3759DF, v2  }
0x95: {  	v2 =	vmul.f32 v1, v3;
	_ =	sdelay $0x1  }
0x96: {  	v2 =	vmul.f32 v1, v2;
	_ =	sdelay $0x1  }
0x97: {  	v2 =	vsub.f32 $1.500000000e+00, v2;
	_ =	sdelay $0x1  }
.Ltmp1:
0x98: {  	v1 =	vmul.f32 v1, v2;
	(pc) =	sbr.rel @p0 .LBB2_5-.Ltmp1, $3  }
0x99: {  	_ = 	snop  }
0x9a: {  	v2 =	vmul.f32 v1, v3;
	_ =	sdelay $0x1  }
0x9b: {  	v3 =	vmov s12;
	s12 =	sadd.s32 $0x10, s12;
	v2 =	vmul.f32 v2, v1  }
0x9c: {  	v3 =	vshll.u32 v3, $0x4  }
0x9d: {  	v3 =	vor.u32 v0, v3;
	v2 =	vsub.f32 $1.500000000e+00, v2;
	_ =	sdelay $0x1  }
0x9e: {  	v1 =	vmul.f32 v2, v1  }
0x9f: {  	s10 =	sadd.s32 $0x10, s10  }
0xa0: {  	[tilespmem:s10+$0x0] =	vst v1  }
0xa1: {  	v1 =	vld.idx.msk [tilespmem:v3+s20+$0x0], $0xffff;
	_ =	sdelay $0x4  }
0xa2: {  	v1 =	vmax.f32 v1, $1.000000000e+00  }
0xa3: {  	v2 =	vshra.s32 v1, $0x1;
	v1 =	vmul.f32 $5.000000000e-01, v1  }
0xa4: {  	v2 =	vsub.s32 $0x5F3759DF, v2  }
0xa5: {  	v3 =	vmul.f32 v2, v1;
	_ =	sdelay $0x1  }
0xa6: {  	v3 =	vmul.f32 v2, v3;
	_ =	sdelay $0x1  }
0xa7: {  	v3 =	vsub.f32 $1.500000000e+00, v3;
	_ =	sdelay $0x1  }
0xa8: {  	v2 =	vmul.f32 v2, v3;
	_ =	sdelay $0x1  }
0xa9: {  	v1 =	vmul.f32 v2, v1;
	_ =	sdelay $0x1  }
0xaa: {  	v1 =	vmul.f32 v1, v2;
	_ =	sdelay $0x1  }
0xab: {  	v1 =	vsub.f32 $1.500000000e+00, v1  }
0xac: {  	s12 =	simm.s32 $0x0  }
0xad: {  	v1 =	vmul.f32 v1, v2;
	v2 =	vmov s12  }
0xae: {  	s10 =	sadd.s32 $0x10, s10  }
0xaf: {  	[tilespmem:s10+$0x0] =	vst v1;
	s10 =	simm.s32 $0x6A20  }
0xb0: {  	v3 =	vld [tilespmem:s10+$0xFFFFFFF0]  }
0xb1: {  	v1 =	vld [tilespmem:s10+$0x10]  }
0xb2: {  	v6 =	vld.idx.msk [tilespmem:v2+s30+$0x0], $0xffff  }
0xb3: {  	v2 =	vld [tilespmem:s10+$0xFFFFFFE0]  }
0xb4: {  	v7 =	vld [tilespmem:s10+$0x0];
	_ =	sdelay $0x3  }
0xb5: {  	s13 =	simm.s32 $0x1;
	v2 =	vmul.f32 v2, v6;
	v5 =	vmul.f32 v1, v6  }
0xb6: {  	s12 =	simm.s32 $0x2;
	v1 =	vmov s13;
	v4 =	vmul.f32 v3, v6;
	v3 =	vmul.f32 v7, v6;
	s13 =	simm.s32 $0x6A20  }
.LBB2_7:
0xb7: {  	p0 =	sne.s32 s12, $0x6F  }
0xb8: {  	[tilespmem:s10+$0x10] =	vst v5;
	s13 =	sadd.s32 $0x40, s13;
	s16 =	smov.u32 s12;
	s12 =	sadd.s32 $0x1, s12  }
0xb9: {  	[tilespmem:s10+$0xFFFFFFE0] =	vst v2  }
0xba: {  	v6 =	vld [tilespmem:s13+$0xFFFFFFF0];
	[tilespmem:s10+$0xFFFFFFF0] =	vst v4  }
0xbb: {  	v4 =	vld [tilespmem:s13+$0x10];
	[tilespmem:s10+$0x0] =	vst v3;
	s10 =	smov.u32 s13  }
0xbc: {  	v3 =	vld.idx.msk [tilespmem:v1+s30+$0x0], $0xffff  }
0xbd: {  	v1 =	vld [tilespmem:s13+$0xFFFFFFE0]  }
0xbe: {  	v7 =	vld [tilespmem:s13+$0x0]  }
.Ltmp2:
0xbf: {  	(pc) =	sbr.rel @p0 .LBB2_7-.Ltmp2, $3  }
0xc0: {  	_ =	sdelay $0x1  }
0xc1: {  	v5 =	vmul.f32 v4, v3;
	v2 =	vmul.f32 v1, v3  }
0xc2: {  	v4 =	vmul.f32 v6, v3;
	v1 =	vmov s16;
	v3 =	vmul.f32 v7, v3  }
0xc3: {  	[tilespmem:s10+$0x10] =	vst v5  }
0xc4: {  	s12 =	sadd.s32 $0x40, s13;
	[tilespmem:s10+$0xFFFFFFE0] =	vst v2  }
0xc5: {  	v2 =	vld [tilespmem:s12+$0xFFFFFFF0];
	[tilespmem:s10+$0xFFFFFFF0] =	vst v4  }
0xc6: {  	v4 =	vld [tilespmem:s12+$0x10];
	[tilespmem:s10+$0x0] =	vst v3  }
0xc7: {  	v1 =	vld.idx.msk [tilespmem:v1+s30+$0x0], $0xffff  }
0xc8: {  	v3 =	vld [tilespmem:s12+$0xFFFFFFE0];
	_ =	sdelay $0x1  }
0xc9: {  	v5 =	vld [tilespmem:s12+$0x0];
	_ =	sdelay $0x1  }
0xca: {  	v4 =	vmul.f32 v4, v1  }
0xcb: {  	v3 =	vmul.f32 v3, v1  }
0xcc: {  	s1 =	sadd.s32 $0x1, s1;
	v2 =	vmul.f32 v2, v1;
	[tilespmem:s12+$0x10] =	vst v4  }
0xcd: {  	p0 =	sne.s32 s1, $0xE;
	v1 =	vmul.f32 v5, v1;
	[tilespmem:s12+$0xFFFFFFE0] =	vst v3  }
.Ltmp3:
0xce: {  	s9 =	sshrl.u32 s9, $0x3;
	s2 =	sadd.s32 s2, s15;
	[tilespmem:s12+$0xFFFFFFF0] =	vst v2;
	(pc) =	sbr.rel @p0 .LBB2_4-.Ltmp3, $4  }
0xcf: {  	s9 =	sadd.s32 s6, s9;
	s2 =	sshll.u32 s2, $0x3;
	[tilespmem:s12+$0x0] =	vst v1  }
0xd0: {  	[hbm4b:s9+s4] =	stream.linear.scatter [tilespmem:s30], [sflag:$0x1], $0x70, $0x38;
	[tilespmem:$0x87F0] =	vst v63  }
0xd1: {  	s2 =	sadd.s32 s8, s2  }
0xd2: {  	[hbm4b:s2+s4] =	stream.linear.scatter [tilespmem:s29], [sflag:$0x1], $0x1C00, $0x38;
	[tilespmem:$0x87F0] =	vst v63  }
0xd3: {  	_ =	swait.ge [sflag:s24], $0x70  }
0xd4: {  	[sflag:s24] =	ssyncset.done $0x0  }
0xd5: {  	[sflag:s24] =	ssyncadd.s32 $0xFFFFFF90  }
0xd6: {  	_ =	swait.ge [sflag:s24], $0x1C00  }
0xd7: {  	s31 =	sadd.s32 $0x1, s31;
	s0 =	rddreg [dreg:$0x8]  }
0xd8: {  	p0 =	sne.s32 s31, s0  }
.Ltmp4:
0xd9: {  	_ = 	snop;
	(pc) =	sbr.rel @p0 .LBB2_1-.Ltmp4, $3  }
0xda: {  	_ =	sdelay $0x1  }
0xdb: {  	[sflag:s24] =	ssyncset.done $0x0  }
0xdc: {  	[sflag:s24] =	ssyncadd.s32 $0xFFFFE400  }
0xdd: {  	_ =	sfence.sel $0x180000  }
0xde: {  	[bflag:$0x0] =	sbarrier.arrive $0xFFFF  }
0xdf: {  	_ =	strace $0x90000047  }
0xe0: {  	s0 =	stileid.u32;
	[bflag:$0x2] =	sbarrier.arrive $0xFFFF  }
0xe1: {  	p0 =	sne.s32 s0, $0x0;
	s0 =	rddreg [dreg:$0x3]  }
0xe2: {  	s0 =	sadd.s32 @!p0 $0x100000, s0  }
0xe3: {  	[sflag:s0] =	ssyncadd.tile.s32 @!p0 $0x1;
	_ =	shalt  }
.Lfunc_end2:
_tile_overlayer_lowered:
.L_overlay_start_2:
0xe4: {  	(tag) =	ssettag $0x2  }
0xe5: {  	s0 =	rddreg [dreg:$0x0];
	s2 =	stileid.u32  }
0xe6: {  	s1 =	rddreg [dreg:$0x1];
	p0 =	sne.s32 s2, $0x0  }
0xe7: {  	s3 =	rddreg [dreg:$0x2];
	[bflag:$0x3] =	sbarrier.arrive $0xFFFF;
	s2 =	simm.s32 @!p0 $0x1C04  }
0xe8: {  	[timem:s3], [sflag:s2] =	dma.local @!p0 [hbm:s0], s1  }
0xe9: {  	s0 =	simm.s32 @!p0 $0x4  }
0xea: {  	_ =	swait.ge @!p0 [sflag:s0], s1  }
0xeb: {  	s1 =	ssub.s32 @!p0 $0x0, s1;
	[sflag:s0] =	ssyncset.done @!p0 $0x0  }
0xec: {  	[sflag:s0] =	ssyncadd.s32 @!p0 s1  }
0xed: {  	[bflag:$0x3] =	sbarrier.arrive $0xFFFF  }
0xee: {  	_ =	shalt  }

</sc_bundles>
